<compile_context>
chip_gen: v7x
topology: tpu7x:2x2x1
jax: 0.10.2.dev20260603
libtpu: 0.0.44.dev20260713+nightly
codegen_flags: <defaults>
</compile_context>

<pallas_src>
import functools

import jax
import jax.numpy as jnp
from jax import lax
from jax.experimental import pallas as pl
from jax.experimental.pallas import tpu as pltpu
from jax.experimental.pallas import tpu_sc as plsc

N = 10000
E = 320000
D = 128
DE = 16
NCHIR = 4

NC = 2
NS = 16
NW = NC * NS
EPW = E // NW
BE = 80
NBLK = EPW // BE
RPT = 640
NPW = 312

@functools.cache
def _embed_sc_build():
    mesh = plsc.VectorSubcoreMesh(core_axis_name="c", subcore_axis_name="s")
    return functools.partial(
        pl.kernel,
        mesh=mesh,
        out_type=jax.ShapeDtypeStruct((N, D), jnp.float32),
        scratch_types=[
            pltpu.VMEM((NPW,), jnp.int32),
            pltpu.VMEM((NPW, D), jnp.float32),
            pltpu.VMEM((16,), jnp.int32),
            pltpu.VMEM((16, D), jnp.float32),
            pltpu.SemaphoreType.DMA,
        ],
    )(_embed_sc_body)


def _embed_sc_body(tbl_hbm, key_hbm, x_hbm, idx_v, rows_v, idx2_v, rows2_v,
                   sem):
    wid = lax.axis_index("s") * NC + lax.axis_index("c")
    base = wid * NPW
    pltpu.sync_copy(key_hbm.at[pl.ds(base, NPW)], idx_v)
    for c in range(3):
        pltpu.async_copy(tbl_hbm.at[idx_v.at[pl.ds(c * 104, 104)]],
                         rows_v.at[pl.ds(c * 104, 104)], sem).wait()
    pltpu.sync_copy(rows_v, x_hbm.at[pl.ds(base, NPW)])

    @pl.when(wid == NW - 1)
    def _():
        pltpu.sync_copy(key_hbm.at[pl.ds(NW * NPW, 16)], idx2_v)
        pltpu.async_copy(tbl_hbm.at[idx2_v], rows2_v, sem).wait()
        pltpu.sync_copy(rows2_v, x_hbm.at[pl.ds(NW * NPW, 16)])


@functools.cache
def _msg_aggr_sc_build():
    mesh = plsc.VectorSubcoreMesh(core_axis_name="c", subcore_axis_name="s")
    return functools.partial(
        pl.kernel,
        mesh=mesh,
        out_type=jax.ShapeDtypeStruct((NC, N, D), jnp.float32),
        scratch_types=[
            pltpu.VMEM((4, 2, BE), jnp.int32),
            pltpu.VMEM((2, BE, D), jnp.float32),
            pltpu.VMEM((2, BE, D), jnp.float32),
            pltpu.VMEM_SHARED((N, D), jnp.float32),
            pltpu.SemaphoreType.DMA((4,)),
            pltpu.SemaphoreType.DMA((2,)),
            pltpu.SemaphoreType.DMA((2,)),
            pltpu.SemaphoreType.DMA((2,)),
        ],
    )(_msg_aggr_sc_body)


def _msg_aggr_sc_body(h_hbm, e_hbm, ei_hbm, out_hbm,
                      ibuf, hbuf, ebuf, acc, sem_i, sem_g, sem_e, sem_s):
    cid = lax.axis_index("c")
    sid = lax.axis_index("s")
    wid = sid * NC + cid
    nrows = jnp.where(sid == NS - 1, 400, RPT)
    nch = nrows // BE
    zv = jnp.zeros((16,), jnp.float32)

    def zrow(r, _):
        for g in range(8):
            hbuf[0, r, pl.ds(g * 16, 16)] = zv
        return 0

    lax.fori_loop(0, BE, zrow, 0)

    def zch(c, _):
        pltpu.sync_copy(hbuf.at[0], acc.at[pl.ds(sid * RPT + c * BE, BE)])
        return 0

    lax.fori_loop(0, nch, zch, 0)

    def issue_idx(j):
        pltpu.async_copy(ei_hbm.at[wid, j], ibuf.at[j % 4], sem_i.at[j % 4])

    def issue_body(j):
        s = j % 4
        b = j % 2
        pltpu.async_copy(h_hbm.at[ibuf.at[s, 0]], hbuf.at[b], sem_g.at[b])
        pltpu.async_copy(e_hbm.at[pl.ds(wid * EPW + j * BE, BE)],
                         ebuf.at[b], sem_e.at[b])

    issue_idx(0)
    pltpu.make_async_copy(ei_hbm.at[wid, 0], ibuf.at[0], sem_i.at[0]).wait()
    issue_body(0)
    issue_idx(1)
    plsc.subcore_barrier()

    def block(j, _):
        s = j % 4
        ns = (j + 1) % 4
        b = j % 2
        nb = (j + 1) % 2
        pltpu.make_async_copy(h_hbm.at[ibuf.at[s, 0]], hbuf.at[b],
                              sem_g.at[b]).wait()
        pltpu.make_async_copy(e_hbm.at[pl.ds(wid * EPW + j * BE, BE)],
                              ebuf.at[b], sem_e.at[b]).wait()

        @pl.when(j + 1 < NBLK)
        def _():
            pltpu.make_async_copy(ei_hbm.at[wid, j + 1], ibuf.at[ns],
                                  sem_i.at[ns]).wait()
            @pl.when(j >= 1)
            def _():
                pltpu.make_async_copy(
                    hbuf.at[nb], acc.at[ibuf.at[ns, 1]], sem_s.at[nb]).wait()
            issue_body(j + 1)

            @pl.when(j + 2 < NBLK)
            def _():
                issue_idx(j + 2)

        for bb in range(2):
            @pl.when(b == bb)
            def _(bb=bb):
                def mrow(r, _):
                    sls = [pl.ds(g * 16, 16) for g in range(8)]
                    hv = [hbuf[bb, r, sl] for sl in sls]
                    ev = [ebuf[bb, r, sl] for sl in sls]
                    mv = [jnp.maximum(h + e, 0.0) for h, e in zip(hv, ev)]
                    for sl, m in zip(sls, mv):
                        hbuf[bb, r, sl] = m
                    return 0

                lax.fori_loop(0, BE, mrow, 0)
        pltpu.async_copy(hbuf.at[b], acc.at[ibuf.at[s, 1]], sem_s.at[b],
                         add=True)
        return 0

    lax.fori_loop(0, NBLK, block, 0)
    pltpu.make_async_copy(hbuf.at[0], acc.at[ibuf.at[0, 1]],
                          sem_s.at[0]).wait()
    pltpu.make_async_copy(hbuf.at[1], acc.at[ibuf.at[1, 1]],
                          sem_s.at[1]).wait()
    plsc.subcore_barrier()

    def och(c, _):
        r0 = sid * RPT + c * BE
        pltpu.sync_copy(acc.at[pl.ds(r0, BE)], hbuf.at[0])
        pltpu.sync_copy(hbuf.at[0], out_hbm.at[cid, pl.ds(r0, BE)])
        return 0

    lax.fori_loop(0, nch, och, 0)


BEP = 4000


def _eproj_body(ea_ref, w_ref, b_ref, o_ref):
    o_ref[...] = (jnp.dot(ea_ref[...], w_ref[...],
                          preferred_element_type=jnp.float32) + b_ref[...])


def _eproj(ea, w, b):
    return pl.pallas_call(
        _eproj_body,
        grid=(E // BEP,),
        in_specs=[pl.BlockSpec((BEP, DE), lambda i: (i, 0)),
                  pl.BlockSpec((DE, D), lambda i: (0, 0)),
                  pl.BlockSpec((1, D), lambda i: (0, 0))],
        out_specs=pl.BlockSpec((BEP, D), lambda i: (i, 0)),
        out_shape=jax.ShapeDtypeStruct((E, D), jnp.float32),
    )(ea, w, b.reshape(1, D))


def _mlp_body(aggr_ref, h_ref, w1_ref, b1_ref, w2_ref, b2_ref,
              g_ref, bt_ref, o_ref):
    z = aggr_ref[0] + aggr_ref[1] + h_ref[...]
    a = jnp.maximum(jnp.dot(z, w1_ref[...],
                            preferred_element_type=jnp.float32) + b1_ref[...],
                    0.0)
    zz = jnp.dot(a, w2_ref[...],
                 preferred_element_type=jnp.float32) + b2_ref[...]
    mu = jnp.mean(zz, axis=0, keepdims=True)
    c = zz - mu
    var = jnp.mean(c * c, axis=0, keepdims=True)
    o_ref[...] = jnp.maximum(
        c / jnp.sqrt(var + 1e-5) * g_ref[...] + bt_ref[...], 0.0)


def _mlp(aggr, h, p):
    return pl.pallas_call(
        _mlp_body,
        out_shape=jax.ShapeDtypeStruct((N, D), jnp.float32),
    )(aggr, h, p['w1'], p['b1'].reshape(1, 2 * D), p['w2'],
      p['b2'].reshape(1, D), p['gamma'].reshape(1, D), p['beta'].reshape(1, D))


def kernel(atom_type, chirality, edge_index, edge_attr, atom_emb, chir_emb,
           params):
    key = (atom_type.astype(jnp.int32) * NCHIR + chirality.astype(jnp.int32))
    combo = (atom_emb[:, None, :] + chir_emb[None, :, :]).reshape(-1, D)
    x = _embed_sc_build()(combo, key)
    ei = (edge_index.astype(jnp.int32)
          .reshape(2, NW, NBLK, BE).transpose(1, 2, 0, 3))
    h = x
    for p in params:
        e = _eproj(edge_attr, p['edge_w'], p['edge_b'])
        parts = _msg_aggr_sc_build()(h, e, ei)
        h = _mlp(parts, h, p)
    return h

# --- scband reference (transcript-rebuilt; emitter-appended) ---
"""Pipeline reference for scband-gnn-56736517980485 (READ-ONLY COPY).

The authoritative reference and input builder live on the scoring server;
editing this copy changes nothing except your own understanding.
"""

import jax, jax.numpy as jnp
import numpy as np

N = 10000
E = 320000
D = 128
DE = 16
L = 3
NUM_ATOM = 120
NUM_CHIR = 4


def setup_inputs(seed: int = 0) -> dict:
    key = jax.random.key(seed)
    ks = jax.random.split(key, 6 + L * 6)
    atom_type = jax.random.randint(ks[0], (N,), 0, NUM_ATOM)
    chirality = jax.random.randint(ks[1], (N,), 0, NUM_CHIR)
    edge_index = jax.random.randint(ks[2], (2, E), 0, N)
    edge_attr = jax.random.normal(ks[3], (E, DE), dtype=jnp.float32)
    atom_emb = jax.random.normal(ks[4], (NUM_ATOM, D), dtype=jnp.float32) * 0.02
    chir_emb = jax.random.normal(ks[5], (NUM_CHIR, D), dtype=jnp.float32) * 0.02
    params = []
    for i in range(L):
        b = 6 + i * 6
        layer = {
            'edge_w': jax.random.normal(ks[b + 0], (DE, D), dtype=jnp.float32) * 0.05,
            'edge_b': jnp.zeros((D,), dtype=jnp.float32),
            'w1': jax.random.normal(ks[b + 1], (D, 2 * D), dtype=jnp.float32) * 0.05,
            'b1': jnp.zeros((2 * D,), dtype=jnp.float32),
            'w2': jax.random.normal(ks[b + 2], (2 * D, D), dtype=jnp.float32) * 0.05,
            'b2': jnp.zeros((D,), dtype=jnp.float32),
            'gamma': jnp.ones((D,), dtype=jnp.float32),
            'beta': jnp.zeros((D,), dtype=jnp.float32),
        }
        params.append(layer)
    return {
        'atom_type': atom_type,
        'chirality': chirality,
        'edge_index': edge_index,
        'edge_attr': edge_attr,
        'atom_emb': atom_emb,
        'chir_emb': chir_emb,
        'params': params,
    }


def reference(atom_type, chirality, edge_index, edge_attr, atom_emb, chir_emb, params):
    # node embedding: atom_type_embedding + chirality_embedding (gathers)
    x = jnp.take(atom_emb, atom_type, axis=0) + jnp.take(chir_emb, chirality, axis=0)
    src = edge_index[0]
    dst = edge_index[1]
    h_list = [x]
    h = x
    for i, p in enumerate(params):
        # GIN-style conv with edge features: msg = relu(x_src + edge_proj)
        e = edge_attr @ p['edge_w'] + p['edge_b']
        msg = jax.nn.relu(jnp.take(h, src, axis=0) + e)
        aggr = jax.ops.segment_sum(msg, dst, num_segments=N)
        z = aggr + h  # (1 + eps) * x with eps = 0
        z = jax.nn.relu(z @ p['w1'] + p['b1']) @ p['w2'] + p['b2']
        # batch norm over nodes
        mean = jnp.mean(z, axis=0)
        var = jnp.var(z, axis=0)
        z = (z - mean) / jnp.sqrt(var + 1e-5) * p['gamma'] + p['beta']
        # relu + dropout(p=0) => relu only (applied every layer incl. last per forward code)
        h = jax.nn.relu(z)
        h_list.append(h)
    # JK == 'last'
    node_representation = h_list[-1]
    return node_representation

if __name__ == "__main__":
    import jax
    _d = setup_inputs()
    print(jax.jit(kernel)(*tuple(_d.values())))

</pallas_src>

<mosaic_0001>
#map = affine_map<(d0, d1) -> (0, 0)>
#map1 = affine_map<(d0, d1) -> (0, 0, 0, 0)>
#map2 = affine_map<(d0, d1) -> (0, 0, 0)>
module attributes {stable_mosaic.version = 14 : i64} {
  func.func @_msg_aggr_sc_body(%arg0: i32, %arg1: i32, %arg2: memref<10000x128xf32, #tpu.memory_space<hbm>>, %arg3: memref<320000x128xf32, #tpu.memory_space<hbm>>, %arg4: memref<32x125x2x80xi32, #tpu.memory_space<hbm>>, %arg5: memref<2x10000x128xf32, #tpu.memory_space<hbm>>, %arg6: memref<4x2x80xi32, #tpu.memory_space<vmem>>, %arg7: memref<2x80x128xf32, #tpu.memory_space<vmem>>, %arg8: memref<2x80x128xf32, #tpu.memory_space<vmem>>, %arg9: memref<10000x128xf32, #tpu.memory_space<vmem_shared>>, %arg10: memref<4x!tpu.dma_semaphore, #tpu.memory_space<semaphore_mem>>, %arg11: memref<2x!tpu.dma_semaphore, #tpu.memory_space<semaphore_mem>>, %arg12: memref<2x!tpu.dma_semaphore, #tpu.memory_space<semaphore_mem>>, %arg13: memref<2x!tpu.dma_semaphore, #tpu.memory_space<semaphore_mem>>) attributes {dimension_semantics = [#tpu.dimension_semantics<core_parallel>, #tpu.dimension_semantics<subcore_parallel>], iteration_bounds = array<i64: 2, 16>, scalar_prefetch = 0 : i64, scratch_operands = 8 : i64, tpu.core_type = #tpu.core_type<sc_vector_subcore>, window_params = [{transform_indices = #map}, {transform_indices = #map}, {transform_indices = #map1}, {transform_indices = #map2}]} {
    %mul3A = arith.constant 2 : i32
    %mul3A_0 = arith.muli %arg1, %mul3A : i32
    %add3A = arith.addi %mul3A_0, %arg0 : i32
    %eq3A = arith.constant 15 : i32
    %eq3A_1 = arith.cmpi eq, %arg1, %eq3A : i32
    %jit3A = arith.constant 400 : i32
    %jit3A_2 = arith.constant 640 : i32
    %select_n3A = arith.select %eq3A_1, %jit3A, %jit3A_2 : i32
    %jit3A_3 = arith.constant 80 : i32
    %div3A = arith.divsi %select_n3A, %jit3A_3 : i32
    %sign3A = arith.constant 0 : i32
    %sign3A_4 = arith.cmpi sgt, %select_n3A, %sign3A : i32
    %sign3A_5 = arith.extui %sign3A_4 : i1 to i32
    %sign3A_6 = arith.constant 0 : i32
    %sign3A_7 = arith.cmpi slt, %select_n3A, %sign3A_6 : i32
    %sign3A_8 = arith.extui %sign3A_7 : i1 to i32
    %sign3A_9 = arith.subi %sign3A_5, %sign3A_8 : i32
    %sign3A_10 = arith.constant 0 : i32
    %sign3A_11 = arith.cmpi sgt, %jit3A_3, %sign3A_10 : i32
    %sign3A_12 = arith.extui %sign3A_11 : i1 to i32
    %sign3A_13 = arith.constant 0 : i32
    %sign3A_14 = arith.cmpi slt, %jit3A_3, %sign3A_13 : i32
    %sign3A_15 = arith.extui %sign3A_14 : i1 to i32
    %sign3A_16 = arith.subi %sign3A_12, %sign3A_15 : i32
    %ne3A = arith.cmpi ne, %sign3A_9, %sign3A_16 : i32
    %rem3A = arith.remsi %select_n3A, %jit3A_3 : i32
    %ne3A_17 = arith.constant 0 : i32
    %ne3A_18 = arith.cmpi ne, %rem3A, %ne3A_17 : i32
    %and3A = arith.andi %ne3A, %ne3A_18 : i1
    %sub3A = arith.constant 1 : i32
    %sub3A_19 = arith.subi %div3A, %sub3A : i32
    %select_n3A_20 = arith.select %and3A, %sub3A_19, %div3A : i32
    %broadcast_in_dim3A = arith.constant 0.000000e+00 : f32
    %broadcast_in_dim3A_21 = vector.broadcast %broadcast_in_dim3A : f32 to vector<16xf32>
    %scan3A = arith.constant 0 : i32
    %scan3A_22 = arith.constant 0 : i32
    %scan3A_23 = arith.constant 80 : i32
    %scan3A_24 = arith.addi %scan3A_22, %scan3A_23 : i32
    %scan3A_25 = arith.constant 1 : i32
    %scan3A_26 = scf.for %scan3A_188 = %scan3A_22 to %scan3A_24 step %scan3A_25 iter_args(%scan3A_189 = %scan3A) -> (i32)  : i32 {
      %swap3A = arith.constant 0 : i32
      %swap3A_190 = arith.index_cast %swap3A : i32 to index
      %swap3A_191 = arith.index_cast %scan3A_188 : i32 to index
      %swap3A_192 = arith.constant 0 : index
      %swap3A_193 = tpu.vector_load %arg7[%swap3A_190, %swap3A_191, %swap3A_192] {strides = array<i32>} : memref<2x80x128xf32, #tpu.memory_space<vmem>>, vector<1x1x16xf32>,
      %swap3A_194 = vector.shape_cast %swap3A_193 : vector<1x1x16xf32> to vector<16xf32>
      %swap3A_195 = vector.shape_cast %broadcast_in_dim3A_21 : vector<16xf32> to vector<1x1x16xf32>
      tpu.vector_store %arg7[%swap3A_190, %swap3A_191, %swap3A_192], %swap3A_195 {strides = array<i32>} : memref<2x80x128xf32, #tpu.memory_space<vmem>>, vector<1x1x16xf32>,
      %swap3A_196 = arith.constant 0 : i32
      %swap3A_197 = arith.index_cast %swap3A_196 : i32 to index
      %swap3A_198 = arith.index_cast %scan3A_188 : i32 to index
      %swap3A_199 = arith.constant 16 : index
      %swap3A_200 = tpu.vector_load %arg7[%swap3A_197, %swap3A_198, %swap3A_199] {strides = array<i32>} : memref<2x80x128xf32, #tpu.memory_space<vmem>>, vector<1x1x16xf32>,
      %swap3A_201 = vector.shape_cast %swap3A_200 : vector<1x1x16xf32> to vector<16xf32>
      %swap3A_202 = vector.shape_cast %broadcast_in_dim3A_21 : vector<16xf32> to vector<1x1x16xf32>
      tpu.vector_store %arg7[%swap3A_197, %swap3A_198, %swap3A_199], %swap3A_202 {strides = array<i32>} : memref<2x80x128xf32, #tpu.memory_space<vmem>>, vector<1x1x16xf32>,
      %swap3A_203 = arith.constant 0 : i32
      %swap3A_204 = arith.index_cast %swap3A_203 : i32 to index
      %swap3A_205 = arith.index_cast %scan3A_188 : i32 to index
      %swap3A_206 = arith.constant 32 : index
      %swap3A_207 = tpu.vector_load %arg7[%swap3A_204, %swap3A_205, %swap3A_206] {strides = array<i32>} : memref<2x80x128xf32, #tpu.memory_space<vmem>>, vector<1x1x16xf32>,
      %swap3A_208 = vector.shape_cast %swap3A_207 : vector<1x1x16xf32> to vector<16xf32>
      %swap3A_209 = vector.shape_cast %broadcast_in_dim3A_21 : vector<16xf32> to vector<1x1x16xf32>
      tpu.vector_store %arg7[%swap3A_204, %swap3A_205, %swap3A_206], %swap3A_209 {strides = array<i32>} : memref<2x80x128xf32, #tpu.memory_space<vmem>>, vector<1x1x16xf32>,
      %swap3A_210 = arith.constant 0 : i32
      %swap3A_211 = arith.index_cast %swap3A_210 : i32 to index
      %swap3A_212 = arith.index_cast %scan3A_188 : i32 to index
      %swap3A_213 = arith.constant 48 : index
      %swap3A_214 = tpu.vector_load %arg7[%swap3A_211, %swap3A_212, %swap3A_213] {strides = array<i32>} : memref<2x80x128xf32, #tpu.memory_space<vmem>>, vector<1x1x16xf32>,
      %swap3A_215 = vector.shape_cast %swap3A_214 : vector<1x1x16xf32> to vector<16xf32>
      %swap3A_216 = vector.shape_cast %broadcast_in_dim3A_21 : vector<16xf32> to vector<1x1x16xf32>
      tpu.vector_store %arg7[%swap3A_211, %swap3A_212, %swap3A_213], %swap3A_216 {strides = array<i32>} : memref<2x80x128xf32, #tpu.memory_space<vmem>>, vector<1x1x16xf32>,
      %swap3A_217 = arith.constant 0 : i32
      %swap3A_218 = arith.index_cast %swap3A_217 : i32 to index
      %swap3A_219 = arith.index_cast %scan3A_188 : i32 to index
      %swap3A_220 = arith.constant 64 : index
      %swap3A_221 = tpu.vector_load %arg7[%swap3A_218, %swap3A_219, %swap3A_220] {strides = array<i32>} : memref<2x80x128xf32, #tpu.memory_space<vmem>>, vector<1x1x16xf32>,
      %swap3A_222 = vector.shape_cast %swap3A_221 : vector<1x1x16xf32> to vector<16xf32>
      %swap3A_223 = vector.shape_cast %broadcast_in_dim3A_21 : vector<16xf32> to vector<1x1x16xf32>
      tpu.vector_store %arg7[%swap3A_218, %swap3A_219, %swap3A_220], %swap3A_223 {strides = array<i32>} : memref<2x80x128xf32, #tpu.memory_space<vmem>>, vector<1x1x16xf32>,
      %swap3A_224 = arith.constant 0 : i32
      %swap3A_225 = arith.index_cast %swap3A_224 : i32 to index
      %swap3A_226 = arith.index_cast %scan3A_188 : i32 to index
      %swap3A_227 = arith.constant 80 : index
      %swap3A_228 = tpu.vector_load %arg7[%swap3A_225, %swap3A_226, %swap3A_227] {strides = array<i32>} : memref<2x80x128xf32, #tpu.memory_space<vmem>>, vector<1x1x16xf32>,
      %swap3A_229 = vector.shape_cast %swap3A_228 : vector<1x1x16xf32> to vector<16xf32>
      %swap3A_230 = vector.shape_cast %broadcast_in_dim3A_21 : vector<16xf32> to vector<1x1x16xf32>
      tpu.vector_store %arg7[%swap3A_225, %swap3A_226, %swap3A_227], %swap3A_230 {strides = array<i32>} : memref<2x80x128xf32, #tpu.memory_space<vmem>>, vector<1x1x16xf32>,
      %swap3A_231 = arith.constant 0 : i32
      %swap3A_232 = arith.index_cast %swap3A_231 : i32 to index
      %swap3A_233 = arith.index_cast %scan3A_188 : i32 to index
      %swap3A_234 = arith.constant 96 : index
      %swap3A_235 = tpu.vector_load %arg7[%swap3A_232, %swap3A_233, %swap3A_234] {strides = array<i32>} : memref<2x80x128xf32, #tpu.memory_space<vmem>>, vector<1x1x16xf32>,
      %swap3A_236 = vector.shape_cast %swap3A_235 : vector<1x1x16xf32> to vector<16xf32>
      %swap3A_237 = vector.shape_cast %broadcast_in_dim3A_21 : vector<16xf32> to vector<1x1x16xf32>
      tpu.vector_store %arg7[%swap3A_232, %swap3A_233, %swap3A_234], %swap3A_237 {strides = array<i32>} : memref<2x80x128xf32, #tpu.memory_space<vmem>>, vector<1x1x16xf32>,
      %swap3A_238 = arith.constant 0 : i32
      %swap3A_239 = arith.index_cast %swap3A_238 : i32 to index
      %swap3A_240 = arith.index_cast %scan3A_188 : i32 to index
      %swap3A_241 = arith.constant 112 : index
      %swap3A_242 = tpu.vector_load %arg7[%swap3A_239, %swap3A_240, %swap3A_241] {strides = array<i32>} : memref<2x80x128xf32, #tpu.memory_space<vmem>>, vector<1x1x16xf32>,
      %swap3A_243 = vector.shape_cast %swap3A_242 : vector<1x1x16xf32> to vector<16xf32>
      %swap3A_244 = vector.shape_cast %broadcast_in_dim3A_21 : vector<16xf32> to vector<1x1x16xf32>
      tpu.vector_store %arg7[%swap3A_239, %swap3A_240, %swap3A_241], %swap3A_244 {strides = array<i32>} : memref<2x80x128xf32, #tpu.memory_space<vmem>>, vector<1x1x16xf32>,
      %scan3A_245 = arith.constant 0 : i32
      scf.yield %scan3A_245 : i32
    }
    %scan3A_27 = arith.constant 80 : i32
    %while3A = arith.constant 0 : i32
    %while3A_28 = arith.constant 0 : i32
    %while3A_29 = arith.subi %select_n3A_20, %while3A : i32
    %while3A_30 = arith.addi %while3A, %while3A_29 : i32
    %while3A_31 = arith.constant 1 : i32
    %while3A_32 = arith.divsi %while3A_29, %while3A_31 : i32
    %while3A_33 = arith.muli %while3A_32, %while3A_31 : i32
    %while3A_34 = arith.addi %while3A, %while3A_33 : i32
    %while3A_35 = arith.constant 1 : i32
    %while3A_36 = scf.for %while3A_188 = %while3A to %while3A_34 step %while3A_35 iter_args(%while3A_189 = %while3A_28) -> (i32)  : i32 {
      %mul3A_190 = arith.constant 640 : i32
      %mul3A_191 = arith.muli %arg1, %mul3A_190 : i32
      %mul3A_192 = arith.constant 80 : i32
      %mul3A_193 = arith.muli %while3A_188, %mul3A_192 : i32
      %add3A_194 = arith.addi %mul3A_191, %mul3A_193 : i32
      %run_scoped3A = arith.constant 0 : i32
      "tpu.region"() ({
        %run_scoped3A_196 = tpu.sem_alloc : memref<!tpu.dma_semaphore, #tpu.memory_space<semaphore_mem>>
        %dma_start3A_197 = arith.constant 0 : i32
        %dma_start3A_198 = arith.constant 0 : i32
        %dma_start3A_199 = tpu.memref_slice %arg7[%run_scoped3A, %dma_start3A_197, %dma_start3A_198] : memref<2x80x128xf32, #tpu.memory_space<vmem>> -> memref<1x80x128xf32, #tpu.memory_space<vmem>>
        %dma_start3A_200 = tpu.memref_squeeze %dma_start3A_199 : memref<1x80x128xf32, #tpu.memory_space<vmem>> -> memref<80x128xf32, #tpu.memory_space<vmem>>
        %dma_start3A_201 = arith.constant 0 : i32
        %dma_start3A_202 = tpu.memref_slice %arg9[%add3A_194, %dma_start3A_201] : memref<10000x128xf32, #tpu.memory_space<vmem_shared>> -> memref<80x128xf32, #tpu.memory_space<vmem_shared>>
        %dma_start3A_203 = arith.constant 0 : i32
        %dma_start3A_204 = tpu.memref_slice %arg9[%add3A_194, %dma_start3A_203] : memref<10000x128xf32, #tpu.memory_space<vmem_shared>> -> memref<80x128xf32, #tpu.memory_space<vmem_shared>>
        %dma_start3A_205 = arith.constant 0 : i32
        %dma_start3A_206 = arith.constant 0 : i32
        %dma_start3A_207 = tpu.memref_slice %arg7[%run_scoped3A, %dma_start3A_205, %dma_start3A_206] : memref<2x80x128xf32, #tpu.memory_space<vmem>> -> memref<1x80x128xf32, #tpu.memory_space<vmem>>
        %dma_start3A_208 = tpu.memref_squeeze %dma_start3A_207 : memref<1x80x128xf32, #tpu.memory_space<vmem>> -> memref<80x128xf32, #tpu.memory_space<vmem>>
        tpu.enqueue_dma source(%dma_start3A_208 : memref<80x128xf32, #tpu.memory_space<vmem>>) target(%dma_start3A_204 : memref<80x128xf32, #tpu.memory_space<vmem_shared>>) target_semaphore(%run_scoped3A_196 : memref<!tpu.dma_semaphore, #tpu.memory_space<semaphore_mem>>)
        %dma_wait3A_209 = arith.constant 0 : i32
        %dma_wait3A_210 = arith.constant 0 : i32
        %dma_wait3A_211 = tpu.memref_slice %arg7[%run_scoped3A, %dma_wait3A_209, %dma_wait3A_210] : memref<2x80x128xf32, #tpu.memory_space<vmem>> -> memref<1x80x128xf32, #tpu.memory_space<vmem>>
        %dma_wait3A_212 = tpu.memref_squeeze %dma_wait3A_211 : memref<1x80x128xf32, #tpu.memory_space<vmem>> -> memref<80x128xf32, #tpu.memory_space<vmem>>
        %dma_wait3A_213 = arith.constant 0 : i32
        %dma_wait3A_214 = tpu.memref_slice %arg9[%add3A_194, %dma_wait3A_213] : memref<10000x128xf32, #tpu.memory_space<vmem_shared>> -> memref<80x128xf32, #tpu.memory_space<vmem_shared>>
        %dma_wait3A_215 = arith.constant 0 : i32
        %dma_wait3A_216 = tpu.memref_slice %arg9[%add3A_194, %dma_wait3A_215] : memref<10000x128xf32, #tpu.memory_space<vmem_shared>> -> memref<80x128xf32, #tpu.memory_space<vmem_shared>>
        %dma_wait3A_217 = arith.constant 0 : i32
        %dma_wait3A_218 = arith.constant 0 : i32
        %dma_wait3A_219 = tpu.memref_slice %arg7[%run_scoped3A, %dma_wait3A_217, %dma_wait3A_218] : memref<2x80x128xf32, #tpu.memory_space<vmem>> -> memref<1x80x128xf32, #tpu.memory_space<vmem>>
        %dma_wait3A_220 = tpu.memref_squeeze %dma_wait3A_219 : memref<1x80x128xf32, #tpu.memory_space<vmem>> -> memref<80x128xf32, #tpu.memory_space<vmem>>
        tpu.wait_dma2 semaphore(%run_scoped3A_196 : memref<!tpu.dma_semaphore, #tpu.memory_space<semaphore_mem>>) src(%dma_wait3A_220 : memref<80x128xf32, #tpu.memory_space<vmem>>) dst(%dma_wait3A_216 : memref<80x128xf32, #tpu.memory_space<vmem_shared>>)
        tpu.yield
      }) : () -> ()
      %while3A_195 = arith.constant 0 : i32
      scf.yield %while3A_195 : i32
    }
    %while3A_37 = arith.constant 1 : i32
    %while3A_38 = scf.for %while3A_188 = %while3A_34 to %while3A_30 step %while3A_37 iter_args(%while3A_189 = %while3A_36) -> (i32)  : i32 {
      %mul3A_190 = arith.constant 640 : i32
      %mul3A_191 = arith.muli %arg1, %mul3A_190 : i32
      %mul3A_192 = arith.constant 80 : i32
      %mul3A_193 = arith.muli %while3A_188, %mul3A_192 : i32
      %add3A_194 = arith.addi %mul3A_191, %mul3A_193 : i32
      %run_scoped3A = arith.constant 0 : i32
      "tpu.region"() ({
        %run_scoped3A_196 = tpu.sem_alloc : memref<!tpu.dma_semaphore, #tpu.memory_space<semaphore_mem>>
        %dma_start3A_197 = arith.constant 0 : i32
        %dma_start3A_198 = arith.constant 0 : i32
        %dma_start3A_199 = tpu.memref_slice %arg7[%run_scoped3A, %dma_start3A_197, %dma_start3A_198] : memref<2x80x128xf32, #tpu.memory_space<vmem>> -> memref<1x80x128xf32, #tpu.memory_space<vmem>>
        %dma_start3A_200 = tpu.memref_squeeze %dma_start3A_199 : memref<1x80x128xf32, #tpu.memory_space<vmem>> -> memref<80x128xf32, #tpu.memory_space<vmem>>
        %dma_start3A_201 = arith.constant 0 : i32
        %dma_start3A_202 = tpu.memref_slice %arg9[%add3A_194, %dma_start3A_201] : memref<10000x128xf32, #tpu.memory_space<vmem_shared>> -> memref<80x128xf32, #tpu.memory_space<vmem_shared>>
        %dma_start3A_203 = arith.constant 0 : i32
        %dma_start3A_204 = tpu.memref_slice %arg9[%add3A_194, %dma_start3A_203] : memref<10000x128xf32, #tpu.memory_space<vmem_shared>> -> memref<80x128xf32, #tpu.memory_space<vmem_shared>>
        %dma_start3A_205 = arith.constant 0 : i32
        %dma_start3A_206 = arith.constant 0 : i32
        %dma_start3A_207 = tpu.memref_slice %arg7[%run_scoped3A, %dma_start3A_205, %dma_start3A_206] : memref<2x80x128xf32, #tpu.memory_space<vmem>> -> memref<1x80x128xf32, #tpu.memory_space<vmem>>
        %dma_start3A_208 = tpu.memref_squeeze %dma_start3A_207 : memref<1x80x128xf32, #tpu.memory_space<vmem>> -> memref<80x128xf32, #tpu.memory_space<vmem>>
        tpu.enqueue_dma source(%dma_start3A_208 : memref<80x128xf32, #tpu.memory_space<vmem>>) target(%dma_start3A_204 : memref<80x128xf32, #tpu.memory_space<vmem_shared>>) target_semaphore(%run_scoped3A_196 : memref<!tpu.dma_semaphore, #tpu.memory_space<semaphore_mem>>)
        %dma_wait3A_209 = arith.constant 0 : i32
        %dma_wait3A_210 = arith.constant 0 : i32
        %dma_wait3A_211 = tpu.memref_slice %arg7[%run_scoped3A, %dma_wait3A_209, %dma_wait3A_210] : memref<2x80x128xf32, #tpu.memory_space<vmem>> -> memref<1x80x128xf32, #tpu.memory_space<vmem>>
        %dma_wait3A_212 = tpu.memref_squeeze %dma_wait3A_211 : memref<1x80x128xf32, #tpu.memory_space<vmem>> -> memref<80x128xf32, #tpu.memory_space<vmem>>
        %dma_wait3A_213 = arith.constant 0 : i32
        %dma_wait3A_214 = tpu.memref_slice %arg9[%add3A_194, %dma_wait3A_213] : memref<10000x128xf32, #tpu.memory_space<vmem_shared>> -> memref<80x128xf32, #tpu.memory_space<vmem_shared>>
        %dma_wait3A_215 = arith.constant 0 : i32
        %dma_wait3A_216 = tpu.memref_slice %arg9[%add3A_194, %dma_wait3A_215] : memref<10000x128xf32, #tpu.memory_space<vmem_shared>> -> memref<80x128xf32, #tpu.memory_space<vmem_shared>>
        %dma_wait3A_217 = arith.constant 0 : i32
        %dma_wait3A_218 = arith.constant 0 : i32
        %dma_wait3A_219 = tpu.memref_slice %arg7[%run_scoped3A, %dma_wait3A_217, %dma_wait3A_218] : memref<2x80x128xf32, #tpu.memory_space<vmem>> -> memref<1x80x128xf32, #tpu.memory_space<vmem>>
        %dma_wait3A_220 = tpu.memref_squeeze %dma_wait3A_219 : memref<1x80x128xf32, #tpu.memory_space<vmem>> -> memref<80x128xf32, #tpu.memory_space<vmem>>
        tpu.wait_dma2 semaphore(%run_scoped3A_196 : memref<!tpu.dma_semaphore, #tpu.memory_space<semaphore_mem>>) src(%dma_wait3A_220 : memref<80x128xf32, #tpu.memory_space<vmem>>) dst(%dma_wait3A_216 : memref<80x128xf32, #tpu.memory_space<vmem_shared>>)
        tpu.yield
      }) : () -> ()
      %while3A_195 = arith.constant 0 : i32
      scf.yield %while3A_195 : i32
    }
    %dma_start3A = arith.constant 0 : i32
    %dma_start3A_39 = arith.constant 0 : i32
    %dma_start3A_40 = arith.constant 0 : i32
    %dma_start3A_41 = arith.constant 0 : i32
    %dma_start3A_42 = arith.constant 0 : i32
    %dma_start3A_43 = tpu.memref_slice %arg6[%dma_start3A_39, %dma_start3A_41, %dma_start3A_42] : memref<4x2x80xi32, #tpu.memory_space<vmem>> -> memref<1x2x80xi32, #tpu.memory_space<vmem>>
    %dma_start3A_44 = tpu.memref_squeeze %dma_start3A_43 : memref<1x2x80xi32, #tpu.memory_space<vmem>> -> memref<2x80xi32, #tpu.memory_space<vmem>>
    %dma_start3A_45 = arith.constant 0 : i32
    %dma_start3A_46 = arith.constant 0 : i32
    %dma_start3A_47 = tpu.memref_slice %arg4[%add3A, %dma_start3A, %dma_start3A_45, %dma_start3A_46] : memref<32x125x2x80xi32, #tpu.memory_space<hbm>> -> memref<1x1x2x80xi32, #tpu.memory_space<hbm>>
    %dma_start3A_48 = tpu.memref_squeeze %dma_start3A_47 : memref<1x1x2x80xi32, #tpu.memory_space<hbm>> -> memref<2x80xi32, #tpu.memory_space<hbm>>
    %dma_start3A_49 = tpu.memref_slice %arg10[%dma_start3A_40] : memref<4x!tpu.dma_semaphore, #tpu.memory_space<semaphore_mem>> -> memref<1x!tpu.dma_semaphore, #tpu.memory_space<semaphore_mem>>
    %dma_start3A_50 = tpu.memref_squeeze %dma_start3A_49 : memref<1x!tpu.dma_semaphore, #tpu.memory_space<semaphore_mem>> -> memref<!tpu.dma_semaphore, #tpu.memory_space<semaphore_mem>>
    %dma_start3A_51 = arith.constant 0 : i32
    %dma_start3A_52 = arith.constant 0 : i32
    %dma_start3A_53 = tpu.memref_slice %arg6[%dma_start3A_39, %dma_start3A_51, %dma_start3A_52] : memref<4x2x80xi32, #tpu.memory_space<vmem>> -> memref<1x2x80xi32, #tpu.memory_space<vmem>>
    %dma_start3A_54 = tpu.memref_squeeze %dma_start3A_53 : memref<1x2x80xi32, #tpu.memory_space<vmem>> -> memref<2x80xi32, #tpu.memory_space<vmem>>
    %dma_start3A_55 = arith.constant 0 : i32
    %dma_start3A_56 = arith.constant 0 : i32
    %dma_start3A_57 = tpu.memref_slice %arg4[%add3A, %dma_start3A, %dma_start3A_55, %dma_start3A_56] : memref<32x125x2x80xi32, #tpu.memory_space<hbm>> -> memref<1x1x2x80xi32, #tpu.memory_space<hbm>>
    %dma_start3A_58 = tpu.memref_squeeze %dma_start3A_57 : memref<1x1x2x80xi32, #tpu.memory_space<hbm>> -> memref<2x80xi32, #tpu.memory_space<hbm>>
    tpu.enqueue_dma source(%dma_start3A_58 : memref<2x80xi32, #tpu.memory_space<hbm>>) target(%dma_start3A_54 : memref<2x80xi32, #tpu.memory_space<vmem>>) target_semaphore(%dma_start3A_50 : memref<!tpu.dma_semaphore, #tpu.memory_space<semaphore_mem>>)
    %dma_wait3A = arith.constant 0 : i32
    %dma_wait3A_59 = arith.constant 0 : i32
    %dma_wait3A_60 = arith.constant 0 : i32
    %dma_wait3A_61 = arith.constant 0 : i32
    %dma_wait3A_62 = arith.constant 0 : i32
    %dma_wait3A_63 = tpu.memref_slice %arg6[%dma_wait3A_59, %dma_wait3A_61, %dma_wait3A_62] : memref<4x2x80xi32, #tpu.memory_space<vmem>> -> memref<1x2x80xi32, #tpu.memory_space<vmem>>
    %dma_wait3A_64 = tpu.memref_squeeze %dma_wait3A_63 : memref<1x2x80xi32, #tpu.memory_space<vmem>> -> memref<2x80xi32, #tpu.memory_space<vmem>>
    %dma_wait3A_65 = arith.constant 0 : i32
    %dma_wait3A_66 = arith.constant 0 : i32
    %dma_wait3A_67 = tpu.memref_slice %arg4[%add3A, %dma_wait3A, %dma_wait3A_65, %dma_wait3A_66] : memref<32x125x2x80xi32, #tpu.memory_space<hbm>> -> memref<1x1x2x80xi32, #tpu.memory_space<hbm>>
    %dma_wait3A_68 = tpu.memref_squeeze %dma_wait3A_67 : memref<1x1x2x80xi32, #tpu.memory_space<hbm>> -> memref<2x80xi32, #tpu.memory_space<hbm>>
    %dma_wait3A_69 = tpu.memref_slice %arg10[%dma_wait3A_60] : memref<4x!tpu.dma_semaphore, #tpu.memory_space<semaphore_mem>> -> memref<1x!tpu.dma_semaphore, #tpu.memory_space<semaphore_mem>>
    %dma_wait3A_70 = tpu.memref_squeeze %dma_wait3A_69 : memref<1x!tpu.dma_semaphore, #tpu.memory_space<semaphore_mem>> -> memref<!tpu.dma_semaphore, #tpu.memory_space<semaphore_mem>>
    %dma_wait3A_71 = arith.constant 0 : i32
    %dma_wait3A_72 = arith.constant 0 : i32
    %dma_wait3A_73 = tpu.memref_slice %arg6[%dma_wait3A_59, %dma_wait3A_71, %dma_wait3A_72] : memref<4x2x80xi32, #tpu.memory_space<vmem>> -> memref<1x2x80xi32, #tpu.memory_space<vmem>>
    %dma_wait3A_74 = tpu.memref_squeeze %dma_wait3A_73 : memref<1x2x80xi32, #tpu.memory_space<vmem>> -> memref<2x80xi32, #tpu.memory_space<vmem>>
    %dma_wait3A_75 = arith.constant 0 : i32
    %dma_wait3A_76 = arith.constant 0 : i32
    %dma_wait3A_77 = tpu.memref_slice %arg4[%add3A, %dma_wait3A, %dma_wait3A_75, %dma_wait3A_76] : memref<32x125x2x80xi32, #tpu.memory_space<hbm>> -> memref<1x1x2x80xi32, #tpu.memory_space<hbm>>
    %dma_wait3A_78 = tpu.memref_squeeze %dma_wait3A_77 : memref<1x1x2x80xi32, #tpu.memory_space<hbm>> -> memref<2x80xi32, #tpu.memory_space<hbm>>
    tpu.wait_dma2 semaphore(%dma_wait3A_70 : memref<!tpu.dma_semaphore, #tpu.memory_space<semaphore_mem>>) src(%dma_wait3A_78 : memref<2x80xi32, #tpu.memory_space<hbm>>) dst(%dma_wait3A_74 : memref<2x80xi32, #tpu.memory_space<vmem>>)
    %dma_start3A_79 = arith.constant 0 : i32
    %dma_start3A_80 = arith.constant 0 : i32
    %dma_start3A_81 = arith.constant 0 : i32
    %dma_start3A_82 = arith.constant 0 : i32
    %dma_start3A_83 = arith.constant 0 : i32
    %dma_start3A_84 = arith.constant 0 : i32
    %dma_start3A_85 = tpu.memref_slice %arg7[%dma_start3A_81, %dma_start3A_83, %dma_start3A_84] : memref<2x80x128xf32, #tpu.memory_space<vmem>> -> memref<1x80x128xf32, #tpu.memory_space<vmem>>
    %dma_start3A_86 = tpu.memref_squeeze %dma_start3A_85 : memref<1x80x128xf32, #tpu.memory_space<vmem>> -> memref<80x128xf32, #tpu.memory_space<vmem>>
    %dma_start3A_87 = arith.constant 0 : i32
    %dma_start3A_88 = tpu.memref_slice %arg6[%dma_start3A_79, %dma_start3A_80, %dma_start3A_87] : memref<4x2x80xi32, #tpu.memory_space<vmem>> -> memref<1x1x80xi32, #tpu.memory_space<vmem>>
    %dma_start3A_89 = tpu.memref_squeeze %dma_start3A_88 : memref<1x1x80xi32, #tpu.memory_space<vmem>> -> memref<80xi32, #tpu.memory_space<vmem>>
    %dma_start3A_90 = arith.constant 0 : i32
    %dma_start3A_91 = arith.constant 0 : i32
    %dma_start3A_92 = tpu.memref_slice %arg2[%dma_start3A_90, %dma_start3A_91] : memref<10000x128xf32, #tpu.memory_space<hbm>> -> memref<10000x128xf32, #tpu.memory_space<hbm>>
    %dma_start3A_93 = tpu.memref_slice %arg11[%dma_start3A_82] : memref<2x!tpu.dma_semaphore, #tpu.memory_space<semaphore_mem>> -> memref<1x!tpu.dma_semaphore, #tpu.memory_space<semaphore_mem>>
    %dma_start3A_94 = tpu.memref_squeeze %dma_start3A_93 : memref<1x!tpu.dma_semaphore, #tpu.memory_space<semaphore_mem>> -> memref<!tpu.dma_semaphore, #tpu.memory_space<semaphore_mem>>
    tpu.enqueue_indirect_dma source(%dma_start3A_92 : memref<10000x128xf32, #tpu.memory_space<hbm>>) target(%dma_start3A_86 : memref<80x128xf32, #tpu.memory_space<vmem>>) offsets(%dma_start3A_89 : memref<80xi32, #tpu.memory_space<vmem>>) semaphore(%dma_start3A_94 : memref<!tpu.dma_semaphore, #tpu.memory_space<semaphore_mem>>)
    %mul3A_95 = arith.constant 10000 : i32
    %mul3A_96 = arith.muli %add3A, %mul3A_95 : i32
    %add3A_97 = arith.constant 0 : i32
    %add3A_98 = arith.addi %mul3A_96, %add3A_97 : i32
    %dma_start3A_99 = arith.constant 0 : i32
    %dma_start3A_100 = arith.constant 0 : i32
    %dma_start3A_101 = arith.constant 0 : i32
    %dma_start3A_102 = arith.constant 0 : i32
    %dma_start3A_103 = tpu.memref_slice %arg8[%dma_start3A_99, %dma_start3A_101, %dma_start3A_102] : memref<2x80x128xf32, #tpu.memory_space<vmem>> -> memref<1x80x128xf32, #tpu.memory_space<vmem>>
    %dma_start3A_104 = tpu.memref_squeeze %dma_start3A_103 : memref<1x80x128xf32, #tpu.memory_space<vmem>> -> memref<80x128xf32, #tpu.memory_space<vmem>>
    %dma_start3A_105 = arith.constant 0 : i32
    %dma_start3A_106 = tpu.memref_slice %arg3[%add3A_98, %dma_start3A_105] : memref<320000x128xf32, #tpu.memory_space<hbm>> -> memref<80x128xf32, #tpu.memory_space<hbm>>
    %dma_start3A_107 = tpu.memref_slice %arg12[%dma_start3A_100] : memref<2x!tpu.dma_semaphore, #tpu.memory_space<semaphore_mem>> -> memref<1x!tpu.dma_semaphore, #tpu.memory_space<semaphore_mem>>
    %dma_start3A_108 = tpu.memref_squeeze %dma_start3A_107 : memref<1x!tpu.dma_semaphore, #tpu.memory_space<semaphore_mem>> -> memref<!tpu.dma_semaphore, #tpu.memory_space<semaphore_mem>>
    %dma_start3A_109 = arith.constant 0 : i32
    %dma_start3A_110 = arith.constant 0 : i32
    %dma_start3A_111 = tpu.memref_slice %arg8[%dma_start3A_99, %dma_start3A_109, %dma_start3A_110] : memref<2x80x128xf32, #tpu.memory_space<vmem>> -> memref<1x80x128xf32, #tpu.memory_space<vmem>>
    %dma_start3A_112 = tpu.memref_squeeze %dma_start3A_111 : memref<1x80x128xf32, #tpu.memory_space<vmem>> -> memref<80x128xf32, #tpu.memory_space<vmem>>
    %dma_start3A_113 = arith.constant 0 : i32
    %dma_start3A_114 = tpu.memref_slice %arg3[%add3A_98, %dma_start3A_113] : memref<320000x128xf32, #tpu.memory_space<hbm>> -> memref<80x128xf32, #tpu.memory_space<hbm>>
    tpu.enqueue_dma source(%dma_start3A_114 : memref<80x128xf32, #tpu.memory_space<hbm>>) target(%dma_start3A_112 : memref<80x128xf32, #tpu.memory_space<vmem>>) target_semaphore(%dma_start3A_108 : memref<!tpu.dma_semaphore, #tpu.memory_space<semaphore_mem>>)
    %dma_start3A_115 = arith.constant 1 : i32
    %dma_start3A_116 = arith.constant 1 : i32
    %dma_start3A_117 = arith.constant 1 : i32
    %dma_start3A_118 = arith.constant 0 : i32
    %dma_start3A_119 = arith.constant 0 : i32
    %dma_start3A_120 = tpu.memref_slice %arg6[%dma_start3A_116, %dma_start3A_118, %dma_start3A_119] : memref<4x2x80xi32, #tpu.memory_space<vmem>> -> memref<1x2x80xi32, #tpu.memory_space<vmem>>
    %dma_start3A_121 = tpu.memref_squeeze %dma_start3A_120 : memref<1x2x80xi32, #tpu.memory_space<vmem>> -> memref<2x80xi32, #tpu.memory_space<vmem>>
    %dma_start3A_122 = arith.constant 0 : i32
    %dma_start3A_123 = arith.constant 0 : i32
    %dma_start3A_124 = tpu.memref_slice %arg4[%add3A, %dma_start3A_115, %dma_start3A_122, %dma_start3A_123] : memref<32x125x2x80xi32, #tpu.memory_space<hbm>> -> memref<1x1x2x80xi32, #tpu.memory_space<hbm>>
    %dma_start3A_125 = tpu.memref_squeeze %dma_start3A_124 : memref<1x1x2x80xi32, #tpu.memory_space<hbm>> -> memref<2x80xi32, #tpu.memory_space<hbm>>
    %dma_start3A_126 = tpu.memref_slice %arg10[%dma_start3A_117] : memref<4x!tpu.dma_semaphore, #tpu.memory_space<semaphore_mem>> -> memref<1x!tpu.dma_semaphore, #tpu.memory_space<semaphore_mem>>
    %dma_start3A_127 = tpu.memref_squeeze %dma_start3A_126 : memref<1x!tpu.dma_semaphore, #tpu.memory_space<semaphore_mem>> -> memref<!tpu.dma_semaphore, #tpu.memory_space<semaphore_mem>>
    %dma_start3A_128 = arith.constant 0 : i32
    %dma_start3A_129 = arith.constant 0 : i32
    %dma_start3A_130 = tpu.memref_slice %arg6[%dma_start3A_116, %dma_start3A_128, %dma_start3A_129] : memref<4x2x80xi32, #tpu.memory_space<vmem>> -> memref<1x2x80xi32, #tpu.memory_space<vmem>>
    %dma_start3A_131 = tpu.memref_squeeze %dma_start3A_130 : memref<1x2x80xi32, #tpu.memory_space<vmem>> -> memref<2x80xi32, #tpu.memory_space<vmem>>
    %dma_start3A_132 = arith.constant 0 : i32
    %dma_start3A_133 = arith.constant 0 : i32
    %dma_start3A_134 = tpu.memref_slice %arg4[%add3A, %dma_start3A_115, %dma_start3A_132, %dma_start3A_133] : memref<32x125x2x80xi32, #tpu.memory_space<hbm>> -> memref<1x1x2x80xi32, #tpu.memory_space<hbm>>
    %dma_start3A_135 = tpu.memref_squeeze %dma_start3A_134 : memref<1x1x2x80xi32, #tpu.memory_space<hbm>> -> memref<2x80xi32, #tpu.memory_space<hbm>>
    tpu.enqueue_dma source(%dma_start3A_135 : memref<2x80xi32, #tpu.memory_space<hbm>>) target(%dma_start3A_131 : memref<2x80xi32, #tpu.memory_space<vmem>>) target_semaphore(%dma_start3A_127 : memref<!tpu.dma_semaphore, #tpu.memory_space<semaphore_mem>>)
    %barrier3A = arith.constant 0 : index
    tpu.barrier barrier_id(%barrier3A)
    %scan3A_136 = arith.constant 0 : i32
    %scan3A_137 = arith.constant 0 : i32
    %scan3A_138 = arith.constant 125 : i32
    %scan3A_139 = arith.addi %scan3A_137, %scan3A_138 : i32
    %scan3A_140 = arith.constant 1 : i32
    %scan3A_141 = scf.for %scan3A_188 = %scan3A_137 to %scan3A_139 step %scan3A_140 iter_args(%scan3A_189 = %scan3A_136) -> (i32)  : i32 {
      %jit3A_190 = arith.constant 4 : i32
      %eq3A_191 = arith.constant 0 : i32
      %eq3A_192 = arith.cmpi eq, %jit3A_190, %eq3A_191 : i32
      %jit3A_193 = arith.constant 1 : i32
      %select_n3A_194 = arith.select %eq3A_192, %jit3A_193, %jit3A_190 : i32
      %rem3A_195 = arith.remsi %scan3A_188, %select_n3A_194 : i32
      %ne3A_196 = arith.constant 0 : i32
      %ne3A_197 = arith.cmpi ne, %rem3A_195, %ne3A_196 : i32
      %lt3A = arith.constant 0 : i32
      %lt3A_198 = arith.cmpi slt, %rem3A_195, %lt3A : i32
      %lt3A_199 = arith.constant 0 : i32
      %lt3A_200 = arith.cmpi slt, %select_n3A_194, %lt3A_199 : i32
      %ne3A_201 = arith.xori %lt3A_198, %lt3A_200 : i1
      %and3A_202 = arith.andi %ne3A_201, %ne3A_197 : i1
      %add3A_203 = arith.addi %rem3A_195, %select_n3A_194 : i32
      %select_n3A_204 = arith.select %and3A_202, %add3A_203, %rem3A_195 : i32
      %add3A_205 = arith.constant 1 : i32
      %add3A_206 = arith.addi %scan3A_188, %add3A_205 : i32
      %jit3A_207 = arith.constant 4 : i32
      %eq3A_208 = arith.constant 0 : i32
      %eq3A_209 = arith.cmpi eq, %jit3A_207, %eq3A_208 : i32
      %jit3A_210 = arith.constant 1 : i32
      %select_n3A_211 = arith.select %eq3A_209, %jit3A_210, %jit3A_207 : i32
      %rem3A_212 = arith.remsi %add3A_206, %select_n3A_211 : i32
      %ne3A_213 = arith.constant 0 : i32
      %ne3A_214 = arith.cmpi ne, %rem3A_212, %ne3A_213 : i32
      %lt3A_215 = arith.constant 0 : i32
      %lt3A_216 = arith.cmpi slt, %rem3A_212, %lt3A_215 : i32
      %lt3A_217 = arith.constant 0 : i32
      %lt3A_218 = arith.cmpi slt, %select_n3A_211, %lt3A_217 : i32
      %ne3A_219 = arith.xori %lt3A_216, %lt3A_218 : i1
      %and3A_220 = arith.andi %ne3A_219, %ne3A_214 : i1
      %add3A_221 = arith.addi %rem3A_212, %select_n3A_211 : i32
      %select_n3A_222 = arith.select %and3A_220, %add3A_221, %rem3A_212 : i32
      %jit3A_223 = arith.constant 2 : i32
      %eq3A_224 = arith.constant 0 : i32
      %eq3A_225 = arith.cmpi eq, %jit3A_223, %eq3A_224 : i32
      %jit3A_226 = arith.constant 1 : i32
      %select_n3A_227 = arith.select %eq3A_225, %jit3A_226, %jit3A_223 : i32
      %rem3A_228 = arith.remsi %scan3A_188, %select_n3A_227 : i32
      %ne3A_229 = arith.constant 0 : i32
      %ne3A_230 = arith.cmpi ne, %rem3A_228, %ne3A_229 : i32
      %lt3A_231 = arith.constant 0 : i32
      %lt3A_232 = arith.cmpi slt, %rem3A_228, %lt3A_231 : i32
      %lt3A_233 = arith.constant 0 : i32
      %lt3A_234 = arith.cmpi slt, %select_n3A_227, %lt3A_233 : i32
      %ne3A_235 = arith.xori %lt3A_232, %lt3A_234 : i1
      %and3A_236 = arith.andi %ne3A_235, %ne3A_230 : i1
      %add3A_237 = arith.addi %rem3A_228, %select_n3A_227 : i32
      %select_n3A_238 = arith.select %and3A_236, %add3A_237, %rem3A_228 : i32
      %add3A_239 = arith.constant 1 : i32
      %add3A_240 = arith.addi %scan3A_188, %add3A_239 : i32
      %jit3A_241 = arith.constant 2 : i32
      %eq3A_242 = arith.constant 0 : i32
      %eq3A_243 = arith.cmpi eq, %jit3A_241, %eq3A_242 : i32
      %jit3A_244 = arith.constant 1 : i32
      %select_n3A_245 = arith.select %eq3A_243, %jit3A_244, %jit3A_241 : i32
      %rem3A_246 = arith.remsi %add3A_240, %select_n3A_245 : i32
      %ne3A_247 = arith.constant 0 : i32
      %ne3A_248 = arith.cmpi ne, %rem3A_246, %ne3A_247 : i32
      %lt3A_249 = arith.constant 0 : i32
      %lt3A_250 = arith.cmpi slt, %rem3A_246, %lt3A_249 : i32
      %lt3A_251 = arith.constant 0 : i32
      %lt3A_252 = arith.cmpi slt, %select_n3A_245, %lt3A_251 : i32
      %ne3A_253 = arith.xori %lt3A_250, %lt3A_252 : i1
      %and3A_254 = arith.andi %ne3A_253, %ne3A_248 : i1
      %add3A_255 = arith.addi %rem3A_246, %select_n3A_245 : i32
      %select_n3A_256 = arith.select %and3A_254, %add3A_255, %rem3A_246 : i32
      %dma_wait3A_257 = arith.constant 0 : i32
      %dma_wait3A_258 = arith.constant 0 : i32
      %dma_wait3A_259 = arith.constant 0 : i32
      %dma_wait3A_260 = tpu.memref_slice %arg7[%select_n3A_238, %dma_wait3A_258, %dma_wait3A_259] : memref<2x80x128xf32, #tpu.memory_space<vmem>> -> memref<1x80x128xf32, #tpu.memory_space<vmem>>
      %dma_wait3A_261 = tpu.memref_squeeze %dma_wait3A_260 : memref<1x80x128xf32, #tpu.memory_space<vmem>> -> memref<80x128xf32, #tpu.memory_space<vmem>>
      %dma_wait3A_262 = arith.constant 0 : i32
      %dma_wait3A_263 = tpu.memref_slice %arg6[%select_n3A_204, %dma_wait3A_257, %dma_wait3A_262] : memref<4x2x80xi32, #tpu.memory_space<vmem>> -> memref<1x1x80xi32, #tpu.memory_space<vmem>>
      %dma_wait3A_264 = tpu.memref_squeeze %dma_wait3A_263 : memref<1x1x80xi32, #tpu.memory_space<vmem>> -> memref<80xi32, #tpu.memory_space<vmem>>
      %dma_wait3A_265 = arith.constant 0 : i32
      %dma_wait3A_266 = arith.constant 0 : i32
      %dma_wait3A_267 = tpu.memref_slice %arg2[%dma_wait3A_265, %dma_wait3A_266] : memref<10000x128xf32, #tpu.memory_space<hbm>> -> memref<10000x128xf32, #tpu.memory_space<hbm>>
      %dma_wait3A_268 = tpu.memref_slice %arg11[%select_n3A_238] : memref<2x!tpu.dma_semaphore, #tpu.memory_space<semaphore_mem>> -> memref<1x!tpu.dma_semaphore, #tpu.memory_space<semaphore_mem>>
      %dma_wait3A_269 = tpu.memref_squeeze %dma_wait3A_268 : memref<1x!tpu.dma_semaphore, #tpu.memory_space<semaphore_mem>> -> memref<!tpu.dma_semaphore, #tpu.memory_space<semaphore_mem>>
      tpu.wait_indirect_dma semaphore(%dma_wait3A_269 : memref<!tpu.dma_semaphore, #tpu.memory_space<semaphore_mem>>) src(%dma_wait3A_267 : memref<10000x128xf32, #tpu.memory_space<hbm>>) dst(%dma_wait3A_261 : memref<80x128xf32, #tpu.memory_space<vmem>>)
      %mul3A_270 = arith.constant 10000 : i32
      %mul3A_271 = arith.muli %add3A, %mul3A_270 : i32
      %mul3A_272 = arith.constant 80 : i32
      %mul3A_273 = arith.muli %scan3A_188, %mul3A_272 : i32
      %add3A_274 = arith.addi %mul3A_271, %mul3A_273 : i32
      %dma_wait3A_275 = arith.constant 0 : i32
      %dma_wait3A_276 = arith.constant 0 : i32
      %dma_wait3A_277 = tpu.memref_slice %arg8[%select_n3A_238, %dma_wait3A_275, %dma_wait3A_276] : memref<2x80x128xf32, #tpu.memory_space<vmem>> -> memref<1x80x128xf32, #tpu.memory_space<vmem>>
      %dma_wait3A_278 = tpu.memref_squeeze %dma_wait3A_277 : memref<1x80x128xf32, #tpu.memory_space<vmem>> -> memref<80x128xf32, #tpu.memory_space<vmem>>
      %dma_wait3A_279 = arith.constant 0 : i32
      %dma_wait3A_280 = tpu.memref_slice %arg3[%add3A_274, %dma_wait3A_279] : memref<320000x128xf32, #tpu.memory_space<hbm>> -> memref<80x128xf32, #tpu.memory_space<hbm>>
      %dma_wait3A_281 = tpu.memref_slice %arg12[%select_n3A_238] : memref<2x!tpu.dma_semaphore, #tpu.memory_space<semaphore_mem>> -> memref<1x!tpu.dma_semaphore, #tpu.memory_space<semaphore_mem>>
      %dma_wait3A_282 = tpu.memref_squeeze %dma_wait3A_281 : memref<1x!tpu.dma_semaphore, #tpu.memory_space<semaphore_mem>> -> memref<!tpu.dma_semaphore, #tpu.memory_space<semaphore_mem>>
      %dma_wait3A_283 = arith.constant 0 : i32
      %dma_wait3A_284 = arith.constant 0 : i32
      %dma_wait3A_285 = tpu.memref_slice %arg8[%select_n3A_238, %dma_wait3A_283, %dma_wait3A_284] : memref<2x80x128xf32, #tpu.memory_space<vmem>> -> memref<1x80x128xf32, #tpu.memory_space<vmem>>
      %dma_wait3A_286 = tpu.memref_squeeze %dma_wait3A_285 : memref<1x80x128xf32, #tpu.memory_space<vmem>> -> memref<80x128xf32, #tpu.memory_space<vmem>>
      %dma_wait3A_287 = arith.constant 0 : i32
      %dma_wait3A_288 = tpu.memref_slice %arg3[%add3A_274, %dma_wait3A_287] : memref<320000x128xf32, #tpu.memory_space<hbm>> -> memref<80x128xf32, #tpu.memory_space<hbm>>
      tpu.wait_dma2 semaphore(%dma_wait3A_282 : memref<!tpu.dma_semaphore, #tpu.memory_space<semaphore_mem>>) src(%dma_wait3A_288 : memref<80x128xf32, #tpu.memory_space<hbm>>) dst(%dma_wait3A_286 : memref<80x128xf32, #tpu.memory_space<vmem>>)
      %add3A_289 = arith.constant 1 : i32
      %add3A_290 = arith.addi %scan3A_188, %add3A_289 : i32
      %lt3A_291 = arith.constant 125 : i32
      %lt3A_292 = arith.cmpi slt, %add3A_290, %lt3A_291 : i32
      %convert_element_type3A = arith.extui %lt3A_292 : i1 to i32
      %cond3A = arith.constant 0 : i32
      %cond3A_293 = arith.cmpi ne, %convert_element_type3A, %cond3A : i32
      scf.if %cond3A_293 {
        %add3A_318 = arith.constant 1 : i32
        %add3A_319 = arith.addi %scan3A_188, %add3A_318 : i32
        %dma_wait3A_320 = arith.constant 0 : i32
        %dma_wait3A_321 = arith.constant 0 : i32
        %dma_wait3A_322 = tpu.memref_slice %arg6[%select_n3A_222, %dma_wait3A_320, %dma_wait3A_321] : memref<4x2x80xi32, #tpu.memory_space<vmem>> -> memref<1x2x80xi32, #tpu.memory_space<vmem>>
        %dma_wait3A_323 = tpu.memref_squeeze %dma_wait3A_322 : memref<1x2x80xi32, #tpu.memory_space<vmem>> -> memref<2x80xi32, #tpu.memory_space<vmem>>
        %dma_wait3A_324 = arith.constant 0 : i32
        %dma_wait3A_325 = arith.constant 0 : i32
        %dma_wait3A_326 = tpu.memref_slice %arg4[%add3A, %add3A_319, %dma_wait3A_324, %dma_wait3A_325] : memref<32x125x2x80xi32, #tpu.memory_space<hbm>> -> memref<1x1x2x80xi32, #tpu.memory_space<hbm>>
        %dma_wait3A_327 = tpu.memref_squeeze %dma_wait3A_326 : memref<1x1x2x80xi32, #tpu.memory_space<hbm>> -> memref<2x80xi32, #tpu.memory_space<hbm>>
        %dma_wait3A_328 = tpu.memref_slice %arg10[%select_n3A_222] : memref<4x!tpu.dma_semaphore, #tpu.memory_space<semaphore_mem>> -> memref<1x!tpu.dma_semaphore, #tpu.memory_space<semaphore_mem>>
        %dma_wait3A_329 = tpu.memref_squeeze %dma_wait3A_328 : memref<1x!tpu.dma_semaphore, #tpu.memory_space<semaphore_mem>> -> memref<!tpu.dma_semaphore, #tpu.memory_space<semaphore_mem>>
        %dma_wait3A_330 = arith.constant 0 : i32
        %dma_wait3A_331 = arith.constant 0 : i32
        %dma_wait3A_332 = tpu.memref_slice %arg6[%select_n3A_222, %dma_wait3A_330, %dma_wait3A_331] : memref<4x2x80xi32, #tpu.memory_space<vmem>> -> memref<1x2x80xi32, #tpu.memory_space<vmem>>
        %dma_wait3A_333 = tpu.memref_squeeze %dma_wait3A_332 : memref<1x2x80xi32, #tpu.memory_space<vmem>> -> memref<2x80xi32, #tpu.memory_space<vmem>>
        %dma_wait3A_334 = arith.constant 0 : i32
        %dma_wait3A_335 = arith.constant 0 : i32
        %dma_wait3A_336 = tpu.memref_slice %arg4[%add3A, %add3A_319, %dma_wait3A_334, %dma_wait3A_335] : memref<32x125x2x80xi32, #tpu.memory_space<hbm>> -> memref<1x1x2x80xi32, #tpu.memory_space<hbm>>
        %dma_wait3A_337 = tpu.memref_squeeze %dma_wait3A_336 : memref<1x1x2x80xi32, #tpu.memory_space<hbm>> -> memref<2x80xi32, #tpu.memory_space<hbm>>
        tpu.wait_dma2 semaphore(%dma_wait3A_329 : memref<!tpu.dma_semaphore, #tpu.memory_space<semaphore_mem>>) src(%dma_wait3A_337 : memref<2x80xi32, #tpu.memory_space<hbm>>) dst(%dma_wait3A_333 : memref<2x80xi32, #tpu.memory_space<vmem>>)
        %ge3A = arith.constant 1 : i32
        %ge3A_338 = arith.cmpi sge, %scan3A_188, %ge3A : i32
        %convert_element_type3A_339 = arith.extui %ge3A_338 : i1 to i32
        %cond3A_340 = arith.constant 0 : i32
        %cond3A_341 = arith.cmpi ne, %convert_element_type3A_339, %cond3A_340 : i32
        scf.if %cond3A_341 {
          %dma_wait3A_415 = arith.constant 1 : i32
          %dma_wait3A_416 = arith.constant 0 : i32
          %dma_wait3A_417 = arith.constant 0 : i32
          %dma_wait3A_418 = tpu.memref_slice %arg7[%select_n3A_256, %dma_wait3A_416, %dma_wait3A_417] : memref<2x80x128xf32, #tpu.memory_space<vmem>> -> memref<1x80x128xf32, #tpu.memory_space<vmem>>
          %dma_wait3A_419 = tpu.memref_squeeze %dma_wait3A_418 : memref<1x80x128xf32, #tpu.memory_space<vmem>> -> memref<80x128xf32, #tpu.memory_space<vmem>>
          %dma_wait3A_420 = arith.constant 0 : i32
          %dma_wait3A_421 = tpu.memref_slice %arg6[%select_n3A_222, %dma_wait3A_415, %dma_wait3A_420] : memref<4x2x80xi32, #tpu.memory_space<vmem>> -> memref<1x1x80xi32, #tpu.memory_space<vmem>>
          %dma_wait3A_422 = tpu.memref_squeeze %dma_wait3A_421 : memref<1x1x80xi32, #tpu.memory_space<vmem>> -> memref<80xi32, #tpu.memory_space<vmem>>
          %dma_wait3A_423 = arith.constant 0 : i32
          %dma_wait3A_424 = arith.constant 0 : i32
          %dma_wait3A_425 = tpu.memref_slice %arg9[%dma_wait3A_423, %dma_wait3A_424] : memref<10000x128xf32, #tpu.memory_space<vmem_shared>> -> memref<10000x128xf32, #tpu.memory_space<vmem_shared>>
          %dma_wait3A_426 = tpu.memref_slice %arg13[%select_n3A_256] : memref<2x!tpu.dma_semaphore, #tpu.memory_space<semaphore_mem>> -> memref<1x!tpu.dma_semaphore, #tpu.memory_space<semaphore_mem>>
          %dma_wait3A_427 = tpu.memref_squeeze %dma_wait3A_426 : memref<1x!tpu.dma_semaphore, #tpu.memory_space<semaphore_mem>> -> memref<!tpu.dma_semaphore, #tpu.memory_space<semaphore_mem>>
          tpu.wait_indirect_dma semaphore(%dma_wait3A_427 : memref<!tpu.dma_semaphore, #tpu.memory_space<semaphore_mem>>) src(%dma_wait3A_419 : memref<80x128xf32, #tpu.memory_space<vmem>>) dst(%dma_wait3A_425 : memref<10000x128xf32, #tpu.memory_space<vmem_shared>>)
        } else {
        }
        %add3A_342 = arith.constant 1 : i32
        %add3A_343 = arith.addi %scan3A_188, %add3A_342 : i32
        %jit3A_344 = arith.constant 4 : i32
        %eq3A_345 = arith.constant 0 : i32
        %eq3A_346 = arith.cmpi eq, %jit3A_344, %eq3A_345 : i32
        %jit3A_347 = arith.constant 1 : i32
        %select_n3A_348 = arith.select %eq3A_346, %jit3A_347, %jit3A_344 : i32
        %rem3A_349 = arith.remsi %add3A_343, %select_n3A_348 : i32
        %ne3A_350 = arith.constant 0 : i32
        %ne3A_351 = arith.cmpi ne, %rem3A_349, %ne3A_350 : i32
        %lt3A_352 = arith.constant 0 : i32
        %lt3A_353 = arith.cmpi slt, %rem3A_349, %lt3A_352 : i32
        %lt3A_354 = arith.constant 0 : i32
        %lt3A_355 = arith.cmpi slt, %select_n3A_348, %lt3A_354 : i32
        %ne3A_356 = arith.xori %lt3A_353, %lt3A_355 : i1
        %and3A_357 = arith.andi %ne3A_356, %ne3A_351 : i1
        %add3A_358 = arith.addi %rem3A_349, %select_n3A_348 : i32
        %select_n3A_359 = arith.select %and3A_357, %add3A_358, %rem3A_349 : i32
        %jit3A_360 = arith.constant 2 : i32
        %eq3A_361 = arith.constant 0 : i32
        %eq3A_362 = arith.cmpi eq, %jit3A_360, %eq3A_361 : i32
        %jit3A_363 = arith.constant 1 : i32
        %select_n3A_364 = arith.select %eq3A_362, %jit3A_363, %jit3A_360 : i32
        %rem3A_365 = arith.remsi %add3A_343, %select_n3A_364 : i32
        %ne3A_366 = arith.constant 0 : i32
        %ne3A_367 = arith.cmpi ne, %rem3A_365, %ne3A_366 : i32
        %lt3A_368 = arith.constant 0 : i32
        %lt3A_369 = arith.cmpi slt, %rem3A_365, %lt3A_368 : i32
        %lt3A_370 = arith.constant 0 : i32
        %lt3A_371 = arith.cmpi slt, %select_n3A_364, %lt3A_370 : i32
        %ne3A_372 = arith.xori %lt3A_369, %lt3A_371 : i1
        %and3A_373 = arith.andi %ne3A_372, %ne3A_367 : i1
        %add3A_374 = arith.addi %rem3A_365, %select_n3A_364 : i32
        %select_n3A_375 = arith.select %and3A_373, %add3A_374, %rem3A_365 : i32
        %dma_start3A_376 = arith.constant 0 : i32
        %dma_start3A_377 = arith.constant 0 : i32
        %dma_start3A_378 = arith.constant 0 : i32
        %dma_start3A_379 = tpu.memref_slice %arg7[%select_n3A_375, %dma_start3A_377, %dma_start3A_378] : memref<2x80x128xf32, #tpu.memory_space<vmem>> -> memref<1x80x128xf32, #tpu.memory_space<vmem>>
        %dma_start3A_380 = tpu.memref_squeeze %dma_start3A_379 : memref<1x80x128xf32, #tpu.memory_space<vmem>> -> memref<80x128xf32, #tpu.memory_space<vmem>>
        %dma_start3A_381 = arith.constant 0 : i32
        %dma_start3A_382 = tpu.memref_slice %arg6[%select_n3A_359, %dma_start3A_376, %dma_start3A_381] : memref<4x2x80xi32, #tpu.memory_space<vmem>> -> memref<1x1x80xi32, #tpu.memory_space<vmem>>
        %dma_start3A_383 = tpu.memref_squeeze %dma_start3A_382 : memref<1x1x80xi32, #tpu.memory_space<vmem>> -> memref<80xi32, #tpu.memory_space<vmem>>
        %dma_start3A_384 = arith.constant 0 : i32
        %dma_start3A_385 = arith.constant 0 : i32
        %dma_start3A_386 = tpu.memref_slice %arg2[%dma_start3A_384, %dma_start3A_385] : memref<10000x128xf32, #tpu.memory_space<hbm>> -> memref<10000x128xf32, #tpu.memory_space<hbm>>
        %dma_start3A_387 = tpu.memref_slice %arg11[%select_n3A_375] : memref<2x!tpu.dma_semaphore, #tpu.memory_space<semaphore_mem>> -> memref<1x!tpu.dma_semaphore, #tpu.memory_space<semaphore_mem>>
        %dma_start3A_388 = tpu.memref_squeeze %dma_start3A_387 : memref<1x!tpu.dma_semaphore, #tpu.memory_space<semaphore_mem>> -> memref<!tpu.dma_semaphore, #tpu.memory_space<semaphore_mem>>
        tpu.enqueue_indirect_dma source(%dma_start3A_386 : memref<10000x128xf32, #tpu.memory_space<hbm>>) target(%dma_start3A_380 : memref<80x128xf32, #tpu.memory_space<vmem>>) offsets(%dma_start3A_383 : memref<80xi32, #tpu.memory_space<vmem>>) semaphore(%dma_start3A_388 : memref<!tpu.dma_semaphore, #tpu.memory_space<semaphore_mem>>)
        %mul3A_389 = arith.constant 10000 : i32
        %mul3A_390 = arith.muli %add3A, %mul3A_389 : i32
        %mul3A_391 = arith.constant 80 : i32
        %mul3A_392 = arith.muli %add3A_343, %mul3A_391 : i32
        %add3A_393 = arith.addi %mul3A_390, %mul3A_392 : i32
        %dma_start3A_394 = arith.constant 0 : i32
        %dma_start3A_395 = arith.constant 0 : i32
        %dma_start3A_396 = tpu.memref_slice %arg8[%select_n3A_375, %dma_start3A_394, %dma_start3A_395] : memref<2x80x128xf32, #tpu.memory_space<vmem>> -> memref<1x80x128xf32, #tpu.memory_space<vmem>>
        %dma_start3A_397 = tpu.memref_squeeze %dma_start3A_396 : memref<1x80x128xf32, #tpu.memory_space<vmem>> -> memref<80x128xf32, #tpu.memory_space<vmem>>
        %dma_start3A_398 = arith.constant 0 : i32
        %dma_start3A_399 = tpu.memref_slice %arg3[%add3A_393, %dma_start3A_398] : memref<320000x128xf32, #tpu.memory_space<hbm>> -> memref<80x128xf32, #tpu.memory_space<hbm>>
        %dma_start3A_400 = tpu.memref_slice %arg12[%select_n3A_375] : memref<2x!tpu.dma_semaphore, #tpu.memory_space<semaphore_mem>> -> memref<1x!tpu.dma_semaphore, #tpu.memory_space<semaphore_mem>>
        %dma_start3A_401 = tpu.memref_squeeze %dma_start3A_400 : memref<1x!tpu.dma_semaphore, #tpu.memory_space<semaphore_mem>> -> memref<!tpu.dma_semaphore, #tpu.memory_space<semaphore_mem>>
        %dma_start3A_402 = arith.constant 0 : i32
        %dma_start3A_403 = arith.constant 0 : i32
        %dma_start3A_404 = tpu.memref_slice %arg8[%select_n3A_375, %dma_start3A_402, %dma_start3A_403] : memref<2x80x128xf32, #tpu.memory_space<vmem>> -> memref<1x80x128xf32, #tpu.memory_space<vmem>>
        %dma_start3A_405 = tpu.memref_squeeze %dma_start3A_404 : memref<1x80x128xf32, #tpu.memory_space<vmem>> -> memref<80x128xf32, #tpu.memory_space<vmem>>
        %dma_start3A_406 = arith.constant 0 : i32
        %dma_start3A_407 = tpu.memref_slice %arg3[%add3A_393, %dma_start3A_406] : memref<320000x128xf32, #tpu.memory_space<hbm>> -> memref<80x128xf32, #tpu.memory_space<hbm>>
        tpu.enqueue_dma source(%dma_start3A_407 : memref<80x128xf32, #tpu.memory_space<hbm>>) target(%dma_start3A_405 : memref<80x128xf32, #tpu.memory_space<vmem>>) target_semaphore(%dma_start3A_401 : memref<!tpu.dma_semaphore, #tpu.memory_space<semaphore_mem>>)
        %add3A_408 = arith.constant 2 : i32
        %add3A_409 = arith.addi %scan3A_188, %add3A_408 : i32
        %lt3A_410 = arith.constant 125 : i32
        %lt3A_411 = arith.cmpi slt, %add3A_409, %lt3A_410 : i32
        %convert_element_type3A_412 = arith.extui %lt3A_411 : i1 to i32
        %cond3A_413 = arith.constant 0 : i32
        %cond3A_414 = arith.cmpi ne, %convert_element_type3A_412, %cond3A_413 : i32
        scf.if %cond3A_414 {
          %add3A_415 = arith.constant 2 : i32
          %add3A_416 = arith.addi %scan3A_188, %add3A_415 : i32
          %jit3A_417 = arith.constant 4 : i32
          %eq3A_418 = arith.constant 0 : i32
          %eq3A_419 = arith.cmpi eq, %jit3A_417, %eq3A_418 : i32
          %jit3A_420 = arith.constant 1 : i32
          %select_n3A_421 = arith.select %eq3A_419, %jit3A_420, %jit3A_417 : i32
          %rem3A_422 = arith.remsi %add3A_416, %select_n3A_421 : i32
          %ne3A_423 = arith.constant 0 : i32
          %ne3A_424 = arith.cmpi ne, %rem3A_422, %ne3A_423 : i32
          %lt3A_425 = arith.constant 0 : i32
          %lt3A_426 = arith.cmpi slt, %rem3A_422, %lt3A_425 : i32
          %lt3A_427 = arith.constant 0 : i32
          %lt3A_428 = arith.cmpi slt, %select_n3A_421, %lt3A_427 : i32
          %ne3A_429 = arith.xori %lt3A_426, %lt3A_428 : i1
          %and3A_430 = arith.andi %ne3A_429, %ne3A_424 : i1
          %add3A_431 = arith.addi %rem3A_422, %select_n3A_421 : i32
          %select_n3A_432 = arith.select %and3A_430, %add3A_431, %rem3A_422 : i32
          %jit3A_433 = arith.constant 4 : i32
          %eq3A_434 = arith.constant 0 : i32
          %eq3A_435 = arith.cmpi eq, %jit3A_433, %eq3A_434 : i32
          %jit3A_436 = arith.constant 1 : i32
          %select_n3A_437 = arith.select %eq3A_435, %jit3A_436, %jit3A_433 : i32
          %rem3A_438 = arith.remsi %add3A_416, %select_n3A_437 : i32
          %ne3A_439 = arith.constant 0 : i32
          %ne3A_440 = arith.cmpi ne, %rem3A_438, %ne3A_439 : i32
          %lt3A_441 = arith.constant 0 : i32
          %lt3A_442 = arith.cmpi slt, %rem3A_438, %lt3A_441 : i32
          %lt3A_443 = arith.constant 0 : i32
          %lt3A_444 = arith.cmpi slt, %select_n3A_437, %lt3A_443 : i32
          %ne3A_445 = arith.xori %lt3A_442, %lt3A_444 : i1
          %and3A_446 = arith.andi %ne3A_445, %ne3A_440 : i1
          %add3A_447 = arith.addi %rem3A_438, %select_n3A_437 : i32
          %select_n3A_448 = arith.select %and3A_446, %add3A_447, %rem3A_438 : i32
          %dma_start3A_449 = arith.constant 0 : i32
          %dma_start3A_450 = arith.constant 0 : i32
          %dma_start3A_451 = tpu.memref_slice %arg6[%select_n3A_432, %dma_start3A_449, %dma_start3A_450] : memref<4x2x80xi32, #tpu.memory_space<vmem>> -> memref<1x2x80xi32, #tpu.memory_space<vmem>>
          %dma_start3A_452 = tpu.memref_squeeze %dma_start3A_451 : memref<1x2x80xi32, #tpu.memory_space<vmem>> -> memref<2x80xi32, #tpu.memory_space<vmem>>
          %dma_start3A_453 = arith.constant 0 : i32
          %dma_start3A_454 = arith.constant 0 : i32
          %dma_start3A_455 = tpu.memref_slice %arg4[%add3A, %add3A_416, %dma_start3A_453, %dma_start3A_454] : memref<32x125x2x80xi32, #tpu.memory_space<hbm>> -> memref<1x1x2x80xi32, #tpu.memory_space<hbm>>
          %dma_start3A_456 = tpu.memref_squeeze %dma_start3A_455 : memref<1x1x2x80xi32, #tpu.memory_space<hbm>> -> memref<2x80xi32, #tpu.memory_space<hbm>>
          %dma_start3A_457 = tpu.memref_slice %arg10[%select_n3A_448] : memref<4x!tpu.dma_semaphore, #tpu.memory_space<semaphore_mem>> -> memref<1x!tpu.dma_semaphore, #tpu.memory_space<semaphore_mem>>
          %dma_start3A_458 = tpu.memref_squeeze %dma_start3A_457 : memref<1x!tpu.dma_semaphore, #tpu.memory_space<semaphore_mem>> -> memref<!tpu.dma_semaphore, #tpu.memory_space<semaphore_mem>>
          %dma_start3A_459 = arith.constant 0 : i32
          %dma_start3A_460 = arith.constant 0 : i32
          %dma_start3A_461 = tpu.memref_slice %arg6[%select_n3A_432, %dma_start3A_459, %dma_start3A_460] : memref<4x2x80xi32, #tpu.memory_space<vmem>> -> memref<1x2x80xi32, #tpu.memory_space<vmem>>
          %dma_start3A_462 = tpu.memref_squeeze %dma_start3A_461 : memref<1x2x80xi32, #tpu.memory_space<vmem>> -> memref<2x80xi32, #tpu.memory_space<vmem>>
          %dma_start3A_463 = arith.constant 0 : i32
          %dma_start3A_464 = arith.constant 0 : i32
          %dma_start3A_465 = tpu.memref_slice %arg4[%add3A, %add3A_416, %dma_start3A_463, %dma_start3A_464] : memref<32x125x2x80xi32, #tpu.memory_space<hbm>> -> memref<1x1x2x80xi32, #tpu.memory_space<hbm>>
          %dma_start3A_466 = tpu.memref_squeeze %dma_start3A_465 : memref<1x1x2x80xi32, #tpu.memory_space<hbm>> -> memref<2x80xi32, #tpu.memory_space<hbm>>
          tpu.enqueue_dma source(%dma_start3A_466 : memref<2x80xi32, #tpu.memory_space<hbm>>) target(%dma_start3A_462 : memref<2x80xi32, #tpu.memory_space<vmem>>) target_semaphore(%dma_start3A_458 : memref<!tpu.dma_semaphore, #tpu.memory_space<semaphore_mem>>)
        } else {
        }
      } else {
      }
      %eq3A_294 = arith.constant 0 : i32
      %eq3A_295 = arith.cmpi eq, %select_n3A_238, %eq3A_294 : i32
      %convert_element_type3A_296 = arith.extui %eq3A_295 : i1 to i32
      %cond3A_297 = arith.constant 0 : i32
      %cond3A_298 = arith.cmpi ne, %convert_element_type3A_296, %cond3A_297 : i32
      scf.if %cond3A_298 {
        %scan3A_318 = arith.constant 0 : i32
        %scan3A_319 = arith.constant 0 : i32
        %scan3A_320 = arith.constant 80 : i32
        %scan3A_321 = arith.addi %scan3A_319, %scan3A_320 : i32
        %scan3A_322 = arith.constant 1 : i32
        %scan3A_323 = scf.for %scan3A_325 = %scan3A_319 to %scan3A_321 step %scan3A_322 iter_args(%scan3A_326 = %scan3A_318) -> (i32)  : i32 {
          %get3A = arith.constant 0 : i32
          %get3A_327 = arith.index_cast %get3A : i32 to index
          %get3A_328 = arith.index_cast %scan3A_325 : i32 to index
          %get3A_329 = arith.constant 0 : index
          %get3A_330 = tpu.vector_load %arg7[%get3A_327, %get3A_328, %get3A_329] {strides = array<i32>} : memref<2x80x128xf32, #tpu.memory_space<vmem>>, vector<1x1x16xf32>,
          %get3A_331 = vector.shape_cast %get3A_330 : vector<1x1x16xf32> to vector<16xf32>
          %get3A_332 = arith.constant 0 : i32
          %get3A_333 = arith.index_cast %get3A_332 : i32 to index
          %get3A_334 = arith.index_cast %scan3A_325 : i32 to index
          %get3A_335 = arith.constant 16 : index
          %get3A_336 = tpu.vector_load %arg7[%get3A_333, %get3A_334, %get3A_335] {strides = array<i32>} : memref<2x80x128xf32, #tpu.memory_space<vmem>>, vector<1x1x16xf32>,
          %get3A_337 = vector.shape_cast %get3A_336 : vector<1x1x16xf32> to vector<16xf32>
          %get3A_338 = arith.constant 0 : i32
          %get3A_339 = arith.index_cast %get3A_338 : i32 to index
          %get3A_340 = arith.index_cast %scan3A_325 : i32 to index
          %get3A_341 = arith.constant 32 : index
          %get3A_342 = tpu.vector_load %arg7[%get3A_339, %get3A_340, %get3A_341] {strides = array<i32>} : memref<2x80x128xf32, #tpu.memory_space<vmem>>, vector<1x1x16xf32>,
          %get3A_343 = vector.shape_cast %get3A_342 : vector<1x1x16xf32> to vector<16xf32>
          %get3A_344 = arith.constant 0 : i32
          %get3A_345 = arith.index_cast %get3A_344 : i32 to index
          %get3A_346 = arith.index_cast %scan3A_325 : i32 to index
          %get3A_347 = arith.constant 48 : index
          %get3A_348 = tpu.vector_load %arg7[%get3A_345, %get3A_346, %get3A_347] {strides = array<i32>} : memref<2x80x128xf32, #tpu.memory_space<vmem>>, vector<1x1x16xf32>,
          %get3A_349 = vector.shape_cast %get3A_348 : vector<1x1x16xf32> to vector<16xf32>
          %get3A_350 = arith.constant 0 : i32
          %get3A_351 = arith.index_cast %get3A_350 : i32 to index
          %get3A_352 = arith.index_cast %scan3A_325 : i32 to index
          %get3A_353 = arith.constant 64 : index
          %get3A_354 = tpu.vector_load %arg7[%get3A_351, %get3A_352, %get3A_353] {strides = array<i32>} : memref<2x80x128xf32, #tpu.memory_space<vmem>>, vector<1x1x16xf32>,
          %get3A_355 = vector.shape_cast %get3A_354 : vector<1x1x16xf32> to vector<16xf32>
          %get3A_356 = arith.constant 0 : i32
          %get3A_357 = arith.index_cast %get3A_356 : i32 to index
          %get3A_358 = arith.index_cast %scan3A_325 : i32 to index
          %get3A_359 = arith.constant 80 : index
          %get3A_360 = tpu.vector_load %arg7[%get3A_357, %get3A_358, %get3A_359] {strides = array<i32>} : memref<2x80x128xf32, #tpu.memory_space<vmem>>, vector<1x1x16xf32>,
          %get3A_361 = vector.shape_cast %get3A_360 : vector<1x1x16xf32> to vector<16xf32>
          %get3A_362 = arith.constant 0 : i32
          %get3A_363 = arith.index_cast %get3A_362 : i32 to index
          %get3A_364 = arith.index_cast %scan3A_325 : i32 to index
          %get3A_365 = arith.constant 96 : index
          %get3A_366 = tpu.vector_load %arg7[%get3A_363, %get3A_364, %get3A_365] {strides = array<i32>} : memref<2x80x128xf32, #tpu.memory_space<vmem>>, vector<1x1x16xf32>,
          %get3A_367 = vector.shape_cast %get3A_366 : vector<1x1x16xf32> to vector<16xf32>
          %get3A_368 = arith.constant 0 : i32
          %get3A_369 = arith.index_cast %get3A_368 : i32 to index
          %get3A_370 = arith.index_cast %scan3A_325 : i32 to index
          %get3A_371 = arith.constant 112 : index
          %get3A_372 = tpu.vector_load %arg7[%get3A_369, %get3A_370, %get3A_371] {strides = array<i32>} : memref<2x80x128xf32, #tpu.memory_space<vmem>>, vector<1x1x16xf32>,
          %get3A_373 = vector.shape_cast %get3A_372 : vector<1x1x16xf32> to vector<16xf32>
          %get3A_374 = arith.constant 0 : i32
          %get3A_375 = arith.index_cast %get3A_374 : i32 to index
          %get3A_376 = arith.index_cast %scan3A_325 : i32 to index
          %get3A_377 = arith.constant 0 : index
          %get3A_378 = tpu.vector_load %arg8[%get3A_375, %get3A_376, %get3A_377] {strides = array<i32>} : memref<2x80x128xf32, #tpu.memory_space<vmem>>, vector<1x1x16xf32>,
          %get3A_379 = vector.shape_cast %get3A_378 : vector<1x1x16xf32> to vector<16xf32>
          %get3A_380 = arith.constant 0 : i32
          %get3A_381 = arith.index_cast %get3A_380 : i32 to index
          %get3A_382 = arith.index_cast %scan3A_325 : i32 to index
          %get3A_383 = arith.constant 16 : index
          %get3A_384 = tpu.vector_load %arg8[%get3A_381, %get3A_382, %get3A_383] {strides = array<i32>} : memref<2x80x128xf32, #tpu.memory_space<vmem>>, vector<1x1x16xf32>,
          %get3A_385 = vector.shape_cast %get3A_384 : vector<1x1x16xf32> to vector<16xf32>
          %get3A_386 = arith.constant 0 : i32
          %get3A_387 = arith.index_cast %get3A_386 : i32 to index
          %get3A_388 = arith.index_cast %scan3A_325 : i32 to index
          %get3A_389 = arith.constant 32 : index
          %get3A_390 = tpu.vector_load %arg8[%get3A_387, %get3A_388, %get3A_389] {strides = array<i32>} : memref<2x80x128xf32, #tpu.memory_space<vmem>>, vector<1x1x16xf32>,
          %get3A_391 = vector.shape_cast %get3A_390 : vector<1x1x16xf32> to vector<16xf32>
          %get3A_392 = arith.constant 0 : i32
          %get3A_393 = arith.index_cast %get3A_392 : i32 to index
          %get3A_394 = arith.index_cast %scan3A_325 : i32 to index
          %get3A_395 = arith.constant 48 : index
          %get3A_396 = tpu.vector_load %arg8[%get3A_393, %get3A_394, %get3A_395] {strides = array<i32>} : memref<2x80x128xf32, #tpu.memory_space<vmem>>, vector<1x1x16xf32>,
          %get3A_397 = vector.shape_cast %get3A_396 : vector<1x1x16xf32> to vector<16xf32>
          %get3A_398 = arith.constant 0 : i32
          %get3A_399 = arith.index_cast %get3A_398 : i32 to index
          %get3A_400 = arith.index_cast %scan3A_325 : i32 to index
          %get3A_401 = arith.constant 64 : index
          %get3A_402 = tpu.vector_load %arg8[%get3A_399, %get3A_400, %get3A_401] {strides = array<i32>} : memref<2x80x128xf32, #tpu.memory_space<vmem>>, vector<1x1x16xf32>,
          %get3A_403 = vector.shape_cast %get3A_402 : vector<1x1x16xf32> to vector<16xf32>
          %get3A_404 = arith.constant 0 : i32
          %get3A_405 = arith.index_cast %get3A_404 : i32 to index
          %get3A_406 = arith.index_cast %scan3A_325 : i32 to index
          %get3A_407 = arith.constant 80 : index
          %get3A_408 = tpu.vector_load %arg8[%get3A_405, %get3A_406, %get3A_407] {strides = array<i32>} : memref<2x80x128xf32, #tpu.memory_space<vmem>>, vector<1x1x16xf32>,
          %get3A_409 = vector.shape_cast %get3A_408 : vector<1x1x16xf32> to vector<16xf32>
          %get3A_410 = arith.constant 0 : i32
          %get3A_411 = arith.index_cast %get3A_410 : i32 to index
          %get3A_412 = arith.index_cast %scan3A_325 : i32 to index
          %get3A_413 = arith.constant 96 : index
          %get3A_414 = tpu.vector_load %arg8[%get3A_411, %get3A_412, %get3A_413] {strides = array<i32>} : memref<2x80x128xf32, #tpu.memory_space<vmem>>, vector<1x1x16xf32>,
          %get3A_415 = vector.shape_cast %get3A_414 : vector<1x1x16xf32> to vector<16xf32>
          %get3A_416 = arith.constant 0 : i32
          %get3A_417 = arith.index_cast %get3A_416 : i32 to index
          %get3A_418 = arith.index_cast %scan3A_325 : i32 to index
          %get3A_419 = arith.constant 112 : index
          %get3A_420 = tpu.vector_load %arg8[%get3A_417, %get3A_418, %get3A_419] {strides = array<i32>} : memref<2x80x128xf32, #tpu.memory_space<vmem>>, vector<1x1x16xf32>,
          %get3A_421 = vector.shape_cast %get3A_420 : vector<1x1x16xf32> to vector<16xf32>
          %add3A_422 = arith.addf %get3A_331, %get3A_379 : vector<16xf32>
          %max3A = arith.constant 0.000000e+00 : f32
          %max3A_423 = vector.broadcast %max3A : f32 to vector<16xf32>
          %max3A_424 = arith.maximumf %add3A_422, %max3A_423 : vector<16xf32>
          %add3A_425 = arith.addf %get3A_337, %get3A_385 : vector<16xf32>
          %max3A_426 = arith.constant 0.000000e+00 : f32
          %max3A_427 = vector.broadcast %max3A_426 : f32 to vector<16xf32>
          %max3A_428 = arith.maximumf %add3A_425, %max3A_427 : vector<16xf32>
          %add3A_429 = arith.addf %get3A_343, %get3A_391 : vector<16xf32>
          %max3A_430 = arith.constant 0.000000e+00 : f32
          %max3A_431 = vector.broadcast %max3A_430 : f32 to vector<16xf32>
          %max3A_432 = arith.maximumf %add3A_429, %max3A_431 : vector<16xf32>
          %add3A_433 = arith.addf %get3A_349, %get3A_397 : vector<16xf32>
          %max3A_434 = arith.constant 0.000000e+00 : f32
          %max3A_435 = vector.broadcast %max3A_434 : f32 to vector<16xf32>
          %max3A_436 = arith.maximumf %add3A_433, %max3A_435 : vector<16xf32>
          %add3A_437 = arith.addf %get3A_355, %get3A_403 : vector<16xf32>
          %max3A_438 = arith.constant 0.000000e+00 : f32
          %max3A_439 = vector.broadcast %max3A_438 : f32 to vector<16xf32>
          %max3A_440 = arith.maximumf %add3A_437, %max3A_439 : vector<16xf32>
          %add3A_441 = arith.addf %get3A_361, %get3A_409 : vector<16xf32>
          %max3A_442 = arith.constant 0.000000e+00 : f32
          %max3A_443 = vector.broadcast %max3A_442 : f32 to vector<16xf32>
          %max3A_444 = arith.maximumf %add3A_441, %max3A_443 : vector<16xf32>
          %add3A_445 = arith.addf %get3A_367, %get3A_415 : vector<16xf32>
          %max3A_446 = arith.constant 0.000000e+00 : f32
          %max3A_447 = vector.broadcast %max3A_446 : f32 to vector<16xf32>
          %max3A_448 = arith.maximumf %add3A_445, %max3A_447 : vector<16xf32>
          %add3A_449 = arith.addf %get3A_373, %get3A_421 : vector<16xf32>
          %max3A_450 = arith.constant 0.000000e+00 : f32
          %max3A_451 = vector.broadcast %max3A_450 : f32 to vector<16xf32>
          %max3A_452 = arith.maximumf %add3A_449, %max3A_451 : vector<16xf32>
          %swap3A = arith.constant 0 : i32
          %swap3A_453 = arith.index_cast %swap3A : i32 to index
          %swap3A_454 = arith.index_cast %scan3A_325 : i32 to index
          %swap3A_455 = arith.constant 0 : index
          %swap3A_456 = tpu.vector_load %arg7[%swap3A_453, %swap3A_454, %swap3A_455] {strides = array<i32>} : memref<2x80x128xf32, #tpu.memory_space<vmem>>, vector<1x1x16xf32>,
          %swap3A_457 = vector.shape_cast %swap3A_456 : vector<1x1x16xf32> to vector<16xf32>
          %swap3A_458 = vector.shape_cast %max3A_424 : vector<16xf32> to vector<1x1x16xf32>
          tpu.vector_store %arg7[%swap3A_453, %swap3A_454, %swap3A_455], %swap3A_458 {strides = array<i32>} : memref<2x80x128xf32, #tpu.memory_space<vmem>>, vector<1x1x16xf32>,
          %swap3A_459 = arith.constant 0 : i32
          %swap3A_460 = arith.index_cast %swap3A_459 : i32 to index
          %swap3A_461 = arith.index_cast %scan3A_325 : i32 to index
          %swap3A_462 = arith.constant 16 : index
          %swap3A_463 = tpu.vector_load %arg7[%swap3A_460, %swap3A_461, %swap3A_462] {strides = array<i32>} : memref<2x80x128xf32, #tpu.memory_space<vmem>>, vector<1x1x16xf32>,
          %swap3A_464 = vector.shape_cast %swap3A_463 : vector<1x1x16xf32> to vector<16xf32>
          %swap3A_465 = vector.shape_cast %max3A_428 : vector<16xf32> to vector<1x1x16xf32>
          tpu.vector_store %arg7[%swap3A_460, %swap3A_461, %swap3A_462], %swap3A_465 {strides = array<i32>} : memref<2x80x128xf32, #tpu.memory_space<vmem>>, vector<1x1x16xf32>,
          %swap3A_466 = arith.constant 0 : i32
          %swap3A_467 = arith.index_cast %swap3A_466 : i32 to index
          %swap3A_468 = arith.index_cast %scan3A_325 : i32 to index
          %swap3A_469 = arith.constant 32 : index
          %swap3A_470 = tpu.vector_load %arg7[%swap3A_467, %swap3A_468, %swap3A_469] {strides = array<i32>} : memref<2x80x128xf32, #tpu.memory_space<vmem>>, vector<1x1x16xf32>,
          %swap3A_471 = vector.shape_cast %swap3A_470 : vector<1x1x16xf32> to vector<16xf32>
          %swap3A_472 = vector.shape_cast %max3A_432 : vector<16xf32> to vector<1x1x16xf32>
          tpu.vector_store %arg7[%swap3A_467, %swap3A_468, %swap3A_469], %swap3A_472 {strides = array<i32>} : memref<2x80x128xf32, #tpu.memory_space<vmem>>, vector<1x1x16xf32>,
          %swap3A_473 = arith.constant 0 : i32
          %swap3A_474 = arith.index_cast %swap3A_473 : i32 to index
          %swap3A_475 = arith.index_cast %scan3A_325 : i32 to index
          %swap3A_476 = arith.constant 48 : index
          %swap3A_477 = tpu.vector_load %arg7[%swap3A_474, %swap3A_475, %swap3A_476] {strides = array<i32>} : memref<2x80x128xf32, #tpu.memory_space<vmem>>, vector<1x1x16xf32>,
          %swap3A_478 = vector.shape_cast %swap3A_477 : vector<1x1x16xf32> to vector<16xf32>
          %swap3A_479 = vector.shape_cast %max3A_436 : vector<16xf32> to vector<1x1x16xf32>
          tpu.vector_store %arg7[%swap3A_474, %swap3A_475, %swap3A_476], %swap3A_479 {strides = array<i32>} : memref<2x80x128xf32, #tpu.memory_space<vmem>>, vector<1x1x16xf32>,
          %swap3A_480 = arith.constant 0 : i32
          %swap3A_481 = arith.index_cast %swap3A_480 : i32 to index
          %swap3A_482 = arith.index_cast %scan3A_325 : i32 to index
          %swap3A_483 = arith.constant 64 : index
          %swap3A_484 = tpu.vector_load %arg7[%swap3A_481, %swap3A_482, %swap3A_483] {strides = array<i32>} : memref<2x80x128xf32, #tpu.memory_space<vmem>>, vector<1x1x16xf32>,
          %swap3A_485 = vector.shape_cast %swap3A_484 : vector<1x1x16xf32> to vector<16xf32>
          %swap3A_486 = vector.shape_cast %max3A_440 : vector<16xf32> to vector<1x1x16xf32>
          tpu.vector_store %arg7[%swap3A_481, %swap3A_482, %swap3A_483], %swap3A_486 {strides = array<i32>} : memref<2x80x128xf32, #tpu.memory_space<vmem>>, vector<1x1x16xf32>,
          %swap3A_487 = arith.constant 0 : i32
          %swap3A_488 = arith.index_cast %swap3A_487 : i32 to index
          %swap3A_489 = arith.index_cast %scan3A_325 : i32 to index
          %swap3A_490 = arith.constant 80 : index
          %swap3A_491 = tpu.vector_load %arg7[%swap3A_488, %swap3A_489, %swap3A_490] {strides = array<i32>} : memref<2x80x128xf32, #tpu.memory_space<vmem>>, vector<1x1x16xf32>,
          %swap3A_492 = vector.shape_cast %swap3A_491 : vector<1x1x16xf32> to vector<16xf32>
          %swap3A_493 = vector.shape_cast %max3A_444 : vector<16xf32> to vector<1x1x16xf32>
          tpu.vector_store %arg7[%swap3A_488, %swap3A_489, %swap3A_490], %swap3A_493 {strides = array<i32>} : memref<2x80x128xf32, #tpu.memory_space<vmem>>, vector<1x1x16xf32>,
          %swap3A_494 = arith.constant 0 : i32
          %swap3A_495 = arith.index_cast %swap3A_494 : i32 to index
          %swap3A_496 = arith.index_cast %scan3A_325 : i32 to index
          %swap3A_497 = arith.constant 96 : index
          %swap3A_498 = tpu.vector_load %arg7[%swap3A_495, %swap3A_496, %swap3A_497] {strides = array<i32>} : memref<2x80x128xf32, #tpu.memory_space<vmem>>, vector<1x1x16xf32>,
          %swap3A_499 = vector.shape_cast %swap3A_498 : vector<1x1x16xf32> to vector<16xf32>
          %swap3A_500 = vector.shape_cast %max3A_448 : vector<16xf32> to vector<1x1x16xf32>
          tpu.vector_store %arg7[%swap3A_495, %swap3A_496, %swap3A_497], %swap3A_500 {strides = array<i32>} : memref<2x80x128xf32, #tpu.memory_space<vmem>>, vector<1x1x16xf32>,
          %swap3A_501 = arith.constant 0 : i32
          %swap3A_502 = arith.index_cast %swap3A_501 : i32 to index
          %swap3A_503 = arith.index_cast %scan3A_325 : i32 to index
          %swap3A_504 = arith.constant 112 : index
          %swap3A_505 = tpu.vector_load %arg7[%swap3A_502, %swap3A_503, %swap3A_504] {strides = array<i32>} : memref<2x80x128xf32, #tpu.memory_space<vmem>>, vector<1x1x16xf32>,
          %swap3A_506 = vector.shape_cast %swap3A_505 : vector<1x1x16xf32> to vector<16xf32>
          %swap3A_507 = vector.shape_cast %max3A_452 : vector<16xf32> to vector<1x1x16xf32>
          tpu.vector_store %arg7[%swap3A_502, %swap3A_503, %swap3A_504], %swap3A_507 {strides = array<i32>} : memref<2x80x128xf32, #tpu.memory_space<vmem>>, vector<1x1x16xf32>,
          %scan3A_508 = arith.constant 0 : i32
          scf.yield %scan3A_508 : i32
        }
        %scan3A_324 = arith.constant 80 : i32
      } else {
      }
      %eq3A_299 = arith.constant 1 : i32
      %eq3A_300 = arith.cmpi eq, %select_n3A_238, %eq3A_299 : i32
      %convert_element_type3A_301 = arith.extui %eq3A_300 : i1 to i32
      %cond3A_302 = arith.constant 0 : i32
      %cond3A_303 = arith.cmpi ne, %convert_element_type3A_301, %cond3A_302 : i32
      scf.if %cond3A_303 {
        %scan3A_318 = arith.constant 0 : i32
        %scan3A_319 = arith.constant 0 : i32
        %scan3A_320 = arith.constant 80 : i32
        %scan3A_321 = arith.addi %scan3A_319, %scan3A_320 : i32
        %scan3A_322 = arith.constant 1 : i32
        %scan3A_323 = scf.for %scan3A_325 = %scan3A_319 to %scan3A_321 step %scan3A_322 iter_args(%scan3A_326 = %scan3A_318) -> (i32)  : i32 {
          %get3A = arith.constant 1 : i32
          %get3A_327 = arith.index_cast %get3A : i32 to index
          %get3A_328 = arith.index_cast %scan3A_325 : i32 to index
          %get3A_329 = arith.constant 0 : index
          %get3A_330 = tpu.vector_load %arg7[%get3A_327, %get3A_328, %get3A_329] {strides = array<i32>} : memref<2x80x128xf32, #tpu.memory_space<vmem>>, vector<1x1x16xf32>,
          %get3A_331 = vector.shape_cast %get3A_330 : vector<1x1x16xf32> to vector<16xf32>
          %get3A_332 = arith.constant 1 : i32
          %get3A_333 = arith.index_cast %get3A_332 : i32 to index
          %get3A_334 = arith.index_cast %scan3A_325 : i32 to index
          %get3A_335 = arith.constant 16 : index
          %get3A_336 = tpu.vector_load %arg7[%get3A_333, %get3A_334, %get3A_335] {strides = array<i32>} : memref<2x80x128xf32, #tpu.memory_space<vmem>>, vector<1x1x16xf32>,
          %get3A_337 = vector.shape_cast %get3A_336 : vector<1x1x16xf32> to vector<16xf32>
          %get3A_338 = arith.constant 1 : i32
          %get3A_339 = arith.index_cast %get3A_338 : i32 to index
          %get3A_340 = arith.index_cast %scan3A_325 : i32 to index
          %get3A_341 = arith.constant 32 : index
          %get3A_342 = tpu.vector_load %arg7[%get3A_339, %get3A_340, %get3A_341] {strides = array<i32>} : memref<2x80x128xf32, #tpu.memory_space<vmem>>, vector<1x1x16xf32>,
          %get3A_343 = vector.shape_cast %get3A_342 : vector<1x1x16xf32> to vector<16xf32>
          %get3A_344 = arith.constant 1 : i32
          %get3A_345 = arith.index_cast %get3A_344 : i32 to index
          %get3A_346 = arith.index_cast %scan3A_325 : i32 to index
          %get3A_347 = arith.constant 48 : index
          %get3A_348 = tpu.vector_load %arg7[%get3A_345, %get3A_346, %get3A_347] {strides = array<i32>} : memref<2x80x128xf32, #tpu.memory_space<vmem>>, vector<1x1x16xf32>,
          %get3A_349 = vector.shape_cast %get3A_348 : vector<1x1x16xf32> to vector<16xf32>
          %get3A_350 = arith.constant 1 : i32
          %get3A_351 = arith.index_cast %get3A_350 : i32 to index
          %get3A_352 = arith.index_cast %scan3A_325 : i32 to index
          %get3A_353 = arith.constant 64 : index
          %get3A_354 = tpu.vector_load %arg7[%get3A_351, %get3A_352, %get3A_353] {strides = array<i32>} : memref<2x80x128xf32, #tpu.memory_space<vmem>>, vector<1x1x16xf32>,
          %get3A_355 = vector.shape_cast %get3A_354 : vector<1x1x16xf32> to vector<16xf32>
          %get3A_356 = arith.constant 1 : i32
          %get3A_357 = arith.index_cast %get3A_356 : i32 to index
          %get3A_358 = arith.index_cast %scan3A_325 : i32 to index
          %get3A_359 = arith.constant 80 : index
          %get3A_360 = tpu.vector_load %arg7[%get3A_357, %get3A_358, %get3A_359] {strides = array<i32>} : memref<2x80x128xf32, #tpu.memory_space<vmem>>, vector<1x1x16xf32>,
          %get3A_361 = vector.shape_cast %get3A_360 : vector<1x1x16xf32> to vector<16xf32>
          %get3A_362 = arith.constant 1 : i32
          %get3A_363 = arith.index_cast %get3A_362 : i32 to index
          %get3A_364 = arith.index_cast %scan3A_325 : i32 to index
          %get3A_365 = arith.constant 96 : index
          %get3A_366 = tpu.vector_load %arg7[%get3A_363, %get3A_364, %get3A_365] {strides = array<i32>} : memref<2x80x128xf32, #tpu.memory_space<vmem>>, vector<1x1x16xf32>,
          %get3A_367 = vector.shape_cast %get3A_366 : vector<1x1x16xf32> to vector<16xf32>
          %get3A_368 = arith.constant 1 : i32
          %get3A_369 = arith.index_cast %get3A_368 : i32 to index
          %get3A_370 = arith.index_cast %scan3A_325 : i32 to index
          %get3A_371 = arith.constant 112 : index
          %get3A_372 = tpu.vector_load %arg7[%get3A_369, %get3A_370, %get3A_371] {strides = array<i32>} : memref<2x80x128xf32, #tpu.memory_space<vmem>>, vector<1x1x16xf32>,
          %get3A_373 = vector.shape_cast %get3A_372 : vector<1x1x16xf32> to vector<16xf32>
          %get3A_374 = arith.constant 1 : i32
          %get3A_375 = arith.index_cast %get3A_374 : i32 to index
          %get3A_376 = arith.index_cast %scan3A_325 : i32 to index
          %get3A_377 = arith.constant 0 : index
          %get3A_378 = tpu.vector_load %arg8[%get3A_375, %get3A_376, %get3A_377] {strides = array<i32>} : memref<2x80x128xf32, #tpu.memory_space<vmem>>, vector<1x1x16xf32>,
          %get3A_379 = vector.shape_cast %get3A_378 : vector<1x1x16xf32> to vector<16xf32>
          %get3A_380 = arith.constant 1 : i32
          %get3A_381 = arith.index_cast %get3A_380 : i32 to index
          %get3A_382 = arith.index_cast %scan3A_325 : i32 to index
          %get3A_383 = arith.constant 16 : index
          %get3A_384 = tpu.vector_load %arg8[%get3A_381, %get3A_382, %get3A_383] {strides = array<i32>} : memref<2x80x128xf32, #tpu.memory_space<vmem>>, vector<1x1x16xf32>,
          %get3A_385 = vector.shape_cast %get3A_384 : vector<1x1x16xf32> to vector<16xf32>
          %get3A_386 = arith.constant 1 : i32
          %get3A_387 = arith.index_cast %get3A_386 : i32 to index
          %get3A_388 = arith.index_cast %scan3A_325 : i32 to index
          %get3A_389 = arith.constant 32 : index
          %get3A_390 = tpu.vector_load %arg8[%get3A_387, %get3A_388, %get3A_389] {strides = array<i32>} : memref<2x80x128xf32, #tpu.memory_space<vmem>>, vector<1x1x16xf32>,
          %get3A_391 = vector.shape_cast %get3A_390 : vector<1x1x16xf32> to vector<16xf32>
          %get3A_392 = arith.constant 1 : i32
          %get3A_393 = arith.index_cast %get3A_392 : i32 to index
          %get3A_394 = arith.index_cast %scan3A_325 : i32 to index
          %get3A_395 = arith.constant 48 : index
          %get3A_396 = tpu.vector_load %arg8[%get3A_393, %get3A_394, %get3A_395] {strides = array<i32>} : memref<2x80x128xf32, #tpu.memory_space<vmem>>, vector<1x1x16xf32>,
          %get3A_397 = vector.shape_cast %get3A_396 : vector<1x1x16xf32> to vector<16xf32>
          %get3A_398 = arith.constant 1 : i32
          %get3A_399 = arith.index_cast %get3A_398 : i32 to index
          %get3A_400 = arith.index_cast %scan3A_325 : i32 to index
          %get3A_401 = arith.constant 64 : index
          %get3A_402 = tpu.vector_load %arg8[%get3A_399, %get3A_400, %get3A_401] {strides = array<i32>} : memref<2x80x128xf32, #tpu.memory_space<vmem>>, vector<1x1x16xf32>,
          %get3A_403 = vector.shape_cast %get3A_402 : vector<1x1x16xf32> to vector<16xf32>
          %get3A_404 = arith.constant 1 : i32
          %get3A_405 = arith.index_cast %get3A_404 : i32 to index
          %get3A_406 = arith.index_cast %scan3A_325 : i32 to index
          %get3A_407 = arith.constant 80 : index
          %get3A_408 = tpu.vector_load %arg8[%get3A_405, %get3A_406, %get3A_407] {strides = array<i32>} : memref<2x80x128xf32, #tpu.memory_space<vmem>>, vector<1x1x16xf32>,
          %get3A_409 = vector.shape_cast %get3A_408 : vector<1x1x16xf32> to vector<16xf32>
          %get3A_410 = arith.constant 1 : i32
          %get3A_411 = arith.index_cast %get3A_410 : i32 to index
          %get3A_412 = arith.index_cast %scan3A_325 : i32 to index
          %get3A_413 = arith.constant 96 : index
          %get3A_414 = tpu.vector_load %arg8[%get3A_411, %get3A_412, %get3A_413] {strides = array<i32>} : memref<2x80x128xf32, #tpu.memory_space<vmem>>, vector<1x1x16xf32>,
          %get3A_415 = vector.shape_cast %get3A_414 : vector<1x1x16xf32> to vector<16xf32>
          %get3A_416 = arith.constant 1 : i32
          %get3A_417 = arith.index_cast %get3A_416 : i32 to index
          %get3A_418 = arith.index_cast %scan3A_325 : i32 to index
          %get3A_419 = arith.constant 112 : index
          %get3A_420 = tpu.vector_load %arg8[%get3A_417, %get3A_418, %get3A_419] {strides = array<i32>} : memref<2x80x128xf32, #tpu.memory_space<vmem>>, vector<1x1x16xf32>,
          %get3A_421 = vector.shape_cast %get3A_420 : vector<1x1x16xf32> to vector<16xf32>
          %add3A_422 = arith.addf %get3A_331, %get3A_379 : vector<16xf32>
          %max3A = arith.constant 0.000000e+00 : f32
          %max3A_423 = vector.broadcast %max3A : f32 to vector<16xf32>
          %max3A_424 = arith.maximumf %add3A_422, %max3A_423 : vector<16xf32>
          %add3A_425 = arith.addf %get3A_337, %get3A_385 : vector<16xf32>
          %max3A_426 = arith.constant 0.000000e+00 : f32
          %max3A_427 = vector.broadcast %max3A_426 : f32 to vector<16xf32>
          %max3A_428 = arith.maximumf %add3A_425, %max3A_427 : vector<16xf32>
          %add3A_429 = arith.addf %get3A_343, %get3A_391 : vector<16xf32>
          %max3A_430 = arith.constant 0.000000e+00 : f32
          %max3A_431 = vector.broadcast %max3A_430 : f32 to vector<16xf32>
          %max3A_432 = arith.maximumf %add3A_429, %max3A_431 : vector<16xf32>
          %add3A_433 = arith.addf %get3A_349, %get3A_397 : vector<16xf32>
          %max3A_434 = arith.constant 0.000000e+00 : f32
          %max3A_435 = vector.broadcast %max3A_434 : f32 to vector<16xf32>
          %max3A_436 = arith.maximumf %add3A_433, %max3A_435 : vector<16xf32>
          %add3A_437 = arith.addf %get3A_355, %get3A_403 : vector<16xf32>
          %max3A_438 = arith.constant 0.000000e+00 : f32
          %max3A_439 = vector.broadcast %max3A_438 : f32 to vector<16xf32>
          %max3A_440 = arith.maximumf %add3A_437, %max3A_439 : vector<16xf32>
          %add3A_441 = arith.addf %get3A_361, %get3A_409 : vector<16xf32>
          %max3A_442 = arith.constant 0.000000e+00 : f32
          %max3A_443 = vector.broadcast %max3A_442 : f32 to vector<16xf32>
          %max3A_444 = arith.maximumf %add3A_441, %max3A_443 : vector<16xf32>
          %add3A_445 = arith.addf %get3A_367, %get3A_415 : vector<16xf32>
          %max3A_446 = arith.constant 0.000000e+00 : f32
          %max3A_447 = vector.broadcast %max3A_446 : f32 to vector<16xf32>
          %max3A_448 = arith.maximumf %add3A_445, %max3A_447 : vector<16xf32>
          %add3A_449 = arith.addf %get3A_373, %get3A_421 : vector<16xf32>
          %max3A_450 = arith.constant 0.000000e+00 : f32
          %max3A_451 = vector.broadcast %max3A_450 : f32 to vector<16xf32>
          %max3A_452 = arith.maximumf %add3A_449, %max3A_451 : vector<16xf32>
          %swap3A = arith.constant 1 : i32
          %swap3A_453 = arith.index_cast %swap3A : i32 to index
          %swap3A_454 = arith.index_cast %scan3A_325 : i32 to index
          %swap3A_455 = arith.constant 0 : index
          %swap3A_456 = tpu.vector_load %arg7[%swap3A_453, %swap3A_454, %swap3A_455] {strides = array<i32>} : memref<2x80x128xf32, #tpu.memory_space<vmem>>, vector<1x1x16xf32>,
          %swap3A_457 = vector.shape_cast %swap3A_456 : vector<1x1x16xf32> to vector<16xf32>
          %swap3A_458 = vector.shape_cast %max3A_424 : vector<16xf32> to vector<1x1x16xf32>
          tpu.vector_store %arg7[%swap3A_453, %swap3A_454, %swap3A_455], %swap3A_458 {strides = array<i32>} : memref<2x80x128xf32, #tpu.memory_space<vmem>>, vector<1x1x16xf32>,
          %swap3A_459 = arith.constant 1 : i32
          %swap3A_460 = arith.index_cast %swap3A_459 : i32 to index
          %swap3A_461 = arith.index_cast %scan3A_325 : i32 to index
          %swap3A_462 = arith.constant 16 : index
          %swap3A_463 = tpu.vector_load %arg7[%swap3A_460, %swap3A_461, %swap3A_462] {strides = array<i32>} : memref<2x80x128xf32, #tpu.memory_space<vmem>>, vector<1x1x16xf32>,
          %swap3A_464 = vector.shape_cast %swap3A_463 : vector<1x1x16xf32> to vector<16xf32>
          %swap3A_465 = vector.shape_cast %max3A_428 : vector<16xf32> to vector<1x1x16xf32>
          tpu.vector_store %arg7[%swap3A_460, %swap3A_461, %swap3A_462], %swap3A_465 {strides = array<i32>} : memref<2x80x128xf32, #tpu.memory_space<vmem>>, vector<1x1x16xf32>,
          %swap3A_466 = arith.constant 1 : i32
          %swap3A_467 = arith.index_cast %swap3A_466 : i32 to index
          %swap3A_468 = arith.index_cast %scan3A_325 : i32 to index
          %swap3A_469 = arith.constant 32 : index
          %swap3A_470 = tpu.vector_load %arg7[%swap3A_467, %swap3A_468, %swap3A_469] {strides = array<i32>} : memref<2x80x128xf32, #tpu.memory_space<vmem>>, vector<1x1x16xf32>,
          %swap3A_471 = vector.shape_cast %swap3A_470 : vector<1x1x16xf32> to vector<16xf32>
          %swap3A_472 = vector.shape_cast %max3A_432 : vector<16xf32> to vector<1x1x16xf32>
          tpu.vector_store %arg7[%swap3A_467, %swap3A_468, %swap3A_469], %swap3A_472 {strides = array<i32>} : memref<2x80x128xf32, #tpu.memory_space<vmem>>, vector<1x1x16xf32>,
          %swap3A_473 = arith.constant 1 : i32
          %swap3A_474 = arith.index_cast %swap3A_473 : i32 to index
          %swap3A_475 = arith.index_cast %scan3A_325 : i32 to index
          %swap3A_476 = arith.constant 48 : index
          %swap3A_477 = tpu.vector_load %arg7[%swap3A_474, %swap3A_475, %swap3A_476] {strides = array<i32>} : memref<2x80x128xf32, #tpu.memory_space<vmem>>, vector<1x1x16xf32>,
          %swap3A_478 = vector.shape_cast %swap3A_477 : vector<1x1x16xf32> to vector<16xf32>
          %swap3A_479 = vector.shape_cast %max3A_436 : vector<16xf32> to vector<1x1x16xf32>
          tpu.vector_store %arg7[%swap3A_474, %swap3A_475, %swap3A_476], %swap3A_479 {strides = array<i32>} : memref<2x80x128xf32, #tpu.memory_space<vmem>>, vector<1x1x16xf32>,
          %swap3A_480 = arith.constant 1 : i32
          %swap3A_481 = arith.index_cast %swap3A_480 : i32 to index
          %swap3A_482 = arith.index_cast %scan3A_325 : i32 to index
          %swap3A_483 = arith.constant 64 : index
          %swap3A_484 = tpu.vector_load %arg7[%swap3A_481, %swap3A_482, %swap3A_483] {strides = array<i32>} : memref<2x80x128xf32, #tpu.memory_space<vmem>>, vector<1x1x16xf32>,
          %swap3A_485 = vector.shape_cast %swap3A_484 : vector<1x1x16xf32> to vector<16xf32>
          %swap3A_486 = vector.shape_cast %max3A_440 : vector<16xf32> to vector<1x1x16xf32>
          tpu.vector_store %arg7[%swap3A_481, %swap3A_482, %swap3A_483], %swap3A_486 {strides = array<i32>} : memref<2x80x128xf32, #tpu.memory_space<vmem>>, vector<1x1x16xf32>,
          %swap3A_487 = arith.constant 1 : i32
          %swap3A_488 = arith.index_cast %swap3A_487 : i32 to index
          %swap3A_489 = arith.index_cast %scan3A_325 : i32 to index
          %swap3A_490 = arith.constant 80 : index
          %swap3A_491 = tpu.vector_load %arg7[%swap3A_488, %swap3A_489, %swap3A_490] {strides = array<i32>} : memref<2x80x128xf32, #tpu.memory_space<vmem>>, vector<1x1x16xf32>,
          %swap3A_492 = vector.shape_cast %swap3A_491 : vector<1x1x16xf32> to vector<16xf32>
          %swap3A_493 = vector.shape_cast %max3A_444 : vector<16xf32> to vector<1x1x16xf32>
          tpu.vector_store %arg7[%swap3A_488, %swap3A_489, %swap3A_490], %swap3A_493 {strides = array<i32>} : memref<2x80x128xf32, #tpu.memory_space<vmem>>, vector<1x1x16xf32>,
          %swap3A_494 = arith.constant 1 : i32
          %swap3A_495 = arith.index_cast %swap3A_494 : i32 to index
          %swap3A_496 = arith.index_cast %scan3A_325 : i32 to index
          %swap3A_497 = arith.constant 96 : index
          %swap3A_498 = tpu.vector_load %arg7[%swap3A_495, %swap3A_496, %swap3A_497] {strides = array<i32>} : memref<2x80x128xf32, #tpu.memory_space<vmem>>, vector<1x1x16xf32>,
          %swap3A_499 = vector.shape_cast %swap3A_498 : vector<1x1x16xf32> to vector<16xf32>
          %swap3A_500 = vector.shape_cast %max3A_448 : vector<16xf32> to vector<1x1x16xf32>
          tpu.vector_store %arg7[%swap3A_495, %swap3A_496, %swap3A_497], %swap3A_500 {strides = array<i32>} : memref<2x80x128xf32, #tpu.memory_space<vmem>>, vector<1x1x16xf32>,
          %swap3A_501 = arith.constant 1 : i32
          %swap3A_502 = arith.index_cast %swap3A_501 : i32 to index
          %swap3A_503 = arith.index_cast %scan3A_325 : i32 to index
          %swap3A_504 = arith.constant 112 : index
          %swap3A_505 = tpu.vector_load %arg7[%swap3A_502, %swap3A_503, %swap3A_504] {strides = array<i32>} : memref<2x80x128xf32, #tpu.memory_space<vmem>>, vector<1x1x16xf32>,
          %swap3A_506 = vector.shape_cast %swap3A_505 : vector<1x1x16xf32> to vector<16xf32>
          %swap3A_507 = vector.shape_cast %max3A_452 : vector<16xf32> to vector<1x1x16xf32>
          tpu.vector_store %arg7[%swap3A_502, %swap3A_503, %swap3A_504], %swap3A_507 {strides = array<i32>} : memref<2x80x128xf32, #tpu.memory_space<vmem>>, vector<1x1x16xf32>,
          %scan3A_508 = arith.constant 0 : i32
          scf.yield %scan3A_508 : i32
        }
        %scan3A_324 = arith.constant 80 : i32
      } else {
      }
      %dma_start3A_304 = arith.constant 1 : i32
      %dma_start3A_305 = arith.constant 0 : i32
      %dma_start3A_306 = arith.constant 0 : i32
      %dma_start3A_307 = tpu.memref_slice %arg7[%select_n3A_238, %dma_start3A_305, %dma_start3A_306] : memref<2x80x128xf32, #tpu.memory_space<vmem>> -> memref<1x80x128xf32, #tpu.memory_space<vmem>>
      %dma_start3A_308 = tpu.memref_squeeze %dma_start3A_307 : memref<1x80x128xf32, #tpu.memory_space<vmem>> -> memref<80x128xf32, #tpu.memory_space<vmem>>
      %dma_start3A_309 = arith.constant 0 : i32
      %dma_start3A_310 = tpu.memref_slice %arg6[%select_n3A_204, %dma_start3A_304, %dma_start3A_309] : memref<4x2x80xi32, #tpu.memory_space<vmem>> -> memref<1x1x80xi32, #tpu.memory_space<vmem>>
      %dma_start3A_311 = tpu.memref_squeeze %dma_start3A_310 : memref<1x1x80xi32, #tpu.memory_space<vmem>> -> memref<80xi32, #tpu.memory_space<vmem>>
      %dma_start3A_312 = arith.constant 0 : i32
      %dma_start3A_313 = arith.constant 0 : i32
      %dma_start3A_314 = tpu.memref_slice %arg9[%dma_start3A_312, %dma_start3A_313] : memref<10000x128xf32, #tpu.memory_space<vmem_shared>> -> memref<10000x128xf32, #tpu.memory_space<vmem_shared>>
      %dma_start3A_315 = tpu.memref_slice %arg13[%select_n3A_238] : memref<2x!tpu.dma_semaphore, #tpu.memory_space<semaphore_mem>> -> memref<1x!tpu.dma_semaphore, #tpu.memory_space<semaphore_mem>>
      %dma_start3A_316 = tpu.memref_squeeze %dma_start3A_315 : memref<1x!tpu.dma_semaphore, #tpu.memory_space<semaphore_mem>> -> memref<!tpu.dma_semaphore, #tpu.memory_space<semaphore_mem>>
      tpu.enqueue_indirect_dma source(%dma_start3A_308 : memref<80x128xf32, #tpu.memory_space<vmem>>) target(%dma_start3A_314 : memref<10000x128xf32, #tpu.memory_space<vmem_shared>>) offsets(%dma_start3A_311 : memref<80xi32, #tpu.memory_space<vmem>>) semaphore(%dma_start3A_316 : memref<!tpu.dma_semaphore, #tpu.memory_space<semaphore_mem>>) {add = true}
      %scan3A_317 = arith.constant 0 : i32
      scf.yield %scan3A_317 : i32
    }
    %scan3A_142 = arith.constant 125 : i32
    %dma_wait3A_143 = arith.constant 0 : i32
    %dma_wait3A_144 = arith.constant 0 : i32
    %dma_wait3A_145 = arith.constant 1 : i32
    %dma_wait3A_146 = arith.constant 0 : i32
    %dma_wait3A_147 = arith.constant 0 : i32
    %dma_wait3A_148 = arith.constant 0 : i32
    %dma_wait3A_149 = tpu.memref_slice %arg7[%dma_wait3A_143, %dma_wait3A_147, %dma_wait3A_148] : memref<2x80x128xf32, #tpu.memory_space<vmem>> -> memref<1x80x128xf32, #tpu.memory_space<vmem>>
    %dma_wait3A_150 = tpu.memref_squeeze %dma_wait3A_149 : memref<1x80x128xf32, #tpu.memory_space<vmem>> -> memref<80x128xf32, #tpu.memory_space<vmem>>
    %dma_wait3A_151 = arith.constant 0 : i32
    %dma_wait3A_152 = tpu.memref_slice %arg6[%dma_wait3A_144, %dma_wait3A_145, %dma_wait3A_151] : memref<4x2x80xi32, #tpu.memory_space<vmem>> -> memref<1x1x80xi32, #tpu.memory_space<vmem>>
    %dma_wait3A_153 = tpu.memref_squeeze %dma_wait3A_152 : memref<1x1x80xi32, #tpu.memory_space<vmem>> -> memref<80xi32, #tpu.memory_space<vmem>>
    %dma_wait3A_154 = arith.constant 0 : i32
    %dma_wait3A_155 = arith.constant 0 : i32
    %dma_wait3A_156 = tpu.memref_slice %arg9[%dma_wait3A_154, %dma_wait3A_155] : memref<10000x128xf32, #tpu.memory_space<vmem_shared>> -> memref<10000x128xf32, #tpu.memory_space<vmem_shared>>
    %dma_wait3A_157 = tpu.memref_slice %arg13[%dma_wait3A_146] : memref<2x!tpu.dma_semaphore, #tpu.memory_space<semaphore_mem>> -> memref<1x!tpu.dma_semaphore, #tpu.memory_space<semaphore_mem>>
    %dma_wait3A_158 = tpu.memref_squeeze %dma_wait3A_157 : memref<1x!tpu.dma_semaphore, #tpu.memory_space<semaphore_mem>> -> memref<!tpu.dma_semaphore, #tpu.memory_space<semaphore_mem>>
    tpu.wait_indirect_dma semaphore(%dma_wait3A_158 : memref<!tpu.dma_semaphore, #tpu.memory_space<semaphore_mem>>) src(%dma_wait3A_150 : memref<80x128xf32, #tpu.memory_space<vmem>>) dst(%dma_wait3A_156 : memref<10000x128xf32, #tpu.memory_space<vmem_shared>>)
    %dma_wait3A_159 = arith.constant 1 : i32
    %dma_wait3A_160 = arith.constant 1 : i32
    %dma_wait3A_161 = arith.constant 1 : i32
    %dma_wait3A_162 = arith.constant 1 : i32
    %dma_wait3A_163 = arith.constant 0 : i32
    %dma_wait3A_164 = arith.constant 0 : i32
    %dma_wait3A_165 = tpu.memref_slice %arg7[%dma_wait3A_159, %dma_wait3A_163, %dma_wait3A_164] : memref<2x80x128xf32, #tpu.memory_space<vmem>> -> memref<1x80x128xf32, #tpu.memory_space<vmem>>
    %dma_wait3A_166 = tpu.memref_squeeze %dma_wait3A_165 : memref<1x80x128xf32, #tpu.memory_space<vmem>> -> memref<80x128xf32, #tpu.memory_space<vmem>>
    %dma_wait3A_167 = arith.constant 0 : i32
    %dma_wait3A_168 = tpu.memref_slice %arg6[%dma_wait3A_160, %dma_wait3A_161, %dma_wait3A_167] : memref<4x2x80xi32, #tpu.memory_space<vmem>> -> memref<1x1x80xi32, #tpu.memory_space<vmem>>
    %dma_wait3A_169 = tpu.memref_squeeze %dma_wait3A_168 : memref<1x1x80xi32, #tpu.memory_space<vmem>> -> memref<80xi32, #tpu.memory_space<vmem>>
    %dma_wait3A_170 = arith.constant 0 : i32
    %dma_wait3A_171 = arith.constant 0 : i32
    %dma_wait3A_172 = tpu.memref_slice %arg9[%dma_wait3A_170, %dma_wait3A_171] : memref<10000x128xf32, #tpu.memory_space<vmem_shared>> -> memref<10000x128xf32, #tpu.memory_space<vmem_shared>>
    %dma_wait3A_173 = tpu.memref_slice %arg13[%dma_wait3A_162] : memref<2x!tpu.dma_semaphore, #tpu.memory_space<semaphore_mem>> -> memref<1x!tpu.dma_semaphore, #tpu.memory_space<semaphore_mem>>
    %dma_wait3A_174 = tpu.memref_squeeze %dma_wait3A_173 : memref<1x!tpu.dma_semaphore, #tpu.memory_space<semaphore_mem>> -> memref<!tpu.dma_semaphore, #tpu.memory_space<semaphore_mem>>
    tpu.wait_indirect_dma semaphore(%dma_wait3A_174 : memref<!tpu.dma_semaphore, #tpu.memory_space<semaphore_mem>>) src(%dma_wait3A_166 : memref<80x128xf32, #tpu.memory_space<vmem>>) dst(%dma_wait3A_172 : memref<10000x128xf32, #tpu.memory_space<vmem_shared>>)
    %barrier3A_175 = arith.constant 0 : index
    tpu.barrier barrier_id(%barrier3A_175)
    %while3A_176 = arith.constant 0 : i32
    %while3A_177 = arith.constant 0 : i32
    %while3A_178 = arith.subi %select_n3A_20, %while3A_176 : i32
    %while3A_179 = arith.addi %while3A_176, %while3A_178 : i32
    %while3A_180 = arith.constant 1 : i32
    %while3A_181 = arith.divsi %while3A_178, %while3A_180 : i32
    %while3A_182 = arith.muli %while3A_181, %while3A_180 : i32
    %while3A_183 = arith.addi %while3A_176, %while3A_182 : i32
    %while3A_184 = arith.constant 1 : i32
    %while3A_185 = scf.for %while3A_188 = %while3A_176 to %while3A_183 step %while3A_184 iter_args(%while3A_189 = %while3A_177) -> (i32)  : i32 {
      %mul3A_190 = arith.constant 640 : i32
      %mul3A_191 = arith.muli %arg1, %mul3A_190 : i32
      %mul3A_192 = arith.constant 80 : i32
      %mul3A_193 = arith.muli %while3A_188, %mul3A_192 : i32
      %add3A_194 = arith.addi %mul3A_191, %mul3A_193 : i32
      %run_scoped3A = arith.constant 0 : i32
      "tpu.region"() ({
        %run_scoped3A_197 = tpu.sem_alloc : memref<!tpu.dma_semaphore, #tpu.memory_space<semaphore_mem>>
        %dma_start3A_198 = arith.constant 0 : i32
        %dma_start3A_199 = arith.constant 0 : i32
        %dma_start3A_200 = tpu.memref_slice %arg7[%run_scoped3A, %dma_start3A_198, %dma_start3A_199] : memref<2x80x128xf32, #tpu.memory_space<vmem>> -> memref<1x80x128xf32, #tpu.memory_space<vmem>>
        %dma_start3A_201 = tpu.memref_squeeze %dma_start3A_200 : memref<1x80x128xf32, #tpu.memory_space<vmem>> -> memref<80x128xf32, #tpu.memory_space<vmem>>
        %dma_start3A_202 = arith.constant 0 : i32
        %dma_start3A_203 = tpu.memref_slice %arg9[%add3A_194, %dma_start3A_202] : memref<10000x128xf32, #tpu.memory_space<vmem_shared>> -> memref<80x128xf32, #tpu.memory_space<vmem_shared>>
        %dma_start3A_204 = arith.constant 0 : i32
        %dma_start3A_205 = arith.constant 0 : i32
        %dma_start3A_206 = tpu.memref_slice %arg7[%run_scoped3A, %dma_start3A_204, %dma_start3A_205] : memref<2x80x128xf32, #tpu.memory_space<vmem>> -> memref<1x80x128xf32, #tpu.memory_space<vmem>>
        %dma_start3A_207 = tpu.memref_squeeze %dma_start3A_206 : memref<1x80x128xf32, #tpu.memory_space<vmem>> -> memref<80x128xf32, #tpu.memory_space<vmem>>
        %dma_start3A_208 = arith.constant 0 : i32
        %dma_start3A_209 = tpu.memref_slice %arg9[%add3A_194, %dma_start3A_208] : memref<10000x128xf32, #tpu.memory_space<vmem_shared>> -> memref<80x128xf32, #tpu.memory_space<vmem_shared>>
        tpu.enqueue_dma source(%dma_start3A_209 : memref<80x128xf32, #tpu.memory_space<vmem_shared>>) target(%dma_start3A_207 : memref<80x128xf32, #tpu.memory_space<vmem>>) target_semaphore(%run_scoped3A_197 : memref<!tpu.dma_semaphore, #tpu.memory_space<semaphore_mem>>)
        %dma_wait3A_210 = arith.constant 0 : i32
        %dma_wait3A_211 = arith.constant 0 : i32
        %dma_wait3A_212 = tpu.memref_slice %arg7[%run_scoped3A, %dma_wait3A_210, %dma_wait3A_211] : memref<2x80x128xf32, #tpu.memory_space<vmem>> -> memref<1x80x128xf32, #tpu.memory_space<vmem>>
        %dma_wait3A_213 = tpu.memref_squeeze %dma_wait3A_212 : memref<1x80x128xf32, #tpu.memory_space<vmem>> -> memref<80x128xf32, #tpu.memory_space<vmem>>
        %dma_wait3A_214 = arith.constant 0 : i32
        %dma_wait3A_215 = tpu.memref_slice %arg9[%add3A_194, %dma_wait3A_214] : memref<10000x128xf32, #tpu.memory_space<vmem_shared>> -> memref<80x128xf32, #tpu.memory_space<vmem_shared>>
        %dma_wait3A_216 = arith.constant 0 : i32
        %dma_wait3A_217 = arith.constant 0 : i32
        %dma_wait3A_218 = tpu.memref_slice %arg7[%run_scoped3A, %dma_wait3A_216, %dma_wait3A_217] : memref<2x80x128xf32, #tpu.memory_space<vmem>> -> memref<1x80x128xf32, #tpu.memory_space<vmem>>
        %dma_wait3A_219 = tpu.memref_squeeze %dma_wait3A_218 : memref<1x80x128xf32, #tpu.memory_space<vmem>> -> memref<80x128xf32, #tpu.memory_space<vmem>>
        %dma_wait3A_220 = arith.constant 0 : i32
        %dma_wait3A_221 = tpu.memref_slice %arg9[%add3A_194, %dma_wait3A_220] : memref<10000x128xf32, #tpu.memory_space<vmem_shared>> -> memref<80x128xf32, #tpu.memory_space<vmem_shared>>
        tpu.wait_dma2 semaphore(%run_scoped3A_197 : memref<!tpu.dma_semaphore, #tpu.memory_space<semaphore_mem>>) src(%dma_wait3A_221 : memref<80x128xf32, #tpu.memory_space<vmem_shared>>) dst(%dma_wait3A_219 : memref<80x128xf32, #tpu.memory_space<vmem>>)
        tpu.yield
      }) : () -> ()
      %run_scoped3A_195 = arith.constant 0 : i32
      "tpu.region"() ({
        %run_scoped3A_197 = tpu.sem_alloc : memref<!tpu.dma_semaphore, #tpu.memory_space<semaphore_mem>>
        %dma_start3A_198 = arith.constant 0 : i32
        %dma_start3A_199 = arith.constant 0 : i32
        %dma_start3A_200 = tpu.memref_slice %arg7[%run_scoped3A_195, %dma_start3A_198, %dma_start3A_199] : memref<2x80x128xf32, #tpu.memory_space<vmem>> -> memref<1x80x128xf32, #tpu.memory_space<vmem>>
        %dma_start3A_201 = tpu.memref_squeeze %dma_start3A_200 : memref<1x80x128xf32, #tpu.memory_space<vmem>> -> memref<80x128xf32, #tpu.memory_space<vmem>>
        %dma_start3A_202 = arith.constant 0 : i32
        %dma_start3A_203 = tpu.memref_slice %arg5[%arg0, %add3A_194, %dma_start3A_202] : memref<2x10000x128xf32, #tpu.memory_space<hbm>> -> memref<1x80x128xf32, #tpu.memory_space<hbm>>
        %dma_start3A_204 = tpu.memref_squeeze %dma_start3A_203 : memref<1x80x128xf32, #tpu.memory_space<hbm>> -> memref<80x128xf32, #tpu.memory_space<hbm>>
        %dma_start3A_205 = arith.constant 0 : i32
        %dma_start3A_206 = tpu.memref_slice %arg5[%arg0, %add3A_194, %dma_start3A_205] : memref<2x10000x128xf32, #tpu.memory_space<hbm>> -> memref<1x80x128xf32, #tpu.memory_space<hbm>>
        %dma_start3A_207 = tpu.memref_squeeze %dma_start3A_206 : memref<1x80x128xf32, #tpu.memory_space<hbm>> -> memref<80x128xf32, #tpu.memory_space<hbm>>
        %dma_start3A_208 = arith.constant 0 : i32
        %dma_start3A_209 = arith.constant 0 : i32
        %dma_start3A_210 = tpu.memref_slice %arg7[%run_scoped3A_195, %dma_start3A_208, %dma_start3A_209] : memref<2x80x128xf32, #tpu.memory_space<vmem>> -> memref<1x80x128xf32, #tpu.memory_space<vmem>>
        %dma_start3A_211 = tpu.memref_squeeze %dma_start3A_210 : memref<1x80x128xf32, #tpu.memory_space<vmem>> -> memref<80x128xf32, #tpu.memory_space<vmem>>
        tpu.enqueue_dma source(%dma_start3A_211 : memref<80x128xf32, #tpu.memory_space<vmem>>) target(%dma_start3A_207 : memref<80x128xf32, #tpu.memory_space<hbm>>) target_semaphore(%run_scoped3A_197 : memref<!tpu.dma_semaphore, #tpu.memory_space<semaphore_mem>>)
        %dma_wait3A_212 = arith.constant 0 : i32
        %dma_wait3A_213 = arith.constant 0 : i32
        %dma_wait3A_214 = tpu.memref_slice %arg7[%run_scoped3A_195, %dma_wait3A_212, %dma_wait3A_213] : memref<2x80x128xf32, #tpu.memory_space<vmem>> -> memref<1x80x128xf32, #tpu.memory_space<vmem>>
        %dma_wait3A_215 = tpu.memref_squeeze %dma_wait3A_214 : memref<1x80x128xf32, #tpu.memory_space<vmem>> -> memref<80x128xf32, #tpu.memory_space<vmem>>
        %dma_wait3A_216 = arith.constant 0 : i32
        %dma_wait3A_217 = tpu.memref_slice %arg5[%arg0, %add3A_194, %dma_wait3A_216] : memref<2x10000x128xf32, #tpu.memory_space<hbm>> -> memref<1x80x128xf32, #tpu.memory_space<hbm>>
        %dma_wait3A_218 = tpu.memref_squeeze %dma_wait3A_217 : memref<1x80x128xf32, #tpu.memory_space<hbm>> -> memref<80x128xf32, #tpu.memory_space<hbm>>
        %dma_wait3A_219 = arith.constant 0 : i32
        %dma_wait3A_220 = tpu.memref_slice %arg5[%arg0, %add3A_194, %dma_wait3A_219] : memref<2x10000x128xf32, #tpu.memory_space<hbm>> -> memref<1x80x128xf32, #tpu.memory_space<hbm>>
        %dma_wait3A_221 = tpu.memref_squeeze %dma_wait3A_220 : memref<1x80x128xf32, #tpu.memory_space<hbm>> -> memref<80x128xf32, #tpu.memory_space<hbm>>
        %dma_wait3A_222 = arith.constant 0 : i32
        %dma_wait3A_223 = arith.constant 0 : i32
        %dma_wait3A_224 = tpu.memref_slice %arg7[%run_scoped3A_195, %dma_wait3A_222, %dma_wait3A_223] : memref<2x80x128xf32, #tpu.memory_space<vmem>> -> memref<1x80x128xf32, #tpu.memory_space<vmem>>
        %dma_wait3A_225 = tpu.memref_squeeze %dma_wait3A_224 : memref<1x80x128xf32, #tpu.memory_space<vmem>> -> memref<80x128xf32, #tpu.memory_space<vmem>>
        tpu.wait_dma2 semaphore(%run_scoped3A_197 : memref<!tpu.dma_semaphore, #tpu.memory_space<semaphore_mem>>) src(%dma_wait3A_225 : memref<80x128xf32, #tpu.memory_space<vmem>>) dst(%dma_wait3A_221 : memref<80x128xf32, #tpu.memory_space<hbm>>)
        tpu.yield
      }) : () -> ()
      %while3A_196 = arith.constant 0 : i32
      scf.yield %while3A_196 : i32
    }
    %while3A_186 = arith.constant 1 : i32
    %while3A_187 = scf.for %while3A_188 = %while3A_183 to %while3A_179 step %while3A_186 iter_args(%while3A_189 = %while3A_185) -> (i32)  : i32 {
      %mul3A_190 = arith.constant 640 : i32
      %mul3A_191 = arith.muli %arg1, %mul3A_190 : i32
      %mul3A_192 = arith.constant 80 : i32
      %mul3A_193 = arith.muli %while3A_188, %mul3A_192 : i32
      %add3A_194 = arith.addi %mul3A_191, %mul3A_193 : i32
      %run_scoped3A = arith.constant 0 : i32
      "tpu.region"() ({
        %run_scoped3A_197 = tpu.sem_alloc : memref<!tpu.dma_semaphore, #tpu.memory_space<semaphore_mem>>
        %dma_start3A_198 = arith.constant 0 : i32
        %dma_start3A_199 = arith.constant 0 : i32
        %dma_start3A_200 = tpu.memref_slice %arg7[%run_scoped3A, %dma_start3A_198, %dma_start3A_199] : memref<2x80x128xf32, #tpu.memory_space<vmem>> -> memref<1x80x128xf32, #tpu.memory_space<vmem>>
        %dma_start3A_201 = tpu.memref_squeeze %dma_start3A_200 : memref<1x80x128xf32, #tpu.memory_space<vmem>> -> memref<80x128xf32, #tpu.memory_space<vmem>>
        %dma_start3A_202 = arith.constant 0 : i32
        %dma_start3A_203 = tpu.memref_slice %arg9[%add3A_194, %dma_start3A_202] : memref<10000x128xf32, #tpu.memory_space<vmem_shared>> -> memref<80x128xf32, #tpu.memory_space<vmem_shared>>
        %dma_start3A_204 = arith.constant 0 : i32
        %dma_start3A_205 = arith.constant 0 : i32
        %dma_start3A_206 = tpu.memref_slice %arg7[%run_scoped3A, %dma_start3A_204, %dma_start3A_205] : memref<2x80x128xf32, #tpu.memory_space<vmem>> -> memref<1x80x128xf32, #tpu.memory_space<vmem>>
        %dma_start3A_207 = tpu.memref_squeeze %dma_start3A_206 : memref<1x80x128xf32, #tpu.memory_space<vmem>> -> memref<80x128xf32, #tpu.memory_space<vmem>>
        %dma_start3A_208 = arith.constant 0 : i32
        %dma_start3A_209 = tpu.memref_slice %arg9[%add3A_194, %dma_start3A_208] : memref<10000x128xf32, #tpu.memory_space<vmem_shared>> -> memref<80x128xf32, #tpu.memory_space<vmem_shared>>
        tpu.enqueue_dma source(%dma_start3A_209 : memref<80x128xf32, #tpu.memory_space<vmem_shared>>) target(%dma_start3A_207 : memref<80x128xf32, #tpu.memory_space<vmem>>) target_semaphore(%run_scoped3A_197 : memref<!tpu.dma_semaphore, #tpu.memory_space<semaphore_mem>>)
        %dma_wait3A_210 = arith.constant 0 : i32
        %dma_wait3A_211 = arith.constant 0 : i32
        %dma_wait3A_212 = tpu.memref_slice %arg7[%run_scoped3A, %dma_wait3A_210, %dma_wait3A_211] : memref<2x80x128xf32, #tpu.memory_space<vmem>> -> memref<1x80x128xf32, #tpu.memory_space<vmem>>
        %dma_wait3A_213 = tpu.memref_squeeze %dma_wait3A_212 : memref<1x80x128xf32, #tpu.memory_space<vmem>> -> memref<80x128xf32, #tpu.memory_space<vmem>>
        %dma_wait3A_214 = arith.constant 0 : i32
        %dma_wait3A_215 = tpu.memref_slice %arg9[%add3A_194, %dma_wait3A_214] : memref<10000x128xf32, #tpu.memory_space<vmem_shared>> -> memref<80x128xf32, #tpu.memory_space<vmem_shared>>
        %dma_wait3A_216 = arith.constant 0 : i32
        %dma_wait3A_217 = arith.constant 0 : i32
        %dma_wait3A_218 = tpu.memref_slice %arg7[%run_scoped3A, %dma_wait3A_216, %dma_wait3A_217] : memref<2x80x128xf32, #tpu.memory_space<vmem>> -> memref<1x80x128xf32, #tpu.memory_space<vmem>>
        %dma_wait3A_219 = tpu.memref_squeeze %dma_wait3A_218 : memref<1x80x128xf32, #tpu.memory_space<vmem>> -> memref<80x128xf32, #tpu.memory_space<vmem>>
        %dma_wait3A_220 = arith.constant 0 : i32
        %dma_wait3A_221 = tpu.memref_slice %arg9[%add3A_194, %dma_wait3A_220] : memref<10000x128xf32, #tpu.memory_space<vmem_shared>> -> memref<80x128xf32, #tpu.memory_space<vmem_shared>>
        tpu.wait_dma2 semaphore(%run_scoped3A_197 : memref<!tpu.dma_semaphore, #tpu.memory_space<semaphore_mem>>) src(%dma_wait3A_221 : memref<80x128xf32, #tpu.memory_space<vmem_shared>>) dst(%dma_wait3A_219 : memref<80x128xf32, #tpu.memory_space<vmem>>)
        tpu.yield
      }) : () -> ()
      %run_scoped3A_195 = arith.constant 0 : i32
      "tpu.region"() ({
        %run_scoped3A_197 = tpu.sem_alloc : memref<!tpu.dma_semaphore, #tpu.memory_space<semaphore_mem>>
        %dma_start3A_198 = arith.constant 0 : i32
        %dma_start3A_199 = arith.constant 0 : i32
        %dma_start3A_200 = tpu.memref_slice %arg7[%run_scoped3A_195, %dma_start3A_198, %dma_start3A_199] : memref<2x80x128xf32, #tpu.memory_space<vmem>> -> memref<1x80x128xf32, #tpu.memory_space<vmem>>
        %dma_start3A_201 = tpu.memref_squeeze %dma_start3A_200 : memref<1x80x128xf32, #tpu.memory_space<vmem>> -> memref<80x128xf32, #tpu.memory_space<vmem>>
        %dma_start3A_202 = arith.constant 0 : i32
        %dma_start3A_203 = tpu.memref_slice %arg5[%arg0, %add3A_194, %dma_start3A_202] : memref<2x10000x128xf32, #tpu.memory_space<hbm>> -> memref<1x80x128xf32, #tpu.memory_space<hbm>>
        %dma_start3A_204 = tpu.memref_squeeze %dma_start3A_203 : memref<1x80x128xf32, #tpu.memory_space<hbm>> -> memref<80x128xf32, #tpu.memory_space<hbm>>
        %dma_start3A_205 = arith.constant 0 : i32
        %dma_start3A_206 = tpu.memref_slice %arg5[%arg0, %add3A_194, %dma_start3A_205] : memref<2x10000x128xf32, #tpu.memory_space<hbm>> -> memref<1x80x128xf32, #tpu.memory_space<hbm>>
        %dma_start3A_207 = tpu.memref_squeeze %dma_start3A_206 : memref<1x80x128xf32, #tpu.memory_space<hbm>> -> memref<80x128xf32, #tpu.memory_space<hbm>>
        %dma_start3A_208 = arith.constant 0 : i32
        %dma_start3A_209 = arith.constant 0 : i32
        %dma_start3A_210 = tpu.memref_slice %arg7[%run_scoped3A_195, %dma_start3A_208, %dma_start3A_209] : memref<2x80x128xf32, #tpu.memory_space<vmem>> -> memref<1x80x128xf32, #tpu.memory_space<vmem>>
        %dma_start3A_211 = tpu.memref_squeeze %dma_start3A_210 : memref<1x80x128xf32, #tpu.memory_space<vmem>> -> memref<80x128xf32, #tpu.memory_space<vmem>>
        tpu.enqueue_dma source(%dma_start3A_211 : memref<80x128xf32, #tpu.memory_space<vmem>>) target(%dma_start3A_207 : memref<80x128xf32, #tpu.memory_space<hbm>>) target_semaphore(%run_scoped3A_197 : memref<!tpu.dma_semaphore, #tpu.memory_space<semaphore_mem>>)
        %dma_wait3A_212 = arith.constant 0 : i32
        %dma_wait3A_213 = arith.constant 0 : i32
        %dma_wait3A_214 = tpu.memref_slice %arg7[%run_scoped3A_195, %dma_wait3A_212, %dma_wait3A_213] : memref<2x80x128xf32, #tpu.memory_space<vmem>> -> memref<1x80x128xf32, #tpu.memory_space<vmem>>
        %dma_wait3A_215 = tpu.memref_squeeze %dma_wait3A_214 : memref<1x80x128xf32, #tpu.memory_space<vmem>> -> memref<80x128xf32, #tpu.memory_space<vmem>>
        %dma_wait3A_216 = arith.constant 0 : i32
        %dma_wait3A_217 = tpu.memref_slice %arg5[%arg0, %add3A_194, %dma_wait3A_216] : memref<2x10000x128xf32, #tpu.memory_space<hbm>> -> memref<1x80x128xf32, #tpu.memory_space<hbm>>
        %dma_wait3A_218 = tpu.memref_squeeze %dma_wait3A_217 : memref<1x80x128xf32, #tpu.memory_space<hbm>> -> memref<80x128xf32, #tpu.memory_space<hbm>>
        %dma_wait3A_219 = arith.constant 0 : i32
        %dma_wait3A_220 = tpu.memref_slice %arg5[%arg0, %add3A_194, %dma_wait3A_219] : memref<2x10000x128xf32, #tpu.memory_space<hbm>> -> memref<1x80x128xf32, #tpu.memory_space<hbm>>
        %dma_wait3A_221 = tpu.memref_squeeze %dma_wait3A_220 : memref<1x80x128xf32, #tpu.memory_space<hbm>> -> memref<80x128xf32, #tpu.memory_space<hbm>>
        %dma_wait3A_222 = arith.constant 0 : i32
        %dma_wait3A_223 = arith.constant 0 : i32
        %dma_wait3A_224 = tpu.memref_slice %arg7[%run_scoped3A_195, %dma_wait3A_222, %dma_wait3A_223] : memref<2x80x128xf32, #tpu.memory_space<vmem>> -> memref<1x80x128xf32, #tpu.memory_space<vmem>>
        %dma_wait3A_225 = tpu.memref_squeeze %dma_wait3A_224 : memref<1x80x128xf32, #tpu.memory_space<vmem>> -> memref<80x128xf32, #tpu.memory_space<vmem>>
        tpu.wait_dma2 semaphore(%run_scoped3A_197 : memref<!tpu.dma_semaphore, #tpu.memory_space<semaphore_mem>>) src(%dma_wait3A_225 : memref<80x128xf32, #tpu.memory_space<vmem>>) dst(%dma_wait3A_221 : memref<80x128xf32, #tpu.memory_space<hbm>>)
        tpu.yield
      }) : () -> ()
      %while3A_196 = arith.constant 0 : i32
      scf.yield %while3A_196 : i32
    }
    return
  }
}

#map = affine_map<(d0, d1) -> (0, 0)>
#map1 = affine_map<(d0, d1) -> (0, 0, 0, 0)>
#map2 = affine_map<(d0, d1) -> (0, 0, 0)>
module attributes {stable_mosaic.version = 14 : i64} {
  func.func @_msg_aggr_sc_body(%arg0: i32, %arg1: i32, %arg2: memref<10000x128xf32, #tpu.memory_space<hbm>>, %arg3: memref<320000x128xf32, #tpu.memory_space<hbm>>, %arg4: memref<32x125x2x80xi32, #tpu.memory_space<hbm>>, %arg5: memref<2x10000x128xf32, #tpu.memory_space<hbm>>, %arg6: memref<4x2x80xi32, #tpu.memory_space<vmem>>, %arg7: memref<2x80x128xf32, #tpu.memory_space<vmem>>, %arg8: memref<2x80x128xf32, #tpu.memory_space<vmem>>, %arg9: memref<10000x128xf32, #tpu.memory_space<vmem_shared>>, %arg10: memref<4x!tpu.dma_semaphore, #tpu.memory_space<semaphore_mem>>, %arg11: memref<2x!tpu.dma_semaphore, #tpu.memory_space<semaphore_mem>>, %arg12: memref<2x!tpu.dma_semaphore, #tpu.memory_space<semaphore_mem>>, %arg13: memref<2x!tpu.dma_semaphore, #tpu.memory_space<semaphore_mem>>) attributes {dimension_semantics = [#tpu.dimension_semantics<core_parallel>, #tpu.dimension_semantics<subcore_parallel>], iteration_bounds = array<i64: 2, 16>, scalar_prefetch = 0 : i64, scratch_operands = 8 : i64, tpu.core_type = #tpu.core_type<sc_vector_subcore>, window_params = [{transform_indices = #map}, {transform_indices = #map}, {transform_indices = #map1}, {transform_indices = #map2}]} {
    %mul3A = arith.constant 2 : i32
    %mul3A_0 = arith.muli %arg1, %mul3A : i32
    %add3A = arith.addi %mul3A_0, %arg0 : i32
    %eq3A = arith.constant 15 : i32
    %eq3A_1 = arith.cmpi eq, %arg1, %eq3A : i32
    %jit3A = arith.constant 400 : i32
    %jit3A_2 = arith.constant 640 : i32
    %select_n3A = arith.select %eq3A_1, %jit3A, %jit3A_2 : i32
    %jit3A_3 = arith.constant 80 : i32
    %div3A = arith.divsi %select_n3A, %jit3A_3 : i32
    %sign3A = arith.constant 0 : i32
    %sign3A_4 = arith.cmpi sgt, %select_n3A, %sign3A : i32
    %sign3A_5 = arith.extui %sign3A_4 : i1 to i32
    %sign3A_6 = arith.constant 0 : i32
    %sign3A_7 = arith.cmpi slt, %select_n3A, %sign3A_6 : i32
    %sign3A_8 = arith.extui %sign3A_7 : i1 to i32
    %sign3A_9 = arith.subi %sign3A_5, %sign3A_8 : i32
    %sign3A_10 = arith.constant 0 : i32
    %sign3A_11 = arith.cmpi sgt, %jit3A_3, %sign3A_10 : i32
    %sign3A_12 = arith.extui %sign3A_11 : i1 to i32
    %sign3A_13 = arith.constant 0 : i32
    %sign3A_14 = arith.cmpi slt, %jit3A_3, %sign3A_13 : i32
    %sign3A_15 = arith.extui %sign3A_14 : i1 to i32
    %sign3A_16 = arith.subi %sign3A_12, %sign3A_15 : i32
    %ne3A = arith.cmpi ne, %sign3A_9, %sign3A_16 : i32
    %rem3A = arith.remsi %select_n3A, %jit3A_3 : i32
    %ne3A_17 = arith.constant 0 : i32
    %ne3A_18 = arith.cmpi ne, %rem3A, %ne3A_17 : i32
    %and3A = arith.andi %ne3A, %ne3A_18 : i1
    %sub3A = arith.constant 1 : i32
    %sub3A_19 = arith.subi %div3A, %sub3A : i32
    %select_n3A_20 = arith.select %and3A, %sub3A_19, %div3A : i32
    %broadcast_in_dim3A = arith.constant 0.000000e+00 : f32
    %broadcast_in_dim3A_21 = vector.broadcast %broadcast_in_dim3A : f32 to vector<16xf32>
    %scan3A = arith.constant 0 : i32
    %scan3A_22 = arith.constant 0 : i32
    %scan3A_23 = arith.constant 80 : i32
    %scan3A_24 = arith.addi %scan3A_22, %scan3A_23 : i32
    %scan3A_25 = arith.constant 1 : i32
    %scan3A_26 = scf.for %scan3A_188 = %scan3A_22 to %scan3A_24 step %scan3A_25 iter_args(%scan3A_189 = %scan3A) -> (i32)  : i32 {
      %swap3A = arith.constant 0 : i32
      %swap3A_190 = arith.index_cast %swap3A : i32 to index
      %swap3A_191 = arith.index_cast %scan3A_188 : i32 to index
      %swap3A_192 = arith.constant 0 : index
      %swap3A_193 = tpu.vector_load %arg7[%swap3A_190, %swap3A_191, %swap3A_192] {strides = array<i32>} : memref<2x80x128xf32, #tpu.memory_space<vmem>>, vector<1x1x16xf32>,
      %swap3A_194 = vector.shape_cast %swap3A_193 : vector<1x1x16xf32> to vector<16xf32>
      %swap3A_195 = vector.shape_cast %broadcast_in_dim3A_21 : vector<16xf32> to vector<1x1x16xf32>
      tpu.vector_store %arg7[%swap3A_190, %swap3A_191, %swap3A_192], %swap3A_195 {strides = array<i32>} : memref<2x80x128xf32, #tpu.memory_space<vmem>>, vector<1x1x16xf32>,
      %swap3A_196 = arith.constant 0 : i32
      %swap3A_197 = arith.index_cast %swap3A_196 : i32 to index
      %swap3A_198 = arith.index_cast %scan3A_188 : i32 to index
      %swap3A_199 = arith.constant 16 : index
      %swap3A_200 = tpu.vector_load %arg7[%swap3A_197, %swap3A_198, %swap3A_199] {strides = array<i32>} : memref<2x80x128xf32, #tpu.memory_space<vmem>>, vector<1x1x16xf32>,
      %swap3A_201 = vector.shape_cast %swap3A_200 : vector<1x1x16xf32> to vector<16xf32>
      %swap3A_202 = vector.shape_cast %broadcast_in_dim3A_21 : vector<16xf32> to vector<1x1x16xf32>
      tpu.vector_store %arg7[%swap3A_197, %swap3A_198, %swap3A_199], %swap3A_202 {strides = array<i32>} : memref<2x80x128xf32, #tpu.memory_space<vmem>>, vector<1x1x16xf32>,
      %swap3A_203 = arith.constant 0 : i32
      %swap3A_204 = arith.index_cast %swap3A_203 : i32 to index
      %swap3A_205 = arith.index_cast %scan3A_188 : i32 to index
      %swap3A_206 = arith.constant 32 : index
      %swap3A_207 = tpu.vector_load %arg7[%swap3A_204, %swap3A_205, %swap3A_206] {strides = array<i32>} : memref<2x80x128xf32, #tpu.memory_space<vmem>>, vector<1x1x16xf32>,
      %swap3A_208 = vector.shape_cast %swap3A_207 : vector<1x1x16xf32> to vector<16xf32>
      %swap3A_209 = vector.shape_cast %broadcast_in_dim3A_21 : vector<16xf32> to vector<1x1x16xf32>
      tpu.vector_store %arg7[%swap3A_204, %swap3A_205, %swap3A_206], %swap3A_209 {strides = array<i32>} : memref<2x80x128xf32, #tpu.memory_space<vmem>>, vector<1x1x16xf32>,
      %swap3A_210 = arith.constant 0 : i32
      %swap3A_211 = arith.index_cast %swap3A_210 : i32 to index
      %swap3A_212 = arith.index_cast %scan3A_188 : i32 to index
      %swap3A_213 = arith.constant 48 : index
      %swap3A_214 = tpu.vector_load %arg7[%swap3A_211, %swap3A_212, %swap3A_213] {strides = array<i32>} : memref<2x80x128xf32, #tpu.memory_space<vmem>>, vector<1x1x16xf32>,
      %swap3A_215 = vector.shape_cast %swap3A_214 : vector<1x1x16xf32> to vector<16xf32>
      %swap3A_216 = vector.shape_cast %broadcast_in_dim3A_21 : vector<16xf32> to vector<1x1x16xf32>
      tpu.vector_store %arg7[%swap3A_211, %swap3A_212, %swap3A_213], %swap3A_216 {strides = array<i32>} : memref<2x80x128xf32, #tpu.memory_space<vmem>>, vector<1x1x16xf32>,
      %swap3A_217 = arith.constant 0 : i32
      %swap3A_218 = arith.index_cast %swap3A_217 : i32 to index
      %swap3A_219 = arith.index_cast %scan3A_188 : i32 to index
      %swap3A_220 = arith.constant 64 : index
      %swap3A_221 = tpu.vector_load %arg7[%swap3A_218, %swap3A_219, %swap3A_220] {strides = array<i32>} : memref<2x80x128xf32, #tpu.memory_space<vmem>>, vector<1x1x16xf32>,
      %swap3A_222 = vector.shape_cast %swap3A_221 : vector<1x1x16xf32> to vector<16xf32>
      %swap3A_223 = vector.shape_cast %broadcast_in_dim3A_21 : vector<16xf32> to vector<1x1x16xf32>
      tpu.vector_store %arg7[%swap3A_218, %swap3A_219, %swap3A_220], %swap3A_223 {strides = array<i32>} : memref<2x80x128xf32, #tpu.memory_space<vmem>>, vector<1x1x16xf32>,
      %swap3A_224 = arith.constant 0 : i32
      %swap3A_225 = arith.index_cast %swap3A_224 : i32 to index
      %swap3A_226 = arith.index_cast %scan3A_188 : i32 to index
      %swap3A_227 = arith.constant 80 : index
      %swap3A_228 = tpu.vector_load %arg7[%swap3A_225, %swap3A_226, %swap3A_227] {strides = array<i32>} : memref<2x80x128xf32, #tpu.memory_space<vmem>>, vector<1x1x16xf32>,
      %swap3A_229 = vector.shape_cast %swap3A_228 : vector<1x1x16xf32> to vector<16xf32>
      %swap3A_230 = vector.shape_cast %broadcast_in_dim3A_21 : vector<16xf32> to vector<1x1x16xf32>
      tpu.vector_store %arg7[%swap3A_225, %swap3A_226, %swap3A_227], %swap3A_230 {strides = array<i32>} : memref<2x80x128xf32, #tpu.memory_space<vmem>>, vector<1x1x16xf32>,
      %swap3A_231 = arith.constant 0 : i32
      %swap3A_232 = arith.index_cast %swap3A_231 : i32 to index
      %swap3A_233 = arith.index_cast %scan3A_188 : i32 to index
      %swap3A_234 = arith.constant 96 : index
      %swap3A_235 = tpu.vector_load %arg7[%swap3A_232, %swap3A_233, %swap3A_234] {strides = array<i32>} : memref<2x80x128xf32, #tpu.memory_space<vmem>>, vector<1x1x16xf32>,
      %swap3A_236 = vector.shape_cast %swap3A_235 : vector<1x1x16xf32> to vector<16xf32>
      %swap3A_237 = vector.shape_cast %broadcast_in_dim3A_21 : vector<16xf32> to vector<1x1x16xf32>
      tpu.vector_store %arg7[%swap3A_232, %swap3A_233, %swap3A_234], %swap3A_237 {strides = array<i32>} : memref<2x80x128xf32, #tpu.memory_space<vmem>>, vector<1x1x16xf32>,
      %swap3A_238 = arith.constant 0 : i32
      %swap3A_239 = arith.index_cast %swap3A_238 : i32 to index
      %swap3A_240 = arith.index_cast %scan3A_188 : i32 to index
      %swap3A_241 = arith.constant 112 : index
      %swap3A_242 = tpu.vector_load %arg7[%swap3A_239, %swap3A_240, %swap3A_241] {strides = array<i32>} : memref<2x80x128xf32, #tpu.memory_space<vmem>>, vector<1x1x16xf32>,
      %swap3A_243 = vector.shape_cast %swap3A_242 : vector<1x1x16xf32> to vector<16xf32>
      %swap3A_244 = vector.shape_cast %broadcast_in_dim3A_21 : vector<16xf32> to vector<1x1x16xf32>
      tpu.vector_store %arg7[%swap3A_239, %swap3A_240, %swap3A_241], %swap3A_244 {strides = array<i32>} : memref<2x80x128xf32, #tpu.memory_space<vmem>>, vector<1x1x16xf32>,
      %scan3A_245 = arith.constant 0 : i32
      scf.yield %scan3A_245 : i32
    }
    %scan3A_27 = arith.constant 80 : i32
    %while3A = arith.constant 0 : i32
    %while3A_28 = arith.constant 0 : i32
    %while3A_29 = arith.subi %select_n3A_20, %while3A : i32
    %while3A_30 = arith.addi %while3A, %while3A_29 : i32
    %while3A_31 = arith.constant 1 : i32
    %while3A_32 = arith.divsi %while3A_29, %while3A_31 : i32
    %while3A_33 = arith.muli %while3A_32, %while3A_31 : i32
    %while3A_34 = arith.addi %while3A, %while3A_33 : i32
    %while3A_35 = arith.constant 1 : i32
    %while3A_36 = scf.for %while3A_188 = %while3A to %while3A_34 step %while3A_35 iter_args(%while3A_189 = %while3A_28) -> (i32)  : i32 {
      %mul3A_190 = arith.constant 640 : i32
      %mul3A_191 = arith.muli %arg1, %mul3A_190 : i32
      %mul3A_192 = arith.constant 80 : i32
      %mul3A_193 = arith.muli %while3A_188, %mul3A_192 : i32
      %add3A_194 = arith.addi %mul3A_191, %mul3A_193 : i32
      %run_scoped3A = arith.constant 0 : i32
      "tpu.region"() ({
        %run_scoped3A_196 = tpu.sem_alloc : memref<!tpu.dma_semaphore, #tpu.memory_space<semaphore_mem>>
        %dma_start3A_197 = arith.constant 0 : i32
        %dma_start3A_198 = arith.constant 0 : i32
        %dma_start3A_199 = tpu.memref_slice %arg7[%run_scoped3A, %dma_start3A_197, %dma_start3A_198] : memref<2x80x128xf32, #tpu.memory_space<vmem>> -> memref<1x80x128xf32, #tpu.memory_space<vmem>>
        %dma_start3A_200 = tpu.memref_squeeze %dma_start3A_199 : memref<1x80x128xf32, #tpu.memory_space<vmem>> -> memref<80x128xf32, #tpu.memory_space<vmem>>
        %dma_start3A_201 = arith.constant 0 : i32
        %dma_start3A_202 = tpu.memref_slice %arg9[%add3A_194, %dma_start3A_201] : memref<10000x128xf32, #tpu.memory_space<vmem_shared>> -> memref<80x128xf32, #tpu.memory_space<vmem_shared>>
        %dma_start3A_203 = arith.constant 0 : i32
        %dma_start3A_204 = tpu.memref_slice %arg9[%add3A_194, %dma_start3A_203] : memref<10000x128xf32, #tpu.memory_space<vmem_shared>> -> memref<80x128xf32, #tpu.memory_space<vmem_shared>>
        %dma_start3A_205 = arith.constant 0 : i32
        %dma_start3A_206 = arith.constant 0 : i32
        %dma_start3A_207 = tpu.memref_slice %arg7[%run_scoped3A, %dma_start3A_205, %dma_start3A_206] : memref<2x80x128xf32, #tpu.memory_space<vmem>> -> memref<1x80x128xf32, #tpu.memory_space<vmem>>
        %dma_start3A_208 = tpu.memref_squeeze %dma_start3A_207 : memref<1x80x128xf32, #tpu.memory_space<vmem>> -> memref<80x128xf32, #tpu.memory_space<vmem>>
        tpu.enqueue_dma source(%dma_start3A_208 : memref<80x128xf32, #tpu.memory_space<vmem>>) target(%dma_start3A_204 : memref<80x128xf32, #tpu.memory_space<vmem_shared>>) target_semaphore(%run_scoped3A_196 : memref<!tpu.dma_semaphore, #tpu.memory_space<semaphore_mem>>)
        %dma_wait3A_209 = arith.constant 0 : i32
        %dma_wait3A_210 = arith.constant 0 : i32
        %dma_wait3A_211 = tpu.memref_slice %arg7[%run_scoped3A, %dma_wait3A_209, %dma_wait3A_210] : memref<2x80x128xf32, #tpu.memory_space<vmem>> -> memref<1x80x128xf32, #tpu.memory_space<vmem>>
        %dma_wait3A_212 = tpu.memref_squeeze %dma_wait3A_211 : memref<1x80x128xf32, #tpu.memory_space<vmem>> -> memref<80x128xf32, #tpu.memory_space<vmem>>
        %dma_wait3A_213 = arith.constant 0 : i32
        %dma_wait3A_214 = tpu.memref_slice %arg9[%add3A_194, %dma_wait3A_213] : memref<10000x128xf32, #tpu.memory_space<vmem_shared>> -> memref<80x128xf32, #tpu.memory_space<vmem_shared>>
        %dma_wait3A_215 = arith.constant 0 : i32
        %dma_wait3A_216 = tpu.memref_slice %arg9[%add3A_194, %dma_wait3A_215] : memref<10000x128xf32, #tpu.memory_space<vmem_shared>> -> memref<80x128xf32, #tpu.memory_space<vmem_shared>>
        %dma_wait3A_217 = arith.constant 0 : i32
        %dma_wait3A_218 = arith.constant 0 : i32
        %dma_wait3A_219 = tpu.memref_slice %arg7[%run_scoped3A, %dma_wait3A_217, %dma_wait3A_218] : memref<2x80x128xf32, #tpu.memory_space<vmem>> -> memref<1x80x128xf32, #tpu.memory_space<vmem>>
        %dma_wait3A_220 = tpu.memref_squeeze %dma_wait3A_219 : memref<1x80x128xf32, #tpu.memory_space<vmem>> -> memref<80x128xf32, #tpu.memory_space<vmem>>
        tpu.wait_dma2 semaphore(%run_scoped3A_196 : memref<!tpu.dma_semaphore, #tpu.memory_space<semaphore_mem>>) src(%dma_wait3A_220 : memref<80x128xf32, #tpu.memory_space<vmem>>) dst(%dma_wait3A_216 : memref<80x128xf32, #tpu.memory_space<vmem_shared>>)
        tpu.yield
      }) : () -> ()
      %while3A_195 = arith.constant 0 : i32
      scf.yield %while3A_195 : i32
    }
    %while3A_37 = arith.constant 1 : i32
    %while3A_38 = scf.for %while3A_188 = %while3A_34 to %while3A_30 step %while3A_37 iter_args(%while3A_189 = %while3A_36) -> (i32)  : i32 {
      %mul3A_190 = arith.constant 640 : i32
      %mul3A_191 = arith.muli %arg1, %mul3A_190 : i32
      %mul3A_192 = arith.constant 80 : i32
      %mul3A_193 = arith.muli %while3A_188, %mul3A_192 : i32
      %add3A_194 = arith.addi %mul3A_191, %mul3A_193 : i32
      %run_scoped3A = arith.constant 0 : i32
      "tpu.region"() ({
        %run_scoped3A_196 = tpu.sem_alloc : memref<!tpu.dma_semaphore, #tpu.memory_space<semaphore_mem>>
        %dma_start3A_197 = arith.constant 0 : i32
        %dma_start3A_198 = arith.constant 0 : i32
        %dma_start3A_199 = tpu.memref_slice %arg7[%run_scoped3A, %dma_start3A_197, %dma_start3A_198] : memref<2x80x128xf32, #tpu.memory_space<vmem>> -> memref<1x80x128xf32, #tpu.memory_space<vmem>>
        %dma_start3A_200 = tpu.memref_squeeze %dma_start3A_199 : memref<1x80x128xf32, #tpu.memory_space<vmem>> -> memref<80x128xf32, #tpu.memory_space<vmem>>
        %dma_start3A_201 = arith.constant 0 : i32
        %dma_start3A_202 = tpu.memref_slice %arg9[%add3A_194, %dma_start3A_201] : memref<10000x128xf32, #tpu.memory_space<vmem_shared>> -> memref<80x128xf32, #tpu.memory_space<vmem_shared>>
        %dma_start3A_203 = arith.constant 0 : i32
        %dma_start3A_204 = tpu.memref_slice %arg9[%add3A_194, %dma_start3A_203] : memref<10000x128xf32, #tpu.memory_space<vmem_shared>> -> memref<80x128xf32, #tpu.memory_space<vmem_shared>>
        %dma_start3A_205 = arith.constant 0 : i32
        %dma_start3A_206 = arith.constant 0 : i32
        %dma_start3A_207 = tpu.memref_slice %arg7[%run_scoped3A, %dma_start3A_205, %dma_start3A_206] : memref<2x80x128xf32, #tpu.memory_space<vmem>> -> memref<1x80x128xf32, #tpu.memory_space<vmem>>
        %dma_start3A_208 = tpu.memref_squeeze %dma_start3A_207 : memref<1x80x128xf32, #tpu.memory_space<vmem>> -> memref<80x128xf32, #tpu.memory_space<vmem>>
        tpu.enqueue_dma source(%dma_start3A_208 : memref<80x128xf32, #tpu.memory_space<vmem>>) target(%dma_start3A_204 : memref<80x128xf32, #tpu.memory_space<vmem_shared>>) target_semaphore(%run_scoped3A_196 : memref<!tpu.dma_semaphore, #tpu.memory_space<semaphore_mem>>)
        %dma_wait3A_209 = arith.constant 0 : i32
        %dma_wait3A_210 = arith.constant 0 : i32
        %dma_wait3A_211 = tpu.memref_slice %arg7[%run_scoped3A, %dma_wait3A_209, %dma_wait3A_210] : memref<2x80x128xf32, #tpu.memory_space<vmem>> -> memref<1x80x128xf32, #tpu.memory_space<vmem>>
        %dma_wait3A_212 = tpu.memref_squeeze %dma_wait3A_211 : memref<1x80x128xf32, #tpu.memory_space<vmem>> -> memref<80x128xf32, #tpu.memory_space<vmem>>
        %dma_wait3A_213 = arith.constant 0 : i32
        %dma_wait3A_214 = tpu.memref_slice %arg9[%add3A_194, %dma_wait3A_213] : memref<10000x128xf32, #tpu.memory_space<vmem_shared>> -> memref<80x128xf32, #tpu.memory_space<vmem_shared>>
        %dma_wait3A_215 = arith.constant 0 : i32
        %dma_wait3A_216 = tpu.memref_slice %arg9[%add3A_194, %dma_wait3A_215] : memref<10000x128xf32, #tpu.memory_space<vmem_shared>> -> memref<80x128xf32, #tpu.memory_space<vmem_shared>>
        %dma_wait3A_217 = arith.constant 0 : i32
        %dma_wait3A_218 = arith.constant 0 : i32
        %dma_wait3A_219 = tpu.memref_slice %arg7[%run_scoped3A, %dma_wait3A_217, %dma_wait3A_218] : memref<2x80x128xf32, #tpu.memory_space<vmem>> -> memref<1x80x128xf32, #tpu.memory_space<vmem>>
        %dma_wait3A_220 = tpu.memref_squeeze %dma_wait3A_219 : memref<1x80x128xf32, #tpu.memory_space<vmem>> -> memref<80x128xf32, #tpu.memory_space<vmem>>
        tpu.wait_dma2 semaphore(%run_scoped3A_196 : memref<!tpu.dma_semaphore, #tpu.memory_space<semaphore_mem>>) src(%dma_wait3A_220 : memref<80x128xf32, #tpu.memory_space<vmem>>) dst(%dma_wait3A_216 : memref<80x128xf32, #tpu.memory_space<vmem_shared>>)
        tpu.yield
      }) : () -> ()
      %while3A_195 = arith.constant 0 : i32
      scf.yield %while3A_195 : i32
    }
    %dma_start3A = arith.constant 0 : i32
    %dma_start3A_39 = arith.constant 0 : i32
    %dma_start3A_40 = arith.constant 0 : i32
    %dma_start3A_41 = arith.constant 0 : i32
    %dma_start3A_42 = arith.constant 0 : i32
    %dma_start3A_43 = tpu.memref_slice %arg6[%dma_start3A_39, %dma_start3A_41, %dma_start3A_42] : memref<4x2x80xi32, #tpu.memory_space<vmem>> -> memref<1x2x80xi32, #tpu.memory_space<vmem>>
    %dma_start3A_44 = tpu.memref_squeeze %dma_start3A_43 : memref<1x2x80xi32, #tpu.memory_space<vmem>> -> memref<2x80xi32, #tpu.memory_space<vmem>>
    %dma_start3A_45 = arith.constant 0 : i32
    %dma_start3A_46 = arith.constant 0 : i32
    %dma_start3A_47 = tpu.memref_slice %arg4[%add3A, %dma_start3A, %dma_start3A_45, %dma_start3A_46] : memref<32x125x2x80xi32, #tpu.memory_space<hbm>> -> memref<1x1x2x80xi32, #tpu.memory_space<hbm>>
    %dma_start3A_48 = tpu.memref_squeeze %dma_start3A_47 : memref<1x1x2x80xi32, #tpu.memory_space<hbm>> -> memref<2x80xi32, #tpu.memory_space<hbm>>
    %dma_start3A_49 = tpu.memref_slice %arg10[%dma_start3A_40] : memref<4x!tpu.dma_semaphore, #tpu.memory_space<semaphore_mem>> -> memref<1x!tpu.dma_semaphore, #tpu.memory_space<semaphore_mem>>
    %dma_start3A_50 = tpu.memref_squeeze %dma_start3A_49 : memref<1x!tpu.dma_semaphore, #tpu.memory_space<semaphore_mem>> -> memref<!tpu.dma_semaphore, #tpu.memory_space<semaphore_mem>>
    %dma_start3A_51 = arith.constant 0 : i32
    %dma_start3A_52 = arith.constant 0 : i32
    %dma_start3A_53 = tpu.memref_slice %arg6[%dma_start3A_39, %dma_start3A_51, %dma_start3A_52] : memref<4x2x80xi32, #tpu.memory_space<vmem>> -> memref<1x2x80xi32, #tpu.memory_space<vmem>>
    %dma_start3A_54 = tpu.memref_squeeze %dma_start3A_53 : memref<1x2x80xi32, #tpu.memory_space<vmem>> -> memref<2x80xi32, #tpu.memory_space<vmem>>
    %dma_start3A_55 = arith.constant 0 : i32
    %dma_start3A_56 = arith.constant 0 : i32
    %dma_start3A_57 = tpu.memref_slice %arg4[%add3A, %dma_start3A, %dma_start3A_55, %dma_start3A_56] : memref<32x125x2x80xi32, #tpu.memory_space<hbm>> -> memref<1x1x2x80xi32, #tpu.memory_space<hbm>>
    %dma_start3A_58 = tpu.memref_squeeze %dma_start3A_57 : memref<1x1x2x80xi32, #tpu.memory_space<hbm>> -> memref<2x80xi32, #tpu.memory_space<hbm>>
    tpu.enqueue_dma source(%dma_start3A_58 : memref<2x80xi32, #tpu.memory_space<hbm>>) target(%dma_start3A_54 : memref<2x80xi32, #tpu.memory_space<vmem>>) target_semaphore(%dma_start3A_50 : memref<!tpu.dma_semaphore, #tpu.memory_space<semaphore_mem>>)
    %dma_wait3A = arith.constant 0 : i32
    %dma_wait3A_59 = arith.constant 0 : i32
    %dma_wait3A_60 = arith.constant 0 : i32
    %dma_wait3A_61 = arith.constant 0 : i32
    %dma_wait3A_62 = arith.constant 0 : i32
    %dma_wait3A_63 = tpu.memref_slice %arg6[%dma_wait3A_59, %dma_wait3A_61, %dma_wait3A_62] : memref<4x2x80xi32, #tpu.memory_space<vmem>> -> memref<1x2x80xi32, #tpu.memory_space<vmem>>
    %dma_wait3A_64 = tpu.memref_squeeze %dma_wait3A_63 : memref<1x2x80xi32, #tpu.memory_space<vmem>> -> memref<2x80xi32, #tpu.memory_space<vmem>>
    %dma_wait3A_65 = arith.constant 0 : i32
    %dma_wait3A_66 = arith.constant 0 : i32
    %dma_wait3A_67 = tpu.memref_slice %arg4[%add3A, %dma_wait3A, %dma_wait3A_65, %dma_wait3A_66] : memref<32x125x2x80xi32, #tpu.memory_space<hbm>> -> memref<1x1x2x80xi32, #tpu.memory_space<hbm>>
    %dma_wait3A_68 = tpu.memref_squeeze %dma_wait3A_67 : memref<1x1x2x80xi32, #tpu.memory_space<hbm>> -> memref<2x80xi32, #tpu.memory_space<hbm>>
    %dma_wait3A_69 = tpu.memref_slice %arg10[%dma_wait3A_60] : memref<4x!tpu.dma_semaphore, #tpu.memory_space<semaphore_mem>> -> memref<1x!tpu.dma_semaphore, #tpu.memory_space<semaphore_mem>>
    %dma_wait3A_70 = tpu.memref_squeeze %dma_wait3A_69 : memref<1x!tpu.dma_semaphore, #tpu.memory_space<semaphore_mem>> -> memref<!tpu.dma_semaphore, #tpu.memory_space<semaphore_mem>>
    %dma_wait3A_71 = arith.constant 0 : i32
    %dma_wait3A_72 = arith.constant 0 : i32
    %dma_wait3A_73 = tpu.memref_slice %arg6[%dma_wait3A_59, %dma_wait3A_71, %dma_wait3A_72] : memref<4x2x80xi32, #tpu.memory_space<vmem>> -> memref<1x2x80xi32, #tpu.memory_space<vmem>>
    %dma_wait3A_74 = tpu.memref_squeeze %dma_wait3A_73 : memref<1x2x80xi32, #tpu.memory_space<vmem>> -> memref<2x80xi32, #tpu.memory_space<vmem>>
    %dma_wait3A_75 = arith.constant 0 : i32
    %dma_wait3A_76 = arith.constant 0 : i32
    %dma_wait3A_77 = tpu.memref_slice %arg4[%add3A, %dma_wait3A, %dma_wait3A_75, %dma_wait3A_76] : memref<32x125x2x80xi32, #tpu.memory_space<hbm>> -> memref<1x1x2x80xi32, #tpu.memory_space<hbm>>
    %dma_wait3A_78 = tpu.memref_squeeze %dma_wait3A_77 : memref<1x1x2x80xi32, #tpu.memory_space<hbm>> -> memref<2x80xi32, #tpu.memory_space<hbm>>
    tpu.wait_dma2 semaphore(%dma_wait3A_70 : memref<!tpu.dma_semaphore, #tpu.memory_space<semaphore_mem>>) src(%dma_wait3A_78 : memref<2x80xi32, #tpu.memory_space<hbm>>) dst(%dma_wait3A_74 : memref<2x80xi32, #tpu.memory_space<vmem>>)
    %dma_start3A_79 = arith.constant 0 : i32
    %dma_start3A_80 = arith.constant 0 : i32
    %dma_start3A_81 = arith.constant 0 : i32
    %dma_start3A_82 = arith.constant 0 : i32
    %dma_start3A_83 = arith.constant 0 : i32
    %dma_start3A_84 = arith.constant 0 : i32
    %dma_start3A_85 = tpu.memref_slice %arg7[%dma_start3A_81, %dma_start3A_83, %dma_start3A_84] : memref<2x80x128xf32, #tpu.memory_space<vmem>> -> memref<1x80x128xf32, #tpu.memory_space<vmem>>
    %dma_start3A_86 = tpu.memref_squeeze %dma_start3A_85 : memref<1x80x128xf32, #tpu.memory_space<vmem>> -> memref<80x128xf32, #tpu.memory_space<vmem>>
    %dma_start3A_87 = arith.constant 0 : i32
    %dma_start3A_88 = tpu.memref_slice %arg6[%dma_start3A_79, %dma_start3A_80, %dma_start3A_87] : memref<4x2x80xi32, #tpu.memory_space<vmem>> -> memref<1x1x80xi32, #tpu.memory_space<vmem>>
    %dma_start3A_89 = tpu.memref_squeeze %dma_start3A_88 : memref<1x1x80xi32, #tpu.memory_space<vmem>> -> memref<80xi32, #tpu.memory_space<vmem>>
    %dma_start3A_90 = arith.constant 0 : i32
    %dma_start3A_91 = arith.constant 0 : i32
    %dma_start3A_92 = tpu.memref_slice %arg2[%dma_start3A_90, %dma_start3A_91] : memref<10000x128xf32, #tpu.memory_space<hbm>> -> memref<10000x128xf32, #tpu.memory_space<hbm>>
    %dma_start3A_93 = tpu.memref_slice %arg11[%dma_start3A_82] : memref<2x!tpu.dma_semaphore, #tpu.memory_space<semaphore_mem>> -> memref<1x!tpu.dma_semaphore, #tpu.memory_space<semaphore_mem>>
    %dma_start3A_94 = tpu.memref_squeeze %dma_start3A_93 : memref<1x!tpu.dma_semaphore, #tpu.memory_space<semaphore_mem>> -> memref<!tpu.dma_semaphore, #tpu.memory_space<semaphore_mem>>
    tpu.enqueue_indirect_dma source(%dma_start3A_92 : memref<10000x128xf32, #tpu.memory_space<hbm>>) target(%dma_start3A_86 : memref<80x128xf32, #tpu.memory_space<vmem>>) offsets(%dma_start3A_89 : memref<80xi32, #tpu.memory_space<vmem>>) semaphore(%dma_start3A_94 : memref<!tpu.dma_semaphore, #tpu.memory_space<semaphore_mem>>)
    %mul3A_95 = arith.constant 10000 : i32
    %mul3A_96 = arith.muli %add3A, %mul3A_95 : i32
    %add3A_97 = arith.constant 0 : i32
    %add3A_98 = arith.addi %mul3A_96, %add3A_97 : i32
    %dma_start3A_99 = arith.constant 0 : i32
    %dma_start3A_100 = arith.constant 0 : i32
    %dma_start3A_101 = arith.constant 0 : i32
    %dma_start3A_102 = arith.constant 0 : i32
    %dma_start3A_103 = tpu.memref_slice %arg8[%dma_start3A_99, %dma_start3A_101, %dma_start3A_102] : memref<2x80x128xf32, #tpu.memory_space<vmem>> -> memref<1x80x128xf32, #tpu.memory_space<vmem>>
    %dma_start3A_104 = tpu.memref_squeeze %dma_start3A_103 : memref<1x80x128xf32, #tpu.memory_space<vmem>> -> memref<80x128xf32, #tpu.memory_space<vmem>>
    %dma_start3A_105 = arith.constant 0 : i32
    %dma_start3A_106 = tpu.memref_slice %arg3[%add3A_98, %dma_start3A_105] : memref<320000x128xf32, #tpu.memory_space<hbm>> -> memref<80x128xf32, #tpu.memory_space<hbm>>
    %dma_start3A_107 = tpu.memref_slice %arg12[%dma_start3A_100] : memref<2x!tpu.dma_semaphore, #tpu.memory_space<semaphore_mem>> -> memref<1x!tpu.dma_semaphore, #tpu.memory_space<semaphore_mem>>
    %dma_start3A_108 = tpu.memref_squeeze %dma_start3A_107 : memref<1x!tpu.dma_semaphore, #tpu.memory_space<semaphore_mem>> -> memref<!tpu.dma_semaphore, #tpu.memory_space<semaphore_mem>>
    %dma_start3A_109 = arith.constant 0 : i32
    %dma_start3A_110 = arith.constant 0 : i32
    %dma_start3A_111 = tpu.memref_slice %arg8[%dma_start3A_99, %dma_start3A_109, %dma_start3A_110] : memref<2x80x128xf32, #tpu.memory_space<vmem>> -> memref<1x80x128xf32, #tpu.memory_space<vmem>>
    %dma_start3A_112 = tpu.memref_squeeze %dma_start3A_111 : memref<1x80x128xf32, #tpu.memory_space<vmem>> -> memref<80x128xf32, #tpu.memory_space<vmem>>
    %dma_start3A_113 = arith.constant 0 : i32
    %dma_start3A_114 = tpu.memref_slice %arg3[%add3A_98, %dma_start3A_113] : memref<320000x128xf32, #tpu.memory_space<hbm>> -> memref<80x128xf32, #tpu.memory_space<hbm>>
    tpu.enqueue_dma source(%dma_start3A_114 : memref<80x128xf32, #tpu.memory_space<hbm>>) target(%dma_start3A_112 : memref<80x128xf32, #tpu.memory_space<vmem>>) target_semaphore(%dma_start3A_108 : memref<!tpu.dma_semaphore, #tpu.memory_space<semaphore_mem>>)
    %dma_start3A_115 = arith.constant 1 : i32
    %dma_start3A_116 = arith.constant 1 : i32
    %dma_start3A_117 = arith.constant 1 : i32
    %dma_start3A_118 = arith.constant 0 : i32
    %dma_start3A_119 = arith.constant 0 : i32
    %dma_start3A_120 = tpu.memref_slice %arg6[%dma_start3A_116, %dma_start3A_118, %dma_start3A_119] : memref<4x2x80xi32, #tpu.memory_space<vmem>> -> memref<1x2x80xi32, #tpu.memory_space<vmem>>
    %dma_start3A_121 = tpu.memref_squeeze %dma_start3A_120 : memref<1x2x80xi32, #tpu.memory_space<vmem>> -> memref<2x80xi32, #tpu.memory_space<vmem>>
    %dma_start3A_122 = arith.constant 0 : i32
    %dma_start3A_123 = arith.constant 0 : i32
    %dma_start3A_124 = tpu.memref_slice %arg4[%add3A, %dma_start3A_115, %dma_start3A_122, %dma_start3A_123] : memref<32x125x2x80xi32, #tpu.memory_space<hbm>> -> memref<1x1x2x80xi32, #tpu.memory_space<hbm>>
    %dma_start3A_125 = tpu.memref_squeeze %dma_start3A_124 : memref<1x1x2x80xi32, #tpu.memory_space<hbm>> -> memref<2x80xi32, #tpu.memory_space<hbm>>
    %dma_start3A_126 = tpu.memref_slice %arg10[%dma_start3A_117] : memref<4x!tpu.dma_semaphore, #tpu.memory_space<semaphore_mem>> -> memref<1x!tpu.dma_semaphore, #tpu.memory_space<semaphore_mem>>
    %dma_start3A_127 = tpu.memref_squeeze %dma_start3A_126 : memref<1x!tpu.dma_semaphore, #tpu.memory_space<semaphore_mem>> -> memref<!tpu.dma_semaphore, #tpu.memory_space<semaphore_mem>>
    %dma_start3A_128 = arith.constant 0 : i32
    %dma_start3A_129 = arith.constant 0 : i32
    %dma_start3A_130 = tpu.memref_slice %arg6[%dma_start3A_116, %dma_start3A_128, %dma_start3A_129] : memref<4x2x80xi32, #tpu.memory_space<vmem>> -> memref<1x2x80xi32, #tpu.memory_space<vmem>>
    %dma_start3A_131 = tpu.memref_squeeze %dma_start3A_130 : memref<1x2x80xi32, #tpu.memory_space<vmem>> -> memref<2x80xi32, #tpu.memory_space<vmem>>
    %dma_start3A_132 = arith.constant 0 : i32
    %dma_start3A_133 = arith.constant 0 : i32
    %dma_start3A_134 = tpu.memref_slice %arg4[%add3A, %dma_start3A_115, %dma_start3A_132, %dma_start3A_133] : memref<32x125x2x80xi32, #tpu.memory_space<hbm>> -> memref<1x1x2x80xi32, #tpu.memory_space<hbm>>
    %dma_start3A_135 = tpu.memref_squeeze %dma_start3A_134 : memref<1x1x2x80xi32, #tpu.memory_space<hbm>> -> memref<2x80xi32, #tpu.memory_space<hbm>>
    tpu.enqueue_dma source(%dma_start3A_135 : memref<2x80xi32, #tpu.memory_space<hbm>>) target(%dma_start3A_131 : memref<2x80xi32, #tpu.memory_space<vmem>>) target_semaphore(%dma_start3A_127 : memref<!tpu.dma_semaphore, #tpu.memory_space<semaphore_mem>>)
    %barrier3A = arith.constant 0 : index
    tpu.barrier barrier_id(%barrier3A)
    %scan3A_136 = arith.constant 0 : i32
    %scan3A_137 = arith.constant 0 : i32
    %scan3A_138 = arith.constant 125 : i32
    %scan3A_139 = arith.addi %scan3A_137, %scan3A_138 : i32
    %scan3A_140 = arith.constant 1 : i32
    %scan3A_141 = scf.for %scan3A_188 = %scan3A_137 to %scan3A_139 step %scan3A_140 iter_args(%scan3A_189 = %scan3A_136) -> (i32)  : i32 {
      %jit3A_190 = arith.constant 4 : i32
      %eq3A_191 = arith.constant 0 : i32
      %eq3A_192 = arith.cmpi eq, %jit3A_190, %eq3A_191 : i32
      %jit3A_193 = arith.constant 1 : i32
      %select_n3A_194 = arith.select %eq3A_192, %jit3A_193, %jit3A_190 : i32
      %rem3A_195 = arith.remsi %scan3A_188, %select_n3A_194 : i32
      %ne3A_196 = arith.constant 0 : i32
      %ne3A_197 = arith.cmpi ne, %rem3A_195, %ne3A_196 : i32
      %lt3A = arith.constant 0 : i32
      %lt3A_198 = arith.cmpi slt, %rem3A_195, %lt3A : i32
      %lt3A_199 = arith.constant 0 : i32
      %lt3A_200 = arith.cmpi slt, %select_n3A_194, %lt3A_199 : i32
      %ne3A_201 = arith.xori %lt3A_198, %lt3A_200 : i1
      %and3A_202 = arith.andi %ne3A_201, %ne3A_197 : i1
      %add3A_203 = arith.addi %rem3A_195, %select_n3A_194 : i32
      %select_n3A_204 = arith.select %and3A_202, %add3A_203, %rem3A_195 : i32
      %add3A_205 = arith.constant 1 : i32
      %add3A_206 = arith.addi %scan3A_188, %add3A_205 : i32
      %jit3A_207 = arith.constant 4 : i32
      %eq3A_208 = arith.constant 0 : i32
      %eq3A_209 = arith.cmpi eq, %jit3A_207, %eq3A_208 : i32
      %jit3A_210 = arith.constant 1 : i32
      %select_n3A_211 = arith.select %eq3A_209, %jit3A_210, %jit3A_207 : i32
      %rem3A_212 = arith.remsi %add3A_206, %select_n3A_211 : i32
      %ne3A_213 = arith.constant 0 : i32
      %ne3A_214 = arith.cmpi ne, %rem3A_212, %ne3A_213 : i32
      %lt3A_215 = arith.constant 0 : i32
      %lt3A_216 = arith.cmpi slt, %rem3A_212, %lt3A_215 : i32
      %lt3A_217 = arith.constant 0 : i32
      %lt3A_218 = arith.cmpi slt, %select_n3A_211, %lt3A_217 : i32
      %ne3A_219 = arith.xori %lt3A_216, %lt3A_218 : i1
      %and3A_220 = arith.andi %ne3A_219, %ne3A_214 : i1
      %add3A_221 = arith.addi %rem3A_212, %select_n3A_211 : i32
      %select_n3A_222 = arith.select %and3A_220, %add3A_221, %rem3A_212 : i32
      %jit3A_223 = arith.constant 2 : i32
      %eq3A_224 = arith.constant 0 : i32
      %eq3A_225 = arith.cmpi eq, %jit3A_223, %eq3A_224 : i32
      %jit3A_226 = arith.constant 1 : i32
      %select_n3A_227 = arith.select %eq3A_225, %jit3A_226, %jit3A_223 : i32
      %rem3A_228 = arith.remsi %scan3A_188, %select_n3A_227 : i32
      %ne3A_229 = arith.constant 0 : i32
      %ne3A_230 = arith.cmpi ne, %rem3A_228, %ne3A_229 : i32
      %lt3A_231 = arith.constant 0 : i32
      %lt3A_232 = arith.cmpi slt, %rem3A_228, %lt3A_231 : i32
      %lt3A_233 = arith.constant 0 : i32
      %lt3A_234 = arith.cmpi slt, %select_n3A_227, %lt3A_233 : i32
      %ne3A_235 = arith.xori %lt3A_232, %lt3A_234 : i1
      %and3A_236 = arith.andi %ne3A_235, %ne3A_230 : i1
      %add3A_237 = arith.addi %rem3A_228, %select_n3A_227 : i32
      %select_n3A_238 = arith.select %and3A_236, %add3A_237, %rem3A_228 : i32
      %add3A_239 = arith.constant 1 : i32
      %add3A_240 = arith.addi %scan3A_188, %add3A_239 : i32
      %jit3A_241 = arith.constant 2 : i32
      %eq3A_242 = arith.constant 0 : i32
      %eq3A_243 = arith.cmpi eq, %jit3A_241, %eq3A_242 : i32
      %jit3A_244 = arith.constant 1 : i32
      %select_n3A_245 = arith.select %eq3A_243, %jit3A_244, %jit3A_241 : i32
      %rem3A_246 = arith.remsi %add3A_240, %select_n3A_245 : i32
      %ne3A_247 = arith.constant 0 : i32
      %ne3A_248 = arith.cmpi ne, %rem3A_246, %ne3A_247 : i32
      %lt3A_249 = arith.constant 0 : i32
      %lt3A_250 = arith.cmpi slt, %rem3A_246, %lt3A_249 : i32
      %lt3A_251 = arith.constant 0 : i32
      %lt3A_252 = arith.cmpi slt, %select_n3A_245, %lt3A_251 : i32
      %ne3A_253 = arith.xori %lt3A_250, %lt3A_252 : i1
      %and3A_254 = arith.andi %ne3A_253, %ne3A_248 : i1
      %add3A_255 = arith.addi %rem3A_246, %select_n3A_245 : i32
      %select_n3A_256 = arith.select %and3A_254, %add3A_255, %rem3A_246 : i32
      %dma_wait3A_257 = arith.constant 0 : i32
      %dma_wait3A_258 = arith.constant 0 : i32
      %dma_wait3A_259 = arith.constant 0 : i32
      %dma_wait3A_260 = tpu.memref_slice %arg7[%select_n3A_238, %dma_wait3A_258, %dma_wait3A_259] : memref<2x80x128xf32, #tpu.memory_space<vmem>> -> memref<1x80x128xf32, #tpu.memory_space<vmem>>
      %dma_wait3A_261 = tpu.memref_squeeze %dma_wait3A_260 : memref<1x80x128xf32, #tpu.memory_space<vmem>> -> memref<80x128xf32, #tpu.memory_space<vmem>>
      %dma_wait3A_262 = arith.constant 0 : i32
      %dma_wait3A_263 = tpu.memref_slice %arg6[%select_n3A_204, %dma_wait3A_257, %dma_wait3A_262] : memref<4x2x80xi32, #tpu.memory_space<vmem>> -> memref<1x1x80xi32, #tpu.memory_space<vmem>>
      %dma_wait3A_264 = tpu.memref_squeeze %dma_wait3A_263 : memref<1x1x80xi32, #tpu.memory_space<vmem>> -> memref<80xi32, #tpu.memory_space<vmem>>
      %dma_wait3A_265 = arith.constant 0 : i32
      %dma_wait3A_266 = arith.constant 0 : i32
      %dma_wait3A_267 = tpu.memref_slice %arg2[%dma_wait3A_265, %dma_wait3A_266] : memref<10000x128xf32, #tpu.memory_space<hbm>> -> memref<10000x128xf32, #tpu.memory_space<hbm>>
      %dma_wait3A_268 = tpu.memref_slice %arg11[%select_n3A_238] : memref<2x!tpu.dma_semaphore, #tpu.memory_space<semaphore_mem>> -> memref<1x!tpu.dma_semaphore, #tpu.memory_space<semaphore_mem>>
      %dma_wait3A_269 = tpu.memref_squeeze %dma_wait3A_268 : memref<1x!tpu.dma_semaphore, #tpu.memory_space<semaphore_mem>> -> memref<!tpu.dma_semaphore, #tpu.memory_space<semaphore_mem>>
      tpu.wait_indirect_dma semaphore(%dma_wait3A_269 : memref<!tpu.dma_semaphore, #tpu.memory_space<semaphore_mem>>) src(%dma_wait3A_267 : memref<10000x128xf32, #tpu.memory_space<hbm>>) dst(%dma_wait3A_261 : memref<80x128xf32, #tpu.memory_space<vmem>>)
      %mul3A_270 = arith.constant 10000 : i32
      %mul3A_271 = arith.muli %add3A, %mul3A_270 : i32
      %mul3A_272 = arith.constant 80 : i32
      %mul3A_273 = arith.muli %scan3A_188, %mul3A_272 : i32
      %add3A_274 = arith.addi %mul3A_271, %mul3A_273 : i32
      %dma_wait3A_275 = arith.constant 0 : i32
      %dma_wait3A_276 = arith.constant 0 : i32
      %dma_wait3A_277 = tpu.memref_slice %arg8[%select_n3A_238, %dma_wait3A_275, %dma_wait3A_276] : memref<2x80x128xf32, #tpu.memory_space<vmem>> -> memref<1x80x128xf32, #tpu.memory_space<vmem>>
      %dma_wait3A_278 = tpu.memref_squeeze %dma_wait3A_277 : memref<1x80x128xf32, #tpu.memory_space<vmem>> -> memref<80x128xf32, #tpu.memory_space<vmem>>
      %dma_wait3A_279 = arith.constant 0 : i32
      %dma_wait3A_280 = tpu.memref_slice %arg3[%add3A_274, %dma_wait3A_279] : memref<320000x128xf32, #tpu.memory_space<hbm>> -> memref<80x128xf32, #tpu.memory_space<hbm>>
      %dma_wait3A_281 = tpu.memref_slice %arg12[%select_n3A_238] : memref<2x!tpu.dma_semaphore, #tpu.memory_space<semaphore_mem>> -> memref<1x!tpu.dma_semaphore, #tpu.memory_space<semaphore_mem>>
      %dma_wait3A_282 = tpu.memref_squeeze %dma_wait3A_281 : memref<1x!tpu.dma_semaphore, #tpu.memory_space<semaphore_mem>> -> memref<!tpu.dma_semaphore, #tpu.memory_space<semaphore_mem>>
      %dma_wait3A_283 = arith.constant 0 : i32
      %dma_wait3A_284 = arith.constant 0 : i32
      %dma_wait3A_285 = tpu.memref_slice %arg8[%select_n3A_238, %dma_wait3A_283, %dma_wait3A_284] : memref<2x80x128xf32, #tpu.memory_space<vmem>> -> memref<1x80x128xf32, #tpu.memory_space<vmem>>
      %dma_wait3A_286 = tpu.memref_squeeze %dma_wait3A_285 : memref<1x80x128xf32, #tpu.memory_space<vmem>> -> memref<80x128xf32, #tpu.memory_space<vmem>>
      %dma_wait3A_287 = arith.constant 0 : i32
      %dma_wait3A_288 = tpu.memref_slice %arg3[%add3A_274, %dma_wait3A_287] : memref<320000x128xf32, #tpu.memory_space<hbm>> -> memref<80x128xf32, #tpu.memory_space<hbm>>
      tpu.wait_dma2 semaphore(%dma_wait3A_282 : memref<!tpu.dma_semaphore, #tpu.memory_space<semaphore_mem>>) src(%dma_wait3A_288 : memref<80x128xf32, #tpu.memory_space<hbm>>) dst(%dma_wait3A_286 : memref<80x128xf32, #tpu.memory_space<vmem>>)
      %add3A_289 = arith.constant 1 : i32
      %add3A_290 = arith.addi %scan3A_188, %add3A_289 : i32
      %lt3A_291 = arith.constant 125 : i32
      %lt3A_292 = arith.cmpi slt, %add3A_290, %lt3A_291 : i32
      %convert_element_type3A = arith.extui %lt3A_292 : i1 to i32
      %cond3A = arith.constant 0 : i32
      %cond3A_293 = arith.cmpi ne, %convert_element_type3A, %cond3A : i32
      scf.if %cond3A_293 {
        %add3A_318 = arith.constant 1 : i32
        %add3A_319 = arith.addi %scan3A_188, %add3A_318 : i32
        %dma_wait3A_320 = arith.constant 0 : i32
        %dma_wait3A_321 = arith.constant 0 : i32
        %dma_wait3A_322 = tpu.memref_slice %arg6[%select_n3A_222, %dma_wait3A_320, %dma_wait3A_321] : memref<4x2x80xi32, #tpu.memory_space<vmem>> -> memref<1x2x80xi32, #tpu.memory_space<vmem>>
        %dma_wait3A_323 = tpu.memref_squeeze %dma_wait3A_322 : memref<1x2x80xi32, #tpu.memory_space<vmem>> -> memref<2x80xi32, #tpu.memory_space<vmem>>
        %dma_wait3A_324 = arith.constant 0 : i32
        %dma_wait3A_325 = arith.constant 0 : i32
        %dma_wait3A_326 = tpu.memref_slice %arg4[%add3A, %add3A_319, %dma_wait3A_324, %dma_wait3A_325] : memref<32x125x2x80xi32, #tpu.memory_space<hbm>> -> memref<1x1x2x80xi32, #tpu.memory_space<hbm>>
        %dma_wait3A_327 = tpu.memref_squeeze %dma_wait3A_326 : memref<1x1x2x80xi32, #tpu.memory_space<hbm>> -> memref<2x80xi32, #tpu.memory_space<hbm>>
        %dma_wait3A_328 = tpu.memref_slice %arg10[%select_n3A_222] : memref<4x!tpu.dma_semaphore, #tpu.memory_space<semaphore_mem>> -> memref<1x!tpu.dma_semaphore, #tpu.memory_space<semaphore_mem>>
        %dma_wait3A_329 = tpu.memref_squeeze %dma_wait3A_328 : memref<1x!tpu.dma_semaphore, #tpu.memory_space<semaphore_mem>> -> memref<!tpu.dma_semaphore, #tpu.memory_space<semaphore_mem>>
        %dma_wait3A_330 = arith.constant 0 : i32
        %dma_wait3A_331 = arith.constant 0 : i32
        %dma_wait3A_332 = tpu.memref_slice %arg6[%select_n3A_222, %dma_wait3A_330, %dma_wait3A_331] : memref<4x2x80xi32, #tpu.memory_space<vmem>> -> memref<1x2x80xi32, #tpu.memory_space<vmem>>
        %dma_wait3A_333 = tpu.memref_squeeze %dma_wait3A_332 : memref<1x2x80xi32, #tpu.memory_space<vmem>> -> memref<2x80xi32, #tpu.memory_space<vmem>>
        %dma_wait3A_334 = arith.constant 0 : i32
        %dma_wait3A_335 = arith.constant 0 : i32
        %dma_wait3A_336 = tpu.memref_slice %arg4[%add3A, %add3A_319, %dma_wait3A_334, %dma_wait3A_335] : memref<32x125x2x80xi32, #tpu.memory_space<hbm>> -> memref<1x1x2x80xi32, #tpu.memory_space<hbm>>
        %dma_wait3A_337 = tpu.memref_squeeze %dma_wait3A_336 : memref<1x1x2x80xi32, #tpu.memory_space<hbm>> -> memref<2x80xi32, #tpu.memory_space<hbm>>
        tpu.wait_dma2 semaphore(%dma_wait3A_329 : memref<!tpu.dma_semaphore, #tpu.memory_space<semaphore_mem>>) src(%dma_wait3A_337 : memref<2x80xi32, #tpu.memory_space<hbm>>) dst(%dma_wait3A_333 : memref<2x80xi32, #tpu.memory_space<vmem>>)
        %ge3A = arith.constant 1 : i32
        %ge3A_338 = arith.cmpi sge, %scan3A_188, %ge3A : i32
        %convert_element_type3A_339 = arith.extui %ge3A_338 : i1 to i32
        %cond3A_340 = arith.constant 0 : i32
        %cond3A_341 = arith.cmpi ne, %convert_element_type3A_339, %cond3A_340 : i32
        scf.if %cond3A_341 {
          %dma_wait3A_415 = arith.constant 1 : i32
          %dma_wait3A_416 = arith.constant 0 : i32
          %dma_wait3A_417 = arith.constant 0 : i32
          %dma_wait3A_418 = tpu.memref_slice %arg7[%select_n3A_256, %dma_wait3A_416, %dma_wait3A_417] : memref<2x80x128xf32, #tpu.memory_space<vmem>> -> memref<1x80x128xf32, #tpu.memory_space<vmem>>
          %dma_wait3A_419 = tpu.memref_squeeze %dma_wait3A_418 : memref<1x80x128xf32, #tpu.memory_space<vmem>> -> memref<80x128xf32, #tpu.memory_space<vmem>>
          %dma_wait3A_420 = arith.constant 0 : i32
          %dma_wait3A_421 = tpu.memref_slice %arg6[%select_n3A_222, %dma_wait3A_415, %dma_wait3A_420] : memref<4x2x80xi32, #tpu.memory_space<vmem>> -> memref<1x1x80xi32, #tpu.memory_space<vmem>>
          %dma_wait3A_422 = tpu.memref_squeeze %dma_wait3A_421 : memref<1x1x80xi32, #tpu.memory_space<vmem>> -> memref<80xi32, #tpu.memory_space<vmem>>
          %dma_wait3A_423 = arith.constant 0 : i32
          %dma_wait3A_424 = arith.constant 0 : i32
          %dma_wait3A_425 = tpu.memref_slice %arg9[%dma_wait3A_423, %dma_wait3A_424] : memref<10000x128xf32, #tpu.memory_space<vmem_shared>> -> memref<10000x128xf32, #tpu.memory_space<vmem_shared>>
          %dma_wait3A_426 = tpu.memref_slice %arg13[%select_n3A_256] : memref<2x!tpu.dma_semaphore, #tpu.memory_space<semaphore_mem>> -> memref<1x!tpu.dma_semaphore, #tpu.memory_space<semaphore_mem>>
          %dma_wait3A_427 = tpu.memref_squeeze %dma_wait3A_426 : memref<1x!tpu.dma_semaphore, #tpu.memory_space<semaphore_mem>> -> memref<!tpu.dma_semaphore, #tpu.memory_space<semaphore_mem>>
          tpu.wait_indirect_dma semaphore(%dma_wait3A_427 : memref<!tpu.dma_semaphore, #tpu.memory_space<semaphore_mem>>) src(%dma_wait3A_419 : memref<80x128xf32, #tpu.memory_space<vmem>>) dst(%dma_wait3A_425 : memref<10000x128xf32, #tpu.memory_space<vmem_shared>>)
        } else {
        }
        %add3A_342 = arith.constant 1 : i32
        %add3A_343 = arith.addi %scan3A_188, %add3A_342 : i32
        %jit3A_344 = arith.constant 4 : i32
        %eq3A_345 = arith.constant 0 : i32
        %eq3A_346 = arith.cmpi eq, %jit3A_344, %eq3A_345 : i32
        %jit3A_347 = arith.constant 1 : i32
        %select_n3A_348 = arith.select %eq3A_346, %jit3A_347, %jit3A_344 : i32
        %rem3A_349 = arith.remsi %add3A_343, %select_n3A_348 : i32
        %ne3A_350 = arith.constant 0 : i32
        %ne3A_351 = arith.cmpi ne, %rem3A_349, %ne3A_350 : i32
        %lt3A_352 = arith.constant 0 : i32
        %lt3A_353 = arith.cmpi slt, %rem3A_349, %lt3A_352 : i32
        %lt3A_354 = arith.constant 0 : i32
        %lt3A_355 = arith.cmpi slt, %select_n3A_348, %lt3A_354 : i32
        %ne3A_356 = arith.xori %lt3A_353, %lt3A_355 : i1
        %and3A_357 = arith.andi %ne3A_356, %ne3A_351 : i1
        %add3A_358 = arith.addi %rem3A_349, %select_n3A_348 : i32
        %select_n3A_359 = arith.select %and3A_357, %add3A_358, %rem3A_349 : i32
        %jit3A_360 = arith.constant 2 : i32
        %eq3A_361 = arith.constant 0 : i32
        %eq3A_362 = arith.cmpi eq, %jit3A_360, %eq3A_361 : i32
        %jit3A_363 = arith.constant 1 : i32
        %select_n3A_364 = arith.select %eq3A_362, %jit3A_363, %jit3A_360 : i32
        %rem3A_365 = arith.remsi %add3A_343, %select_n3A_364 : i32
        %ne3A_366 = arith.constant 0 : i32
        %ne3A_367 = arith.cmpi ne, %rem3A_365, %ne3A_366 : i32
        %lt3A_368 = arith.constant 0 : i32
        %lt3A_369 = arith.cmpi slt, %rem3A_365, %lt3A_368 : i32
        %lt3A_370 = arith.constant 0 : i32
        %lt3A_371 = arith.cmpi slt, %select_n3A_364, %lt3A_370 : i32
        %ne3A_372 = arith.xori %lt3A_369, %lt3A_371 : i1
        %and3A_373 = arith.andi %ne3A_372, %ne3A_367 : i1
        %add3A_374 = arith.addi %rem3A_365, %select_n3A_364 : i32
        %select_n3A_375 = arith.select %and3A_373, %add3A_374, %rem3A_365 : i32
        %dma_start3A_376 = arith.constant 0 : i32
        %dma_start3A_377 = arith.constant 0 : i32
        %dma_start3A_378 = arith.constant 0 : i32
        %dma_start3A_379 = tpu.memref_slice %arg7[%select_n3A_375, %dma_start3A_377, %dma_start3A_378] : memref<2x80x128xf32, #tpu.memory_space<vmem>> -> memref<1x80x128xf32, #tpu.memory_space<vmem>>
        %dma_start3A_380 = tpu.memref_squeeze %dma_start3A_379 : memref<1x80x128xf32, #tpu.memory_space<vmem>> -> memref<80x128xf32, #tpu.memory_space<vmem>>
        %dma_start3A_381 = arith.constant 0 : i32
        %dma_start3A_382 = tpu.memref_slice %arg6[%select_n3A_359, %dma_start3A_376, %dma_start3A_381] : memref<4x2x80xi32, #tpu.memory_space<vmem>> -> memref<1x1x80xi32, #tpu.memory_space<vmem>>
        %dma_start3A_383 = tpu.memref_squeeze %dma_start3A_382 : memref<1x1x80xi32, #tpu.memory_space<vmem>> -> memref<80xi32, #tpu.memory_space<vmem>>
        %dma_start3A_384 = arith.constant 0 : i32
        %dma_start3A_385 = arith.constant 0 : i32
        %dma_start3A_386 = tpu.memref_slice %arg2[%dma_start3A_384, %dma_start3A_385] : memref<10000x128xf32, #tpu.memory_space<hbm>> -> memref<10000x128xf32, #tpu.memory_space<hbm>>
        %dma_start3A_387 = tpu.memref_slice %arg11[%select_n3A_375] : memref<2x!tpu.dma_semaphore, #tpu.memory_space<semaphore_mem>> -> memref<1x!tpu.dma_semaphore, #tpu.memory_space<semaphore_mem>>
        %dma_start3A_388 = tpu.memref_squeeze %dma_start3A_387 : memref<1x!tpu.dma_semaphore, #tpu.memory_space<semaphore_mem>> -> memref<!tpu.dma_semaphore, #tpu.memory_space<semaphore_mem>>
        tpu.enqueue_indirect_dma source(%dma_start3A_386 : memref<10000x128xf32, #tpu.memory_space<hbm>>) target(%dma_start3A_380 : memref<80x128xf32, #tpu.memory_space<vmem>>) offsets(%dma_start3A_383 : memref<80xi32, #tpu.memory_space<vmem>>) semaphore(%dma_start3A_388 : memref<!tpu.dma_semaphore, #tpu.memory_space<semaphore_mem>>)
        %mul3A_389 = arith.constant 10000 : i32
        %mul3A_390 = arith.muli %add3A, %mul3A_389 : i32
        %mul3A_391 = arith.constant 80 : i32
        %mul3A_392 = arith.muli %add3A_343, %mul3A_391 : i32
        %add3A_393 = arith.addi %mul3A_390, %mul3A_392 : i32
        %dma_start3A_394 = arith.constant 0 : i32
        %dma_start3A_395 = arith.constant 0 : i32
        %dma_start3A_396 = tpu.memref_slice %arg8[%select_n3A_375, %dma_start3A_394, %dma_start3A_395] : memref<2x80x128xf32, #tpu.memory_space<vmem>> -> memref<1x80x128xf32, #tpu.memory_space<vmem>>
        %dma_start3A_397 = tpu.memref_squeeze %dma_start3A_396 : memref<1x80x128xf32, #tpu.memory_space<vmem>> -> memref<80x128xf32, #tpu.memory_space<vmem>>
        %dma_start3A_398 = arith.constant 0 : i32
        %dma_start3A_399 = tpu.memref_slice %arg3[%add3A_393, %dma_start3A_398] : memref<320000x128xf32, #tpu.memory_space<hbm>> -> memref<80x128xf32, #tpu.memory_space<hbm>>
        %dma_start3A_400 = tpu.memref_slice %arg12[%select_n3A_375] : memref<2x!tpu.dma_semaphore, #tpu.memory_space<semaphore_mem>> -> memref<1x!tpu.dma_semaphore, #tpu.memory_space<semaphore_mem>>
        %dma_start3A_401 = tpu.memref_squeeze %dma_start3A_400 : memref<1x!tpu.dma_semaphore, #tpu.memory_space<semaphore_mem>> -> memref<!tpu.dma_semaphore, #tpu.memory_space<semaphore_mem>>
        %dma_start3A_402 = arith.constant 0 : i32
        %dma_start3A_403 = arith.constant 0 : i32
        %dma_start3A_404 = tpu.memref_slice %arg8[%select_n3A_375, %dma_start3A_402, %dma_start3A_403] : memref<2x80x128xf32, #tpu.memory_space<vmem>> -> memref<1x80x128xf32, #tpu.memory_space<vmem>>
        %dma_start3A_405 = tpu.memref_squeeze %dma_start3A_404 : memref<1x80x128xf32, #tpu.memory_space<vmem>> -> memref<80x128xf32, #tpu.memory_space<vmem>>
        %dma_start3A_406 = arith.constant 0 : i32
        %dma_start3A_407 = tpu.memref_slice %arg3[%add3A_393, %dma_start3A_406] : memref<320000x128xf32, #tpu.memory_space<hbm>> -> memref<80x128xf32, #tpu.memory_space<hbm>>
        tpu.enqueue_dma source(%dma_start3A_407 : memref<80x128xf32, #tpu.memory_space<hbm>>) target(%dma_start3A_405 : memref<80x128xf32, #tpu.memory_space<vmem>>) target_semaphore(%dma_start3A_401 : memref<!tpu.dma_semaphore, #tpu.memory_space<semaphore_mem>>)
        %add3A_408 = arith.constant 2 : i32
        %add3A_409 = arith.addi %scan3A_188, %add3A_408 : i32
        %lt3A_410 = arith.constant 125 : i32
        %lt3A_411 = arith.cmpi slt, %add3A_409, %lt3A_410 : i32
        %convert_element_type3A_412 = arith.extui %lt3A_411 : i1 to i32
        %cond3A_413 = arith.constant 0 : i32
        %cond3A_414 = arith.cmpi ne, %convert_element_type3A_412, %cond3A_413 : i32
        scf.if %cond3A_414 {
          %add3A_415 = arith.constant 2 : i32
          %add3A_416 = arith.addi %scan3A_188, %add3A_415 : i32
          %jit3A_417 = arith.constant 4 : i32
          %eq3A_418 = arith.constant 0 : i32
          %eq3A_419 = arith.cmpi eq, %jit3A_417, %eq3A_418 : i32
          %jit3A_420 = arith.constant 1 : i32
          %select_n3A_421 = arith.select %eq3A_419, %jit3A_420, %jit3A_417 : i32
          %rem3A_422 = arith.remsi %add3A_416, %select_n3A_421 : i32
          %ne3A_423 = arith.constant 0 : i32
          %ne3A_424 = arith.cmpi ne, %rem3A_422, %ne3A_423 : i32
          %lt3A_425 = arith.constant 0 : i32
          %lt3A_426 = arith.cmpi slt, %rem3A_422, %lt3A_425 : i32
          %lt3A_427 = arith.constant 0 : i32
          %lt3A_428 = arith.cmpi slt, %select_n3A_421, %lt3A_427 : i32
          %ne3A_429 = arith.xori %lt3A_426, %lt3A_428 : i1
          %and3A_430 = arith.andi %ne3A_429, %ne3A_424 : i1
          %add3A_431 = arith.addi %rem3A_422, %select_n3A_421 : i32
          %select_n3A_432 = arith.select %and3A_430, %add3A_431, %rem3A_422 : i32
          %jit3A_433 = arith.constant 4 : i32
          %eq3A_434 = arith.constant 0 : i32
          %eq3A_435 = arith.cmpi eq, %jit3A_433, %eq3A_434 : i32
          %jit3A_436 = arith.constant 1 : i32
          %select_n3A_437 = arith.select %eq3A_435, %jit3A_436, %jit3A_433 : i32
          %rem3A_438 = arith.remsi %add3A_416, %select_n3A_437 : i32
          %ne3A_439 = arith.constant 0 : i32
          %ne3A_440 = arith.cmpi ne, %rem3A_438, %ne3A_439 : i32
          %lt3A_441 = arith.constant 0 : i32
          %lt3A_442 = arith.cmpi slt, %rem3A_438, %lt3A_441 : i32
          %lt3A_443 = arith.constant 0 : i32
          %lt3A_444 = arith.cmpi slt, %select_n3A_437, %lt3A_443 : i32
          %ne3A_445 = arith.xori %lt3A_442, %lt3A_444 : i1
          %and3A_446 = arith.andi %ne3A_445, %ne3A_440 : i1
          %add3A_447 = arith.addi %rem3A_438, %select_n3A_437 : i32
          %select_n3A_448 = arith.select %and3A_446, %add3A_447, %rem3A_438 : i32
          %dma_start3A_449 = arith.constant 0 : i32
          %dma_start3A_450 = arith.constant 0 : i32
          %dma_start3A_451 = tpu.memref_slice %arg6[%select_n3A_432, %dma_start3A_449, %dma_start3A_450] : memref<4x2x80xi32, #tpu.memory_space<vmem>> -> memref<1x2x80xi32, #tpu.memory_space<vmem>>
          %dma_start3A_452 = tpu.memref_squeeze %dma_start3A_451 : memref<1x2x80xi32, #tpu.memory_space<vmem>> -> memref<2x80xi32, #tpu.memory_space<vmem>>
          %dma_start3A_453 = arith.constant 0 : i32
          %dma_start3A_454 = arith.constant 0 : i32
          %dma_start3A_455 = tpu.memref_slice %arg4[%add3A, %add3A_416, %dma_start3A_453, %dma_start3A_454] : memref<32x125x2x80xi32, #tpu.memory_space<hbm>> -> memref<1x1x2x80xi32, #tpu.memory_space<hbm>>
          %dma_start3A_456 = tpu.memref_squeeze %dma_start3A_455 : memref<1x1x2x80xi32, #tpu.memory_space<hbm>> -> memref<2x80xi32, #tpu.memory_space<hbm>>
          %dma_start3A_457 = tpu.memref_slice %arg10[%select_n3A_448] : memref<4x!tpu.dma_semaphore, #tpu.memory_space<semaphore_mem>> -> memref<1x!tpu.dma_semaphore, #tpu.memory_space<semaphore_mem>>
          %dma_start3A_458 = tpu.memref_squeeze %dma_start3A_457 : memref<1x!tpu.dma_semaphore, #tpu.memory_space<semaphore_mem>> -> memref<!tpu.dma_semaphore, #tpu.memory_space<semaphore_mem>>
          %dma_start3A_459 = arith.constant 0 : i32
          %dma_start3A_460 = arith.constant 0 : i32
          %dma_start3A_461 = tpu.memref_slice %arg6[%select_n3A_432, %dma_start3A_459, %dma_start3A_460] : memref<4x2x80xi32, #tpu.memory_space<vmem>> -> memref<1x2x80xi32, #tpu.memory_space<vmem>>
          %dma_start3A_462 = tpu.memref_squeeze %dma_start3A_461 : memref<1x2x80xi32, #tpu.memory_space<vmem>> -> memref<2x80xi32, #tpu.memory_space<vmem>>
          %dma_start3A_463 = arith.constant 0 : i32
          %dma_start3A_464 = arith.constant 0 : i32
          %dma_start3A_465 = tpu.memref_slice %arg4[%add3A, %add3A_416, %dma_start3A_463, %dma_start3A_464] : memref<32x125x2x80xi32, #tpu.memory_space<hbm>> -> memref<1x1x2x80xi32, #tpu.memory_space<hbm>>
          %dma_start3A_466 = tpu.memref_squeeze %dma_start3A_465 : memref<1x1x2x80xi32, #tpu.memory_space<hbm>> -> memref<2x80xi32, #tpu.memory_space<hbm>>
          tpu.enqueue_dma source(%dma_start3A_466 : memref<2x80xi32, #tpu.memory_space<hbm>>) target(%dma_start3A_462 : memref<2x80xi32, #tpu.memory_space<vmem>>) target_semaphore(%dma_start3A_458 : memref<!tpu.dma_semaphore, #tpu.memory_space<semaphore_mem>>)
        } else {
        }
      } else {
      }
      %eq3A_294 = arith.constant 0 : i32
      %eq3A_295 = arith.cmpi eq, %select_n3A_238, %eq3A_294 : i32
      %convert_element_type3A_296 = arith.extui %eq3A_295 : i1 to i32
      %cond3A_297 = arith.constant 0 : i32
      %cond3A_298 = arith.cmpi ne, %convert_element_type3A_296, %cond3A_297 : i32
      scf.if %cond3A_298 {
        %scan3A_318 = arith.constant 0 : i32
        %scan3A_319 = arith.constant 0 : i32
        %scan3A_320 = arith.constant 80 : i32
        %scan3A_321 = arith.addi %scan3A_319, %scan3A_320 : i32
        %scan3A_322 = arith.constant 1 : i32
        %scan3A_323 = scf.for %scan3A_325 = %scan3A_319 to %scan3A_321 step %scan3A_322 iter_args(%scan3A_326 = %scan3A_318) -> (i32)  : i32 {
          %get3A = arith.constant 0 : i32
          %get3A_327 = arith.index_cast %get3A : i32 to index
          %get3A_328 = arith.index_cast %scan3A_325 : i32 to index
          %get3A_329 = arith.constant 0 : index
          %get3A_330 = tpu.vector_load %arg7[%get3A_327, %get3A_328, %get3A_329] {strides = array<i32>} : memref<2x80x128xf32, #tpu.memory_space<vmem>>, vector<1x1x16xf32>,
          %get3A_331 = vector.shape_cast %get3A_330 : vector<1x1x16xf32> to vector<16xf32>
          %get3A_332 = arith.constant 0 : i32
          %get3A_333 = arith.index_cast %get3A_332 : i32 to index
          %get3A_334 = arith.index_cast %scan3A_325 : i32 to index
          %get3A_335 = arith.constant 16 : index
          %get3A_336 = tpu.vector_load %arg7[%get3A_333, %get3A_334, %get3A_335] {strides = array<i32>} : memref<2x80x128xf32, #tpu.memory_space<vmem>>, vector<1x1x16xf32>,
          %get3A_337 = vector.shape_cast %get3A_336 : vector<1x1x16xf32> to vector<16xf32>
          %get3A_338 = arith.constant 0 : i32
          %get3A_339 = arith.index_cast %get3A_338 : i32 to index
          %get3A_340 = arith.index_cast %scan3A_325 : i32 to index
          %get3A_341 = arith.constant 32 : index
          %get3A_342 = tpu.vector_load %arg7[%get3A_339, %get3A_340, %get3A_341] {strides = array<i32>} : memref<2x80x128xf32, #tpu.memory_space<vmem>>, vector<1x1x16xf32>,
          %get3A_343 = vector.shape_cast %get3A_342 : vector<1x1x16xf32> to vector<16xf32>
          %get3A_344 = arith.constant 0 : i32
          %get3A_345 = arith.index_cast %get3A_344 : i32 to index
          %get3A_346 = arith.index_cast %scan3A_325 : i32 to index
          %get3A_347 = arith.constant 48 : index
          %get3A_348 = tpu.vector_load %arg7[%get3A_345, %get3A_346, %get3A_347] {strides = array<i32>} : memref<2x80x128xf32, #tpu.memory_space<vmem>>, vector<1x1x16xf32>,
          %get3A_349 = vector.shape_cast %get3A_348 : vector<1x1x16xf32> to vector<16xf32>
          %get3A_350 = arith.constant 0 : i32
          %get3A_351 = arith.index_cast %get3A_350 : i32 to index
          %get3A_352 = arith.index_cast %scan3A_325 : i32 to index
          %get3A_353 = arith.constant 64 : index
          %get3A_354 = tpu.vector_load %arg7[%get3A_351, %get3A_352, %get3A_353] {strides = array<i32>} : memref<2x80x128xf32, #tpu.memory_space<vmem>>, vector<1x1x16xf32>,
          %get3A_355 = vector.shape_cast %get3A_354 : vector<1x1x16xf32> to vector<16xf32>
          %get3A_356 = arith.constant 0 : i32
          %get3A_357 = arith.index_cast %get3A_356 : i32 to index
          %get3A_358 = arith.index_cast %scan3A_325 : i32 to index
          %get3A_359 = arith.constant 80 : index
          %get3A_360 = tpu.vector_load %arg7[%get3A_357, %get3A_358, %get3A_359] {strides = array<i32>} : memref<2x80x128xf32, #tpu.memory_space<vmem>>, vector<1x1x16xf32>,
          %get3A_361 = vector.shape_cast %get3A_360 : vector<1x1x16xf32> to vector<16xf32>
          %get3A_362 = arith.constant 0 : i32
          %get3A_363 = arith.index_cast %get3A_362 : i32 to index
          %get3A_364 = arith.index_cast %scan3A_325 : i32 to index
          %get3A_365 = arith.constant 96 : index
          %get3A_366 = tpu.vector_load %arg7[%get3A_363, %get3A_364, %get3A_365] {strides = array<i32>} : memref<2x80x128xf32, #tpu.memory_space<vmem>>, vector<1x1x16xf32>,
          %get3A_367 = vector.shape_cast %get3A_366 : vector<1x1x16xf32> to vector<16xf32>
          %get3A_368 = arith.constant 0 : i32
          %get3A_369 = arith.index_cast %get3A_368 : i32 to index
          %get3A_370 = arith.index_cast %scan3A_325 : i32 to index
          %get3A_371 = arith.constant 112 : index
          %get3A_372 = tpu.vector_load %arg7[%get3A_369, %get3A_370, %get3A_371] {strides = array<i32>} : memref<2x80x128xf32, #tpu.memory_space<vmem>>, vector<1x1x16xf32>,
          %get3A_373 = vector.shape_cast %get3A_372 : vector<1x1x16xf32> to vector<16xf32>
          %get3A_374 = arith.constant 0 : i32
          %get3A_375 = arith.index_cast %get3A_374 : i32 to index
          %get3A_376 = arith.index_cast %scan3A_325 : i32 to index
          %get3A_377 = arith.constant 0 : index
          %get3A_378 = tpu.vector_load %arg8[%get3A_375, %get3A_376, %get3A_377] {strides = array<i32>} : memref<2x80x128xf32, #tpu.memory_space<vmem>>, vector<1x1x16xf32>,
          %get3A_379 = vector.shape_cast %get3A_378 : vector<1x1x16xf32> to vector<16xf32>
          %get3A_380 = arith.constant 0 : i32
          %get3A_381 = arith.index_cast %get3A_380 : i32 to index
          %get3A_382 = arith.index_cast %scan3A_325 : i32 to index
          %get3A_383 = arith.constant 16 : index
          %get3A_384 = tpu.vector_load %arg8[%get3A_381, %get3A_382, %get3A_383] {strides = array<i32>} : memref<2x80x128xf32, #tpu.memory_space<vmem>>, vector<1x1x16xf32>,
          %get3A_385 = vector.shape_cast %get3A_384 : vector<1x1x16xf32> to vector<16xf32>
          %get3A_386 = arith.constant 0 : i32
          %get3A_387 = arith.index_cast %get3A_386 : i32 to index
          %get3A_388 = arith.index_cast %scan3A_325 : i32 to index
          %get3A_389 = arith.constant 32 : index
          %get3A_390 = tpu.vector_load %arg8[%get3A_387, %get3A_388, %get3A_389] {strides = array<i32>} : memref<2x80x128xf32, #tpu.memory_space<vmem>>, vector<1x1x16xf32>,
          %get3A_391 = vector.shape_cast %get3A_390 : vector<1x1x16xf32> to vector<16xf32>
          %get3A_392 = arith.constant 0 : i32
          %get3A_393 = arith.index_cast %get3A_392 : i32 to index
          %get3A_394 = arith.index_cast %scan3A_325 : i32 to index
          %get3A_395 = arith.constant 48 : index
          %get3A_396 = tpu.vector_load %arg8[%get3A_393, %get3A_394, %get3A_395] {strides = array<i32>} : memref<2x80x128xf32, #tpu.memory_space<vmem>>, vector<1x1x16xf32>,
          %get3A_397 = vector.shape_cast %get3A_396 : vector<1x1x16xf32> to vector<16xf32>
          %get3A_398 = arith.constant 0 : i32
          %get3A_399 = arith.index_cast %get3A_398 : i32 to index
          %get3A_400 = arith.index_cast %scan3A_325 : i32 to index
          %get3A_401 = arith.constant 64 : index
          %get3A_402 = tpu.vector_load %arg8[%get3A_399, %get3A_400, %get3A_401] {strides = array<i32>} : memref<2x80x128xf32, #tpu.memory_space<vmem>>, vector<1x1x16xf32>,
          %get3A_403 = vector.shape_cast %get3A_402 : vector<1x1x16xf32> to vector<16xf32>
          %get3A_404 = arith.constant 0 : i32
          %get3A_405 = arith.index_cast %get3A_404 : i32 to index
          %get3A_406 = arith.index_cast %scan3A_325 : i32 to index
          %get3A_407 = arith.constant 80 : index
          %get3A_408 = tpu.vector_load %arg8[%get3A_405, %get3A_406, %get3A_407] {strides = array<i32>} : memref<2x80x128xf32, #tpu.memory_space<vmem>>, vector<1x1x16xf32>,
          %get3A_409 = vector.shape_cast %get3A_408 : vector<1x1x16xf32> to vector<16xf32>
          %get3A_410 = arith.constant 0 : i32
          %get3A_411 = arith.index_cast %get3A_410 : i32 to index
          %get3A_412 = arith.index_cast %scan3A_325 : i32 to index
          %get3A_413 = arith.constant 96 : index
          %get3A_414 = tpu.vector_load %arg8[%get3A_411, %get3A_412, %get3A_413] {strides = array<i32>} : memref<2x80x128xf32, #tpu.memory_space<vmem>>, vector<1x1x16xf32>,
          %get3A_415 = vector.shape_cast %get3A_414 : vector<1x1x16xf32> to vector<16xf32>
          %get3A_416 = arith.constant 0 : i32
          %get3A_417 = arith.index_cast %get3A_416 : i32 to index
          %get3A_418 = arith.index_cast %scan3A_325 : i32 to index
          %get3A_419 = arith.constant 112 : index
          %get3A_420 = tpu.vector_load %arg8[%get3A_417, %get3A_418, %get3A_419] {strides = array<i32>} : memref<2x80x128xf32, #tpu.memory_space<vmem>>, vector<1x1x16xf32>,
          %get3A_421 = vector.shape_cast %get3A_420 : vector<1x1x16xf32> to vector<16xf32>
          %add3A_422 = arith.addf %get3A_331, %get3A_379 : vector<16xf32>
          %max3A = arith.constant 0.000000e+00 : f32
          %max3A_423 = vector.broadcast %max3A : f32 to vector<16xf32>
          %max3A_424 = arith.maximumf %add3A_422, %max3A_423 : vector<16xf32>
          %add3A_425 = arith.addf %get3A_337, %get3A_385 : vector<16xf32>
          %max3A_426 = arith.constant 0.000000e+00 : f32
          %max3A_427 = vector.broadcast %max3A_426 : f32 to vector<16xf32>
          %max3A_428 = arith.maximumf %add3A_425, %max3A_427 : vector<16xf32>
          %add3A_429 = arith.addf %get3A_343, %get3A_391 : vector<16xf32>
          %max3A_430 = arith.constant 0.000000e+00 : f32
          %max3A_431 = vector.broadcast %max3A_430 : f32 to vector<16xf32>
          %max3A_432 = arith.maximumf %add3A_429, %max3A_431 : vector<16xf32>
          %add3A_433 = arith.addf %get3A_349, %get3A_397 : vector<16xf32>
          %max3A_434 = arith.constant 0.000000e+00 : f32
          %max3A_435 = vector.broadcast %max3A_434 : f32 to vector<16xf32>
          %max3A_436 = arith.maximumf %add3A_433, %max3A_435 : vector<16xf32>
          %add3A_437 = arith.addf %get3A_355, %get3A_403 : vector<16xf32>
          %max3A_438 = arith.constant 0.000000e+00 : f32
          %max3A_439 = vector.broadcast %max3A_438 : f32 to vector<16xf32>
          %max3A_440 = arith.maximumf %add3A_437, %max3A_439 : vector<16xf32>
          %add3A_441 = arith.addf %get3A_361, %get3A_409 : vector<16xf32>
          %max3A_442 = arith.constant 0.000000e+00 : f32
          %max3A_443 = vector.broadcast %max3A_442 : f32 to vector<16xf32>
          %max3A_444 = arith.maximumf %add3A_441, %max3A_443 : vector<16xf32>
          %add3A_445 = arith.addf %get3A_367, %get3A_415 : vector<16xf32>
          %max3A_446 = arith.constant 0.000000e+00 : f32
          %max3A_447 = vector.broadcast %max3A_446 : f32 to vector<16xf32>
          %max3A_448 = arith.maximumf %add3A_445, %max3A_447 : vector<16xf32>
          %add3A_449 = arith.addf %get3A_373, %get3A_421 : vector<16xf32>
          %max3A_450 = arith.constant 0.000000e+00 : f32
          %max3A_451 = vector.broadcast %max3A_450 : f32 to vector<16xf32>
          %max3A_452 = arith.maximumf %add3A_449, %max3A_451 : vector<16xf32>
          %swap3A = arith.constant 0 : i32
          %swap3A_453 = arith.index_cast %swap3A : i32 to index
          %swap3A_454 = arith.index_cast %scan3A_325 : i32 to index
          %swap3A_455 = arith.constant 0 : index
          %swap3A_456 = tpu.vector_load %arg7[%swap3A_453, %swap3A_454, %swap3A_455] {strides = array<i32>} : memref<2x80x128xf32, #tpu.memory_space<vmem>>, vector<1x1x16xf32>,
          %swap3A_457 = vector.shape_cast %swap3A_456 : vector<1x1x16xf32> to vector<16xf32>
          %swap3A_458 = vector.shape_cast %max3A_424 : vector<16xf32> to vector<1x1x16xf32>
          tpu.vector_store %arg7[%swap3A_453, %swap3A_454, %swap3A_455], %swap3A_458 {strides = array<i32>} : memref<2x80x128xf32, #tpu.memory_space<vmem>>, vector<1x1x16xf32>,
          %swap3A_459 = arith.constant 0 : i32
          %swap3A_460 = arith.index_cast %swap3A_459 : i32 to index
          %swap3A_461 = arith.index_cast %scan3A_325 : i32 to index
          %swap3A_462 = arith.constant 16 : index
          %swap3A_463 = tpu.vector_load %arg7[%swap3A_460, %swap3A_461, %swap3A_462] {strides = array<i32>} : memref<2x80x128xf32, #tpu.memory_space<vmem>>, vector<1x1x16xf32>,
          %swap3A_464 = vector.shape_cast %swap3A_463 : vector<1x1x16xf32> to vector<16xf32>
          %swap3A_465 = vector.shape_cast %max3A_428 : vector<16xf32> to vector<1x1x16xf32>
          tpu.vector_store %arg7[%swap3A_460, %swap3A_461, %swap3A_462], %swap3A_465 {strides = array<i32>} : memref<2x80x128xf32, #tpu.memory_space<vmem>>, vector<1x1x16xf32>,
          %swap3A_466 = arith.constant 0 : i32
          %swap3A_467 = arith.index_cast %swap3A_466 : i32 to index
          %swap3A_468 = arith.index_cast %scan3A_325 : i32 to index
          %swap3A_469 = arith.constant 32 : index
          %swap3A_470 = tpu.vector_load %arg7[%swap3A_467, %swap3A_468, %swap3A_469] {strides = array<i32>} : memref<2x80x128xf32, #tpu.memory_space<vmem>>, vector<1x1x16xf32>,
          %swap3A_471 = vector.shape_cast %swap3A_470 : vector<1x1x16xf32> to vector<16xf32>
          %swap3A_472 = vector.shape_cast %max3A_432 : vector<16xf32> to vector<1x1x16xf32>
          tpu.vector_store %arg7[%swap3A_467, %swap3A_468, %swap3A_469], %swap3A_472 {strides = array<i32>} : memref<2x80x128xf32, #tpu.memory_space<vmem>>, vector<1x1x16xf32>,
          %swap3A_473 = arith.constant 0 : i32
          %swap3A_474 = arith.index_cast %swap3A_473 : i32 to index
          %swap3A_475 = arith.index_cast %scan3A_325 : i32 to index
          %swap3A_476 = arith.constant 48 : index
          %swap3A_477 = tpu.vector_load %arg7[%swap3A_474, %swap3A_475, %swap3A_476] {strides = array<i32>} : memref<2x80x128xf32, #tpu.memory_space<vmem>>, vector<1x1x16xf32>,
          %swap3A_478 = vector.shape_cast %swap3A_477 : vector<1x1x16xf32> to vector<16xf32>
          %swap3A_479 = vector.shape_cast %max3A_436 : vector<16xf32> to vector<1x1x16xf32>
          tpu.vector_store %arg7[%swap3A_474, %swap3A_475, %swap3A_476], %swap3A_479 {strides = array<i32>} : memref<2x80x128xf32, #tpu.memory_space<vmem>>, vector<1x1x16xf32>,
          %swap3A_480 = arith.constant 0 : i32
          %swap3A_481 = arith.index_cast %swap3A_480 : i32 to index
          %swap3A_482 = arith.index_cast %scan3A_325 : i32 to index
          %swap3A_483 = arith.constant 64 : index
          %swap3A_484 = tpu.vector_load %arg7[%swap3A_481, %swap3A_482, %swap3A_483] {strides = array<i32>} : memref<2x80x128xf32, #tpu.memory_space<vmem>>, vector<1x1x16xf32>,
          %swap3A_485 = vector.shape_cast %swap3A_484 : vector<1x1x16xf32> to vector<16xf32>
          %swap3A_486 = vector.shape_cast %max3A_440 : vector<16xf32> to vector<1x1x16xf32>
          tpu.vector_store %arg7[%swap3A_481, %swap3A_482, %swap3A_483], %swap3A_486 {strides = array<i32>} : memref<2x80x128xf32, #tpu.memory_space<vmem>>, vector<1x1x16xf32>,
          %swap3A_487 = arith.constant 0 : i32
          %swap3A_488 = arith.index_cast %swap3A_487 : i32 to index
          %swap3A_489 = arith.index_cast %scan3A_325 : i32 to index
          %swap3A_490 = arith.constant 80 : index
          %swap3A_491 = tpu.vector_load %arg7[%swap3A_488, %swap3A_489, %swap3A_490] {strides = array<i32>} : memref<2x80x128xf32, #tpu.memory_space<vmem>>, vector<1x1x16xf32>,
          %swap3A_492 = vector.shape_cast %swap3A_491 : vector<1x1x16xf32> to vector<16xf32>
          %swap3A_493 = vector.shape_cast %max3A_444 : vector<16xf32> to vector<1x1x16xf32>
          tpu.vector_store %arg7[%swap3A_488, %swap3A_489, %swap3A_490], %swap3A_493 {strides = array<i32>} : memref<2x80x128xf32, #tpu.memory_space<vmem>>, vector<1x1x16xf32>,
          %swap3A_494 = arith.constant 0 : i32
          %swap3A_495 = arith.index_cast %swap3A_494 : i32 to index
          %swap3A_496 = arith.index_cast %scan3A_325 : i32 to index
          %swap3A_497 = arith.constant 96 : index
          %swap3A_498 = tpu.vector_load %arg7[%swap3A_495, %swap3A_496, %swap3A_497] {strides = array<i32>} : memref<2x80x128xf32, #tpu.memory_space<vmem>>, vector<1x1x16xf32>,
          %swap3A_499 = vector.shape_cast %swap3A_498 : vector<1x1x16xf32> to vector<16xf32>
          %swap3A_500 = vector.shape_cast %max3A_448 : vector<16xf32> to vector<1x1x16xf32>
          tpu.vector_store %arg7[%swap3A_495, %swap3A_496, %swap3A_497], %swap3A_500 {strides = array<i32>} : memref<2x80x128xf32, #tpu.memory_space<vmem>>, vector<1x1x16xf32>,
          %swap3A_501 = arith.constant 0 : i32
          %swap3A_502 = arith.index_cast %swap3A_501 : i32 to index
          %swap3A_503 = arith.index_cast %scan3A_325 : i32 to index
          %swap3A_504 = arith.constant 112 : index
          %swap3A_505 = tpu.vector_load %arg7[%swap3A_502, %swap3A_503, %swap3A_504] {strides = array<i32>} : memref<2x80x128xf32, #tpu.memory_space<vmem>>, vector<1x1x16xf32>,
          %swap3A_506 = vector.shape_cast %swap3A_505 : vector<1x1x16xf32> to vector<16xf32>
          %swap3A_507 = vector.shape_cast %max3A_452 : vector<16xf32> to vector<1x1x16xf32>
          tpu.vector_store %arg7[%swap3A_502, %swap3A_503, %swap3A_504], %swap3A_507 {strides = array<i32>} : memref<2x80x128xf32, #tpu.memory_space<vmem>>, vector<1x1x16xf32>,
          %scan3A_508 = arith.constant 0 : i32
          scf.yield %scan3A_508 : i32
        }
        %scan3A_324 = arith.constant 80 : i32
      } else {
      }
      %eq3A_299 = arith.constant 1 : i32
      %eq3A_300 = arith.cmpi eq, %select_n3A_238, %eq3A_299 : i32
      %convert_element_type3A_301 = arith.extui %eq3A_300 : i1 to i32
      %cond3A_302 = arith.constant 0 : i32
      %cond3A_303 = arith.cmpi ne, %convert_element_type3A_301, %cond3A_302 : i32
      scf.if %cond3A_303 {
        %scan3A_318 = arith.constant 0 : i32
        %scan3A_319 = arith.constant 0 : i32
        %scan3A_320 = arith.constant 80 : i32
        %scan3A_321 = arith.addi %scan3A_319, %scan3A_320 : i32
        %scan3A_322 = arith.constant 1 : i32
        %scan3A_323 = scf.for %scan3A_325 = %scan3A_319 to %scan3A_321 step %scan3A_322 iter_args(%scan3A_326 = %scan3A_318) -> (i32)  : i32 {
          %get3A = arith.constant 1 : i32
          %get3A_327 = arith.index_cast %get3A : i32 to index
          %get3A_328 = arith.index_cast %scan3A_325 : i32 to index
          %get3A_329 = arith.constant 0 : index
          %get3A_330 = tpu.vector_load %arg7[%get3A_327, %get3A_328, %get3A_329] {strides = array<i32>} : memref<2x80x128xf32, #tpu.memory_space<vmem>>, vector<1x1x16xf32>,
          %get3A_331 = vector.shape_cast %get3A_330 : vector<1x1x16xf32> to vector<16xf32>
          %get3A_332 = arith.constant 1 : i32
          %get3A_333 = arith.index_cast %get3A_332 : i32 to index
          %get3A_334 = arith.index_cast %scan3A_325 : i32 to index
          %get3A_335 = arith.constant 16 : index
          %get3A_336 = tpu.vector_load %arg7[%get3A_333, %get3A_334, %get3A_335] {strides = array<i32>} : memref<2x80x128xf32, #tpu.memory_space<vmem>>, vector<1x1x16xf32>,
          %get3A_337 = vector.shape_cast %get3A_336 : vector<1x1x16xf32> to vector<16xf32>
          %get3A_338 = arith.constant 1 : i32
          %get3A_339 = arith.index_cast %get3A_338 : i32 to index
          %get3A_340 = arith.index_cast %scan3A_325 : i32 to index
          %get3A_341 = arith.constant 32 : index
          %get3A_342 = tpu.vector_load %arg7[%get3A_339, %get3A_340, %get3A_341] {strides = array<i32>} : memref<2x80x128xf32, #tpu.memory_space<vmem>>, vector<1x1x16xf32>,
          %get3A_343 = vector.shape_cast %get3A_342 : vector<1x1x16xf32> to vector<16xf32>
          %get3A_344 = arith.constant 1 : i32
          %get3A_345 = arith.index_cast %get3A_344 : i32 to index
          %get3A_346 = arith.index_cast %scan3A_325 : i32 to index
          %get3A_347 = arith.constant 48 : index
          %get3A_348 = tpu.vector_load %arg7[%get3A_345, %get3A_346, %get3A_347] {strides = array<i32>} : memref<2x80x128xf32, #tpu.memory_space<vmem>>, vector<1x1x16xf32>,
          %get3A_349 = vector.shape_cast %get3A_348 : vector<1x1x16xf32> to vector<16xf32>
          %get3A_350 = arith.constant 1 : i32
          %get3A_351 = arith.index_cast %get3A_350 : i32 to index
          %get3A_352 = arith.index_cast %scan3A_325 : i32 to index
          %get3A_353 = arith.constant 64 : index
          %get3A_354 = tpu.vector_load %arg7[%get3A_351, %get3A_352, %get3A_353] {strides = array<i32>} : memref<2x80x128xf32, #tpu.memory_space<vmem>>, vector<1x1x16xf32>,
          %get3A_355 = vector.shape_cast %get3A_354 : vector<1x1x16xf32> to vector<16xf32>
          %get3A_356 = arith.constant 1 : i32
          %get3A_357 = arith.index_cast %get3A_356 : i32 to index
          %get3A_358 = arith.index_cast %scan3A_325 : i32 to index
          %get3A_359 = arith.constant 80 : index
          %get3A_360 = tpu.vector_load %arg7[%get3A_357, %get3A_358, %get3A_359] {strides = array<i32>} : memref<2x80x128xf32, #tpu.memory_space<vmem>>, vector<1x1x16xf32>,
          %get3A_361 = vector.shape_cast %get3A_360 : vector<1x1x16xf32> to vector<16xf32>
          %get3A_362 = arith.constant 1 : i32
          %get3A_363 = arith.index_cast %get3A_362 : i32 to index
          %get3A_364 = arith.index_cast %scan3A_325 : i32 to index
          %get3A_365 = arith.constant 96 : index
          %get3A_366 = tpu.vector_load %arg7[%get3A_363, %get3A_364, %get3A_365] {strides = array<i32>} : memref<2x80x128xf32, #tpu.memory_space<vmem>>, vector<1x1x16xf32>,
          %get3A_367 = vector.shape_cast %get3A_366 : vector<1x1x16xf32> to vector<16xf32>
          %get3A_368 = arith.constant 1 : i32
          %get3A_369 = arith.index_cast %get3A_368 : i32 to index
          %get3A_370 = arith.index_cast %scan3A_325 : i32 to index
          %get3A_371 = arith.constant 112 : index
          %get3A_372 = tpu.vector_load %arg7[%get3A_369, %get3A_370, %get3A_371] {strides = array<i32>} : memref<2x80x128xf32, #tpu.memory_space<vmem>>, vector<1x1x16xf32>,
          %get3A_373 = vector.shape_cast %get3A_372 : vector<1x1x16xf32> to vector<16xf32>
          %get3A_374 = arith.constant 1 : i32
          %get3A_375 = arith.index_cast %get3A_374 : i32 to index
          %get3A_376 = arith.index_cast %scan3A_325 : i32 to index
          %get3A_377 = arith.constant 0 : index
          %get3A_378 = tpu.vector_load %arg8[%get3A_375, %get3A_376, %get3A_377] {strides = array<i32>} : memref<2x80x128xf32, #tpu.memory_space<vmem>>, vector<1x1x16xf32>,
          %get3A_379 = vector.shape_cast %get3A_378 : vector<1x1x16xf32> to vector<16xf32>
          %get3A_380 = arith.constant 1 : i32
          %get3A_381 = arith.index_cast %get3A_380 : i32 to index
          %get3A_382 = arith.index_cast %scan3A_325 : i32 to index
          %get3A_383 = arith.constant 16 : index
          %get3A_384 = tpu.vector_load %arg8[%get3A_381, %get3A_382, %get3A_383] {strides = array<i32>} : memref<2x80x128xf32, #tpu.memory_space<vmem>>, vector<1x1x16xf32>,
          %get3A_385 = vector.shape_cast %get3A_384 : vector<1x1x16xf32> to vector<16xf32>
          %get3A_386 = arith.constant 1 : i32
          %get3A_387 = arith.index_cast %get3A_386 : i32 to index
          %get3A_388 = arith.index_cast %scan3A_325 : i32 to index
          %get3A_389 = arith.constant 32 : index
          %get3A_390 = tpu.vector_load %arg8[%get3A_387, %get3A_388, %get3A_389] {strides = array<i32>} : memref<2x80x128xf32, #tpu.memory_space<vmem>>, vector<1x1x16xf32>,
          %get3A_391 = vector.shape_cast %get3A_390 : vector<1x1x16xf32> to vector<16xf32>
          %get3A_392 = arith.constant 1 : i32
          %get3A_393 = arith.index_cast %get3A_392 : i32 to index
          %get3A_394 = arith.index_cast %scan3A_325 : i32 to index
          %get3A_395 = arith.constant 48 : index
          %get3A_396 = tpu.vector_load %arg8[%get3A_393, %get3A_394, %get3A_395] {strides = array<i32>} : memref<2x80x128xf32, #tpu.memory_space<vmem>>, vector<1x1x16xf32>,
          %get3A_397 = vector.shape_cast %get3A_396 : vector<1x1x16xf32> to vector<16xf32>
          %get3A_398 = arith.constant 1 : i32
          %get3A_399 = arith.index_cast %get3A_398 : i32 to index
          %get3A_400 = arith.index_cast %scan3A_325 : i32 to index
          %get3A_401 = arith.constant 64 : index
          %get3A_402 = tpu.vector_load %arg8[%get3A_399, %get3A_400, %get3A_401] {strides = array<i32>} : memref<2x80x128xf32, #tpu.memory_space<vmem>>, vector<1x1x16xf32>,
          %get3A_403 = vector.shape_cast %get3A_402 : vector<1x1x16xf32> to vector<16xf32>
          %get3A_404 = arith.constant 1 : i32
          %get3A_405 = arith.index_cast %get3A_404 : i32 to index
          %get3A_406 = arith.index_cast %scan3A_325 : i32 to index
          %get3A_407 = arith.constant 80 : index
          %get3A_408 = tpu.vector_load %arg8[%get3A_405, %get3A_406, %get3A_407] {strides = array<i32>} : memref<2x80x128xf32, #tpu.memory_space<vmem>>, vector<1x1x16xf32>,
          %get3A_409 = vector.shape_cast %get3A_408 : vector<1x1x16xf32> to vector<16xf32>
          %get3A_410 = arith.constant 1 : i32
          %get3A_411 = arith.index_cast %get3A_410 : i32 to index
          %get3A_412 = arith.index_cast %scan3A_325 : i32 to index
          %get3A_413 = arith.constant 96 : index
          %get3A_414 = tpu.vector_load %arg8[%get3A_411, %get3A_412, %get3A_413] {strides = array<i32>} : memref<2x80x128xf32, #tpu.memory_space<vmem>>, vector<1x1x16xf32>,
          %get3A_415 = vector.shape_cast %get3A_414 : vector<1x1x16xf32> to vector<16xf32>
          %get3A_416 = arith.constant 1 : i32
          %get3A_417 = arith.index_cast %get3A_416 : i32 to index
          %get3A_418 = arith.index_cast %scan3A_325 : i32 to index
          %get3A_419 = arith.constant 112 : index
          %get3A_420 = tpu.vector_load %arg8[%get3A_417, %get3A_418, %get3A_419] {strides = array<i32>} : memref<2x80x128xf32, #tpu.memory_space<vmem>>, vector<1x1x16xf32>,
          %get3A_421 = vector.shape_cast %get3A_420 : vector<1x1x16xf32> to vector<16xf32>
          %add3A_422 = arith.addf %get3A_331, %get3A_379 : vector<16xf32>
          %max3A = arith.constant 0.000000e+00 : f32
          %max3A_423 = vector.broadcast %max3A : f32 to vector<16xf32>
          %max3A_424 = arith.maximumf %add3A_422, %max3A_423 : vector<16xf32>
          %add3A_425 = arith.addf %get3A_337, %get3A_385 : vector<16xf32>
          %max3A_426 = arith.constant 0.000000e+00 : f32
          %max3A_427 = vector.broadcast %max3A_426 : f32 to vector<16xf32>
          %max3A_428 = arith.maximumf %add3A_425, %max3A_427 : vector<16xf32>
          %add3A_429 = arith.addf %get3A_343, %get3A_391 : vector<16xf32>
          %max3A_430 = arith.constant 0.000000e+00 : f32
          %max3A_431 = vector.broadcast %max3A_430 : f32 to vector<16xf32>
          %max3A_432 = arith.maximumf %add3A_429, %max3A_431 : vector<16xf32>
          %add3A_433 = arith.addf %get3A_349, %get3A_397 : vector<16xf32>
          %max3A_434 = arith.constant 0.000000e+00 : f32
          %max3A_435 = vector.broadcast %max3A_434 : f32 to vector<16xf32>
          %max3A_436 = arith.maximumf %add3A_433, %max3A_435 : vector<16xf32>
          %add3A_437 = arith.addf %get3A_355, %get3A_403 : vector<16xf32>
          %max3A_438 = arith.constant 0.000000e+00 : f32
          %max3A_439 = vector.broadcast %max3A_438 : f32 to vector<16xf32>
          %max3A_440 = arith.maximumf %add3A_437, %max3A_439 : vector<16xf32>
          %add3A_441 = arith.addf %get3A_361, %get3A_409 : vector<16xf32>
          %max3A_442 = arith.constant 0.000000e+00 : f32
          %max3A_443 = vector.broadcast %max3A_442 : f32 to vector<16xf32>
          %max3A_444 = arith.maximumf %add3A_441, %max3A_443 : vector<16xf32>
          %add3A_445 = arith.addf %get3A_367, %get3A_415 : vector<16xf32>
          %max3A_446 = arith.constant 0.000000e+00 : f32
          %max3A_447 = vector.broadcast %max3A_446 : f32 to vector<16xf32>
          %max3A_448 = arith.maximumf %add3A_445, %max3A_447 : vector<16xf32>
          %add3A_449 = arith.addf %get3A_373, %get3A_421 : vector<16xf32>
          %max3A_450 = arith.constant 0.000000e+00 : f32
          %max3A_451 = vector.broadcast %max3A_450 : f32 to vector<16xf32>
          %max3A_452 = arith.maximumf %add3A_449, %max3A_451 : vector<16xf32>
          %swap3A = arith.constant 1 : i32
          %swap3A_453 = arith.index_cast %swap3A : i32 to index
          %swap3A_454 = arith.index_cast %scan3A_325 : i32 to index
          %swap3A_455 = arith.constant 0 : index
          %swap3A_456 = tpu.vector_load %arg7[%swap3A_453, %swap3A_454, %swap3A_455] {strides = array<i32>} : memref<2x80x128xf32, #tpu.memory_space<vmem>>, vector<1x1x16xf32>,
          %swap3A_457 = vector.shape_cast %swap3A_456 : vector<1x1x16xf32> to vector<16xf32>
          %swap3A_458 = vector.shape_cast %max3A_424 : vector<16xf32> to vector<1x1x16xf32>
          tpu.vector_store %arg7[%swap3A_453, %swap3A_454, %swap3A_455], %swap3A_458 {strides = array<i32>} : memref<2x80x128xf32, #tpu.memory_space<vmem>>, vector<1x1x16xf32>,
          %swap3A_459 = arith.constant 1 : i32
          %swap3A_460 = arith.index_cast %swap3A_459 : i32 to index
          %swap3A_461 = arith.index_cast %scan3A_325 : i32 to index
          %swap3A_462 = arith.constant 16 : index
          %swap3A_463 = tpu.vector_load %arg7[%swap3A_460, %swap3A_461, %swap3A_462] {strides = array<i32>} : memref<2x80x128xf32, #tpu.memory_space<vmem>>, vector<1x1x16xf32>,
          %swap3A_464 = vector.shape_cast %swap3A_463 : vector<1x1x16xf32> to vector<16xf32>
          %swap3A_465 = vector.shape_cast %max3A_428 : vector<16xf32> to vector<1x1x16xf32>
          tpu.vector_store %arg7[%swap3A_460, %swap3A_461, %swap3A_462], %swap3A_465 {strides = array<i32>} : memref<2x80x128xf32, #tpu.memory_space<vmem>>, vector<1x1x16xf32>,
          %swap3A_466 = arith.constant 1 : i32
          %swap3A_467 = arith.index_cast %swap3A_466 : i32 to index
          %swap3A_468 = arith.index_cast %scan3A_325 : i32 to index
          %swap3A_469 = arith.constant 32 : index
          %swap3A_470 = tpu.vector_load %arg7[%swap3A_467, %swap3A_468, %swap3A_469] {strides = array<i32>} : memref<2x80x128xf32, #tpu.memory_space<vmem>>, vector<1x1x16xf32>,
          %swap3A_471 = vector.shape_cast %swap3A_470 : vector<1x1x16xf32> to vector<16xf32>
          %swap3A_472 = vector.shape_cast %max3A_432 : vector<16xf32> to vector<1x1x16xf32>
          tpu.vector_store %arg7[%swap3A_467, %swap3A_468, %swap3A_469], %swap3A_472 {strides = array<i32>} : memref<2x80x128xf32, #tpu.memory_space<vmem>>, vector<1x1x16xf32>,
          %swap3A_473 = arith.constant 1 : i32
          %swap3A_474 = arith.index_cast %swap3A_473 : i32 to index
          %swap3A_475 = arith.index_cast %scan3A_325 : i32 to index
          %swap3A_476 = arith.constant 48 : index
          %swap3A_477 = tpu.vector_load %arg7[%swap3A_474, %swap3A_475, %swap3A_476] {strides = array<i32>} : memref<2x80x128xf32, #tpu.memory_space<vmem>>, vector<1x1x16xf32>,
          %swap3A_478 = vector.shape_cast %swap3A_477 : vector<1x1x16xf32> to vector<16xf32>
          %swap3A_479 = vector.shape_cast %max3A_436 : vector<16xf32> to vector<1x1x16xf32>
          tpu.vector_store %arg7[%swap3A_474, %swap3A_475, %swap3A_476], %swap3A_479 {strides = array<i32>} : memref<2x80x128xf32, #tpu.memory_space<vmem>>, vector<1x1x16xf32>,
          %swap3A_480 = arith.constant 1 : i32
          %swap3A_481 = arith.index_cast %swap3A_480 : i32 to index
          %swap3A_482 = arith.index_cast %scan3A_325 : i32 to index
          %swap3A_483 = arith.constant 64 : index
          %swap3A_484 = tpu.vector_load %arg7[%swap3A_481, %swap3A_482, %swap3A_483] {strides = array<i32>} : memref<2x80x128xf32, #tpu.memory_space<vmem>>, vector<1x1x16xf32>,
          %swap3A_485 = vector.shape_cast %swap3A_484 : vector<1x1x16xf32> to vector<16xf32>
          %swap3A_486 = vector.shape_cast %max3A_440 : vector<16xf32> to vector<1x1x16xf32>
          tpu.vector_store %arg7[%swap3A_481, %swap3A_482, %swap3A_483], %swap3A_486 {strides = array<i32>} : memref<2x80x128xf32, #tpu.memory_space<vmem>>, vector<1x1x16xf32>,
          %swap3A_487 = arith.constant 1 : i32
          %swap3A_488 = arith.index_cast %swap3A_487 : i32 to index
          %swap3A_489 = arith.index_cast %scan3A_325 : i32 to index
          %swap3A_490 = arith.constant 80 : index
          %swap3A_491 = tpu.vector_load %arg7[%swap3A_488, %swap3A_489, %swap3A_490] {strides = array<i32>} : memref<2x80x128xf32, #tpu.memory_space<vmem>>, vector<1x1x16xf32>,
          %swap3A_492 = vector.shape_cast %swap3A_491 : vector<1x1x16xf32> to vector<16xf32>
          %swap3A_493 = vector.shape_cast %max3A_444 : vector<16xf32> to vector<1x1x16xf32>
          tpu.vector_store %arg7[%swap3A_488, %swap3A_489, %swap3A_490], %swap3A_493 {strides = array<i32>} : memref<2x80x128xf32, #tpu.memory_space<vmem>>, vector<1x1x16xf32>,
          %swap3A_494 = arith.constant 1 : i32
          %swap3A_495 = arith.index_cast %swap3A_494 : i32 to index
          %swap3A_496 = arith.index_cast %scan3A_325 : i32 to index
          %swap3A_497 = arith.constant 96 : index
          %swap3A_498 = tpu.vector_load %arg7[%swap3A_495, %swap3A_496, %swap3A_497] {strides = array<i32>} : memref<2x80x128xf32, #tpu.memory_space<vmem>>, vector<1x1x16xf32>,
          %swap3A_499 = vector.shape_cast %swap3A_498 : vector<1x1x16xf32> to vector<16xf32>
          %swap3A_500 = vector.shape_cast %max3A_448 : vector<16xf32> to vector<1x1x16xf32>
          tpu.vector_store %arg7[%swap3A_495, %swap3A_496, %swap3A_497], %swap3A_500 {strides = array<i32>} : memref<2x80x128xf32, #tpu.memory_space<vmem>>, vector<1x1x16xf32>,
          %swap3A_501 = arith.constant 1 : i32
          %swap3A_502 = arith.index_cast %swap3A_501 : i32 to index
          %swap3A_503 = arith.index_cast %scan3A_325 : i32 to index
          %swap3A_504 = arith.constant 112 : index
          %swap3A_505 = tpu.vector_load %arg7[%swap3A_502, %swap3A_503, %swap3A_504] {strides = array<i32>} : memref<2x80x128xf32, #tpu.memory_space<vmem>>, vector<1x1x16xf32>,
          %swap3A_506 = vector.shape_cast %swap3A_505 : vector<1x1x16xf32> to vector<16xf32>
          %swap3A_507 = vector.shape_cast %max3A_452 : vector<16xf32> to vector<1x1x16xf32>
          tpu.vector_store %arg7[%swap3A_502, %swap3A_503, %swap3A_504], %swap3A_507 {strides = array<i32>} : memref<2x80x128xf32, #tpu.memory_space<vmem>>, vector<1x1x16xf32>,
          %scan3A_508 = arith.constant 0 : i32
          scf.yield %scan3A_508 : i32
        }
        %scan3A_324 = arith.constant 80 : i32
      } else {
      }
      %dma_start3A_304 = arith.constant 1 : i32
      %dma_start3A_305 = arith.constant 0 : i32
      %dma_start3A_306 = arith.constant 0 : i32
      %dma_start3A_307 = tpu.memref_slice %arg7[%select_n3A_238, %dma_start3A_305, %dma_start3A_306] : memref<2x80x128xf32, #tpu.memory_space<vmem>> -> memref<1x80x128xf32, #tpu.memory_space<vmem>>
      %dma_start3A_308 = tpu.memref_squeeze %dma_start3A_307 : memref<1x80x128xf32, #tpu.memory_space<vmem>> -> memref<80x128xf32, #tpu.memory_space<vmem>>
      %dma_start3A_309 = arith.constant 0 : i32
      %dma_start3A_310 = tpu.memref_slice %arg6[%select_n3A_204, %dma_start3A_304, %dma_start3A_309] : memref<4x2x80xi32, #tpu.memory_space<vmem>> -> memref<1x1x80xi32, #tpu.memory_space<vmem>>
      %dma_start3A_311 = tpu.memref_squeeze %dma_start3A_310 : memref<1x1x80xi32, #tpu.memory_space<vmem>> -> memref<80xi32, #tpu.memory_space<vmem>>
      %dma_start3A_312 = arith.constant 0 : i32
      %dma_start3A_313 = arith.constant 0 : i32
      %dma_start3A_314 = tpu.memref_slice %arg9[%dma_start3A_312, %dma_start3A_313] : memref<10000x128xf32, #tpu.memory_space<vmem_shared>> -> memref<10000x128xf32, #tpu.memory_space<vmem_shared>>
      %dma_start3A_315 = tpu.memref_slice %arg13[%select_n3A_238] : memref<2x!tpu.dma_semaphore, #tpu.memory_space<semaphore_mem>> -> memref<1x!tpu.dma_semaphore, #tpu.memory_space<semaphore_mem>>
      %dma_start3A_316 = tpu.memref_squeeze %dma_start3A_315 : memref<1x!tpu.dma_semaphore, #tpu.memory_space<semaphore_mem>> -> memref<!tpu.dma_semaphore, #tpu.memory_space<semaphore_mem>>
      tpu.enqueue_indirect_dma source(%dma_start3A_308 : memref<80x128xf32, #tpu.memory_space<vmem>>) target(%dma_start3A_314 : memref<10000x128xf32, #tpu.memory_space<vmem_shared>>) offsets(%dma_start3A_311 : memref<80xi32, #tpu.memory_space<vmem>>) semaphore(%dma_start3A_316 : memref<!tpu.dma_semaphore, #tpu.memory_space<semaphore_mem>>) {add = true}
      %scan3A_317 = arith.constant 0 : i32
      scf.yield %scan3A_317 : i32
    }
    %scan3A_142 = arith.constant 125 : i32
    %dma_wait3A_143 = arith.constant 0 : i32
    %dma_wait3A_144 = arith.constant 0 : i32
    %dma_wait3A_145 = arith.constant 1 : i32
    %dma_wait3A_146 = arith.constant 0 : i32
    %dma_wait3A_147 = arith.constant 0 : i32
    %dma_wait3A_148 = arith.constant 0 : i32
    %dma_wait3A_149 = tpu.memref_slice %arg7[%dma_wait3A_143, %dma_wait3A_147, %dma_wait3A_148] : memref<2x80x128xf32, #tpu.memory_space<vmem>> -> memref<1x80x128xf32, #tpu.memory_space<vmem>>
    %dma_wait3A_150 = tpu.memref_squeeze %dma_wait3A_149 : memref<1x80x128xf32, #tpu.memory_space<vmem>> -> memref<80x128xf32, #tpu.memory_space<vmem>>
    %dma_wait3A_151 = arith.constant 0 : i32
    %dma_wait3A_152 = tpu.memref_slice %arg6[%dma_wait3A_144, %dma_wait3A_145, %dma_wait3A_151] : memref<4x2x80xi32, #tpu.memory_space<vmem>> -> memref<1x1x80xi32, #tpu.memory_space<vmem>>
    %dma_wait3A_153 = tpu.memref_squeeze %dma_wait3A_152 : memref<1x1x80xi32, #tpu.memory_space<vmem>> -> memref<80xi32, #tpu.memory_space<vmem>>
    %dma_wait3A_154 = arith.constant 0 : i32
    %dma_wait3A_155 = arith.constant 0 : i32
    %dma_wait3A_156 = tpu.memref_slice %arg9[%dma_wait3A_154, %dma_wait3A_155] : memref<10000x128xf32, #tpu.memory_space<vmem_shared>> -> memref<10000x128xf32, #tpu.memory_space<vmem_shared>>
    %dma_wait3A_157 = tpu.memref_slice %arg13[%dma_wait3A_146] : memref<2x!tpu.dma_semaphore, #tpu.memory_space<semaphore_mem>> -> memref<1x!tpu.dma_semaphore, #tpu.memory_space<semaphore_mem>>
    %dma_wait3A_158 = tpu.memref_squeeze %dma_wait3A_157 : memref<1x!tpu.dma_semaphore, #tpu.memory_space<semaphore_mem>> -> memref<!tpu.dma_semaphore, #tpu.memory_space<semaphore_mem>>
    tpu.wait_indirect_dma semaphore(%dma_wait3A_158 : memref<!tpu.dma_semaphore, #tpu.memory_space<semaphore_mem>>) src(%dma_wait3A_150 : memref<80x128xf32, #tpu.memory_space<vmem>>) dst(%dma_wait3A_156 : memref<10000x128xf32, #tpu.memory_space<vmem_shared>>)
    %dma_wait3A_159 = arith.constant 1 : i32
    %dma_wait3A_160 = arith.constant 1 : i32
    %dma_wait3A_161 = arith.constant 1 : i32
    %dma_wait3A_162 = arith.constant 1 : i32
    %dma_wait3A_163 = arith.constant 0 : i32
    %dma_wait3A_164 = arith.constant 0 : i32
    %dma_wait3A_165 = tpu.memref_slice %arg7[%dma_wait3A_159, %dma_wait3A_163, %dma_wait3A_164] : memref<2x80x128xf32, #tpu.memory_space<vmem>> -> memref<1x80x128xf32, #tpu.memory_space<vmem>>
    %dma_wait3A_166 = tpu.memref_squeeze %dma_wait3A_165 : memref<1x80x128xf32, #tpu.memory_space<vmem>> -> memref<80x128xf32, #tpu.memory_space<vmem>>
    %dma_wait3A_167 = arith.constant 0 : i32
    %dma_wait3A_168 = tpu.memref_slice %arg6[%dma_wait3A_160, %dma_wait3A_161, %dma_wait3A_167] : memref<4x2x80xi32, #tpu.memory_space<vmem>> -> memref<1x1x80xi32, #tpu.memory_space<vmem>>
    %dma_wait3A_169 = tpu.memref_squeeze %dma_wait3A_168 : memref<1x1x80xi32, #tpu.memory_space<vmem>> -> memref<80xi32, #tpu.memory_space<vmem>>
    %dma_wait3A_170 = arith.constant 0 : i32
    %dma_wait3A_171 = arith.constant 0 : i32
    %dma_wait3A_172 = tpu.memref_slice %arg9[%dma_wait3A_170, %dma_wait3A_171] : memref<10000x128xf32, #tpu.memory_space<vmem_shared>> -> memref<10000x128xf32, #tpu.memory_space<vmem_shared>>
    %dma_wait3A_173 = tpu.memref_slice %arg13[%dma_wait3A_162] : memref<2x!tpu.dma_semaphore, #tpu.memory_space<semaphore_mem>> -> memref<1x!tpu.dma_semaphore, #tpu.memory_space<semaphore_mem>>
    %dma_wait3A_174 = tpu.memref_squeeze %dma_wait3A_173 : memref<1x!tpu.dma_semaphore, #tpu.memory_space<semaphore_mem>> -> memref<!tpu.dma_semaphore, #tpu.memory_space<semaphore_mem>>
    tpu.wait_indirect_dma semaphore(%dma_wait3A_174 : memref<!tpu.dma_semaphore, #tpu.memory_space<semaphore_mem>>) src(%dma_wait3A_166 : memref<80x128xf32, #tpu.memory_space<vmem>>) dst(%dma_wait3A_172 : memref<10000x128xf32, #tpu.memory_space<vmem_shared>>)
    %barrier3A_175 = arith.constant 0 : index
    tpu.barrier barrier_id(%barrier3A_175)
    %while3A_176 = arith.constant 0 : i32
    %while3A_177 = arith.constant 0 : i32
    %while3A_178 = arith.subi %select_n3A_20, %while3A_176 : i32
    %while3A_179 = arith.addi %while3A_176, %while3A_178 : i32
    %while3A_180 = arith.constant 1 : i32
    %while3A_181 = arith.divsi %while3A_178, %while3A_180 : i32
    %while3A_182 = arith.muli %while3A_181, %while3A_180 : i32
    %while3A_183 = arith.addi %while3A_176, %while3A_182 : i32
    %while3A_184 = arith.constant 1 : i32
    %while3A_185 = scf.for %while3A_188 = %while3A_176 to %while3A_183 step %while3A_184 iter_args(%while3A_189 = %while3A_177) -> (i32)  : i32 {
      %mul3A_190 = arith.constant 640 : i32
      %mul3A_191 = arith.muli %arg1, %mul3A_190 : i32
      %mul3A_192 = arith.constant 80 : i32
      %mul3A_193 = arith.muli %while3A_188, %mul3A_192 : i32
      %add3A_194 = arith.addi %mul3A_191, %mul3A_193 : i32
      %run_scoped3A = arith.constant 0 : i32
      "tpu.region"() ({
        %run_scoped3A_197 = tpu.sem_alloc : memref<!tpu.dma_semaphore, #tpu.memory_space<semaphore_mem>>
        %dma_start3A_198 = arith.constant 0 : i32
        %dma_start3A_199 = arith.constant 0 : i32
        %dma_start3A_200 = tpu.memref_slice %arg7[%run_scoped3A, %dma_start3A_198, %dma_start3A_199] : memref<2x80x128xf32, #tpu.memory_space<vmem>> -> memref<1x80x128xf32, #tpu.memory_space<vmem>>
        %dma_start3A_201 = tpu.memref_squeeze %dma_start3A_200 : memref<1x80x128xf32, #tpu.memory_space<vmem>> -> memref<80x128xf32, #tpu.memory_space<vmem>>
        %dma_start3A_202 = arith.constant 0 : i32
        %dma_start3A_203 = tpu.memref_slice %arg9[%add3A_194, %dma_start3A_202] : memref<10000x128xf32, #tpu.memory_space<vmem_shared>> -> memref<80x128xf32, #tpu.memory_space<vmem_shared>>
        %dma_start3A_204 = arith.constant 0 : i32
        %dma_start3A_205 = arith.constant 0 : i32
        %dma_start3A_206 = tpu.memref_slice %arg7[%run_scoped3A, %dma_start3A_204, %dma_start3A_205] : memref<2x80x128xf32, #tpu.memory_space<vmem>> -> memref<1x80x128xf32, #tpu.memory_space<vmem>>
        %dma_start3A_207 = tpu.memref_squeeze %dma_start3A_206 : memref<1x80x128xf32, #tpu.memory_space<vmem>> -> memref<80x128xf32, #tpu.memory_space<vmem>>
        %dma_start3A_208 = arith.constant 0 : i32
        %dma_start3A_209 = tpu.memref_slice %arg9[%add3A_194, %dma_start3A_208] : memref<10000x128xf32, #tpu.memory_space<vmem_shared>> -> memref<80x128xf32, #tpu.memory_space<vmem_shared>>
        tpu.enqueue_dma source(%dma_start3A_209 : memref<80x128xf32, #tpu.memory_space<vmem_shared>>) target(%dma_start3A_207 : memref<80x128xf32, #tpu.memory_space<vmem>>) target_semaphore(%run_scoped3A_197 : memref<!tpu.dma_semaphore, #tpu.memory_space<semaphore_mem>>)
        %dma_wait3A_210 = arith.constant 0 : i32
        %dma_wait3A_211 = arith.constant 0 : i32
        %dma_wait3A_212 = tpu.memref_slice %arg7[%run_scoped3A, %dma_wait3A_210, %dma_wait3A_211] : memref<2x80x128xf32, #tpu.memory_space<vmem>> -> memref<1x80x128xf32, #tpu.memory_space<vmem>>
        %dma_wait3A_213 = tpu.memref_squeeze %dma_wait3A_212 : memref<1x80x128xf32, #tpu.memory_space<vmem>> -> memref<80x128xf32, #tpu.memory_space<vmem>>
        %dma_wait3A_214 = arith.constant 0 : i32
        %dma_wait3A_215 = tpu.memref_slice %arg9[%add3A_194, %dma_wait3A_214] : memref<10000x128xf32, #tpu.memory_space<vmem_shared>> -> memref<80x128xf32, #tpu.memory_space<vmem_shared>>
        %dma_wait3A_216 = arith.constant 0 : i32
        %dma_wait3A_217 = arith.constant 0 : i32
        %dma_wait3A_218 = tpu.memref_slice %arg7[%run_scoped3A, %dma_wait3A_216, %dma_wait3A_217] : memref<2x80x128xf32, #tpu.memory_space<vmem>> -> memref<1x80x128xf32, #tpu.memory_space<vmem>>
        %dma_wait3A_219 = tpu.memref_squeeze %dma_wait3A_218 : memref<1x80x128xf32, #tpu.memory_space<vmem>> -> memref<80x128xf32, #tpu.memory_space<vmem>>
        %dma_wait3A_220 = arith.constant 0 : i32
        %dma_wait3A_221 = tpu.memref_slice %arg9[%add3A_194, %dma_wait3A_220] : memref<10000x128xf32, #tpu.memory_space<vmem_shared>> -> memref<80x128xf32, #tpu.memory_space<vmem_shared>>
        tpu.wait_dma2 semaphore(%run_scoped3A_197 : memref<!tpu.dma_semaphore, #tpu.memory_space<semaphore_mem>>) src(%dma_wait3A_221 : memref<80x128xf32, #tpu.memory_space<vmem_shared>>) dst(%dma_wait3A_219 : memref<80x128xf32, #tpu.memory_space<vmem>>)
        tpu.yield
      }) : () -> ()
      %run_scoped3A_195 = arith.constant 0 : i32
      "tpu.region"() ({
        %run_scoped3A_197 = tpu.sem_alloc : memref<!tpu.dma_semaphore, #tpu.memory_space<semaphore_mem>>
        %dma_start3A_198 = arith.constant 0 : i32
        %dma_start3A_199 = arith.constant 0 : i32
        %dma_start3A_200 = tpu.memref_slice %arg7[%run_scoped3A_195, %dma_start3A_198, %dma_start3A_199] : memref<2x80x128xf32, #tpu.memory_space<vmem>> -> memref<1x80x128xf32, #tpu.memory_space<vmem>>
        %dma_start3A_201 = tpu.memref_squeeze %dma_start3A_200 : memref<1x80x128xf32, #tpu.memory_space<vmem>> -> memref<80x128xf32, #tpu.memory_space<vmem>>
        %dma_start3A_202 = arith.constant 0 : i32
        %dma_start3A_203 = tpu.memref_slice %arg5[%arg0, %add3A_194, %dma_start3A_202] : memref<2x10000x128xf32, #tpu.memory_space<hbm>> -> memref<1x80x128xf32, #tpu.memory_space<hbm>>
        %dma_start3A_204 = tpu.memref_squeeze %dma_start3A_203 : memref<1x80x128xf32, #tpu.memory_space<hbm>> -> memref<80x128xf32, #tpu.memory_space<hbm>>
        %dma_start3A_205 = arith.constant 0 : i32
        %dma_start3A_206 = tpu.memref_slice %arg5[%arg0, %add3A_194, %dma_start3A_205] : memref<2x10000x128xf32, #tpu.memory_space<hbm>> -> memref<1x80x128xf32, #tpu.memory_space<hbm>>
        %dma_start3A_207 = tpu.memref_squeeze %dma_start3A_206 : memref<1x80x128xf32, #tpu.memory_space<hbm>> -> memref<80x128xf32, #tpu.memory_space<hbm>>
        %dma_start3A_208 = arith.constant 0 : i32
        %dma_start3A_209 = arith.constant 0 : i32
        %dma_start3A_210 = tpu.memref_slice %arg7[%run_scoped3A_195, %dma_start3A_208, %dma_start3A_209] : memref<2x80x128xf32, #tpu.memory_space<vmem>> -> memref<1x80x128xf32, #tpu.memory_space<vmem>>
        %dma_start3A_211 = tpu.memref_squeeze %dma_start3A_210 : memref<1x80x128xf32, #tpu.memory_space<vmem>> -> memref<80x128xf32, #tpu.memory_space<vmem>>
        tpu.enqueue_dma source(%dma_start3A_211 : memref<80x128xf32, #tpu.memory_space<vmem>>) target(%dma_start3A_207 : memref<80x128xf32, #tpu.memory_space<hbm>>) target_semaphore(%run_scoped3A_197 : memref<!tpu.dma_semaphore, #tpu.memory_space<semaphore_mem>>)
        %dma_wait3A_212 = arith.constant 0 : i32
        %dma_wait3A_213 = arith.constant 0 : i32
        %dma_wait3A_214 = tpu.memref_slice %arg7[%run_scoped3A_195, %dma_wait3A_212, %dma_wait3A_213] : memref<2x80x128xf32, #tpu.memory_space<vmem>> -> memref<1x80x128xf32, #tpu.memory_space<vmem>>
        %dma_wait3A_215 = tpu.memref_squeeze %dma_wait3A_214 : memref<1x80x128xf32, #tpu.memory_space<vmem>> -> memref<80x128xf32, #tpu.memory_space<vmem>>
        %dma_wait3A_216 = arith.constant 0 : i32
        %dma_wait3A_217 = tpu.memref_slice %arg5[%arg0, %add3A_194, %dma_wait3A_216] : memref<2x10000x128xf32, #tpu.memory_space<hbm>> -> memref<1x80x128xf32, #tpu.memory_space<hbm>>
        %dma_wait3A_218 = tpu.memref_squeeze %dma_wait3A_217 : memref<1x80x128xf32, #tpu.memory_space<hbm>> -> memref<80x128xf32, #tpu.memory_space<hbm>>
        %dma_wait3A_219 = arith.constant 0 : i32
        %dma_wait3A_220 = tpu.memref_slice %arg5[%arg0, %add3A_194, %dma_wait3A_219] : memref<2x10000x128xf32, #tpu.memory_space<hbm>> -> memref<1x80x128xf32, #tpu.memory_space<hbm>>
        %dma_wait3A_221 = tpu.memref_squeeze %dma_wait3A_220 : memref<1x80x128xf32, #tpu.memory_space<hbm>> -> memref<80x128xf32, #tpu.memory_space<hbm>>
        %dma_wait3A_222 = arith.constant 0 : i32
        %dma_wait3A_223 = arith.constant 0 : i32
        %dma_wait3A_224 = tpu.memref_slice %arg7[%run_scoped3A_195, %dma_wait3A_222, %dma_wait3A_223] : memref<2x80x128xf32, #tpu.memory_space<vmem>> -> memref<1x80x128xf32, #tpu.memory_space<vmem>>
        %dma_wait3A_225 = tpu.memref_squeeze %dma_wait3A_224 : memref<1x80x128xf32, #tpu.memory_space<vmem>> -> memref<80x128xf32, #tpu.memory_space<vmem>>
        tpu.wait_dma2 semaphore(%run_scoped3A_197 : memref<!tpu.dma_semaphore, #tpu.memory_space<semaphore_mem>>) src(%dma_wait3A_225 : memref<80x128xf32, #tpu.memory_space<vmem>>) dst(%dma_wait3A_221 : memref<80x128xf32, #tpu.memory_space<hbm>>)
        tpu.yield
      }) : () -> ()
      %while3A_196 = arith.constant 0 : i32
      scf.yield %while3A_196 : i32
    }
    %while3A_186 = arith.constant 1 : i32
    %while3A_187 = scf.for %while3A_188 = %while3A_183 to %while3A_179 step %while3A_186 iter_args(%while3A_189 = %while3A_185) -> (i32)  : i32 {
      %mul3A_190 = arith.constant 640 : i32
      %mul3A_191 = arith.muli %arg1, %mul3A_190 : i32
      %mul3A_192 = arith.constant 80 : i32
      %mul3A_193 = arith.muli %while3A_188, %mul3A_192 : i32
      %add3A_194 = arith.addi %mul3A_191, %mul3A_193 : i32
      %run_scoped3A = arith.constant 0 : i32
      "tpu.region"() ({
        %run_scoped3A_197 = tpu.sem_alloc : memref<!tpu.dma_semaphore, #tpu.memory_space<semaphore_mem>>
        %dma_start3A_198 = arith.constant 0 : i32
        %dma_start3A_199 = arith.constant 0 : i32
        %dma_start3A_200 = tpu.memref_slice %arg7[%run_scoped3A, %dma_start3A_198, %dma_start3A_199] : memref<2x80x128xf32, #tpu.memory_space<vmem>> -> memref<1x80x128xf32, #tpu.memory_space<vmem>>
        %dma_start3A_201 = tpu.memref_squeeze %dma_start3A_200 : memref<1x80x128xf32, #tpu.memory_space<vmem>> -> memref<80x128xf32, #tpu.memory_space<vmem>>
        %dma_start3A_202 = arith.constant 0 : i32
        %dma_start3A_203 = tpu.memref_slice %arg9[%add3A_194, %dma_start3A_202] : memref<10000x128xf32, #tpu.memory_space<vmem_shared>> -> memref<80x128xf32, #tpu.memory_space<vmem_shared>>
        %dma_start3A_204 = arith.constant 0 : i32
        %dma_start3A_205 = arith.constant 0 : i32
        %dma_start3A_206 = tpu.memref_slice %arg7[%run_scoped3A, %dma_start3A_204, %dma_start3A_205] : memref<2x80x128xf32, #tpu.memory_space<vmem>> -> memref<1x80x128xf32, #tpu.memory_space<vmem>>
        %dma_start3A_207 = tpu.memref_squeeze %dma_start3A_206 : memref<1x80x128xf32, #tpu.memory_space<vmem>> -> memref<80x128xf32, #tpu.memory_space<vmem>>
        %dma_start3A_208 = arith.constant 0 : i32
        %dma_start3A_209 = tpu.memref_slice %arg9[%add3A_194, %dma_start3A_208] : memref<10000x128xf32, #tpu.memory_space<vmem_shared>> -> memref<80x128xf32, #tpu.memory_space<vmem_shared>>
        tpu.enqueue_dma source(%dma_start3A_209 : memref<80x128xf32, #tpu.memory_space<vmem_shared>>) target(%dma_start3A_207 : memref<80x128xf32, #tpu.memory_space<vmem>>) target_semaphore(%run_scoped3A_197 : memref<!tpu.dma_semaphore, #tpu.memory_space<semaphore_mem>>)
        %dma_wait3A_210 = arith.constant 0 : i32
        %dma_wait3A_211 = arith.constant 0 : i32
        %dma_wait3A_212 = tpu.memref_slice %arg7[%run_scoped3A, %dma_wait3A_210, %dma_wait3A_211] : memref<2x80x128xf32, #tpu.memory_space<vmem>> -> memref<1x80x128xf32, #tpu.memory_space<vmem>>
        %dma_wait3A_213 = tpu.memref_squeeze %dma_wait3A_212 : memref<1x80x128xf32, #tpu.memory_space<vmem>> -> memref<80x128xf32, #tpu.memory_space<vmem>>
        %dma_wait3A_214 = arith.constant 0 : i32
        %dma_wait3A_215 = tpu.memref_slice %arg9[%add3A_194, %dma_wait3A_214] : memref<10000x128xf32, #tpu.memory_space<vmem_shared>> -> memref<80x128xf32, #tpu.memory_space<vmem_shared>>
        %dma_wait3A_216 = arith.constant 0 : i32
        %dma_wait3A_217 = arith.constant 0 : i32
        %dma_wait3A_218 = tpu.memref_slice %arg7[%run_scoped3A, %dma_wait3A_216, %dma_wait3A_217] : memref<2x80x128xf32, #tpu.memory_space<vmem>> -> memref<1x80x128xf32, #tpu.memory_space<vmem>>
        %dma_wait3A_219 = tpu.memref_squeeze %dma_wait3A_218 : memref<1x80x128xf32, #tpu.memory_space<vmem>> -> memref<80x128xf32, #tpu.memory_space<vmem>>
        %dma_wait3A_220 = arith.constant 0 : i32
        %dma_wait3A_221 = tpu.memref_slice %arg9[%add3A_194, %dma_wait3A_220] : memref<10000x128xf32, #tpu.memory_space<vmem_shared>> -> memref<80x128xf32, #tpu.memory_space<vmem_shared>>
        tpu.wait_dma2 semaphore(%run_scoped3A_197 : memref<!tpu.dma_semaphore, #tpu.memory_space<semaphore_mem>>) src(%dma_wait3A_221 : memref<80x128xf32, #tpu.memory_space<vmem_shared>>) dst(%dma_wait3A_219 : memref<80x128xf32, #tpu.memory_space<vmem>>)
        tpu.yield
      }) : () -> ()
      %run_scoped3A_195 = arith.constant 0 : i32
      "tpu.region"() ({
        %run_scoped3A_197 = tpu.sem_alloc : memref<!tpu.dma_semaphore, #tpu.memory_space<semaphore_mem>>
        %dma_start3A_198 = arith.constant 0 : i32
        %dma_start3A_199 = arith.constant 0 : i32
        %dma_start3A_200 = tpu.memref_slice %arg7[%run_scoped3A_195, %dma_start3A_198, %dma_start3A_199] : memref<2x80x128xf32, #tpu.memory_space<vmem>> -> memref<1x80x128xf32, #tpu.memory_space<vmem>>
        %dma_start3A_201 = tpu.memref_squeeze %dma_start3A_200 : memref<1x80x128xf32, #tpu.memory_space<vmem>> -> memref<80x128xf32, #tpu.memory_space<vmem>>
        %dma_start3A_202 = arith.constant 0 : i32
        %dma_start3A_203 = tpu.memref_slice %arg5[%arg0, %add3A_194, %dma_start3A_202] : memref<2x10000x128xf32, #tpu.memory_space<hbm>> -> memref<1x80x128xf32, #tpu.memory_space<hbm>>
        %dma_start3A_204 = tpu.memref_squeeze %dma_start3A_203 : memref<1x80x128xf32, #tpu.memory_space<hbm>> -> memref<80x128xf32, #tpu.memory_space<hbm>>
        %dma_start3A_205 = arith.constant 0 : i32
        %dma_start3A_206 = tpu.memref_slice %arg5[%arg0, %add3A_194, %dma_start3A_205] : memref<2x10000x128xf32, #tpu.memory_space<hbm>> -> memref<1x80x128xf32, #tpu.memory_space<hbm>>
        %dma_start3A_207 = tpu.memref_squeeze %dma_start3A_206 : memref<1x80x128xf32, #tpu.memory_space<hbm>> -> memref<80x128xf32, #tpu.memory_space<hbm>>
        %dma_start3A_208 = arith.constant 0 : i32
        %dma_start3A_209 = arith.constant 0 : i32
        %dma_start3A_210 = tpu.memref_slice %arg7[%run_scoped3A_195, %dma_start3A_208, %dma_start3A_209] : memref<2x80x128xf32, #tpu.memory_space<vmem>> -> memref<1x80x128xf32, #tpu.memory_space<vmem>>
        %dma_start3A_211 = tpu.memref_squeeze %dma_start3A_210 : memref<1x80x128xf32, #tpu.memory_space<vmem>> -> memref<80x128xf32, #tpu.memory_space<vmem>>
        tpu.enqueue_dma source(%dma_start3A_211 : memref<80x128xf32, #tpu.memory_space<vmem>>) target(%dma_start3A_207 : memref<80x128xf32, #tpu.memory_space<hbm>>) target_semaphore(%run_scoped3A_197 : memref<!tpu.dma_semaphore, #tpu.memory_space<semaphore_mem>>)
        %dma_wait3A_212 = arith.constant 0 : i32
        %dma_wait3A_213 = arith.constant 0 : i32
        %dma_wait3A_214 = tpu.memref_slice %arg7[%run_scoped3A_195, %dma_wait3A_212, %dma_wait3A_213] : memref<2x80x128xf32, #tpu.memory_space<vmem>> -> memref<1x80x128xf32, #tpu.memory_space<vmem>>
        %dma_wait3A_215 = tpu.memref_squeeze %dma_wait3A_214 : memref<1x80x128xf32, #tpu.memory_space<vmem>> -> memref<80x128xf32, #tpu.memory_space<vmem>>
        %dma_wait3A_216 = arith.constant 0 : i32
        %dma_wait3A_217 = tpu.memref_slice %arg5[%arg0, %add3A_194, %dma_wait3A_216] : memref<2x10000x128xf32, #tpu.memory_space<hbm>> -> memref<1x80x128xf32, #tpu.memory_space<hbm>>
        %dma_wait3A_218 = tpu.memref_squeeze %dma_wait3A_217 : memref<1x80x128xf32, #tpu.memory_space<hbm>> -> memref<80x128xf32, #tpu.memory_space<hbm>>
        %dma_wait3A_219 = arith.constant 0 : i32
        %dma_wait3A_220 = tpu.memref_slice %arg5[%arg0, %add3A_194, %dma_wait3A_219] : memref<2x10000x128xf32, #tpu.memory_space<hbm>> -> memref<1x80x128xf32, #tpu.memory_space<hbm>>
        %dma_wait3A_221 = tpu.memref_squeeze %dma_wait3A_220 : memref<1x80x128xf32, #tpu.memory_space<hbm>> -> memref<80x128xf32, #tpu.memory_space<hbm>>
        %dma_wait3A_222 = arith.constant 0 : i32
        %dma_wait3A_223 = arith.constant 0 : i32
        %dma_wait3A_224 = tpu.memref_slice %arg7[%run_scoped3A_195, %dma_wait3A_222, %dma_wait3A_223] : memref<2x80x128xf32, #tpu.memory_space<vmem>> -> memref<1x80x128xf32, #tpu.memory_space<vmem>>
        %dma_wait3A_225 = tpu.memref_squeeze %dma_wait3A_224 : memref<1x80x128xf32, #tpu.memory_space<vmem>> -> memref<80x128xf32, #tpu.memory_space<vmem>>
        tpu.wait_dma2 semaphore(%run_scoped3A_197 : memref<!tpu.dma_semaphore, #tpu.memory_space<semaphore_mem>>) src(%dma_wait3A_225 : memref<80x128xf32, #tpu.memory_space<vmem>>) dst(%dma_wait3A_221 : memref<80x128xf32, #tpu.memory_space<hbm>>)
        tpu.yield
      }) : () -> ()
      %while3A_196 = arith.constant 0 : i32
      scf.yield %while3A_196 : i32
    }
    return
  }
}

#map = affine_map<(d0, d1) -> (0, 0)>
#map1 = affine_map<(d0, d1) -> (0)>
module attributes {stable_mosaic.version = 14 : i64} {
  func.func @_embed_sc_body(%arg0: i32, %arg1: i32, %arg2: memref<480x128xf32, #tpu.memory_space<hbm>>, %arg3: memref<10000xi32, #tpu.memory_space<hbm>>, %arg4: memref<10000x128xf32, #tpu.memory_space<hbm>>, %arg5: memref<312xi32, #tpu.memory_space<vmem>>, %arg6: memref<312x128xf32, #tpu.memory_space<vmem>>, %arg7: memref<16xi32, #tpu.memory_space<vmem>>, %arg8: memref<16x128xf32, #tpu.memory_space<vmem>>, %arg9: memref<!tpu.dma_semaphore, #tpu.memory_space<semaphore_mem>>) attributes {dimension_semantics = [#tpu.dimension_semantics<core_parallel>, #tpu.dimension_semantics<subcore_parallel>], iteration_bounds = array<i64: 2, 16>, scalar_prefetch = 0 : i64, scratch_operands = 5 : i64, tpu.core_type = #tpu.core_type<sc_vector_subcore>, window_params = [{transform_indices = #map}, {transform_indices = #map1}, {transform_indices = #map}]} {
    %mul3A = arith.constant 2 : i32
    %mul3A_0 = arith.muli %arg1, %mul3A : i32
    %add3A = arith.addi %mul3A_0, %arg0 : i32
    %mul3A_1 = arith.constant 312 : i32
    %mul3A_2 = arith.muli %add3A, %mul3A_1 : i32
    "tpu.region"() ({
      %run_scoped3A = tpu.sem_alloc : memref<!tpu.dma_semaphore, #tpu.memory_space<semaphore_mem>>
      %dma_start3A_51 = tpu.memref_slice %arg3[%mul3A_2] : memref<10000xi32, #tpu.memory_space<hbm>> -> memref<312xi32, #tpu.memory_space<hbm>>
      %dma_start3A_52 = tpu.memref_slice %arg3[%mul3A_2] : memref<10000xi32, #tpu.memory_space<hbm>> -> memref<312xi32, #tpu.memory_space<hbm>>
      tpu.enqueue_dma source(%dma_start3A_52 : memref<312xi32, #tpu.memory_space<hbm>>) target(%arg5 : memref<312xi32, #tpu.memory_space<vmem>>) target_semaphore(%run_scoped3A : memref<!tpu.dma_semaphore, #tpu.memory_space<semaphore_mem>>)
      %dma_wait3A_53 = tpu.memref_slice %arg3[%mul3A_2] : memref<10000xi32, #tpu.memory_space<hbm>> -> memref<312xi32, #tpu.memory_space<hbm>>
      %dma_wait3A_54 = tpu.memref_slice %arg3[%mul3A_2] : memref<10000xi32, #tpu.memory_space<hbm>> -> memref<312xi32, #tpu.memory_space<hbm>>
      tpu.wait_dma2 semaphore(%run_scoped3A : memref<!tpu.dma_semaphore, #tpu.memory_space<semaphore_mem>>) src(%dma_wait3A_54 : memref<312xi32, #tpu.memory_space<hbm>>) dst(%arg5 : memref<312xi32, #tpu.memory_space<vmem>>)
      tpu.yield
    }) : () -> ()
    %dma_start3A = arith.constant 0 : i32
    %dma_start3A_3 = arith.constant 0 : i32
    %dma_start3A_4 = tpu.memref_slice %arg6[%dma_start3A, %dma_start3A_3] : memref<312x128xf32, #tpu.memory_space<vmem>> -> memref<104x128xf32, #tpu.memory_space<vmem>>
    %dma_start3A_5 = arith.constant 0 : i32
    %dma_start3A_6 = tpu.memref_slice %arg5[%dma_start3A_5] : memref<312xi32, #tpu.memory_space<vmem>> -> memref<104xi32, #tpu.memory_space<vmem>>
    %dma_start3A_7 = arith.constant 0 : i32
    %dma_start3A_8 = arith.constant 0 : i32
    %dma_start3A_9 = tpu.memref_slice %arg2[%dma_start3A_7, %dma_start3A_8] : memref<480x128xf32, #tpu.memory_space<hbm>> -> memref<480x128xf32, #tpu.memory_space<hbm>>
    tpu.enqueue_indirect_dma source(%dma_start3A_9 : memref<480x128xf32, #tpu.memory_space<hbm>>) target(%dma_start3A_4 : memref<104x128xf32, #tpu.memory_space<vmem>>) offsets(%dma_start3A_6 : memref<104xi32, #tpu.memory_space<vmem>>) semaphore(%arg9 : memref<!tpu.dma_semaphore, #tpu.memory_space<semaphore_mem>>)
    %dma_wait3A = arith.constant 0 : i32
    %dma_wait3A_10 = arith.constant 0 : i32
    %dma_wait3A_11 = tpu.memref_slice %arg6[%dma_wait3A, %dma_wait3A_10] : memref<312x128xf32, #tpu.memory_space<vmem>> -> memref<104x128xf32, #tpu.memory_space<vmem>>
    %dma_wait3A_12 = arith.constant 0 : i32
    %dma_wait3A_13 = tpu.memref_slice %arg5[%dma_wait3A_12] : memref<312xi32, #tpu.memory_space<vmem>> -> memref<104xi32, #tpu.memory_space<vmem>>
    %dma_wait3A_14 = arith.constant 0 : i32
    %dma_wait3A_15 = arith.constant 0 : i32
    %dma_wait3A_16 = tpu.memref_slice %arg2[%dma_wait3A_14, %dma_wait3A_15] : memref<480x128xf32, #tpu.memory_space<hbm>> -> memref<480x128xf32, #tpu.memory_space<hbm>>
    tpu.wait_indirect_dma semaphore(%arg9 : memref<!tpu.dma_semaphore, #tpu.memory_space<semaphore_mem>>) src(%dma_wait3A_16 : memref<480x128xf32, #tpu.memory_space<hbm>>) dst(%dma_wait3A_11 : memref<104x128xf32, #tpu.memory_space<vmem>>)
    %dma_start3A_17 = arith.constant 104 : i32
    %dma_start3A_18 = arith.constant 0 : i32
    %dma_start3A_19 = tpu.memref_slice %arg6[%dma_start3A_17, %dma_start3A_18] : memref<312x128xf32, #tpu.memory_space<vmem>> -> memref<104x128xf32, #tpu.memory_space<vmem>>
    %dma_start3A_20 = arith.constant 104 : i32
    %dma_start3A_21 = tpu.memref_slice %arg5[%dma_start3A_20] : memref<312xi32, #tpu.memory_space<vmem>> -> memref<104xi32, #tpu.memory_space<vmem>>
    %dma_start3A_22 = arith.constant 0 : i32
    %dma_start3A_23 = arith.constant 0 : i32
    %dma_start3A_24 = tpu.memref_slice %arg2[%dma_start3A_22, %dma_start3A_23] : memref<480x128xf32, #tpu.memory_space<hbm>> -> memref<480x128xf32, #tpu.memory_space<hbm>>
    tpu.enqueue_indirect_dma source(%dma_start3A_24 : memref<480x128xf32, #tpu.memory_space<hbm>>) target(%dma_start3A_19 : memref<104x128xf32, #tpu.memory_space<vmem>>) offsets(%dma_start3A_21 : memref<104xi32, #tpu.memory_space<vmem>>) semaphore(%arg9 : memref<!tpu.dma_semaphore, #tpu.memory_space<semaphore_mem>>)
    %dma_wait3A_25 = arith.constant 104 : i32
    %dma_wait3A_26 = arith.constant 0 : i32
    %dma_wait3A_27 = tpu.memref_slice %arg6[%dma_wait3A_25, %dma_wait3A_26] : memref<312x128xf32, #tpu.memory_space<vmem>> -> memref<104x128xf32, #tpu.memory_space<vmem>>
    %dma_wait3A_28 = arith.constant 104 : i32
    %dma_wait3A_29 = tpu.memref_slice %arg5[%dma_wait3A_28] : memref<312xi32, #tpu.memory_space<vmem>> -> memref<104xi32, #tpu.memory_space<vmem>>
    %dma_wait3A_30 = arith.constant 0 : i32
    %dma_wait3A_31 = arith.constant 0 : i32
    %dma_wait3A_32 = tpu.memref_slice %arg2[%dma_wait3A_30, %dma_wait3A_31] : memref<480x128xf32, #tpu.memory_space<hbm>> -> memref<480x128xf32, #tpu.memory_space<hbm>>
    tpu.wait_indirect_dma semaphore(%arg9 : memref<!tpu.dma_semaphore, #tpu.memory_space<semaphore_mem>>) src(%dma_wait3A_32 : memref<480x128xf32, #tpu.memory_space<hbm>>) dst(%dma_wait3A_27 : memref<104x128xf32, #tpu.memory_space<vmem>>)
    %dma_start3A_33 = arith.constant 208 : i32
    %dma_start3A_34 = arith.constant 0 : i32
    %dma_start3A_35 = tpu.memref_slice %arg6[%dma_start3A_33, %dma_start3A_34] : memref<312x128xf32, #tpu.memory_space<vmem>> -> memref<104x128xf32, #tpu.memory_space<vmem>>
    %dma_start3A_36 = arith.constant 208 : i32
    %dma_start3A_37 = tpu.memref_slice %arg5[%dma_start3A_36] : memref<312xi32, #tpu.memory_space<vmem>> -> memref<104xi32, #tpu.memory_space<vmem>>
    %dma_start3A_38 = arith.constant 0 : i32
    %dma_start3A_39 = arith.constant 0 : i32
    %dma_start3A_40 = tpu.memref_slice %arg2[%dma_start3A_38, %dma_start3A_39] : memref<480x128xf32, #tpu.memory_space<hbm>> -> memref<480x128xf32, #tpu.memory_space<hbm>>
    tpu.enqueue_indirect_dma source(%dma_start3A_40 : memref<480x128xf32, #tpu.memory_space<hbm>>) target(%dma_start3A_35 : memref<104x128xf32, #tpu.memory_space<vmem>>) offsets(%dma_start3A_37 : memref<104xi32, #tpu.memory_space<vmem>>) semaphore(%arg9 : memref<!tpu.dma_semaphore, #tpu.memory_space<semaphore_mem>>)
    %dma_wait3A_41 = arith.constant 208 : i32
    %dma_wait3A_42 = arith.constant 0 : i32
    %dma_wait3A_43 = tpu.memref_slice %arg6[%dma_wait3A_41, %dma_wait3A_42] : memref<312x128xf32, #tpu.memory_space<vmem>> -> memref<104x128xf32, #tpu.memory_space<vmem>>
    %dma_wait3A_44 = arith.constant 208 : i32
    %dma_wait3A_45 = tpu.memref_slice %arg5[%dma_wait3A_44] : memref<312xi32, #tpu.memory_space<vmem>> -> memref<104xi32, #tpu.memory_space<vmem>>
    %dma_wait3A_46 = arith.constant 0 : i32
    %dma_wait3A_47 = arith.constant 0 : i32
    %dma_wait3A_48 = tpu.memref_slice %arg2[%dma_wait3A_46, %dma_wait3A_47] : memref<480x128xf32, #tpu.memory_space<hbm>> -> memref<480x128xf32, #tpu.memory_space<hbm>>
    tpu.wait_indirect_dma semaphore(%arg9 : memref<!tpu.dma_semaphore, #tpu.memory_space<semaphore_mem>>) src(%dma_wait3A_48 : memref<480x128xf32, #tpu.memory_space<hbm>>) dst(%dma_wait3A_43 : memref<104x128xf32, #tpu.memory_space<vmem>>)
    "tpu.region"() ({
      %run_scoped3A = tpu.sem_alloc : memref<!tpu.dma_semaphore, #tpu.memory_space<semaphore_mem>>
      %dma_start3A_51 = arith.constant 0 : i32
      %dma_start3A_52 = tpu.memref_slice %arg4[%mul3A_2, %dma_start3A_51] : memref<10000x128xf32, #tpu.memory_space<hbm>> -> memref<312x128xf32, #tpu.memory_space<hbm>>
      %dma_start3A_53 = arith.constant 0 : i32
      %dma_start3A_54 = tpu.memref_slice %arg4[%mul3A_2, %dma_start3A_53] : memref<10000x128xf32, #tpu.memory_space<hbm>> -> memref<312x128xf32, #tpu.memory_space<hbm>>
      tpu.enqueue_dma source(%arg6 : memref<312x128xf32, #tpu.memory_space<vmem>>) target(%dma_start3A_54 : memref<312x128xf32, #tpu.memory_space<hbm>>) target_semaphore(%run_scoped3A : memref<!tpu.dma_semaphore, #tpu.memory_space<semaphore_mem>>)
      %dma_wait3A_55 = arith.constant 0 : i32
      %dma_wait3A_56 = tpu.memref_slice %arg4[%mul3A_2, %dma_wait3A_55] : memref<10000x128xf32, #tpu.memory_space<hbm>> -> memref<312x128xf32, #tpu.memory_space<hbm>>
      %dma_wait3A_57 = arith.constant 0 : i32
      %dma_wait3A_58 = tpu.memref_slice %arg4[%mul3A_2, %dma_wait3A_57] : memref<10000x128xf32, #tpu.memory_space<hbm>> -> memref<312x128xf32, #tpu.memory_space<hbm>>
      tpu.wait_dma2 semaphore(%run_scoped3A : memref<!tpu.dma_semaphore, #tpu.memory_space<semaphore_mem>>) src(%arg6 : memref<312x128xf32, #tpu.memory_space<vmem>>) dst(%dma_wait3A_58 : memref<312x128xf32, #tpu.memory_space<hbm>>)
      tpu.yield
    }) : () -> ()
    %eq3A = arith.constant 31 : i32
    %eq3A_49 = arith.cmpi eq, %add3A, %eq3A : i32
    %convert_element_type3A = arith.extui %eq3A_49 : i1 to i32
    %cond3A = arith.constant 0 : i32
    %cond3A_50 = arith.cmpi ne, %convert_element_type3A, %cond3A : i32
    scf.if %cond3A_50 {
      "tpu.region"() ({
        %run_scoped3A = tpu.sem_alloc : memref<!tpu.dma_semaphore, #tpu.memory_space<semaphore_mem>>
        %dma_start3A_57 = arith.constant 9984 : i32
        %dma_start3A_58 = tpu.memref_slice %arg3[%dma_start3A_57] : memref<10000xi32, #tpu.memory_space<hbm>> -> memref<16xi32, #tpu.memory_space<hbm>>
        %dma_start3A_59 = arith.constant 9984 : i32
        %dma_start3A_60 = tpu.memref_slice %arg3[%dma_start3A_59] : memref<10000xi32, #tpu.memory_space<hbm>> -> memref<16xi32, #tpu.memory_space<hbm>>
        tpu.enqueue_dma source(%dma_start3A_60 : memref<16xi32, #tpu.memory_space<hbm>>) target(%arg7 : memref<16xi32, #tpu.memory_space<vmem>>) target_semaphore(%run_scoped3A : memref<!tpu.dma_semaphore, #tpu.memory_space<semaphore_mem>>)
        %dma_wait3A_61 = arith.constant 9984 : i32
        %dma_wait3A_62 = tpu.memref_slice %arg3[%dma_wait3A_61] : memref<10000xi32, #tpu.memory_space<hbm>> -> memref<16xi32, #tpu.memory_space<hbm>>
        %dma_wait3A_63 = arith.constant 9984 : i32
        %dma_wait3A_64 = tpu.memref_slice %arg3[%dma_wait3A_63] : memref<10000xi32, #tpu.memory_space<hbm>> -> memref<16xi32, #tpu.memory_space<hbm>>
        tpu.wait_dma2 semaphore(%run_scoped3A : memref<!tpu.dma_semaphore, #tpu.memory_space<semaphore_mem>>) src(%dma_wait3A_64 : memref<16xi32, #tpu.memory_space<hbm>>) dst(%arg7 : memref<16xi32, #tpu.memory_space<vmem>>)
        tpu.yield
      }) : () -> ()
      %dma_start3A_51 = arith.constant 0 : i32
      %dma_start3A_52 = arith.constant 0 : i32
      %dma_start3A_53 = tpu.memref_slice %arg2[%dma_start3A_51, %dma_start3A_52] : memref<480x128xf32, #tpu.memory_space<hbm>> -> memref<480x128xf32, #tpu.memory_space<hbm>>
      tpu.enqueue_indirect_dma source(%dma_start3A_53 : memref<480x128xf32, #tpu.memory_space<hbm>>) target(%arg8 : memref<16x128xf32, #tpu.memory_space<vmem>>) offsets(%arg7 : memref<16xi32, #tpu.memory_space<vmem>>) semaphore(%arg9 : memref<!tpu.dma_semaphore, #tpu.memory_space<semaphore_mem>>)
      %dma_wait3A_54 = arith.constant 0 : i32
      %dma_wait3A_55 = arith.constant 0 : i32
      %dma_wait3A_56 = tpu.memref_slice %arg2[%dma_wait3A_54, %dma_wait3A_55] : memref<480x128xf32, #tpu.memory_space<hbm>> -> memref<480x128xf32, #tpu.memory_space<hbm>>
      tpu.wait_indirect_dma semaphore(%arg9 : memref<!tpu.dma_semaphore, #tpu.memory_space<semaphore_mem>>) src(%dma_wait3A_56 : memref<480x128xf32, #tpu.memory_space<hbm>>) dst(%arg8 : memref<16x128xf32, #tpu.memory_space<vmem>>)
      "tpu.region"() ({
        %run_scoped3A = tpu.sem_alloc : memref<!tpu.dma_semaphore, #tpu.memory_space<semaphore_mem>>
        %dma_start3A_57 = arith.constant 9984 : i32
        %dma_start3A_58 = arith.constant 0 : i32
        %dma_start3A_59 = tpu.memref_slice %arg4[%dma_start3A_57, %dma_start3A_58] : memref<10000x128xf32, #tpu.memory_space<hbm>> -> memref<16x128xf32, #tpu.memory_space<hbm>>
        %dma_start3A_60 = arith.constant 9984 : i32
        %dma_start3A_61 = arith.constant 0 : i32
        %dma_start3A_62 = tpu.memref_slice %arg4[%dma_start3A_60, %dma_start3A_61] : memref<10000x128xf32, #tpu.memory_space<hbm>> -> memref<16x128xf32, #tpu.memory_space<hbm>>
        tpu.enqueue_dma source(%arg8 : memref<16x128xf32, #tpu.memory_space<vmem>>) target(%dma_start3A_62 : memref<16x128xf32, #tpu.memory_space<hbm>>) target_semaphore(%run_scoped3A : memref<!tpu.dma_semaphore, #tpu.memory_space<semaphore_mem>>)
        %dma_wait3A_63 = arith.constant 9984 : i32
        %dma_wait3A_64 = arith.constant 0 : i32
        %dma_wait3A_65 = tpu.memref_slice %arg4[%dma_wait3A_63, %dma_wait3A_64] : memref<10000x128xf32, #tpu.memory_space<hbm>> -> memref<16x128xf32, #tpu.memory_space<hbm>>
        %dma_wait3A_66 = arith.constant 9984 : i32
        %dma_wait3A_67 = arith.constant 0 : i32
        %dma_wait3A_68 = tpu.memref_slice %arg4[%dma_wait3A_66, %dma_wait3A_67] : memref<10000x128xf32, #tpu.memory_space<hbm>> -> memref<16x128xf32, #tpu.memory_space<hbm>>
        tpu.wait_dma2 semaphore(%run_scoped3A : memref<!tpu.dma_semaphore, #tpu.memory_space<semaphore_mem>>) src(%arg8 : memref<16x128xf32, #tpu.memory_space<vmem>>) dst(%dma_wait3A_68 : memref<16x128xf32, #tpu.memory_space<hbm>>)
        tpu.yield
      }) : () -> ()
    } else {
    }
    return
  }
}

#map = affine_map<(d0, d1) -> (0, 0)>
#map1 = affine_map<(d0, d1) -> (0, 0, 0, 0)>
#map2 = affine_map<(d0, d1) -> (0, 0, 0)>
module attributes {stable_mosaic.version = 14 : i64} {
  func.func @_msg_aggr_sc_body(%arg0: i32, %arg1: i32, %arg2: memref<10000x128xf32, #tpu.memory_space<hbm>>, %arg3: memref<320000x128xf32, #tpu.memory_space<hbm>>, %arg4: memref<32x125x2x80xi32, #tpu.memory_space<hbm>>, %arg5: memref<2x10000x128xf32, #tpu.memory_space<hbm>>, %arg6: memref<4x2x80xi32, #tpu.memory_space<vmem>>, %arg7: memref<2x80x128xf32, #tpu.memory_space<vmem>>, %arg8: memref<2x80x128xf32, #tpu.memory_space<vmem>>, %arg9: memref<10000x128xf32, #tpu.memory_space<vmem_shared>>, %arg10: memref<4x!tpu.dma_semaphore, #tpu.memory_space<semaphore_mem>>, %arg11: memref<2x!tpu.dma_semaphore, #tpu.memory_space<semaphore_mem>>, %arg12: memref<2x!tpu.dma_semaphore, #tpu.memory_space<semaphore_mem>>, %arg13: memref<2x!tpu.dma_semaphore, #tpu.memory_space<semaphore_mem>>) attributes {dimension_semantics = [#tpu.dimension_semantics<core_parallel>, #tpu.dimension_semantics<subcore_parallel>], iteration_bounds = array<i64: 2, 16>, scalar_prefetch = 0 : i64, scratch_operands = 8 : i64, tpu.core_type = #tpu.core_type<sc_vector_subcore>, window_params = [{transform_indices = #map}, {transform_indices = #map}, {transform_indices = #map1}, {transform_indices = #map2}]} {
    %mul3A = arith.constant 2 : i32
    %mul3A_0 = arith.muli %arg1, %mul3A : i32
    %add3A = arith.addi %mul3A_0, %arg0 : i32
    %eq3A = arith.constant 15 : i32
    %eq3A_1 = arith.cmpi eq, %arg1, %eq3A : i32
    %jit3A = arith.constant 400 : i32
    %jit3A_2 = arith.constant 640 : i32
    %select_n3A = arith.select %eq3A_1, %jit3A, %jit3A_2 : i32
    %jit3A_3 = arith.constant 80 : i32
    %div3A = arith.divsi %select_n3A, %jit3A_3 : i32
    %sign3A = arith.constant 0 : i32
    %sign3A_4 = arith.cmpi sgt, %select_n3A, %sign3A : i32
    %sign3A_5 = arith.extui %sign3A_4 : i1 to i32
    %sign3A_6 = arith.constant 0 : i32
    %sign3A_7 = arith.cmpi slt, %select_n3A, %sign3A_6 : i32
    %sign3A_8 = arith.extui %sign3A_7 : i1 to i32
    %sign3A_9 = arith.subi %sign3A_5, %sign3A_8 : i32
    %sign3A_10 = arith.constant 0 : i32
    %sign3A_11 = arith.cmpi sgt, %jit3A_3, %sign3A_10 : i32
    %sign3A_12 = arith.extui %sign3A_11 : i1 to i32
    %sign3A_13 = arith.constant 0 : i32
    %sign3A_14 = arith.cmpi slt, %jit3A_3, %sign3A_13 : i32
    %sign3A_15 = arith.extui %sign3A_14 : i1 to i32
    %sign3A_16 = arith.subi %sign3A_12, %sign3A_15 : i32
    %ne3A = arith.cmpi ne, %sign3A_9, %sign3A_16 : i32
    %rem3A = arith.remsi %select_n3A, %jit3A_3 : i32
    %ne3A_17 = arith.constant 0 : i32
    %ne3A_18 = arith.cmpi ne, %rem3A, %ne3A_17 : i32
    %and3A = arith.andi %ne3A, %ne3A_18 : i1
    %sub3A = arith.constant 1 : i32
    %sub3A_19 = arith.subi %div3A, %sub3A : i32
    %select_n3A_20 = arith.select %and3A, %sub3A_19, %div3A : i32
    %broadcast_in_dim3A = arith.constant 0.000000e+00 : f32
    %broadcast_in_dim3A_21 = vector.broadcast %broadcast_in_dim3A : f32 to vector<16xf32>
    %scan3A = arith.constant 0 : i32
    %scan3A_22 = arith.constant 0 : i32
    %scan3A_23 = arith.constant 80 : i32
    %scan3A_24 = arith.addi %scan3A_22, %scan3A_23 : i32
    %scan3A_25 = arith.constant 1 : i32
    %scan3A_26 = scf.for %scan3A_188 = %scan3A_22 to %scan3A_24 step %scan3A_25 iter_args(%scan3A_189 = %scan3A) -> (i32)  : i32 {
      %swap3A = arith.constant 0 : i32
      %swap3A_190 = arith.index_cast %swap3A : i32 to index
      %swap3A_191 = arith.index_cast %scan3A_188 : i32 to index
      %swap3A_192 = arith.constant 0 : index
      %swap3A_193 = tpu.vector_load %arg7[%swap3A_190, %swap3A_191, %swap3A_192] {strides = array<i32>} : memref<2x80x128xf32, #tpu.memory_space<vmem>>, vector<1x1x16xf32>,
      %swap3A_194 = vector.shape_cast %swap3A_193 : vector<1x1x16xf32> to vector<16xf32>
      %swap3A_195 = vector.shape_cast %broadcast_in_dim3A_21 : vector<16xf32> to vector<1x1x16xf32>
      tpu.vector_store %arg7[%swap3A_190, %swap3A_191, %swap3A_192], %swap3A_195 {strides = array<i32>} : memref<2x80x128xf32, #tpu.memory_space<vmem>>, vector<1x1x16xf32>,
      %swap3A_196 = arith.constant 0 : i32
      %swap3A_197 = arith.index_cast %swap3A_196 : i32 to index
      %swap3A_198 = arith.index_cast %scan3A_188 : i32 to index
      %swap3A_199 = arith.constant 16 : index
      %swap3A_200 = tpu.vector_load %arg7[%swap3A_197, %swap3A_198, %swap3A_199] {strides = array<i32>} : memref<2x80x128xf32, #tpu.memory_space<vmem>>, vector<1x1x16xf32>,
      %swap3A_201 = vector.shape_cast %swap3A_200 : vector<1x1x16xf32> to vector<16xf32>
      %swap3A_202 = vector.shape_cast %broadcast_in_dim3A_21 : vector<16xf32> to vector<1x1x16xf32>
      tpu.vector_store %arg7[%swap3A_197, %swap3A_198, %swap3A_199], %swap3A_202 {strides = array<i32>} : memref<2x80x128xf32, #tpu.memory_space<vmem>>, vector<1x1x16xf32>,
      %swap3A_203 = arith.constant 0 : i32
      %swap3A_204 = arith.index_cast %swap3A_203 : i32 to index
      %swap3A_205 = arith.index_cast %scan3A_188 : i32 to index
      %swap3A_206 = arith.constant 32 : index
      %swap3A_207 = tpu.vector_load %arg7[%swap3A_204, %swap3A_205, %swap3A_206] {strides = array<i32>} : memref<2x80x128xf32, #tpu.memory_space<vmem>>, vector<1x1x16xf32>,
      %swap3A_208 = vector.shape_cast %swap3A_207 : vector<1x1x16xf32> to vector<16xf32>
      %swap3A_209 = vector.shape_cast %broadcast_in_dim3A_21 : vector<16xf32> to vector<1x1x16xf32>
      tpu.vector_store %arg7[%swap3A_204, %swap3A_205, %swap3A_206], %swap3A_209 {strides = array<i32>} : memref<2x80x128xf32, #tpu.memory_space<vmem>>, vector<1x1x16xf32>,
      %swap3A_210 = arith.constant 0 : i32
      %swap3A_211 = arith.index_cast %swap3A_210 : i32 to index
      %swap3A_212 = arith.index_cast %scan3A_188 : i32 to index
      %swap3A_213 = arith.constant 48 : index
      %swap3A_214 = tpu.vector_load %arg7[%swap3A_211, %swap3A_212, %swap3A_213] {strides = array<i32>} : memref<2x80x128xf32, #tpu.memory_space<vmem>>, vector<1x1x16xf32>,
      %swap3A_215 = vector.shape_cast %swap3A_214 : vector<1x1x16xf32> to vector<16xf32>
      %swap3A_216 = vector.shape_cast %broadcast_in_dim3A_21 : vector<16xf32> to vector<1x1x16xf32>
      tpu.vector_store %arg7[%swap3A_211, %swap3A_212, %swap3A_213], %swap3A_216 {strides = array<i32>} : memref<2x80x128xf32, #tpu.memory_space<vmem>>, vector<1x1x16xf32>,
      %swap3A_217 = arith.constant 0 : i32
      %swap3A_218 = arith.index_cast %swap3A_217 : i32 to index
      %swap3A_219 = arith.index_cast %scan3A_188 : i32 to index
      %swap3A_220 = arith.constant 64 : index
      %swap3A_221 = tpu.vector_load %arg7[%swap3A_218, %swap3A_219, %swap3A_220] {strides = array<i32>} : memref<2x80x128xf32, #tpu.memory_space<vmem>>, vector<1x1x16xf32>,
      %swap3A_222 = vector.shape_cast %swap3A_221 : vector<1x1x16xf32> to vector<16xf32>
      %swap3A_223 = vector.shape_cast %broadcast_in_dim3A_21 : vector<16xf32> to vector<1x1x16xf32>
      tpu.vector_store %arg7[%swap3A_218, %swap3A_219, %swap3A_220], %swap3A_223 {strides = array<i32>} : memref<2x80x128xf32, #tpu.memory_space<vmem>>, vector<1x1x16xf32>,
      %swap3A_224 = arith.constant 0 : i32
      %swap3A_225 = arith.index_cast %swap3A_224 : i32 to index
      %swap3A_226 = arith.index_cast %scan3A_188 : i32 to index
      %swap3A_227 = arith.constant 80 : index
      %swap3A_228 = tpu.vector_load %arg7[%swap3A_225, %swap3A_226, %swap3A_227] {strides = array<i32>} : memref<2x80x128xf32, #tpu.memory_space<vmem>>, vector<1x1x16xf32>,
      %swap3A_229 = vector.shape_cast %swap3A_228 : vector<1x1x16xf32> to vector<16xf32>
      %swap3A_230 = vector.shape_cast %broadcast_in_dim3A_21 : vector<16xf32> to vector<1x1x16xf32>
      tpu.vector_store %arg7[%swap3A_225, %swap3A_226, %swap3A_227], %swap3A_230 {strides = array<i32>} : memref<2x80x128xf32, #tpu.memory_space<vmem>>, vector<1x1x16xf32>,
      %swap3A_231 = arith.constant 0 : i32
      %swap3A_232 = arith.index_cast %swap3A_231 : i32 to index
      %swap3A_233 = arith.index_cast %scan3A_188 : i32 to index
      %swap3A_234 = arith.constant 96 : index
      %swap3A_235 = tpu.vector_load %arg7[%swap3A_232, %swap3A_233, %swap3A_234] {strides = array<i32>} : memref<2x80x128xf32, #tpu.memory_space<vmem>>, vector<1x1x16xf32>,
      %swap3A_236 = vector.shape_cast %swap3A_235 : vector<1x1x16xf32> to vector<16xf32>
      %swap3A_237 = vector.shape_cast %broadcast_in_dim3A_21 : vector<16xf32> to vector<1x1x16xf32>
      tpu.vector_store %arg7[%swap3A_232, %swap3A_233, %swap3A_234], %swap3A_237 {strides = array<i32>} : memref<2x80x128xf32, #tpu.memory_space<vmem>>, vector<1x1x16xf32>,
      %swap3A_238 = arith.constant 0 : i32
      %swap3A_239 = arith.index_cast %swap3A_238 : i32 to index
      %swap3A_240 = arith.index_cast %scan3A_188 : i32 to index
      %swap3A_241 = arith.constant 112 : index
      %swap3A_242 = tpu.vector_load %arg7[%swap3A_239, %swap3A_240, %swap3A_241] {strides = array<i32>} : memref<2x80x128xf32, #tpu.memory_space<vmem>>, vector<1x1x16xf32>,
      %swap3A_243 = vector.shape_cast %swap3A_242 : vector<1x1x16xf32> to vector<16xf32>
      %swap3A_244 = vector.shape_cast %broadcast_in_dim3A_21 : vector<16xf32> to vector<1x1x16xf32>
      tpu.vector_store %arg7[%swap3A_239, %swap3A_240, %swap3A_241], %swap3A_244 {strides = array<i32>} : memref<2x80x128xf32, #tpu.memory_space<vmem>>, vector<1x1x16xf32>,
      %scan3A_245 = arith.constant 0 : i32
      scf.yield %scan3A_245 : i32
    }
    %scan3A_27 = arith.constant 80 : i32
    %while3A = arith.constant 0 : i32
    %while3A_28 = arith.constant 0 : i32
    %while3A_29 = arith.subi %select_n3A_20, %while3A : i32
    %while3A_30 = arith.addi %while3A, %while3A_29 : i32
    %while3A_31 = arith.constant 1 : i32
    %while3A_32 = arith.divsi %while3A_29, %while3A_31 : i32
    %while3A_33 = arith.muli %while3A_32, %while3A_31 : i32
    %while3A_34 = arith.addi %while3A, %while3A_33 : i32
    %while3A_35 = arith.constant 1 : i32
    %while3A_36 = scf.for %while3A_188 = %while3A to %while3A_34 step %while3A_35 iter_args(%while3A_189 = %while3A_28) -> (i32)  : i32 {
      %mul3A_190 = arith.constant 640 : i32
      %mul3A_191 = arith.muli %arg1, %mul3A_190 : i32
      %mul3A_192 = arith.constant 80 : i32
      %mul3A_193 = arith.muli %while3A_188, %mul3A_192 : i32
      %add3A_194 = arith.addi %mul3A_191, %mul3A_193 : i32
      %run_scoped3A = arith.constant 0 : i32
      "tpu.region"() ({
        %run_scoped3A_196 = tpu.sem_alloc : memref<!tpu.dma_semaphore, #tpu.memory_space<semaphore_mem>>
        %dma_start3A_197 = arith.constant 0 : i32
        %dma_start3A_198 = arith.constant 0 : i32
        %dma_start3A_199 = tpu.memref_slice %arg7[%run_scoped3A, %dma_start3A_197, %dma_start3A_198] : memref<2x80x128xf32, #tpu.memory_space<vmem>> -> memref<1x80x128xf32, #tpu.memory_space<vmem>>
        %dma_start3A_200 = tpu.memref_squeeze %dma_start3A_199 : memref<1x80x128xf32, #tpu.memory_space<vmem>> -> memref<80x128xf32, #tpu.memory_space<vmem>>
        %dma_start3A_201 = arith.constant 0 : i32
        %dma_start3A_202 = tpu.memref_slice %arg9[%add3A_194, %dma_start3A_201] : memref<10000x128xf32, #tpu.memory_space<vmem_shared>> -> memref<80x128xf32, #tpu.memory_space<vmem_shared>>
        %dma_start3A_203 = arith.constant 0 : i32
        %dma_start3A_204 = tpu.memref_slice %arg9[%add3A_194, %dma_start3A_203] : memref<10000x128xf32, #tpu.memory_space<vmem_shared>> -> memref<80x128xf32, #tpu.memory_space<vmem_shared>>
        %dma_start3A_205 = arith.constant 0 : i32
        %dma_start3A_206 = arith.constant 0 : i32
        %dma_start3A_207 = tpu.memref_slice %arg7[%run_scoped3A, %dma_start3A_205, %dma_start3A_206] : memref<2x80x128xf32, #tpu.memory_space<vmem>> -> memref<1x80x128xf32, #tpu.memory_space<vmem>>
        %dma_start3A_208 = tpu.memref_squeeze %dma_start3A_207 : memref<1x80x128xf32, #tpu.memory_space<vmem>> -> memref<80x128xf32, #tpu.memory_space<vmem>>
        tpu.enqueue_dma source(%dma_start3A_208 : memref<80x128xf32, #tpu.memory_space<vmem>>) target(%dma_start3A_204 : memref<80x128xf32, #tpu.memory_space<vmem_shared>>) target_semaphore(%run_scoped3A_196 : memref<!tpu.dma_semaphore, #tpu.memory_space<semaphore_mem>>)
        %dma_wait3A_209 = arith.constant 0 : i32
        %dma_wait3A_210 = arith.constant 0 : i32
        %dma_wait3A_211 = tpu.memref_slice %arg7[%run_scoped3A, %dma_wait3A_209, %dma_wait3A_210] : memref<2x80x128xf32, #tpu.memory_space<vmem>> -> memref<1x80x128xf32, #tpu.memory_space<vmem>>
        %dma_wait3A_212 = tpu.memref_squeeze %dma_wait3A_211 : memref<1x80x128xf32, #tpu.memory_space<vmem>> -> memref<80x128xf32, #tpu.memory_space<vmem>>
        %dma_wait3A_213 = arith.constant 0 : i32
        %dma_wait3A_214 = tpu.memref_slice %arg9[%add3A_194, %dma_wait3A_213] : memref<10000x128xf32, #tpu.memory_space<vmem_shared>> -> memref<80x128xf32, #tpu.memory_space<vmem_shared>>
        %dma_wait3A_215 = arith.constant 0 : i32
        %dma_wait3A_216 = tpu.memref_slice %arg9[%add3A_194, %dma_wait3A_215] : memref<10000x128xf32, #tpu.memory_space<vmem_shared>> -> memref<80x128xf32, #tpu.memory_space<vmem_shared>>
        %dma_wait3A_217 = arith.constant 0 : i32
        %dma_wait3A_218 = arith.constant 0 : i32
        %dma_wait3A_219 = tpu.memref_slice %arg7[%run_scoped3A, %dma_wait3A_217, %dma_wait3A_218] : memref<2x80x128xf32, #tpu.memory_space<vmem>> -> memref<1x80x128xf32, #tpu.memory_space<vmem>>
        %dma_wait3A_220 = tpu.memref_squeeze %dma_wait3A_219 : memref<1x80x128xf32, #tpu.memory_space<vmem>> -> memref<80x128xf32, #tpu.memory_space<vmem>>
        tpu.wait_dma2 semaphore(%run_scoped3A_196 : memref<!tpu.dma_semaphore, #tpu.memory_space<semaphore_mem>>) src(%dma_wait3A_220 : memref<80x128xf32, #tpu.memory_space<vmem>>) dst(%dma_wait3A_216 : memref<80x128xf32, #tpu.memory_space<vmem_shared>>)
        tpu.yield
      }) : () -> ()
      %while3A_195 = arith.constant 0 : i32
      scf.yield %while3A_195 : i32
    }
    %while3A_37 = arith.constant 1 : i32
    %while3A_38 = scf.for %while3A_188 = %while3A_34 to %while3A_30 step %while3A_37 iter_args(%while3A_189 = %while3A_36) -> (i32)  : i32 {
      %mul3A_190 = arith.constant 640 : i32
      %mul3A_191 = arith.muli %arg1, %mul3A_190 : i32
      %mul3A_192 = arith.constant 80 : i32
      %mul3A_193 = arith.muli %while3A_188, %mul3A_192 : i32
      %add3A_194 = arith.addi %mul3A_191, %mul3A_193 : i32
      %run_scoped3A = arith.constant 0 : i32
      "tpu.region"() ({
        %run_scoped3A_196 = tpu.sem_alloc : memref<!tpu.dma_semaphore, #tpu.memory_space<semaphore_mem>>
        %dma_start3A_197 = arith.constant 0 : i32
        %dma_start3A_198 = arith.constant 0 : i32
        %dma_start3A_199 = tpu.memref_slice %arg7[%run_scoped3A, %dma_start3A_197, %dma_start3A_198] : memref<2x80x128xf32, #tpu.memory_space<vmem>> -> memref<1x80x128xf32, #tpu.memory_space<vmem>>
        %dma_start3A_200 = tpu.memref_squeeze %dma_start3A_199 : memref<1x80x128xf32, #tpu.memory_space<vmem>> -> memref<80x128xf32, #tpu.memory_space<vmem>>
        %dma_start3A_201 = arith.constant 0 : i32
        %dma_start3A_202 = tpu.memref_slice %arg9[%add3A_194, %dma_start3A_201] : memref<10000x128xf32, #tpu.memory_space<vmem_shared>> -> memref<80x128xf32, #tpu.memory_space<vmem_shared>>
        %dma_start3A_203 = arith.constant 0 : i32
        %dma_start3A_204 = tpu.memref_slice %arg9[%add3A_194, %dma_start3A_203] : memref<10000x128xf32, #tpu.memory_space<vmem_shared>> -> memref<80x128xf32, #tpu.memory_space<vmem_shared>>
        %dma_start3A_205 = arith.constant 0 : i32
        %dma_start3A_206 = arith.constant 0 : i32
        %dma_start3A_207 = tpu.memref_slice %arg7[%run_scoped3A, %dma_start3A_205, %dma_start3A_206] : memref<2x80x128xf32, #tpu.memory_space<vmem>> -> memref<1x80x128xf32, #tpu.memory_space<vmem>>
        %dma_start3A_208 = tpu.memref_squeeze %dma_start3A_207 : memref<1x80x128xf32, #tpu.memory_space<vmem>> -> memref<80x128xf32, #tpu.memory_space<vmem>>
        tpu.enqueue_dma source(%dma_start3A_208 : memref<80x128xf32, #tpu.memory_space<vmem>>) target(%dma_start3A_204 : memref<80x128xf32, #tpu.memory_space<vmem_shared>>) target_semaphore(%run_scoped3A_196 : memref<!tpu.dma_semaphore, #tpu.memory_space<semaphore_mem>>)
        %dma_wait3A_209 = arith.constant 0 : i32
        %dma_wait3A_210 = arith.constant 0 : i32
        %dma_wait3A_211 = tpu.memref_slice %arg7[%run_scoped3A, %dma_wait3A_209, %dma_wait3A_210] : memref<2x80x128xf32, #tpu.memory_space<vmem>> -> memref<1x80x128xf32, #tpu.memory_space<vmem>>
        %dma_wait3A_212 = tpu.memref_squeeze %dma_wait3A_211 : memref<1x80x128xf32, #tpu.memory_space<vmem>> -> memref<80x128xf32, #tpu.memory_space<vmem>>
        %dma_wait3A_213 = arith.constant 0 : i32
        %dma_wait3A_214 = tpu.memref_slice %arg9[%add3A_194, %dma_wait3A_213] : memref<10000x128xf32, #tpu.memory_space<vmem_shared>> -> memref<80x128xf32, #tpu.memory_space<vmem_shared>>
        %dma_wait3A_215 = arith.constant 0 : i32
        %dma_wait3A_216 = tpu.memref_slice %arg9[%add3A_194, %dma_wait3A_215] : memref<10000x128xf32, #tpu.memory_space<vmem_shared>> -> memref<80x128xf32, #tpu.memory_space<vmem_shared>>
        %dma_wait3A_217 = arith.constant 0 : i32
        %dma_wait3A_218 = arith.constant 0 : i32
        %dma_wait3A_219 = tpu.memref_slice %arg7[%run_scoped3A, %dma_wait3A_217, %dma_wait3A_218] : memref<2x80x128xf32, #tpu.memory_space<vmem>> -> memref<1x80x128xf32, #tpu.memory_space<vmem>>
        %dma_wait3A_220 = tpu.memref_squeeze %dma_wait3A_219 : memref<1x80x128xf32, #tpu.memory_space<vmem>> -> memref<80x128xf32, #tpu.memory_space<vmem>>
        tpu.wait_dma2 semaphore(%run_scoped3A_196 : memref<!tpu.dma_semaphore, #tpu.memory_space<semaphore_mem>>) src(%dma_wait3A_220 : memref<80x128xf32, #tpu.memory_space<vmem>>) dst(%dma_wait3A_216 : memref<80x128xf32, #tpu.memory_space<vmem_shared>>)
        tpu.yield
      }) : () -> ()
      %while3A_195 = arith.constant 0 : i32
      scf.yield %while3A_195 : i32
    }
    %dma_start3A = arith.constant 0 : i32
    %dma_start3A_39 = arith.constant 0 : i32
    %dma_start3A_40 = arith.constant 0 : i32
    %dma_start3A_41 = arith.constant 0 : i32
    %dma_start3A_42 = arith.constant 0 : i32
    %dma_start3A_43 = tpu.memref_slice %arg6[%dma_start3A_39, %dma_start3A_41, %dma_start3A_42] : memref<4x2x80xi32, #tpu.memory_space<vmem>> -> memref<1x2x80xi32, #tpu.memory_space<vmem>>
    %dma_start3A_44 = tpu.memref_squeeze %dma_start3A_43 : memref<1x2x80xi32, #tpu.memory_space<vmem>> -> memref<2x80xi32, #tpu.memory_space<vmem>>
    %dma_start3A_45 = arith.constant 0 : i32
    %dma_start3A_46 = arith.constant 0 : i32
    %dma_start3A_47 = tpu.memref_slice %arg4[%add3A, %dma_start3A, %dma_start3A_45, %dma_start3A_46] : memref<32x125x2x80xi32, #tpu.memory_space<hbm>> -> memref<1x1x2x80xi32, #tpu.memory_space<hbm>>
    %dma_start3A_48 = tpu.memref_squeeze %dma_start3A_47 : memref<1x1x2x80xi32, #tpu.memory_space<hbm>> -> memref<2x80xi32, #tpu.memory_space<hbm>>
    %dma_start3A_49 = tpu.memref_slice %arg10[%dma_start3A_40] : memref<4x!tpu.dma_semaphore, #tpu.memory_space<semaphore_mem>> -> memref<1x!tpu.dma_semaphore, #tpu.memory_space<semaphore_mem>>
    %dma_start3A_50 = tpu.memref_squeeze %dma_start3A_49 : memref<1x!tpu.dma_semaphore, #tpu.memory_space<semaphore_mem>> -> memref<!tpu.dma_semaphore, #tpu.memory_space<semaphore_mem>>
    %dma_start3A_51 = arith.constant 0 : i32
    %dma_start3A_52 = arith.constant 0 : i32
    %dma_start3A_53 = tpu.memref_slice %arg6[%dma_start3A_39, %dma_start3A_51, %dma_start3A_52] : memref<4x2x80xi32, #tpu.memory_space<vmem>> -> memref<1x2x80xi32, #tpu.memory_space<vmem>>
    %dma_start3A_54 = tpu.memref_squeeze %dma_start3A_53 : memref<1x2x80xi32, #tpu.memory_space<vmem>> -> memref<2x80xi32, #tpu.memory_space<vmem>>
    %dma_start3A_55 = arith.constant 0 : i32
    %dma_start3A_56 = arith.constant 0 : i32
    %dma_start3A_57 = tpu.memref_slice %arg4[%add3A, %dma_start3A, %dma_start3A_55, %dma_start3A_56] : memref<32x125x2x80xi32, #tpu.memory_space<hbm>> -> memref<1x1x2x80xi32, #tpu.memory_space<hbm>>
    %dma_start3A_58 = tpu.memref_squeeze %dma_start3A_57 : memref<1x1x2x80xi32, #tpu.memory_space<hbm>> -> memref<2x80xi32, #tpu.memory_space<hbm>>
    tpu.enqueue_dma source(%dma_start3A_58 : memref<2x80xi32, #tpu.memory_space<hbm>>) target(%dma_start3A_54 : memref<2x80xi32, #tpu.memory_space<vmem>>) target_semaphore(%dma_start3A_50 : memref<!tpu.dma_semaphore, #tpu.memory_space<semaphore_mem>>)
    %dma_wait3A = arith.constant 0 : i32
    %dma_wait3A_59 = arith.constant 0 : i32
    %dma_wait3A_60 = arith.constant 0 : i32
    %dma_wait3A_61 = arith.constant 0 : i32
    %dma_wait3A_62 = arith.constant 0 : i32
    %dma_wait3A_63 = tpu.memref_slice %arg6[%dma_wait3A_59, %dma_wait3A_61, %dma_wait3A_62] : memref<4x2x80xi32, #tpu.memory_space<vmem>> -> memref<1x2x80xi32, #tpu.memory_space<vmem>>
    %dma_wait3A_64 = tpu.memref_squeeze %dma_wait3A_63 : memref<1x2x80xi32, #tpu.memory_space<vmem>> -> memref<2x80xi32, #tpu.memory_space<vmem>>
    %dma_wait3A_65 = arith.constant 0 : i32
    %dma_wait3A_66 = arith.constant 0 : i32
    %dma_wait3A_67 = tpu.memref_slice %arg4[%add3A, %dma_wait3A, %dma_wait3A_65, %dma_wait3A_66] : memref<32x125x2x80xi32, #tpu.memory_space<hbm>> -> memref<1x1x2x80xi32, #tpu.memory_space<hbm>>
    %dma_wait3A_68 = tpu.memref_squeeze %dma_wait3A_67 : memref<1x1x2x80xi32, #tpu.memory_space<hbm>> -> memref<2x80xi32, #tpu.memory_space<hbm>>
    %dma_wait3A_69 = tpu.memref_slice %arg10[%dma_wait3A_60] : memref<4x!tpu.dma_semaphore, #tpu.memory_space<semaphore_mem>> -> memref<1x!tpu.dma_semaphore, #tpu.memory_space<semaphore_mem>>
    %dma_wait3A_70 = tpu.memref_squeeze %dma_wait3A_69 : memref<1x!tpu.dma_semaphore, #tpu.memory_space<semaphore_mem>> -> memref<!tpu.dma_semaphore, #tpu.memory_space<semaphore_mem>>
    %dma_wait3A_71 = arith.constant 0 : i32
    %dma_wait3A_72 = arith.constant 0 : i32
    %dma_wait3A_73 = tpu.memref_slice %arg6[%dma_wait3A_59, %dma_wait3A_71, %dma_wait3A_72] : memref<4x2x80xi32, #tpu.memory_space<vmem>> -> memref<1x2x80xi32, #tpu.memory_space<vmem>>
    %dma_wait3A_74 = tpu.memref_squeeze %dma_wait3A_73 : memref<1x2x80xi32, #tpu.memory_space<vmem>> -> memref<2x80xi32, #tpu.memory_space<vmem>>
    %dma_wait3A_75 = arith.constant 0 : i32
    %dma_wait3A_76 = arith.constant 0 : i32
    %dma_wait3A_77 = tpu.memref_slice %arg4[%add3A, %dma_wait3A, %dma_wait3A_75, %dma_wait3A_76] : memref<32x125x2x80xi32, #tpu.memory_space<hbm>> -> memref<1x1x2x80xi32, #tpu.memory_space<hbm>>
    %dma_wait3A_78 = tpu.memref_squeeze %dma_wait3A_77 : memref<1x1x2x80xi32, #tpu.memory_space<hbm>> -> memref<2x80xi32, #tpu.memory_space<hbm>>
    tpu.wait_dma2 semaphore(%dma_wait3A_70 : memref<!tpu.dma_semaphore, #tpu.memory_space<semaphore_mem>>) src(%dma_wait3A_78 : memref<2x80xi32, #tpu.memory_space<hbm>>) dst(%dma_wait3A_74 : memref<2x80xi32, #tpu.memory_space<vmem>>)
    %dma_start3A_79 = arith.constant 0 : i32
    %dma_start3A_80 = arith.constant 0 : i32
    %dma_start3A_81 = arith.constant 0 : i32
    %dma_start3A_82 = arith.constant 0 : i32
    %dma_start3A_83 = arith.constant 0 : i32
    %dma_start3A_84 = arith.constant 0 : i32
    %dma_start3A_85 = tpu.memref_slice %arg7[%dma_start3A_81, %dma_start3A_83, %dma_start3A_84] : memref<2x80x128xf32, #tpu.memory_space<vmem>> -> memref<1x80x128xf32, #tpu.memory_space<vmem>>
    %dma_start3A_86 = tpu.memref_squeeze %dma_start3A_85 : memref<1x80x128xf32, #tpu.memory_space<vmem>> -> memref<80x128xf32, #tpu.memory_space<vmem>>
    %dma_start3A_87 = arith.constant 0 : i32
    %dma_start3A_88 = tpu.memref_slice %arg6[%dma_start3A_79, %dma_start3A_80, %dma_start3A_87] : memref<4x2x80xi32, #tpu.memory_space<vmem>> -> memref<1x1x80xi32, #tpu.memory_space<vmem>>
    %dma_start3A_89 = tpu.memref_squeeze %dma_start3A_88 : memref<1x1x80xi32, #tpu.memory_space<vmem>> -> memref<80xi32, #tpu.memory_space<vmem>>
    %dma_start3A_90 = arith.constant 0 : i32
    %dma_start3A_91 = arith.constant 0 : i32
    %dma_start3A_92 = tpu.memref_slice %arg2[%dma_start3A_90, %dma_start3A_91] : memref<10000x128xf32, #tpu.memory_space<hbm>> -> memref<10000x128xf32, #tpu.memory_space<hbm>>
    %dma_start3A_93 = tpu.memref_slice %arg11[%dma_start3A_82] : memref<2x!tpu.dma_semaphore, #tpu.memory_space<semaphore_mem>> -> memref<1x!tpu.dma_semaphore, #tpu.memory_space<semaphore_mem>>
    %dma_start3A_94 = tpu.memref_squeeze %dma_start3A_93 : memref<1x!tpu.dma_semaphore, #tpu.memory_space<semaphore_mem>> -> memref<!tpu.dma_semaphore, #tpu.memory_space<semaphore_mem>>
    tpu.enqueue_indirect_dma source(%dma_start3A_92 : memref<10000x128xf32, #tpu.memory_space<hbm>>) target(%dma_start3A_86 : memref<80x128xf32, #tpu.memory_space<vmem>>) offsets(%dma_start3A_89 : memref<80xi32, #tpu.memory_space<vmem>>) semaphore(%dma_start3A_94 : memref<!tpu.dma_semaphore, #tpu.memory_space<semaphore_mem>>)
    %mul3A_95 = arith.constant 10000 : i32
    %mul3A_96 = arith.muli %add3A, %mul3A_95 : i32
    %add3A_97 = arith.constant 0 : i32
    %add3A_98 = arith.addi %mul3A_96, %add3A_97 : i32
    %dma_start3A_99 = arith.constant 0 : i32
    %dma_start3A_100 = arith.constant 0 : i32
    %dma_start3A_101 = arith.constant 0 : i32
    %dma_start3A_102 = arith.constant 0 : i32
    %dma_start3A_103 = tpu.memref_slice %arg8[%dma_start3A_99, %dma_start3A_101, %dma_start3A_102] : memref<2x80x128xf32, #tpu.memory_space<vmem>> -> memref<1x80x128xf32, #tpu.memory_space<vmem>>
    %dma_start3A_104 = tpu.memref_squeeze %dma_start3A_103 : memref<1x80x128xf32, #tpu.memory_space<vmem>> -> memref<80x128xf32, #tpu.memory_space<vmem>>
    %dma_start3A_105 = arith.constant 0 : i32
    %dma_start3A_106 = tpu.memref_slice %arg3[%add3A_98, %dma_start3A_105] : memref<320000x128xf32, #tpu.memory_space<hbm>> -> memref<80x128xf32, #tpu.memory_space<hbm>>
    %dma_start3A_107 = tpu.memref_slice %arg12[%dma_start3A_100] : memref<2x!tpu.dma_semaphore, #tpu.memory_space<semaphore_mem>> -> memref<1x!tpu.dma_semaphore, #tpu.memory_space<semaphore_mem>>
    %dma_start3A_108 = tpu.memref_squeeze %dma_start3A_107 : memref<1x!tpu.dma_semaphore, #tpu.memory_space<semaphore_mem>> -> memref<!tpu.dma_semaphore, #tpu.memory_space<semaphore_mem>>
    %dma_start3A_109 = arith.constant 0 : i32
    %dma_start3A_110 = arith.constant 0 : i32
    %dma_start3A_111 = tpu.memref_slice %arg8[%dma_start3A_99, %dma_start3A_109, %dma_start3A_110] : memref<2x80x128xf32, #tpu.memory_space<vmem>> -> memref<1x80x128xf32, #tpu.memory_space<vmem>>
    %dma_start3A_112 = tpu.memref_squeeze %dma_start3A_111 : memref<1x80x128xf32, #tpu.memory_space<vmem>> -> memref<80x128xf32, #tpu.memory_space<vmem>>
    %dma_start3A_113 = arith.constant 0 : i32
    %dma_start3A_114 = tpu.memref_slice %arg3[%add3A_98, %dma_start3A_113] : memref<320000x128xf32, #tpu.memory_space<hbm>> -> memref<80x128xf32, #tpu.memory_space<hbm>>
    tpu.enqueue_dma source(%dma_start3A_114 : memref<80x128xf32, #tpu.memory_space<hbm>>) target(%dma_start3A_112 : memref<80x128xf32, #tpu.memory_space<vmem>>) target_semaphore(%dma_start3A_108 : memref<!tpu.dma_semaphore, #tpu.memory_space<semaphore_mem>>)
    %dma_start3A_115 = arith.constant 1 : i32
    %dma_start3A_116 = arith.constant 1 : i32
    %dma_start3A_117 = arith.constant 1 : i32
    %dma_start3A_118 = arith.constant 0 : i32
    %dma_start3A_119 = arith.constant 0 : i32
    %dma_start3A_120 = tpu.memref_slice %arg6[%dma_start3A_116, %dma_start3A_118, %dma_start3A_119] : memref<4x2x80xi32, #tpu.memory_space<vmem>> -> memref<1x2x80xi32, #tpu.memory_space<vmem>>
    %dma_start3A_121 = tpu.memref_squeeze %dma_start3A_120 : memref<1x2x80xi32, #tpu.memory_space<vmem>> -> memref<2x80xi32, #tpu.memory_space<vmem>>
    %dma_start3A_122 = arith.constant 0 : i32
    %dma_start3A_123 = arith.constant 0 : i32
    %dma_start3A_124 = tpu.memref_slice %arg4[%add3A, %dma_start3A_115, %dma_start3A_122, %dma_start3A_123] : memref<32x125x2x80xi32, #tpu.memory_space<hbm>> -> memref<1x1x2x80xi32, #tpu.memory_space<hbm>>
    %dma_start3A_125 = tpu.memref_squeeze %dma_start3A_124 : memref<1x1x2x80xi32, #tpu.memory_space<hbm>> -> memref<2x80xi32, #tpu.memory_space<hbm>>
    %dma_start3A_126 = tpu.memref_slice %arg10[%dma_start3A_117] : memref<4x!tpu.dma_semaphore, #tpu.memory_space<semaphore_mem>> -> memref<1x!tpu.dma_semaphore, #tpu.memory_space<semaphore_mem>>
    %dma_start3A_127 = tpu.memref_squeeze %dma_start3A_126 : memref<1x!tpu.dma_semaphore, #tpu.memory_space<semaphore_mem>> -> memref<!tpu.dma_semaphore, #tpu.memory_space<semaphore_mem>>
    %dma_start3A_128 = arith.constant 0 : i32
    %dma_start3A_129 = arith.constant 0 : i32
    %dma_start3A_130 = tpu.memref_slice %arg6[%dma_start3A_116, %dma_start3A_128, %dma_start3A_129] : memref<4x2x80xi32, #tpu.memory_space<vmem>> -> memref<1x2x80xi32, #tpu.memory_space<vmem>>
    %dma_start3A_131 = tpu.memref_squeeze %dma_start3A_130 : memref<1x2x80xi32, #tpu.memory_space<vmem>> -> memref<2x80xi32, #tpu.memory_space<vmem>>
    %dma_start3A_132 = arith.constant 0 : i32
    %dma_start3A_133 = arith.constant 0 : i32
    %dma_start3A_134 = tpu.memref_slice %arg4[%add3A, %dma_start3A_115, %dma_start3A_132, %dma_start3A_133] : memref<32x125x2x80xi32, #tpu.memory_space<hbm>> -> memref<1x1x2x80xi32, #tpu.memory_space<hbm>>
    %dma_start3A_135 = tpu.memref_squeeze %dma_start3A_134 : memref<1x1x2x80xi32, #tpu.memory_space<hbm>> -> memref<2x80xi32, #tpu.memory_space<hbm>>
    tpu.enqueue_dma source(%dma_start3A_135 : memref<2x80xi32, #tpu.memory_space<hbm>>) target(%dma_start3A_131 : memref<2x80xi32, #tpu.memory_space<vmem>>) target_semaphore(%dma_start3A_127 : memref<!tpu.dma_semaphore, #tpu.memory_space<semaphore_mem>>)
    %barrier3A = arith.constant 0 : index
    tpu.barrier barrier_id(%barrier3A)
    %scan3A_136 = arith.constant 0 : i32
    %scan3A_137 = arith.constant 0 : i32
    %scan3A_138 = arith.constant 125 : i32
    %scan3A_139 = arith.addi %scan3A_137, %scan3A_138 : i32
    %scan3A_140 = arith.constant 1 : i32
    %scan3A_141 = scf.for %scan3A_188 = %scan3A_137 to %scan3A_139 step %scan3A_140 iter_args(%scan3A_189 = %scan3A_136) -> (i32)  : i32 {
      %jit3A_190 = arith.constant 4 : i32
      %eq3A_191 = arith.constant 0 : i32
      %eq3A_192 = arith.cmpi eq, %jit3A_190, %eq3A_191 : i32
      %jit3A_193 = arith.constant 1 : i32
      %select_n3A_194 = arith.select %eq3A_192, %jit3A_193, %jit3A_190 : i32
      %rem3A_195 = arith.remsi %scan3A_188, %select_n3A_194 : i32
      %ne3A_196 = arith.constant 0 : i32
      %ne3A_197 = arith.cmpi ne, %rem3A_195, %ne3A_196 : i32
      %lt3A = arith.constant 0 : i32
      %lt3A_198 = arith.cmpi slt, %rem3A_195, %lt3A : i32
      %lt3A_199 = arith.constant 0 : i32
      %lt3A_200 = arith.cmpi slt, %select_n3A_194, %lt3A_199 : i32
      %ne3A_201 = arith.xori %lt3A_198, %lt3A_200 : i1
      %and3A_202 = arith.andi %ne3A_201, %ne3A_197 : i1
      %add3A_203 = arith.addi %rem3A_195, %select_n3A_194 : i32
      %select_n3A_204 = arith.select %and3A_202, %add3A_203, %rem3A_195 : i32
      %add3A_205 = arith.constant 1 : i32
      %add3A_206 = arith.addi %scan3A_188, %add3A_205 : i32
      %jit3A_207 = arith.constant 4 : i32
      %eq3A_208 = arith.constant 0 : i32
      %eq3A_209 = arith.cmpi eq, %jit3A_207, %eq3A_208 : i32
      %jit3A_210 = arith.constant 1 : i32
      %select_n3A_211 = arith.select %eq3A_209, %jit3A_210, %jit3A_207 : i32
      %rem3A_212 = arith.remsi %add3A_206, %select_n3A_211 : i32
      %ne3A_213 = arith.constant 0 : i32
      %ne3A_214 = arith.cmpi ne, %rem3A_212, %ne3A_213 : i32
      %lt3A_215 = arith.constant 0 : i32
      %lt3A_216 = arith.cmpi slt, %rem3A_212, %lt3A_215 : i32
      %lt3A_217 = arith.constant 0 : i32
      %lt3A_218 = arith.cmpi slt, %select_n3A_211, %lt3A_217 : i32
      %ne3A_219 = arith.xori %lt3A_216, %lt3A_218 : i1
      %and3A_220 = arith.andi %ne3A_219, %ne3A_214 : i1
      %add3A_221 = arith.addi %rem3A_212, %select_n3A_211 : i32
      %select_n3A_222 = arith.select %and3A_220, %add3A_221, %rem3A_212 : i32
      %jit3A_223 = arith.constant 2 : i32
      %eq3A_224 = arith.constant 0 : i32
      %eq3A_225 = arith.cmpi eq, %jit3A_223, %eq3A_224 : i32
      %jit3A_226 = arith.constant 1 : i32
      %select_n3A_227 = arith.select %eq3A_225, %jit3A_226, %jit3A_223 : i32
      %rem3A_228 = arith.remsi %scan3A_188, %select_n3A_227 : i32
      %ne3A_229 = arith.constant 0 : i32
      %ne3A_230 = arith.cmpi ne, %rem3A_228, %ne3A_229 : i32
      %lt3A_231 = arith.constant 0 : i32
      %lt3A_232 = arith.cmpi slt, %rem3A_228, %lt3A_231 : i32
      %lt3A_233 = arith.constant 0 : i32
      %lt3A_234 = arith.cmpi slt, %select_n3A_227, %lt3A_233 : i32
      %ne3A_235 = arith.xori %lt3A_232, %lt3A_234 : i1
      %and3A_236 = arith.andi %ne3A_235, %ne3A_230 : i1
      %add3A_237 = arith.addi %rem3A_228, %select_n3A_227 : i32
      %select_n3A_238 = arith.select %and3A_236, %add3A_237, %rem3A_228 : i32
      %add3A_239 = arith.constant 1 : i32
      %add3A_240 = arith.addi %scan3A_188, %add3A_239 : i32
      %jit3A_241 = arith.constant 2 : i32
      %eq3A_242 = arith.constant 0 : i32
      %eq3A_243 = arith.cmpi eq, %jit3A_241, %eq3A_242 : i32
      %jit3A_244 = arith.constant 1 : i32
      %select_n3A_245 = arith.select %eq3A_243, %jit3A_244, %jit3A_241 : i32
      %rem3A_246 = arith.remsi %add3A_240, %select_n3A_245 : i32
      %ne3A_247 = arith.constant 0 : i32
      %ne3A_248 = arith.cmpi ne, %rem3A_246, %ne3A_247 : i32
      %lt3A_249 = arith.constant 0 : i32
      %lt3A_250 = arith.cmpi slt, %rem3A_246, %lt3A_249 : i32
      %lt3A_251 = arith.constant 0 : i32
      %lt3A_252 = arith.cmpi slt, %select_n3A_245, %lt3A_251 : i32
      %ne3A_253 = arith.xori %lt3A_250, %lt3A_252 : i1
      %and3A_254 = arith.andi %ne3A_253, %ne3A_248 : i1
      %add3A_255 = arith.addi %rem3A_246, %select_n3A_245 : i32
      %select_n3A_256 = arith.select %and3A_254, %add3A_255, %rem3A_246 : i32
      %dma_wait3A_257 = arith.constant 0 : i32
      %dma_wait3A_258 = arith.constant 0 : i32
      %dma_wait3A_259 = arith.constant 0 : i32
      %dma_wait3A_260 = tpu.memref_slice %arg7[%select_n3A_238, %dma_wait3A_258, %dma_wait3A_259] : memref<2x80x128xf32, #tpu.memory_space<vmem>> -> memref<1x80x128xf32, #tpu.memory_space<vmem>>
      %dma_wait3A_261 = tpu.memref_squeeze %dma_wait3A_260 : memref<1x80x128xf32, #tpu.memory_space<vmem>> -> memref<80x128xf32, #tpu.memory_space<vmem>>
      %dma_wait3A_262 = arith.constant 0 : i32
      %dma_wait3A_263 = tpu.memref_slice %arg6[%select_n3A_204, %dma_wait3A_257, %dma_wait3A_262] : memref<4x2x80xi32, #tpu.memory_space<vmem>> -> memref<1x1x80xi32, #tpu.memory_space<vmem>>
      %dma_wait3A_264 = tpu.memref_squeeze %dma_wait3A_263 : memref<1x1x80xi32, #tpu.memory_space<vmem>> -> memref<80xi32, #tpu.memory_space<vmem>>
      %dma_wait3A_265 = arith.constant 0 : i32
      %dma_wait3A_266 = arith.constant 0 : i32
      %dma_wait3A_267 = tpu.memref_slice %arg2[%dma_wait3A_265, %dma_wait3A_266] : memref<10000x128xf32, #tpu.memory_space<hbm>> -> memref<10000x128xf32, #tpu.memory_space<hbm>>
      %dma_wait3A_268 = tpu.memref_slice %arg11[%select_n3A_238] : memref<2x!tpu.dma_semaphore, #tpu.memory_space<semaphore_mem>> -> memref<1x!tpu.dma_semaphore, #tpu.memory_space<semaphore_mem>>
      %dma_wait3A_269 = tpu.memref_squeeze %dma_wait3A_268 : memref<1x!tpu.dma_semaphore, #tpu.memory_space<semaphore_mem>> -> memref<!tpu.dma_semaphore, #tpu.memory_space<semaphore_mem>>
      tpu.wait_indirect_dma semaphore(%dma_wait3A_269 : memref<!tpu.dma_semaphore, #tpu.memory_space<semaphore_mem>>) src(%dma_wait3A_267 : memref<10000x128xf32, #tpu.memory_space<hbm>>) dst(%dma_wait3A_261 : memref<80x128xf32, #tpu.memory_space<vmem>>)
      %mul3A_270 = arith.constant 10000 : i32
      %mul3A_271 = arith.muli %add3A, %mul3A_270 : i32
      %mul3A_272 = arith.constant 80 : i32
      %mul3A_273 = arith.muli %scan3A_188, %mul3A_272 : i32
      %add3A_274 = arith.addi %mul3A_271, %mul3A_273 : i32
      %dma_wait3A_275 = arith.constant 0 : i32
      %dma_wait3A_276 = arith.constant 0 : i32
      %dma_wait3A_277 = tpu.memref_slice %arg8[%select_n3A_238, %dma_wait3A_275, %dma_wait3A_276] : memref<2x80x128xf32, #tpu.memory_space<vmem>> -> memref<1x80x128xf32, #tpu.memory_space<vmem>>
      %dma_wait3A_278 = tpu.memref_squeeze %dma_wait3A_277 : memref<1x80x128xf32, #tpu.memory_space<vmem>> -> memref<80x128xf32, #tpu.memory_space<vmem>>
      %dma_wait3A_279 = arith.constant 0 : i32
      %dma_wait3A_280 = tpu.memref_slice %arg3[%add3A_274, %dma_wait3A_279] : memref<320000x128xf32, #tpu.memory_space<hbm>> -> memref<80x128xf32, #tpu.memory_space<hbm>>
      %dma_wait3A_281 = tpu.memref_slice %arg12[%select_n3A_238] : memref<2x!tpu.dma_semaphore, #tpu.memory_space<semaphore_mem>> -> memref<1x!tpu.dma_semaphore, #tpu.memory_space<semaphore_mem>>
      %dma_wait3A_282 = tpu.memref_squeeze %dma_wait3A_281 : memref<1x!tpu.dma_semaphore, #tpu.memory_space<semaphore_mem>> -> memref<!tpu.dma_semaphore, #tpu.memory_space<semaphore_mem>>
      %dma_wait3A_283 = arith.constant 0 : i32
      %dma_wait3A_284 = arith.constant 0 : i32
      %dma_wait3A_285 = tpu.memref_slice %arg8[%select_n3A_238, %dma_wait3A_283, %dma_wait3A_284] : memref<2x80x128xf32, #tpu.memory_space<vmem>> -> memref<1x80x128xf32, #tpu.memory_space<vmem>>
      %dma_wait3A_286 = tpu.memref_squeeze %dma_wait3A_285 : memref<1x80x128xf32, #tpu.memory_space<vmem>> -> memref<80x128xf32, #tpu.memory_space<vmem>>
      %dma_wait3A_287 = arith.constant 0 : i32
      %dma_wait3A_288 = tpu.memref_slice %arg3[%add3A_274, %dma_wait3A_287] : memref<320000x128xf32, #tpu.memory_space<hbm>> -> memref<80x128xf32, #tpu.memory_space<hbm>>
      tpu.wait_dma2 semaphore(%dma_wait3A_282 : memref<!tpu.dma_semaphore, #tpu.memory_space<semaphore_mem>>) src(%dma_wait3A_288 : memref<80x128xf32, #tpu.memory_space<hbm>>) dst(%dma_wait3A_286 : memref<80x128xf32, #tpu.memory_space<vmem>>)
      %add3A_289 = arith.constant 1 : i32
      %add3A_290 = arith.addi %scan3A_188, %add3A_289 : i32
      %lt3A_291 = arith.constant 125 : i32
      %lt3A_292 = arith.cmpi slt, %add3A_290, %lt3A_291 : i32
      %convert_element_type3A = arith.extui %lt3A_292 : i1 to i32
      %cond3A = arith.constant 0 : i32
      %cond3A_293 = arith.cmpi ne, %convert_element_type3A, %cond3A : i32
      scf.if %cond3A_293 {
        %add3A_318 = arith.constant 1 : i32
        %add3A_319 = arith.addi %scan3A_188, %add3A_318 : i32
        %dma_wait3A_320 = arith.constant 0 : i32
        %dma_wait3A_321 = arith.constant 0 : i32
        %dma_wait3A_322 = tpu.memref_slice %arg6[%select_n3A_222, %dma_wait3A_320, %dma_wait3A_321] : memref<4x2x80xi32, #tpu.memory_space<vmem>> -> memref<1x2x80xi32, #tpu.memory_space<vmem>>
        %dma_wait3A_323 = tpu.memref_squeeze %dma_wait3A_322 : memref<1x2x80xi32, #tpu.memory_space<vmem>> -> memref<2x80xi32, #tpu.memory_space<vmem>>
        %dma_wait3A_324 = arith.constant 0 : i32
        %dma_wait3A_325 = arith.constant 0 : i32
        %dma_wait3A_326 = tpu.memref_slice %arg4[%add3A, %add3A_319, %dma_wait3A_324, %dma_wait3A_325] : memref<32x125x2x80xi32, #tpu.memory_space<hbm>> -> memref<1x1x2x80xi32, #tpu.memory_space<hbm>>
        %dma_wait3A_327 = tpu.memref_squeeze %dma_wait3A_326 : memref<1x1x2x80xi32, #tpu.memory_space<hbm>> -> memref<2x80xi32, #tpu.memory_space<hbm>>
        %dma_wait3A_328 = tpu.memref_slice %arg10[%select_n3A_222] : memref<4x!tpu.dma_semaphore, #tpu.memory_space<semaphore_mem>> -> memref<1x!tpu.dma_semaphore, #tpu.memory_space<semaphore_mem>>
        %dma_wait3A_329 = tpu.memref_squeeze %dma_wait3A_328 : memref<1x!tpu.dma_semaphore, #tpu.memory_space<semaphore_mem>> -> memref<!tpu.dma_semaphore, #tpu.memory_space<semaphore_mem>>
        %dma_wait3A_330 = arith.constant 0 : i32
        %dma_wait3A_331 = arith.constant 0 : i32
        %dma_wait3A_332 = tpu.memref_slice %arg6[%select_n3A_222, %dma_wait3A_330, %dma_wait3A_331] : memref<4x2x80xi32, #tpu.memory_space<vmem>> -> memref<1x2x80xi32, #tpu.memory_space<vmem>>
        %dma_wait3A_333 = tpu.memref_squeeze %dma_wait3A_332 : memref<1x2x80xi32, #tpu.memory_space<vmem>> -> memref<2x80xi32, #tpu.memory_space<vmem>>
        %dma_wait3A_334 = arith.constant 0 : i32
        %dma_wait3A_335 = arith.constant 0 : i32
        %dma_wait3A_336 = tpu.memref_slice %arg4[%add3A, %add3A_319, %dma_wait3A_334, %dma_wait3A_335] : memref<32x125x2x80xi32, #tpu.memory_space<hbm>> -> memref<1x1x2x80xi32, #tpu.memory_space<hbm>>
        %dma_wait3A_337 = tpu.memref_squeeze %dma_wait3A_336 : memref<1x1x2x80xi32, #tpu.memory_space<hbm>> -> memref<2x80xi32, #tpu.memory_space<hbm>>
        tpu.wait_dma2 semaphore(%dma_wait3A_329 : memref<!tpu.dma_semaphore, #tpu.memory_space<semaphore_mem>>) src(%dma_wait3A_337 : memref<2x80xi32, #tpu.memory_space<hbm>>) dst(%dma_wait3A_333 : memref<2x80xi32, #tpu.memory_space<vmem>>)
        %ge3A = arith.constant 1 : i32
        %ge3A_338 = arith.cmpi sge, %scan3A_188, %ge3A : i32
        %convert_element_type3A_339 = arith.extui %ge3A_338 : i1 to i32
        %cond3A_340 = arith.constant 0 : i32
        %cond3A_341 = arith.cmpi ne, %convert_element_type3A_339, %cond3A_340 : i32
        scf.if %cond3A_341 {
          %dma_wait3A_415 = arith.constant 1 : i32
          %dma_wait3A_416 = arith.constant 0 : i32
          %dma_wait3A_417 = arith.constant 0 : i32
          %dma_wait3A_418 = tpu.memref_slice %arg7[%select_n3A_256, %dma_wait3A_416, %dma_wait3A_417] : memref<2x80x128xf32, #tpu.memory_space<vmem>> -> memref<1x80x128xf32, #tpu.memory_space<vmem>>
          %dma_wait3A_419 = tpu.memref_squeeze %dma_wait3A_418 : memref<1x80x128xf32, #tpu.memory_space<vmem>> -> memref<80x128xf32, #tpu.memory_space<vmem>>
          %dma_wait3A_420 = arith.constant 0 : i32
          %dma_wait3A_421 = tpu.memref_slice %arg6[%select_n3A_222, %dma_wait3A_415, %dma_wait3A_420] : memref<4x2x80xi32, #tpu.memory_space<vmem>> -> memref<1x1x80xi32, #tpu.memory_space<vmem>>
          %dma_wait3A_422 = tpu.memref_squeeze %dma_wait3A_421 : memref<1x1x80xi32, #tpu.memory_space<vmem>> -> memref<80xi32, #tpu.memory_space<vmem>>
          %dma_wait3A_423 = arith.constant 0 : i32
          %dma_wait3A_424 = arith.constant 0 : i32
          %dma_wait3A_425 = tpu.memref_slice %arg9[%dma_wait3A_423, %dma_wait3A_424] : memref<10000x128xf32, #tpu.memory_space<vmem_shared>> -> memref<10000x128xf32, #tpu.memory_space<vmem_shared>>
          %dma_wait3A_426 = tpu.memref_slice %arg13[%select_n3A_256] : memref<2x!tpu.dma_semaphore, #tpu.memory_space<semaphore_mem>> -> memref<1x!tpu.dma_semaphore, #tpu.memory_space<semaphore_mem>>
          %dma_wait3A_427 = tpu.memref_squeeze %dma_wait3A_426 : memref<1x!tpu.dma_semaphore, #tpu.memory_space<semaphore_mem>> -> memref<!tpu.dma_semaphore, #tpu.memory_space<semaphore_mem>>
          tpu.wait_indirect_dma semaphore(%dma_wait3A_427 : memref<!tpu.dma_semaphore, #tpu.memory_space<semaphore_mem>>) src(%dma_wait3A_419 : memref<80x128xf32, #tpu.memory_space<vmem>>) dst(%dma_wait3A_425 : memref<10000x128xf32, #tpu.memory_space<vmem_shared>>)
        } else {
        }
        %add3A_342 = arith.constant 1 : i32
        %add3A_343 = arith.addi %scan3A_188, %add3A_342 : i32
        %jit3A_344 = arith.constant 4 : i32
        %eq3A_345 = arith.constant 0 : i32
        %eq3A_346 = arith.cmpi eq, %jit3A_344, %eq3A_345 : i32
        %jit3A_347 = arith.constant 1 : i32
        %select_n3A_348 = arith.select %eq3A_346, %jit3A_347, %jit3A_344 : i32
        %rem3A_349 = arith.remsi %add3A_343, %select_n3A_348 : i32
        %ne3A_350 = arith.constant 0 : i32
        %ne3A_351 = arith.cmpi ne, %rem3A_349, %ne3A_350 : i32
        %lt3A_352 = arith.constant 0 : i32
        %lt3A_353 = arith.cmpi slt, %rem3A_349, %lt3A_352 : i32
        %lt3A_354 = arith.constant 0 : i32
        %lt3A_355 = arith.cmpi slt, %select_n3A_348, %lt3A_354 : i32
        %ne3A_356 = arith.xori %lt3A_353, %lt3A_355 : i1
        %and3A_357 = arith.andi %ne3A_356, %ne3A_351 : i1
        %add3A_358 = arith.addi %rem3A_349, %select_n3A_348 : i32
        %select_n3A_359 = arith.select %and3A_357, %add3A_358, %rem3A_349 : i32
        %jit3A_360 = arith.constant 2 : i32
        %eq3A_361 = arith.constant 0 : i32
        %eq3A_362 = arith.cmpi eq, %jit3A_360, %eq3A_361 : i32
        %jit3A_363 = arith.constant 1 : i32
        %select_n3A_364 = arith.select %eq3A_362, %jit3A_363, %jit3A_360 : i32
        %rem3A_365 = arith.remsi %add3A_343, %select_n3A_364 : i32
        %ne3A_366 = arith.constant 0 : i32
        %ne3A_367 = arith.cmpi ne, %rem3A_365, %ne3A_366 : i32
        %lt3A_368 = arith.constant 0 : i32
        %lt3A_369 = arith.cmpi slt, %rem3A_365, %lt3A_368 : i32
        %lt3A_370 = arith.constant 0 : i32
        %lt3A_371 = arith.cmpi slt, %select_n3A_364, %lt3A_370 : i32
        %ne3A_372 = arith.xori %lt3A_369, %lt3A_371 : i1
        %and3A_373 = arith.andi %ne3A_372, %ne3A_367 : i1
        %add3A_374 = arith.addi %rem3A_365, %select_n3A_364 : i32
        %select_n3A_375 = arith.select %and3A_373, %add3A_374, %rem3A_365 : i32
        %dma_start3A_376 = arith.constant 0 : i32
        %dma_start3A_377 = arith.constant 0 : i32
        %dma_start3A_378 = arith.constant 0 : i32
        %dma_start3A_379 = tpu.memref_slice %arg7[%select_n3A_375, %dma_start3A_377, %dma_start3A_378] : memref<2x80x128xf32, #tpu.memory_space<vmem>> -> memref<1x80x128xf32, #tpu.memory_space<vmem>>
        %dma_start3A_380 = tpu.memref_squeeze %dma_start3A_379 : memref<1x80x128xf32, #tpu.memory_space<vmem>> -> memref<80x128xf32, #tpu.memory_space<vmem>>
        %dma_start3A_381 = arith.constant 0 : i32
        %dma_start3A_382 = tpu.memref_slice %arg6[%select_n3A_359, %dma_start3A_376, %dma_start3A_381] : memref<4x2x80xi32, #tpu.memory_space<vmem>> -> memref<1x1x80xi32, #tpu.memory_space<vmem>>
        %dma_start3A_383 = tpu.memref_squeeze %dma_start3A_382 : memref<1x1x80xi32, #tpu.memory_space<vmem>> -> memref<80xi32, #tpu.memory_space<vmem>>
        %dma_start3A_384 = arith.constant 0 : i32
        %dma_start3A_385 = arith.constant 0 : i32
        %dma_start3A_386 = tpu.memref_slice %arg2[%dma_start3A_384, %dma_start3A_385] : memref<10000x128xf32, #tpu.memory_space<hbm>> -> memref<10000x128xf32, #tpu.memory_space<hbm>>
        %dma_start3A_387 = tpu.memref_slice %arg11[%select_n3A_375] : memref<2x!tpu.dma_semaphore, #tpu.memory_space<semaphore_mem>> -> memref<1x!tpu.dma_semaphore, #tpu.memory_space<semaphore_mem>>
        %dma_start3A_388 = tpu.memref_squeeze %dma_start3A_387 : memref<1x!tpu.dma_semaphore, #tpu.memory_space<semaphore_mem>> -> memref<!tpu.dma_semaphore, #tpu.memory_space<semaphore_mem>>
        tpu.enqueue_indirect_dma source(%dma_start3A_386 : memref<10000x128xf32, #tpu.memory_space<hbm>>) target(%dma_start3A_380 : memref<80x128xf32, #tpu.memory_space<vmem>>) offsets(%dma_start3A_383 : memref<80xi32, #tpu.memory_space<vmem>>) semaphore(%dma_start3A_388 : memref<!tpu.dma_semaphore, #tpu.memory_space<semaphore_mem>>)
        %mul3A_389 = arith.constant 10000 : i32
        %mul3A_390 = arith.muli %add3A, %mul3A_389 : i32
        %mul3A_391 = arith.constant 80 : i32
        %mul3A_392 = arith.muli %add3A_343, %mul3A_391 : i32
        %add3A_393 = arith.addi %mul3A_390, %mul3A_392 : i32
        %dma_start3A_394 = arith.constant 0 : i32
        %dma_start3A_395 = arith.constant 0 : i32
        %dma_start3A_396 = tpu.memref_slice %arg8[%select_n3A_375, %dma_start3A_394, %dma_start3A_395] : memref<2x80x128xf32, #tpu.memory_space<vmem>> -> memref<1x80x128xf32, #tpu.memory_space<vmem>>
        %dma_start3A_397 = tpu.memref_squeeze %dma_start3A_396 : memref<1x80x128xf32, #tpu.memory_space<vmem>> -> memref<80x128xf32, #tpu.memory_space<vmem>>
        %dma_start3A_398 = arith.constant 0 : i32
        %dma_start3A_399 = tpu.memref_slice %arg3[%add3A_393, %dma_start3A_398] : memref<320000x128xf32, #tpu.memory_space<hbm>> -> memref<80x128xf32, #tpu.memory_space<hbm>>
        %dma_start3A_400 = tpu.memref_slice %arg12[%select_n3A_375] : memref<2x!tpu.dma_semaphore, #tpu.memory_space<semaphore_mem>> -> memref<1x!tpu.dma_semaphore, #tpu.memory_space<semaphore_mem>>
        %dma_start3A_401 = tpu.memref_squeeze %dma_start3A_400 : memref<1x!tpu.dma_semaphore, #tpu.memory_space<semaphore_mem>> -> memref<!tpu.dma_semaphore, #tpu.memory_space<semaphore_mem>>
        %dma_start3A_402 = arith.constant 0 : i32
        %dma_start3A_403 = arith.constant 0 : i32
        %dma_start3A_404 = tpu.memref_slice %arg8[%select_n3A_375, %dma_start3A_402, %dma_start3A_403] : memref<2x80x128xf32, #tpu.memory_space<vmem>> -> memref<1x80x128xf32, #tpu.memory_space<vmem>>
        %dma_start3A_405 = tpu.memref_squeeze %dma_start3A_404 : memref<1x80x128xf32, #tpu.memory_space<vmem>> -> memref<80x128xf32, #tpu.memory_space<vmem>>
        %dma_start3A_406 = arith.constant 0 : i32
        %dma_start3A_407 = tpu.memref_slice %arg3[%add3A_393, %dma_start3A_406] : memref<320000x128xf32, #tpu.memory_space<hbm>> -> memref<80x128xf32, #tpu.memory_space<hbm>>
        tpu.enqueue_dma source(%dma_start3A_407 : memref<80x128xf32, #tpu.memory_space<hbm>>) target(%dma_start3A_405 : memref<80x128xf32, #tpu.memory_space<vmem>>) target_semaphore(%dma_start3A_401 : memref<!tpu.dma_semaphore, #tpu.memory_space<semaphore_mem>>)
        %add3A_408 = arith.constant 2 : i32
        %add3A_409 = arith.addi %scan3A_188, %add3A_408 : i32
        %lt3A_410 = arith.constant 125 : i32
        %lt3A_411 = arith.cmpi slt, %add3A_409, %lt3A_410 : i32
        %convert_element_type3A_412 = arith.extui %lt3A_411 : i1 to i32
        %cond3A_413 = arith.constant 0 : i32
        %cond3A_414 = arith.cmpi ne, %convert_element_type3A_412, %cond3A_413 : i32
        scf.if %cond3A_414 {
          %add3A_415 = arith.constant 2 : i32
          %add3A_416 = arith.addi %scan3A_188, %add3A_415 : i32
          %jit3A_417 = arith.constant 4 : i32
          %eq3A_418 = arith.constant 0 : i32
          %eq3A_419 = arith.cmpi eq, %jit3A_417, %eq3A_418 : i32
          %jit3A_420 = arith.constant 1 : i32
          %select_n3A_421 = arith.select %eq3A_419, %jit3A_420, %jit3A_417 : i32
          %rem3A_422 = arith.remsi %add3A_416, %select_n3A_421 : i32
          %ne3A_423 = arith.constant 0 : i32
          %ne3A_424 = arith.cmpi ne, %rem3A_422, %ne3A_423 : i32
          %lt3A_425 = arith.constant 0 : i32
          %lt3A_426 = arith.cmpi slt, %rem3A_422, %lt3A_425 : i32
          %lt3A_427 = arith.constant 0 : i32
          %lt3A_428 = arith.cmpi slt, %select_n3A_421, %lt3A_427 : i32
          %ne3A_429 = arith.xori %lt3A_426, %lt3A_428 : i1
          %and3A_430 = arith.andi %ne3A_429, %ne3A_424 : i1
          %add3A_431 = arith.addi %rem3A_422, %select_n3A_421 : i32
          %select_n3A_432 = arith.select %and3A_430, %add3A_431, %rem3A_422 : i32
          %jit3A_433 = arith.constant 4 : i32
          %eq3A_434 = arith.constant 0 : i32
          %eq3A_435 = arith.cmpi eq, %jit3A_433, %eq3A_434 : i32
          %jit3A_436 = arith.constant 1 : i32
          %select_n3A_437 = arith.select %eq3A_435, %jit3A_436, %jit3A_433 : i32
          %rem3A_438 = arith.remsi %add3A_416, %select_n3A_437 : i32
          %ne3A_439 = arith.constant 0 : i32
          %ne3A_440 = arith.cmpi ne, %rem3A_438, %ne3A_439 : i32
          %lt3A_441 = arith.constant 0 : i32
          %lt3A_442 = arith.cmpi slt, %rem3A_438, %lt3A_441 : i32
          %lt3A_443 = arith.constant 0 : i32
          %lt3A_444 = arith.cmpi slt, %select_n3A_437, %lt3A_443 : i32
          %ne3A_445 = arith.xori %lt3A_442, %lt3A_444 : i1
          %and3A_446 = arith.andi %ne3A_445, %ne3A_440 : i1
          %add3A_447 = arith.addi %rem3A_438, %select_n3A_437 : i32
          %select_n3A_448 = arith.select %and3A_446, %add3A_447, %rem3A_438 : i32
          %dma_start3A_449 = arith.constant 0 : i32
          %dma_start3A_450 = arith.constant 0 : i32
          %dma_start3A_451 = tpu.memref_slice %arg6[%select_n3A_432, %dma_start3A_449, %dma_start3A_450] : memref<4x2x80xi32, #tpu.memory_space<vmem>> -> memref<1x2x80xi32, #tpu.memory_space<vmem>>
          %dma_start3A_452 = tpu.memref_squeeze %dma_start3A_451 : memref<1x2x80xi32, #tpu.memory_space<vmem>> -> memref<2x80xi32, #tpu.memory_space<vmem>>
          %dma_start3A_453 = arith.constant 0 : i32
          %dma_start3A_454 = arith.constant 0 : i32
          %dma_start3A_455 = tpu.memref_slice %arg4[%add3A, %add3A_416, %dma_start3A_453, %dma_start3A_454] : memref<32x125x2x80xi32, #tpu.memory_space<hbm>> -> memref<1x1x2x80xi32, #tpu.memory_space<hbm>>
          %dma_start3A_456 = tpu.memref_squeeze %dma_start3A_455 : memref<1x1x2x80xi32, #tpu.memory_space<hbm>> -> memref<2x80xi32, #tpu.memory_space<hbm>>
          %dma_start3A_457 = tpu.memref_slice %arg10[%select_n3A_448] : memref<4x!tpu.dma_semaphore, #tpu.memory_space<semaphore_mem>> -> memref<1x!tpu.dma_semaphore, #tpu.memory_space<semaphore_mem>>
          %dma_start3A_458 = tpu.memref_squeeze %dma_start3A_457 : memref<1x!tpu.dma_semaphore, #tpu.memory_space<semaphore_mem>> -> memref<!tpu.dma_semaphore, #tpu.memory_space<semaphore_mem>>
          %dma_start3A_459 = arith.constant 0 : i32
          %dma_start3A_460 = arith.constant 0 : i32
          %dma_start3A_461 = tpu.memref_slice %arg6[%select_n3A_432, %dma_start3A_459, %dma_start3A_460] : memref<4x2x80xi32, #tpu.memory_space<vmem>> -> memref<1x2x80xi32, #tpu.memory_space<vmem>>
          %dma_start3A_462 = tpu.memref_squeeze %dma_start3A_461 : memref<1x2x80xi32, #tpu.memory_space<vmem>> -> memref<2x80xi32, #tpu.memory_space<vmem>>
          %dma_start3A_463 = arith.constant 0 : i32
          %dma_start3A_464 = arith.constant 0 : i32
          %dma_start3A_465 = tpu.memref_slice %arg4[%add3A, %add3A_416, %dma_start3A_463, %dma_start3A_464] : memref<32x125x2x80xi32, #tpu.memory_space<hbm>> -> memref<1x1x2x80xi32, #tpu.memory_space<hbm>>
          %dma_start3A_466 = tpu.memref_squeeze %dma_start3A_465 : memref<1x1x2x80xi32, #tpu.memory_space<hbm>> -> memref<2x80xi32, #tpu.memory_space<hbm>>
          tpu.enqueue_dma source(%dma_start3A_466 : memref<2x80xi32, #tpu.memory_space<hbm>>) target(%dma_start3A_462 : memref<2x80xi32, #tpu.memory_space<vmem>>) target_semaphore(%dma_start3A_458 : memref<!tpu.dma_semaphore, #tpu.memory_space<semaphore_mem>>)
        } else {
        }
      } else {
      }
      %eq3A_294 = arith.constant 0 : i32
      %eq3A_295 = arith.cmpi eq, %select_n3A_238, %eq3A_294 : i32
      %convert_element_type3A_296 = arith.extui %eq3A_295 : i1 to i32
      %cond3A_297 = arith.constant 0 : i32
      %cond3A_298 = arith.cmpi ne, %convert_element_type3A_296, %cond3A_297 : i32
      scf.if %cond3A_298 {
        %scan3A_318 = arith.constant 0 : i32
        %scan3A_319 = arith.constant 0 : i32
        %scan3A_320 = arith.constant 80 : i32
        %scan3A_321 = arith.addi %scan3A_319, %scan3A_320 : i32
        %scan3A_322 = arith.constant 1 : i32
        %scan3A_323 = scf.for %scan3A_325 = %scan3A_319 to %scan3A_321 step %scan3A_322 iter_args(%scan3A_326 = %scan3A_318) -> (i32)  : i32 {
          %get3A = arith.constant 0 : i32
          %get3A_327 = arith.index_cast %get3A : i32 to index
          %get3A_328 = arith.index_cast %scan3A_325 : i32 to index
          %get3A_329 = arith.constant 0 : index
          %get3A_330 = tpu.vector_load %arg7[%get3A_327, %get3A_328, %get3A_329] {strides = array<i32>} : memref<2x80x128xf32, #tpu.memory_space<vmem>>, vector<1x1x16xf32>,
          %get3A_331 = vector.shape_cast %get3A_330 : vector<1x1x16xf32> to vector<16xf32>
          %get3A_332 = arith.constant 0 : i32
          %get3A_333 = arith.index_cast %get3A_332 : i32 to index
          %get3A_334 = arith.index_cast %scan3A_325 : i32 to index
          %get3A_335 = arith.constant 16 : index
          %get3A_336 = tpu.vector_load %arg7[%get3A_333, %get3A_334, %get3A_335] {strides = array<i32>} : memref<2x80x128xf32, #tpu.memory_space<vmem>>, vector<1x1x16xf32>,
          %get3A_337 = vector.shape_cast %get3A_336 : vector<1x1x16xf32> to vector<16xf32>
          %get3A_338 = arith.constant 0 : i32
          %get3A_339 = arith.index_cast %get3A_338 : i32 to index
          %get3A_340 = arith.index_cast %scan3A_325 : i32 to index
          %get3A_341 = arith.constant 32 : index
          %get3A_342 = tpu.vector_load %arg7[%get3A_339, %get3A_340, %get3A_341] {strides = array<i32>} : memref<2x80x128xf32, #tpu.memory_space<vmem>>, vector<1x1x16xf32>,
          %get3A_343 = vector.shape_cast %get3A_342 : vector<1x1x16xf32> to vector<16xf32>
          %get3A_344 = arith.constant 0 : i32
          %get3A_345 = arith.index_cast %get3A_344 : i32 to index
          %get3A_346 = arith.index_cast %scan3A_325 : i32 to index
          %get3A_347 = arith.constant 48 : index
          %get3A_348 = tpu.vector_load %arg7[%get3A_345, %get3A_346, %get3A_347] {strides = array<i32>} : memref<2x80x128xf32, #tpu.memory_space<vmem>>, vector<1x1x16xf32>,
          %get3A_349 = vector.shape_cast %get3A_348 : vector<1x1x16xf32> to vector<16xf32>
          %get3A_350 = arith.constant 0 : i32
          %get3A_351 = arith.index_cast %get3A_350 : i32 to index
          %get3A_352 = arith.index_cast %scan3A_325 : i32 to index
          %get3A_353 = arith.constant 64 : index
          %get3A_354 = tpu.vector_load %arg7[%get3A_351, %get3A_352, %get3A_353] {strides = array<i32>} : memref<2x80x128xf32, #tpu.memory_space<vmem>>, vector<1x1x16xf32>,
          %get3A_355 = vector.shape_cast %get3A_354 : vector<1x1x16xf32> to vector<16xf32>
          %get3A_356 = arith.constant 0 : i32
          %get3A_357 = arith.index_cast %get3A_356 : i32 to index
          %get3A_358 = arith.index_cast %scan3A_325 : i32 to index
          %get3A_359 = arith.constant 80 : index
          %get3A_360 = tpu.vector_load %arg7[%get3A_357, %get3A_358, %get3A_359] {strides = array<i32>} : memref<2x80x128xf32, #tpu.memory_space<vmem>>, vector<1x1x16xf32>,
          %get3A_361 = vector.shape_cast %get3A_360 : vector<1x1x16xf32> to vector<16xf32>
          %get3A_362 = arith.constant 0 : i32
          %get3A_363 = arith.index_cast %get3A_362 : i32 to index
          %get3A_364 = arith.index_cast %scan3A_325 : i32 to index
          %get3A_365 = arith.constant 96 : index
          %get3A_366 = tpu.vector_load %arg7[%get3A_363, %get3A_364, %get3A_365] {strides = array<i32>} : memref<2x80x128xf32, #tpu.memory_space<vmem>>, vector<1x1x16xf32>,
          %get3A_367 = vector.shape_cast %get3A_366 : vector<1x1x16xf32> to vector<16xf32>
          %get3A_368 = arith.constant 0 : i32
          %get3A_369 = arith.index_cast %get3A_368 : i32 to index
          %get3A_370 = arith.index_cast %scan3A_325 : i32 to index
          %get3A_371 = arith.constant 112 : index
          %get3A_372 = tpu.vector_load %arg7[%get3A_369, %get3A_370, %get3A_371] {strides = array<i32>} : memref<2x80x128xf32, #tpu.memory_space<vmem>>, vector<1x1x16xf32>,
          %get3A_373 = vector.shape_cast %get3A_372 : vector<1x1x16xf32> to vector<16xf32>
          %get3A_374 = arith.constant 0 : i32
          %get3A_375 = arith.index_cast %get3A_374 : i32 to index
          %get3A_376 = arith.index_cast %scan3A_325 : i32 to index
          %get3A_377 = arith.constant 0 : index
          %get3A_378 = tpu.vector_load %arg8[%get3A_375, %get3A_376, %get3A_377] {strides = array<i32>} : memref<2x80x128xf32, #tpu.memory_space<vmem>>, vector<1x1x16xf32>,
          %get3A_379 = vector.shape_cast %get3A_378 : vector<1x1x16xf32> to vector<16xf32>
          %get3A_380 = arith.constant 0 : i32
          %get3A_381 = arith.index_cast %get3A_380 : i32 to index
          %get3A_382 = arith.index_cast %scan3A_325 : i32 to index
          %get3A_383 = arith.constant 16 : index
          %get3A_384 = tpu.vector_load %arg8[%get3A_381, %get3A_382, %get3A_383] {strides = array<i32>} : memref<2x80x128xf32, #tpu.memory_space<vmem>>, vector<1x1x16xf32>,
          %get3A_385 = vector.shape_cast %get3A_384 : vector<1x1x16xf32> to vector<16xf32>
          %get3A_386 = arith.constant 0 : i32
          %get3A_387 = arith.index_cast %get3A_386 : i32 to index
          %get3A_388 = arith.index_cast %scan3A_325 : i32 to index
          %get3A_389 = arith.constant 32 : index
          %get3A_390 = tpu.vector_load %arg8[%get3A_387, %get3A_388, %get3A_389] {strides = array<i32>} : memref<2x80x128xf32, #tpu.memory_space<vmem>>, vector<1x1x16xf32>,
          %get3A_391 = vector.shape_cast %get3A_390 : vector<1x1x16xf32> to vector<16xf32>
          %get3A_392 = arith.constant 0 : i32
          %get3A_393 = arith.index_cast %get3A_392 : i32 to index
          %get3A_394 = arith.index_cast %scan3A_325 : i32 to index
          %get3A_395 = arith.constant 48 : index
          %get3A_396 = tpu.vector_load %arg8[%get3A_393, %get3A_394, %get3A_395] {strides = array<i32>} : memref<2x80x128xf32, #tpu.memory_space<vmem>>, vector<1x1x16xf32>,
          %get3A_397 = vector.shape_cast %get3A_396 : vector<1x1x16xf32> to vector<16xf32>
          %get3A_398 = arith.constant 0 : i32
          %get3A_399 = arith.index_cast %get3A_398 : i32 to index
          %get3A_400 = arith.index_cast %scan3A_325 : i32 to index
          %get3A_401 = arith.constant 64 : index
          %get3A_402 = tpu.vector_load %arg8[%get3A_399, %get3A_400, %get3A_401] {strides = array<i32>} : memref<2x80x128xf32, #tpu.memory_space<vmem>>, vector<1x1x16xf32>,
          %get3A_403 = vector.shape_cast %get3A_402 : vector<1x1x16xf32> to vector<16xf32>
          %get3A_404 = arith.constant 0 : i32
          %get3A_405 = arith.index_cast %get3A_404 : i32 to index
          %get3A_406 = arith.index_cast %scan3A_325 : i32 to index
          %get3A_407 = arith.constant 80 : index
          %get3A_408 = tpu.vector_load %arg8[%get3A_405, %get3A_406, %get3A_407] {strides = array<i32>} : memref<2x80x128xf32, #tpu.memory_space<vmem>>, vector<1x1x16xf32>,
          %get3A_409 = vector.shape_cast %get3A_408 : vector<1x1x16xf32> to vector<16xf32>
          %get3A_410 = arith.constant 0 : i32
          %get3A_411 = arith.index_cast %get3A_410 : i32 to index
          %get3A_412 = arith.index_cast %scan3A_325 : i32 to index
          %get3A_413 = arith.constant 96 : index
          %get3A_414 = tpu.vector_load %arg8[%get3A_411, %get3A_412, %get3A_413] {strides = array<i32>} : memref<2x80x128xf32, #tpu.memory_space<vmem>>, vector<1x1x16xf32>,
          %get3A_415 = vector.shape_cast %get3A_414 : vector<1x1x16xf32> to vector<16xf32>
          %get3A_416 = arith.constant 0 : i32
          %get3A_417 = arith.index_cast %get3A_416 : i32 to index
          %get3A_418 = arith.index_cast %scan3A_325 : i32 to index
          %get3A_419 = arith.constant 112 : index
          %get3A_420 = tpu.vector_load %arg8[%get3A_417, %get3A_418, %get3A_419] {strides = array<i32>} : memref<2x80x128xf32, #tpu.memory_space<vmem>>, vector<1x1x16xf32>,
          %get3A_421 = vector.shape_cast %get3A_420 : vector<1x1x16xf32> to vector<16xf32>
          %add3A_422 = arith.addf %get3A_331, %get3A_379 : vector<16xf32>
          %max3A = arith.constant 0.000000e+00 : f32
          %max3A_423 = vector.broadcast %max3A : f32 to vector<16xf32>
          %max3A_424 = arith.maximumf %add3A_422, %max3A_423 : vector<16xf32>
          %add3A_425 = arith.addf %get3A_337, %get3A_385 : vector<16xf32>
          %max3A_426 = arith.constant 0.000000e+00 : f32
          %max3A_427 = vector.broadcast %max3A_426 : f32 to vector<16xf32>
          %max3A_428 = arith.maximumf %add3A_425, %max3A_427 : vector<16xf32>
          %add3A_429 = arith.addf %get3A_343, %get3A_391 : vector<16xf32>
          %max3A_430 = arith.constant 0.000000e+00 : f32
          %max3A_431 = vector.broadcast %max3A_430 : f32 to vector<16xf32>
          %max3A_432 = arith.maximumf %add3A_429, %max3A_431 : vector<16xf32>
          %add3A_433 = arith.addf %get3A_349, %get3A_397 : vector<16xf32>
          %max3A_434 = arith.constant 0.000000e+00 : f32
          %max3A_435 = vector.broadcast %max3A_434 : f32 to vector<16xf32>
          %max3A_436 = arith.maximumf %add3A_433, %max3A_435 : vector<16xf32>
          %add3A_437 = arith.addf %get3A_355, %get3A_403 : vector<16xf32>
          %max3A_438 = arith.constant 0.000000e+00 : f32
          %max3A_439 = vector.broadcast %max3A_438 : f32 to vector<16xf32>
          %max3A_440 = arith.maximumf %add3A_437, %max3A_439 : vector<16xf32>
          %add3A_441 = arith.addf %get3A_361, %get3A_409 : vector<16xf32>
          %max3A_442 = arith.constant 0.000000e+00 : f32
          %max3A_443 = vector.broadcast %max3A_442 : f32 to vector<16xf32>
          %max3A_444 = arith.maximumf %add3A_441, %max3A_443 : vector<16xf32>
          %add3A_445 = arith.addf %get3A_367, %get3A_415 : vector<16xf32>
          %max3A_446 = arith.constant 0.000000e+00 : f32
          %max3A_447 = vector.broadcast %max3A_446 : f32 to vector<16xf32>
          %max3A_448 = arith.maximumf %add3A_445, %max3A_447 : vector<16xf32>
          %add3A_449 = arith.addf %get3A_373, %get3A_421 : vector<16xf32>
          %max3A_450 = arith.constant 0.000000e+00 : f32
          %max3A_451 = vector.broadcast %max3A_450 : f32 to vector<16xf32>
          %max3A_452 = arith.maximumf %add3A_449, %max3A_451 : vector<16xf32>
          %swap3A = arith.constant 0 : i32
          %swap3A_453 = arith.index_cast %swap3A : i32 to index
          %swap3A_454 = arith.index_cast %scan3A_325 : i32 to index
          %swap3A_455 = arith.constant 0 : index
          %swap3A_456 = tpu.vector_load %arg7[%swap3A_453, %swap3A_454, %swap3A_455] {strides = array<i32>} : memref<2x80x128xf32, #tpu.memory_space<vmem>>, vector<1x1x16xf32>,
          %swap3A_457 = vector.shape_cast %swap3A_456 : vector<1x1x16xf32> to vector<16xf32>
          %swap3A_458 = vector.shape_cast %max3A_424 : vector<16xf32> to vector<1x1x16xf32>
          tpu.vector_store %arg7[%swap3A_453, %swap3A_454, %swap3A_455], %swap3A_458 {strides = array<i32>} : memref<2x80x128xf32, #tpu.memory_space<vmem>>, vector<1x1x16xf32>,
          %swap3A_459 = arith.constant 0 : i32
          %swap3A_460 = arith.index_cast %swap3A_459 : i32 to index
          %swap3A_461 = arith.index_cast %scan3A_325 : i32 to index
          %swap3A_462 = arith.constant 16 : index
          %swap3A_463 = tpu.vector_load %arg7[%swap3A_460, %swap3A_461, %swap3A_462] {strides = array<i32>} : memref<2x80x128xf32, #tpu.memory_space<vmem>>, vector<1x1x16xf32>,
          %swap3A_464 = vector.shape_cast %swap3A_463 : vector<1x1x16xf32> to vector<16xf32>
          %swap3A_465 = vector.shape_cast %max3A_428 : vector<16xf32> to vector<1x1x16xf32>
          tpu.vector_store %arg7[%swap3A_460, %swap3A_461, %swap3A_462], %swap3A_465 {strides = array<i32>} : memref<2x80x128xf32, #tpu.memory_space<vmem>>, vector<1x1x16xf32>,
          %swap3A_466 = arith.constant 0 : i32
          %swap3A_467 = arith.index_cast %swap3A_466 : i32 to index
          %swap3A_468 = arith.index_cast %scan3A_325 : i32 to index
          %swap3A_469 = arith.constant 32 : index
          %swap3A_470 = tpu.vector_load %arg7[%swap3A_467, %swap3A_468, %swap3A_469] {strides = array<i32>} : memref<2x80x128xf32, #tpu.memory_space<vmem>>, vector<1x1x16xf32>,
          %swap3A_471 = vector.shape_cast %swap3A_470 : vector<1x1x16xf32> to vector<16xf32>
          %swap3A_472 = vector.shape_cast %max3A_432 : vector<16xf32> to vector<1x1x16xf32>
          tpu.vector_store %arg7[%swap3A_467, %swap3A_468, %swap3A_469], %swap3A_472 {strides = array<i32>} : memref<2x80x128xf32, #tpu.memory_space<vmem>>, vector<1x1x16xf32>,
          %swap3A_473 = arith.constant 0 : i32
          %swap3A_474 = arith.index_cast %swap3A_473 : i32 to index
          %swap3A_475 = arith.index_cast %scan3A_325 : i32 to index
          %swap3A_476 = arith.constant 48 : index
          %swap3A_477 = tpu.vector_load %arg7[%swap3A_474, %swap3A_475, %swap3A_476] {strides = array<i32>} : memref<2x80x128xf32, #tpu.memory_space<vmem>>, vector<1x1x16xf32>,
          %swap3A_478 = vector.shape_cast %swap3A_477 : vector<1x1x16xf32> to vector<16xf32>
          %swap3A_479 = vector.shape_cast %max3A_436 : vector<16xf32> to vector<1x1x16xf32>
          tpu.vector_store %arg7[%swap3A_474, %swap3A_475, %swap3A_476], %swap3A_479 {strides = array<i32>} : memref<2x80x128xf32, #tpu.memory_space<vmem>>, vector<1x1x16xf32>,
          %swap3A_480 = arith.constant 0 : i32
          %swap3A_481 = arith.index_cast %swap3A_480 : i32 to index
          %swap3A_482 = arith.index_cast %scan3A_325 : i32 to index
          %swap3A_483 = arith.constant 64 : index
          %swap3A_484 = tpu.vector_load %arg7[%swap3A_481, %swap3A_482, %swap3A_483] {strides = array<i32>} : memref<2x80x128xf32, #tpu.memory_space<vmem>>, vector<1x1x16xf32>,
          %swap3A_485 = vector.shape_cast %swap3A_484 : vector<1x1x16xf32> to vector<16xf32>
          %swap3A_486 = vector.shape_cast %max3A_440 : vector<16xf32> to vector<1x1x16xf32>
          tpu.vector_store %arg7[%swap3A_481, %swap3A_482, %swap3A_483], %swap3A_486 {strides = array<i32>} : memref<2x80x128xf32, #tpu.memory_space<vmem>>, vector<1x1x16xf32>,
          %swap3A_487 = arith.constant 0 : i32
          %swap3A_488 = arith.index_cast %swap3A_487 : i32 to index
          %swap3A_489 = arith.index_cast %scan3A_325 : i32 to index
          %swap3A_490 = arith.constant 80 : index
          %swap3A_491 = tpu.vector_load %arg7[%swap3A_488, %swap3A_489, %swap3A_490] {strides = array<i32>} : memref<2x80x128xf32, #tpu.memory_space<vmem>>, vector<1x1x16xf32>,
          %swap3A_492 = vector.shape_cast %swap3A_491 : vector<1x1x16xf32> to vector<16xf32>
          %swap3A_493 = vector.shape_cast %max3A_444 : vector<16xf32> to vector<1x1x16xf32>
          tpu.vector_store %arg7[%swap3A_488, %swap3A_489, %swap3A_490], %swap3A_493 {strides = array<i32>} : memref<2x80x128xf32, #tpu.memory_space<vmem>>, vector<1x1x16xf32>,
          %swap3A_494 = arith.constant 0 : i32
          %swap3A_495 = arith.index_cast %swap3A_494 : i32 to index
          %swap3A_496 = arith.index_cast %scan3A_325 : i32 to index
          %swap3A_497 = arith.constant 96 : index
          %swap3A_498 = tpu.vector_load %arg7[%swap3A_495, %swap3A_496, %swap3A_497] {strides = array<i32>} : memref<2x80x128xf32, #tpu.memory_space<vmem>>, vector<1x1x16xf32>,
          %swap3A_499 = vector.shape_cast %swap3A_498 : vector<1x1x16xf32> to vector<16xf32>
          %swap3A_500 = vector.shape_cast %max3A_448 : vector<16xf32> to vector<1x1x16xf32>
          tpu.vector_store %arg7[%swap3A_495, %swap3A_496, %swap3A_497], %swap3A_500 {strides = array<i32>} : memref<2x80x128xf32, #tpu.memory_space<vmem>>, vector<1x1x16xf32>,
          %swap3A_501 = arith.constant 0 : i32
          %swap3A_502 = arith.index_cast %swap3A_501 : i32 to index
          %swap3A_503 = arith.index_cast %scan3A_325 : i32 to index
          %swap3A_504 = arith.constant 112 : index
          %swap3A_505 = tpu.vector_load %arg7[%swap3A_502, %swap3A_503, %swap3A_504] {strides = array<i32>} : memref<2x80x128xf32, #tpu.memory_space<vmem>>, vector<1x1x16xf32>,
          %swap3A_506 = vector.shape_cast %swap3A_505 : vector<1x1x16xf32> to vector<16xf32>
          %swap3A_507 = vector.shape_cast %max3A_452 : vector<16xf32> to vector<1x1x16xf32>
          tpu.vector_store %arg7[%swap3A_502, %swap3A_503, %swap3A_504], %swap3A_507 {strides = array<i32>} : memref<2x80x128xf32, #tpu.memory_space<vmem>>, vector<1x1x16xf32>,
          %scan3A_508 = arith.constant 0 : i32
          scf.yield %scan3A_508 : i32
        }
        %scan3A_324 = arith.constant 80 : i32
      } else {
      }
      %eq3A_299 = arith.constant 1 : i32
      %eq3A_300 = arith.cmpi eq, %select_n3A_238, %eq3A_299 : i32
      %convert_element_type3A_301 = arith.extui %eq3A_300 : i1 to i32
      %cond3A_302 = arith.constant 0 : i32
      %cond3A_303 = arith.cmpi ne, %convert_element_type3A_301, %cond3A_302 : i32
      scf.if %cond3A_303 {
        %scan3A_318 = arith.constant 0 : i32
        %scan3A_319 = arith.constant 0 : i32
        %scan3A_320 = arith.constant 80 : i32
        %scan3A_321 = arith.addi %scan3A_319, %scan3A_320 : i32
        %scan3A_322 = arith.constant 1 : i32
        %scan3A_323 = scf.for %scan3A_325 = %scan3A_319 to %scan3A_321 step %scan3A_322 iter_args(%scan3A_326 = %scan3A_318) -> (i32)  : i32 {
          %get3A = arith.constant 1 : i32
          %get3A_327 = arith.index_cast %get3A : i32 to index
          %get3A_328 = arith.index_cast %scan3A_325 : i32 to index
          %get3A_329 = arith.constant 0 : index
          %get3A_330 = tpu.vector_load %arg7[%get3A_327, %get3A_328, %get3A_329] {strides = array<i32>} : memref<2x80x128xf32, #tpu.memory_space<vmem>>, vector<1x1x16xf32>,
          %get3A_331 = vector.shape_cast %get3A_330 : vector<1x1x16xf32> to vector<16xf32>
          %get3A_332 = arith.constant 1 : i32
          %get3A_333 = arith.index_cast %get3A_332 : i32 to index
          %get3A_334 = arith.index_cast %scan3A_325 : i32 to index
          %get3A_335 = arith.constant 16 : index
          %get3A_336 = tpu.vector_load %arg7[%get3A_333, %get3A_334, %get3A_335] {strides = array<i32>} : memref<2x80x128xf32, #tpu.memory_space<vmem>>, vector<1x1x16xf32>,
          %get3A_337 = vector.shape_cast %get3A_336 : vector<1x1x16xf32> to vector<16xf32>
          %get3A_338 = arith.constant 1 : i32
          %get3A_339 = arith.index_cast %get3A_338 : i32 to index
          %get3A_340 = arith.index_cast %scan3A_325 : i32 to index
          %get3A_341 = arith.constant 32 : index
          %get3A_342 = tpu.vector_load %arg7[%get3A_339, %get3A_340, %get3A_341] {strides = array<i32>} : memref<2x80x128xf32, #tpu.memory_space<vmem>>, vector<1x1x16xf32>,
          %get3A_343 = vector.shape_cast %get3A_342 : vector<1x1x16xf32> to vector<16xf32>
          %get3A_344 = arith.constant 1 : i32
          %get3A_345 = arith.index_cast %get3A_344 : i32 to index
          %get3A_346 = arith.index_cast %scan3A_325 : i32 to index
          %get3A_347 = arith.constant 48 : index
          %get3A_348 = tpu.vector_load %arg7[%get3A_345, %get3A_346, %get3A_347] {strides = array<i32>} : memref<2x80x128xf32, #tpu.memory_space<vmem>>, vector<1x1x16xf32>,
          %get3A_349 = vector.shape_cast %get3A_348 : vector<1x1x16xf32> to vector<16xf32>
          %get3A_350 = arith.constant 1 : i32
          %get3A_351 = arith.index_cast %get3A_350 : i32 to index
          %get3A_352 = arith.index_cast %scan3A_325 : i32 to index
          %get3A_353 = arith.constant 64 : index
          %get3A_354 = tpu.vector_load %arg7[%get3A_351, %get3A_352, %get3A_353] {strides = array<i32>} : memref<2x80x128xf32, #tpu.memory_space<vmem>>, vector<1x1x16xf32>,
          %get3A_355 = vector.shape_cast %get3A_354 : vector<1x1x16xf32> to vector<16xf32>
          %get3A_356 = arith.constant 1 : i32
          %get3A_357 = arith.index_cast %get3A_356 : i32 to index
          %get3A_358 = arith.index_cast %scan3A_325 : i32 to index
          %get3A_359 = arith.constant 80 : index
          %get3A_360 = tpu.vector_load %arg7[%get3A_357, %get3A_358, %get3A_359] {strides = array<i32>} : memref<2x80x128xf32, #tpu.memory_space<vmem>>, vector<1x1x16xf32>,
          %get3A_361 = vector.shape_cast %get3A_360 : vector<1x1x16xf32> to vector<16xf32>
          %get3A_362 = arith.constant 1 : i32
          %get3A_363 = arith.index_cast %get3A_362 : i32 to index
          %get3A_364 = arith.index_cast %scan3A_325 : i32 to index
          %get3A_365 = arith.constant 96 : index
          %get3A_366 = tpu.vector_load %arg7[%get3A_363, %get3A_364, %get3A_365] {strides = array<i32>} : memref<2x80x128xf32, #tpu.memory_space<vmem>>, vector<1x1x16xf32>,
          %get3A_367 = vector.shape_cast %get3A_366 : vector<1x1x16xf32> to vector<16xf32>
          %get3A_368 = arith.constant 1 : i32
          %get3A_369 = arith.index_cast %get3A_368 : i32 to index
          %get3A_370 = arith.index_cast %scan3A_325 : i32 to index
          %get3A_371 = arith.constant 112 : index
          %get3A_372 = tpu.vector_load %arg7[%get3A_369, %get3A_370, %get3A_371] {strides = array<i32>} : memref<2x80x128xf32, #tpu.memory_space<vmem>>, vector<1x1x16xf32>,
          %get3A_373 = vector.shape_cast %get3A_372 : vector<1x1x16xf32> to vector<16xf32>
          %get3A_374 = arith.constant 1 : i32
          %get3A_375 = arith.index_cast %get3A_374 : i32 to index
          %get3A_376 = arith.index_cast %scan3A_325 : i32 to index
          %get3A_377 = arith.constant 0 : index
          %get3A_378 = tpu.vector_load %arg8[%get3A_375, %get3A_376, %get3A_377] {strides = array<i32>} : memref<2x80x128xf32, #tpu.memory_space<vmem>>, vector<1x1x16xf32>,
          %get3A_379 = vector.shape_cast %get3A_378 : vector<1x1x16xf32> to vector<16xf32>
          %get3A_380 = arith.constant 1 : i32
          %get3A_381 = arith.index_cast %get3A_380 : i32 to index
          %get3A_382 = arith.index_cast %scan3A_325 : i32 to index
          %get3A_383 = arith.constant 16 : index
          %get3A_384 = tpu.vector_load %arg8[%get3A_381, %get3A_382, %get3A_383] {strides = array<i32>} : memref<2x80x128xf32, #tpu.memory_space<vmem>>, vector<1x1x16xf32>,
          %get3A_385 = vector.shape_cast %get3A_384 : vector<1x1x16xf32> to vector<16xf32>
          %get3A_386 = arith.constant 1 : i32
          %get3A_387 = arith.index_cast %get3A_386 : i32 to index
          %get3A_388 = arith.index_cast %scan3A_325 : i32 to index
          %get3A_389 = arith.constant 32 : index
          %get3A_390 = tpu.vector_load %arg8[%get3A_387, %get3A_388, %get3A_389] {strides = array<i32>} : memref<2x80x128xf32, #tpu.memory_space<vmem>>, vector<1x1x16xf32>,
          %get3A_391 = vector.shape_cast %get3A_390 : vector<1x1x16xf32> to vector<16xf32>
          %get3A_392 = arith.constant 1 : i32
          %get3A_393 = arith.index_cast %get3A_392 : i32 to index
          %get3A_394 = arith.index_cast %scan3A_325 : i32 to index
          %get3A_395 = arith.constant 48 : index
          %get3A_396 = tpu.vector_load %arg8[%get3A_393, %get3A_394, %get3A_395] {strides = array<i32>} : memref<2x80x128xf32, #tpu.memory_space<vmem>>, vector<1x1x16xf32>,
          %get3A_397 = vector.shape_cast %get3A_396 : vector<1x1x16xf32> to vector<16xf32>
          %get3A_398 = arith.constant 1 : i32
          %get3A_399 = arith.index_cast %get3A_398 : i32 to index
          %get3A_400 = arith.index_cast %scan3A_325 : i32 to index
          %get3A_401 = arith.constant 64 : index
          %get3A_402 = tpu.vector_load %arg8[%get3A_399, %get3A_400, %get3A_401] {strides = array<i32>} : memref<2x80x128xf32, #tpu.memory_space<vmem>>, vector<1x1x16xf32>,
          %get3A_403 = vector.shape_cast %get3A_402 : vector<1x1x16xf32> to vector<16xf32>
          %get3A_404 = arith.constant 1 : i32
          %get3A_405 = arith.index_cast %get3A_404 : i32 to index
          %get3A_406 = arith.index_cast %scan3A_325 : i32 to index
          %get3A_407 = arith.constant 80 : index
          %get3A_408 = tpu.vector_load %arg8[%get3A_405, %get3A_406, %get3A_407] {strides = array<i32>} : memref<2x80x128xf32, #tpu.memory_space<vmem>>, vector<1x1x16xf32>,
          %get3A_409 = vector.shape_cast %get3A_408 : vector<1x1x16xf32> to vector<16xf32>
          %get3A_410 = arith.constant 1 : i32
          %get3A_411 = arith.index_cast %get3A_410 : i32 to index
          %get3A_412 = arith.index_cast %scan3A_325 : i32 to index
          %get3A_413 = arith.constant 96 : index
          %get3A_414 = tpu.vector_load %arg8[%get3A_411, %get3A_412, %get3A_413] {strides = array<i32>} : memref<2x80x128xf32, #tpu.memory_space<vmem>>, vector<1x1x16xf32>,
          %get3A_415 = vector.shape_cast %get3A_414 : vector<1x1x16xf32> to vector<16xf32>
          %get3A_416 = arith.constant 1 : i32
          %get3A_417 = arith.index_cast %get3A_416 : i32 to index
          %get3A_418 = arith.index_cast %scan3A_325 : i32 to index
          %get3A_419 = arith.constant 112 : index
          %get3A_420 = tpu.vector_load %arg8[%get3A_417, %get3A_418, %get3A_419] {strides = array<i32>} : memref<2x80x128xf32, #tpu.memory_space<vmem>>, vector<1x1x16xf32>,
          %get3A_421 = vector.shape_cast %get3A_420 : vector<1x1x16xf32> to vector<16xf32>
          %add3A_422 = arith.addf %get3A_331, %get3A_379 : vector<16xf32>
          %max3A = arith.constant 0.000000e+00 : f32
          %max3A_423 = vector.broadcast %max3A : f32 to vector<16xf32>
          %max3A_424 = arith.maximumf %add3A_422, %max3A_423 : vector<16xf32>
          %add3A_425 = arith.addf %get3A_337, %get3A_385 : vector<16xf32>
          %max3A_426 = arith.constant 0.000000e+00 : f32
          %max3A_427 = vector.broadcast %max3A_426 : f32 to vector<16xf32>
          %max3A_428 = arith.maximumf %add3A_425, %max3A_427 : vector<16xf32>
          %add3A_429 = arith.addf %get3A_343, %get3A_391 : vector<16xf32>
          %max3A_430 = arith.constant 0.000000e+00 : f32
          %max3A_431 = vector.broadcast %max3A_430 : f32 to vector<16xf32>
          %max3A_432 = arith.maximumf %add3A_429, %max3A_431 : vector<16xf32>
          %add3A_433 = arith.addf %get3A_349, %get3A_397 : vector<16xf32>
          %max3A_434 = arith.constant 0.000000e+00 : f32
          %max3A_435 = vector.broadcast %max3A_434 : f32 to vector<16xf32>
          %max3A_436 = arith.maximumf %add3A_433, %max3A_435 : vector<16xf32>
          %add3A_437 = arith.addf %get3A_355, %get3A_403 : vector<16xf32>
          %max3A_438 = arith.constant 0.000000e+00 : f32
          %max3A_439 = vector.broadcast %max3A_438 : f32 to vector<16xf32>
          %max3A_440 = arith.maximumf %add3A_437, %max3A_439 : vector<16xf32>
          %add3A_441 = arith.addf %get3A_361, %get3A_409 : vector<16xf32>
          %max3A_442 = arith.constant 0.000000e+00 : f32
          %max3A_443 = vector.broadcast %max3A_442 : f32 to vector<16xf32>
          %max3A_444 = arith.maximumf %add3A_441, %max3A_443 : vector<16xf32>
          %add3A_445 = arith.addf %get3A_367, %get3A_415 : vector<16xf32>
          %max3A_446 = arith.constant 0.000000e+00 : f32
          %max3A_447 = vector.broadcast %max3A_446 : f32 to vector<16xf32>
          %max3A_448 = arith.maximumf %add3A_445, %max3A_447 : vector<16xf32>
          %add3A_449 = arith.addf %get3A_373, %get3A_421 : vector<16xf32>
          %max3A_450 = arith.constant 0.000000e+00 : f32
          %max3A_451 = vector.broadcast %max3A_450 : f32 to vector<16xf32>
          %max3A_452 = arith.maximumf %add3A_449, %max3A_451 : vector<16xf32>
          %swap3A = arith.constant 1 : i32
          %swap3A_453 = arith.index_cast %swap3A : i32 to index
          %swap3A_454 = arith.index_cast %scan3A_325 : i32 to index
          %swap3A_455 = arith.constant 0 : index
          %swap3A_456 = tpu.vector_load %arg7[%swap3A_453, %swap3A_454, %swap3A_455] {strides = array<i32>} : memref<2x80x128xf32, #tpu.memory_space<vmem>>, vector<1x1x16xf32>,
          %swap3A_457 = vector.shape_cast %swap3A_456 : vector<1x1x16xf32> to vector<16xf32>
          %swap3A_458 = vector.shape_cast %max3A_424 : vector<16xf32> to vector<1x1x16xf32>
          tpu.vector_store %arg7[%swap3A_453, %swap3A_454, %swap3A_455], %swap3A_458 {strides = array<i32>} : memref<2x80x128xf32, #tpu.memory_space<vmem>>, vector<1x1x16xf32>,
          %swap3A_459 = arith.constant 1 : i32
          %swap3A_460 = arith.index_cast %swap3A_459 : i32 to index
          %swap3A_461 = arith.index_cast %scan3A_325 : i32 to index
          %swap3A_462 = arith.constant 16 : index
          %swap3A_463 = tpu.vector_load %arg7[%swap3A_460, %swap3A_461, %swap3A_462] {strides = array<i32>} : memref<2x80x128xf32, #tpu.memory_space<vmem>>, vector<1x1x16xf32>,
          %swap3A_464 = vector.shape_cast %swap3A_463 : vector<1x1x16xf32> to vector<16xf32>
          %swap3A_465 = vector.shape_cast %max3A_428 : vector<16xf32> to vector<1x1x16xf32>
          tpu.vector_store %arg7[%swap3A_460, %swap3A_461, %swap3A_462], %swap3A_465 {strides = array<i32>} : memref<2x80x128xf32, #tpu.memory_space<vmem>>, vector<1x1x16xf32>,
          %swap3A_466 = arith.constant 1 : i32
          %swap3A_467 = arith.index_cast %swap3A_466 : i32 to index
          %swap3A_468 = arith.index_cast %scan3A_325 : i32 to index
          %swap3A_469 = arith.constant 32 : index
          %swap3A_470 = tpu.vector_load %arg7[%swap3A_467, %swap3A_468, %swap3A_469] {strides = array<i32>} : memref<2x80x128xf32, #tpu.memory_space<vmem>>, vector<1x1x16xf32>,
          %swap3A_471 = vector.shape_cast %swap3A_470 : vector<1x1x16xf32> to vector<16xf32>
          %swap3A_472 = vector.shape_cast %max3A_432 : vector<16xf32> to vector<1x1x16xf32>
          tpu.vector_store %arg7[%swap3A_467, %swap3A_468, %swap3A_469], %swap3A_472 {strides = array<i32>} : memref<2x80x128xf32, #tpu.memory_space<vmem>>, vector<1x1x16xf32>,
          %swap3A_473 = arith.constant 1 : i32
          %swap3A_474 = arith.index_cast %swap3A_473 : i32 to index
          %swap3A_475 = arith.index_cast %scan3A_325 : i32 to index
          %swap3A_476 = arith.constant 48 : index
          %swap3A_477 = tpu.vector_load %arg7[%swap3A_474, %swap3A_475, %swap3A_476] {strides = array<i32>} : memref<2x80x128xf32, #tpu.memory_space<vmem>>, vector<1x1x16xf32>,
          %swap3A_478 = vector.shape_cast %swap3A_477 : vector<1x1x16xf32> to vector<16xf32>
          %swap3A_479 = vector.shape_cast %max3A_436 : vector<16xf32> to vector<1x1x16xf32>
          tpu.vector_store %arg7[%swap3A_474, %swap3A_475, %swap3A_476], %swap3A_479 {strides = array<i32>} : memref<2x80x128xf32, #tpu.memory_space<vmem>>, vector<1x1x16xf32>,
          %swap3A_480 = arith.constant 1 : i32
          %swap3A_481 = arith.index_cast %swap3A_480 : i32 to index
          %swap3A_482 = arith.index_cast %scan3A_325 : i32 to index
          %swap3A_483 = arith.constant 64 : index
          %swap3A_484 = tpu.vector_load %arg7[%swap3A_481, %swap3A_482, %swap3A_483] {strides = array<i32>} : memref<2x80x128xf32, #tpu.memory_space<vmem>>, vector<1x1x16xf32>,
          %swap3A_485 = vector.shape_cast %swap3A_484 : vector<1x1x16xf32> to vector<16xf32>
          %swap3A_486 = vector.shape_cast %max3A_440 : vector<16xf32> to vector<1x1x16xf32>
          tpu.vector_store %arg7[%swap3A_481, %swap3A_482, %swap3A_483], %swap3A_486 {strides = array<i32>} : memref<2x80x128xf32, #tpu.memory_space<vmem>>, vector<1x1x16xf32>,
          %swap3A_487 = arith.constant 1 : i32
          %swap3A_488 = arith.index_cast %swap3A_487 : i32 to index
          %swap3A_489 = arith.index_cast %scan3A_325 : i32 to index
          %swap3A_490 = arith.constant 80 : index
          %swap3A_491 = tpu.vector_load %arg7[%swap3A_488, %swap3A_489, %swap3A_490] {strides = array<i32>} : memref<2x80x128xf32, #tpu.memory_space<vmem>>, vector<1x1x16xf32>,
          %swap3A_492 = vector.shape_cast %swap3A_491 : vector<1x1x16xf32> to vector<16xf32>
          %swap3A_493 = vector.shape_cast %max3A_444 : vector<16xf32> to vector<1x1x16xf32>
          tpu.vector_store %arg7[%swap3A_488, %swap3A_489, %swap3A_490], %swap3A_493 {strides = array<i32>} : memref<2x80x128xf32, #tpu.memory_space<vmem>>, vector<1x1x16xf32>,
          %swap3A_494 = arith.constant 1 : i32
          %swap3A_495 = arith.index_cast %swap3A_494 : i32 to index
          %swap3A_496 = arith.index_cast %scan3A_325 : i32 to index
          %swap3A_497 = arith.constant 96 : index
          %swap3A_498 = tpu.vector_load %arg7[%swap3A_495, %swap3A_496, %swap3A_497] {strides = array<i32>} : memref<2x80x128xf32, #tpu.memory_space<vmem>>, vector<1x1x16xf32>,
          %swap3A_499 = vector.shape_cast %swap3A_498 : vector<1x1x16xf32> to vector<16xf32>
          %swap3A_500 = vector.shape_cast %max3A_448 : vector<16xf32> to vector<1x1x16xf32>
          tpu.vector_store %arg7[%swap3A_495, %swap3A_496, %swap3A_497], %swap3A_500 {strides = array<i32>} : memref<2x80x128xf32, #tpu.memory_space<vmem>>, vector<1x1x16xf32>,
          %swap3A_501 = arith.constant 1 : i32
          %swap3A_502 = arith.index_cast %swap3A_501 : i32 to index
          %swap3A_503 = arith.index_cast %scan3A_325 : i32 to index
          %swap3A_504 = arith.constant 112 : index
          %swap3A_505 = tpu.vector_load %arg7[%swap3A_502, %swap3A_503, %swap3A_504] {strides = array<i32>} : memref<2x80x128xf32, #tpu.memory_space<vmem>>, vector<1x1x16xf32>,
          %swap3A_506 = vector.shape_cast %swap3A_505 : vector<1x1x16xf32> to vector<16xf32>
          %swap3A_507 = vector.shape_cast %max3A_452 : vector<16xf32> to vector<1x1x16xf32>
          tpu.vector_store %arg7[%swap3A_502, %swap3A_503, %swap3A_504], %swap3A_507 {strides = array<i32>} : memref<2x80x128xf32, #tpu.memory_space<vmem>>, vector<1x1x16xf32>,
          %scan3A_508 = arith.constant 0 : i32
          scf.yield %scan3A_508 : i32
        }
        %scan3A_324 = arith.constant 80 : i32
      } else {
      }
      %dma_start3A_304 = arith.constant 1 : i32
      %dma_start3A_305 = arith.constant 0 : i32
      %dma_start3A_306 = arith.constant 0 : i32
      %dma_start3A_307 = tpu.memref_slice %arg7[%select_n3A_238, %dma_start3A_305, %dma_start3A_306] : memref<2x80x128xf32, #tpu.memory_space<vmem>> -> memref<1x80x128xf32, #tpu.memory_space<vmem>>
      %dma_start3A_308 = tpu.memref_squeeze %dma_start3A_307 : memref<1x80x128xf32, #tpu.memory_space<vmem>> -> memref<80x128xf32, #tpu.memory_space<vmem>>
      %dma_start3A_309 = arith.constant 0 : i32
      %dma_start3A_310 = tpu.memref_slice %arg6[%select_n3A_204, %dma_start3A_304, %dma_start3A_309] : memref<4x2x80xi32, #tpu.memory_space<vmem>> -> memref<1x1x80xi32, #tpu.memory_space<vmem>>
      %dma_start3A_311 = tpu.memref_squeeze %dma_start3A_310 : memref<1x1x80xi32, #tpu.memory_space<vmem>> -> memref<80xi32, #tpu.memory_space<vmem>>
      %dma_start3A_312 = arith.constant 0 : i32
      %dma_start3A_313 = arith.constant 0 : i32
      %dma_start3A_314 = tpu.memref_slice %arg9[%dma_start3A_312, %dma_start3A_313] : memref<10000x128xf32, #tpu.memory_space<vmem_shared>> -> memref<10000x128xf32, #tpu.memory_space<vmem_shared>>
      %dma_start3A_315 = tpu.memref_slice %arg13[%select_n3A_238] : memref<2x!tpu.dma_semaphore, #tpu.memory_space<semaphore_mem>> -> memref<1x!tpu.dma_semaphore, #tpu.memory_space<semaphore_mem>>
      %dma_start3A_316 = tpu.memref_squeeze %dma_start3A_315 : memref<1x!tpu.dma_semaphore, #tpu.memory_space<semaphore_mem>> -> memref<!tpu.dma_semaphore, #tpu.memory_space<semaphore_mem>>
      tpu.enqueue_indirect_dma source(%dma_start3A_308 : memref<80x128xf32, #tpu.memory_space<vmem>>) target(%dma_start3A_314 : memref<10000x128xf32, #tpu.memory_space<vmem_shared>>) offsets(%dma_start3A_311 : memref<80xi32, #tpu.memory_space<vmem>>) semaphore(%dma_start3A_316 : memref<!tpu.dma_semaphore, #tpu.memory_space<semaphore_mem>>) {add = true}
      %scan3A_317 = arith.constant 0 : i32
      scf.yield %scan3A_317 : i32
    }
    %scan3A_142 = arith.constant 125 : i32
    %dma_wait3A_143 = arith.constant 0 : i32
    %dma_wait3A_144 = arith.constant 0 : i32
    %dma_wait3A_145 = arith.constant 1 : i32
    %dma_wait3A_146 = arith.constant 0 : i32
    %dma_wait3A_147 = arith.constant 0 : i32
    %dma_wait3A_148 = arith.constant 0 : i32
    %dma_wait3A_149 = tpu.memref_slice %arg7[%dma_wait3A_143, %dma_wait3A_147, %dma_wait3A_148] : memref<2x80x128xf32, #tpu.memory_space<vmem>> -> memref<1x80x128xf32, #tpu.memory_space<vmem>>
    %dma_wait3A_150 = tpu.memref_squeeze %dma_wait3A_149 : memref<1x80x128xf32, #tpu.memory_space<vmem>> -> memref<80x128xf32, #tpu.memory_space<vmem>>
    %dma_wait3A_151 = arith.constant 0 : i32
    %dma_wait3A_152 = tpu.memref_slice %arg6[%dma_wait3A_144, %dma_wait3A_145, %dma_wait3A_151] : memref<4x2x80xi32, #tpu.memory_space<vmem>> -> memref<1x1x80xi32, #tpu.memory_space<vmem>>
    %dma_wait3A_153 = tpu.memref_squeeze %dma_wait3A_152 : memref<1x1x80xi32, #tpu.memory_space<vmem>> -> memref<80xi32, #tpu.memory_space<vmem>>
    %dma_wait3A_154 = arith.constant 0 : i32
    %dma_wait3A_155 = arith.constant 0 : i32
    %dma_wait3A_156 = tpu.memref_slice %arg9[%dma_wait3A_154, %dma_wait3A_155] : memref<10000x128xf32, #tpu.memory_space<vmem_shared>> -> memref<10000x128xf32, #tpu.memory_space<vmem_shared>>
    %dma_wait3A_157 = tpu.memref_slice %arg13[%dma_wait3A_146] : memref<2x!tpu.dma_semaphore, #tpu.memory_space<semaphore_mem>> -> memref<1x!tpu.dma_semaphore, #tpu.memory_space<semaphore_mem>>
    %dma_wait3A_158 = tpu.memref_squeeze %dma_wait3A_157 : memref<1x!tpu.dma_semaphore, #tpu.memory_space<semaphore_mem>> -> memref<!tpu.dma_semaphore, #tpu.memory_space<semaphore_mem>>
    tpu.wait_indirect_dma semaphore(%dma_wait3A_158 : memref<!tpu.dma_semaphore, #tpu.memory_space<semaphore_mem>>) src(%dma_wait3A_150 : memref<80x128xf32, #tpu.memory_space<vmem>>) dst(%dma_wait3A_156 : memref<10000x128xf32, #tpu.memory_space<vmem_shared>>)
    %dma_wait3A_159 = arith.constant 1 : i32
    %dma_wait3A_160 = arith.constant 1 : i32
    %dma_wait3A_161 = arith.constant 1 : i32
    %dma_wait3A_162 = arith.constant 1 : i32
    %dma_wait3A_163 = arith.constant 0 : i32
    %dma_wait3A_164 = arith.constant 0 : i32
    %dma_wait3A_165 = tpu.memref_slice %arg7[%dma_wait3A_159, %dma_wait3A_163, %dma_wait3A_164] : memref<2x80x128xf32, #tpu.memory_space<vmem>> -> memref<1x80x128xf32, #tpu.memory_space<vmem>>
    %dma_wait3A_166 = tpu.memref_squeeze %dma_wait3A_165 : memref<1x80x128xf32, #tpu.memory_space<vmem>> -> memref<80x128xf32, #tpu.memory_space<vmem>>
    %dma_wait3A_167 = arith.constant 0 : i32
    %dma_wait3A_168 = tpu.memref_slice %arg6[%dma_wait3A_160, %dma_wait3A_161, %dma_wait3A_167] : memref<4x2x80xi32, #tpu.memory_space<vmem>> -> memref<1x1x80xi32, #tpu.memory_space<vmem>>
    %dma_wait3A_169 = tpu.memref_squeeze %dma_wait3A_168 : memref<1x1x80xi32, #tpu.memory_space<vmem>> -> memref<80xi32, #tpu.memory_space<vmem>>
    %dma_wait3A_170 = arith.constant 0 : i32
    %dma_wait3A_171 = arith.constant 0 : i32
    %dma_wait3A_172 = tpu.memref_slice %arg9[%dma_wait3A_170, %dma_wait3A_171] : memref<10000x128xf32, #tpu.memory_space<vmem_shared>> -> memref<10000x128xf32, #tpu.memory_space<vmem_shared>>
    %dma_wait3A_173 = tpu.memref_slice %arg13[%dma_wait3A_162] : memref<2x!tpu.dma_semaphore, #tpu.memory_space<semaphore_mem>> -> memref<1x!tpu.dma_semaphore, #tpu.memory_space<semaphore_mem>>
    %dma_wait3A_174 = tpu.memref_squeeze %dma_wait3A_173 : memref<1x!tpu.dma_semaphore, #tpu.memory_space<semaphore_mem>> -> memref<!tpu.dma_semaphore, #tpu.memory_space<semaphore_mem>>
    tpu.wait_indirect_dma semaphore(%dma_wait3A_174 : memref<!tpu.dma_semaphore, #tpu.memory_space<semaphore_mem>>) src(%dma_wait3A_166 : memref<80x128xf32, #tpu.memory_space<vmem>>) dst(%dma_wait3A_172 : memref<10000x128xf32, #tpu.memory_space<vmem_shared>>)
    %barrier3A_175 = arith.constant 0 : index
    tpu.barrier barrier_id(%barrier3A_175)
    %while3A_176 = arith.constant 0 : i32
    %while3A_177 = arith.constant 0 : i32
    %while3A_178 = arith.subi %select_n3A_20, %while3A_176 : i32
    %while3A_179 = arith.addi %while3A_176, %while3A_178 : i32
    %while3A_180 = arith.constant 1 : i32
    %while3A_181 = arith.divsi %while3A_178, %while3A_180 : i32
    %while3A_182 = arith.muli %while3A_181, %while3A_180 : i32
    %while3A_183 = arith.addi %while3A_176, %while3A_182 : i32
    %while3A_184 = arith.constant 1 : i32
    %while3A_185 = scf.for %while3A_188 = %while3A_176 to %while3A_183 step %while3A_184 iter_args(%while3A_189 = %while3A_177) -> (i32)  : i32 {
      %mul3A_190 = arith.constant 640 : i32
      %mul3A_191 = arith.muli %arg1, %mul3A_190 : i32
      %mul3A_192 = arith.constant 80 : i32
      %mul3A_193 = arith.muli %while3A_188, %mul3A_192 : i32
      %add3A_194 = arith.addi %mul3A_191, %mul3A_193 : i32
      %run_scoped3A = arith.constant 0 : i32
      "tpu.region"() ({
        %run_scoped3A_197 = tpu.sem_alloc : memref<!tpu.dma_semaphore, #tpu.memory_space<semaphore_mem>>
        %dma_start3A_198 = arith.constant 0 : i32
        %dma_start3A_199 = arith.constant 0 : i32
        %dma_start3A_200 = tpu.memref_slice %arg7[%run_scoped3A, %dma_start3A_198, %dma_start3A_199] : memref<2x80x128xf32, #tpu.memory_space<vmem>> -> memref<1x80x128xf32, #tpu.memory_space<vmem>>
        %dma_start3A_201 = tpu.memref_squeeze %dma_start3A_200 : memref<1x80x128xf32, #tpu.memory_space<vmem>> -> memref<80x128xf32, #tpu.memory_space<vmem>>
        %dma_start3A_202 = arith.constant 0 : i32
        %dma_start3A_203 = tpu.memref_slice %arg9[%add3A_194, %dma_start3A_202] : memref<10000x128xf32, #tpu.memory_space<vmem_shared>> -> memref<80x128xf32, #tpu.memory_space<vmem_shared>>
        %dma_start3A_204 = arith.constant 0 : i32
        %dma_start3A_205 = arith.constant 0 : i32
        %dma_start3A_206 = tpu.memref_slice %arg7[%run_scoped3A, %dma_start3A_204, %dma_start3A_205] : memref<2x80x128xf32, #tpu.memory_space<vmem>> -> memref<1x80x128xf32, #tpu.memory_space<vmem>>
        %dma_start3A_207 = tpu.memref_squeeze %dma_start3A_206 : memref<1x80x128xf32, #tpu.memory_space<vmem>> -> memref<80x128xf32, #tpu.memory_space<vmem>>
        %dma_start3A_208 = arith.constant 0 : i32
        %dma_start3A_209 = tpu.memref_slice %arg9[%add3A_194, %dma_start3A_208] : memref<10000x128xf32, #tpu.memory_space<vmem_shared>> -> memref<80x128xf32, #tpu.memory_space<vmem_shared>>
        tpu.enqueue_dma source(%dma_start3A_209 : memref<80x128xf32, #tpu.memory_space<vmem_shared>>) target(%dma_start3A_207 : memref<80x128xf32, #tpu.memory_space<vmem>>) target_semaphore(%run_scoped3A_197 : memref<!tpu.dma_semaphore, #tpu.memory_space<semaphore_mem>>)
        %dma_wait3A_210 = arith.constant 0 : i32
        %dma_wait3A_211 = arith.constant 0 : i32
        %dma_wait3A_212 = tpu.memref_slice %arg7[%run_scoped3A, %dma_wait3A_210, %dma_wait3A_211] : memref<2x80x128xf32, #tpu.memory_space<vmem>> -> memref<1x80x128xf32, #tpu.memory_space<vmem>>
        %dma_wait3A_213 = tpu.memref_squeeze %dma_wait3A_212 : memref<1x80x128xf32, #tpu.memory_space<vmem>> -> memref<80x128xf32, #tpu.memory_space<vmem>>
        %dma_wait3A_214 = arith.constant 0 : i32
        %dma_wait3A_215 = tpu.memref_slice %arg9[%add3A_194, %dma_wait3A_214] : memref<10000x128xf32, #tpu.memory_space<vmem_shared>> -> memref<80x128xf32, #tpu.memory_space<vmem_shared>>
        %dma_wait3A_216 = arith.constant 0 : i32
        %dma_wait3A_217 = arith.constant 0 : i32
        %dma_wait3A_218 = tpu.memref_slice %arg7[%run_scoped3A, %dma_wait3A_216, %dma_wait3A_217] : memref<2x80x128xf32, #tpu.memory_space<vmem>> -> memref<1x80x128xf32, #tpu.memory_space<vmem>>
        %dma_wait3A_219 = tpu.memref_squeeze %dma_wait3A_218 : memref<1x80x128xf32, #tpu.memory_space<vmem>> -> memref<80x128xf32, #tpu.memory_space<vmem>>
        %dma_wait3A_220 = arith.constant 0 : i32
        %dma_wait3A_221 = tpu.memref_slice %arg9[%add3A_194, %dma_wait3A_220] : memref<10000x128xf32, #tpu.memory_space<vmem_shared>> -> memref<80x128xf32, #tpu.memory_space<vmem_shared>>
        tpu.wait_dma2 semaphore(%run_scoped3A_197 : memref<!tpu.dma_semaphore, #tpu.memory_space<semaphore_mem>>) src(%dma_wait3A_221 : memref<80x128xf32, #tpu.memory_space<vmem_shared>>) dst(%dma_wait3A_219 : memref<80x128xf32, #tpu.memory_space<vmem>>)
        tpu.yield
      }) : () -> ()
      %run_scoped3A_195 = arith.constant 0 : i32
      "tpu.region"() ({
        %run_scoped3A_197 = tpu.sem_alloc : memref<!tpu.dma_semaphore, #tpu.memory_space<semaphore_mem>>
        %dma_start3A_198 = arith.constant 0 : i32
        %dma_start3A_199 = arith.constant 0 : i32
        %dma_start3A_200 = tpu.memref_slice %arg7[%run_scoped3A_195, %dma_start3A_198, %dma_start3A_199] : memref<2x80x128xf32, #tpu.memory_space<vmem>> -> memref<1x80x128xf32, #tpu.memory_space<vmem>>
        %dma_start3A_201 = tpu.memref_squeeze %dma_start3A_200 : memref<1x80x128xf32, #tpu.memory_space<vmem>> -> memref<80x128xf32, #tpu.memory_space<vmem>>
        %dma_start3A_202 = arith.constant 0 : i32
        %dma_start3A_203 = tpu.memref_slice %arg5[%arg0, %add3A_194, %dma_start3A_202] : memref<2x10000x128xf32, #tpu.memory_space<hbm>> -> memref<1x80x128xf32, #tpu.memory_space<hbm>>
        %dma_start3A_204 = tpu.memref_squeeze %dma_start3A_203 : memref<1x80x128xf32, #tpu.memory_space<hbm>> -> memref<80x128xf32, #tpu.memory_space<hbm>>
        %dma_start3A_205 = arith.constant 0 : i32
        %dma_start3A_206 = tpu.memref_slice %arg5[%arg0, %add3A_194, %dma_start3A_205] : memref<2x10000x128xf32, #tpu.memory_space<hbm>> -> memref<1x80x128xf32, #tpu.memory_space<hbm>>
        %dma_start3A_207 = tpu.memref_squeeze %dma_start3A_206 : memref<1x80x128xf32, #tpu.memory_space<hbm>> -> memref<80x128xf32, #tpu.memory_space<hbm>>
        %dma_start3A_208 = arith.constant 0 : i32
        %dma_start3A_209 = arith.constant 0 : i32
        %dma_start3A_210 = tpu.memref_slice %arg7[%run_scoped3A_195, %dma_start3A_208, %dma_start3A_209] : memref<2x80x128xf32, #tpu.memory_space<vmem>> -> memref<1x80x128xf32, #tpu.memory_space<vmem>>
        %dma_start3A_211 = tpu.memref_squeeze %dma_start3A_210 : memref<1x80x128xf32, #tpu.memory_space<vmem>> -> memref<80x128xf32, #tpu.memory_space<vmem>>
        tpu.enqueue_dma source(%dma_start3A_211 : memref<80x128xf32, #tpu.memory_space<vmem>>) target(%dma_start3A_207 : memref<80x128xf32, #tpu.memory_space<hbm>>) target_semaphore(%run_scoped3A_197 : memref<!tpu.dma_semaphore, #tpu.memory_space<semaphore_mem>>)
        %dma_wait3A_212 = arith.constant 0 : i32
        %dma_wait3A_213 = arith.constant 0 : i32
        %dma_wait3A_214 = tpu.memref_slice %arg7[%run_scoped3A_195, %dma_wait3A_212, %dma_wait3A_213] : memref<2x80x128xf32, #tpu.memory_space<vmem>> -> memref<1x80x128xf32, #tpu.memory_space<vmem>>
        %dma_wait3A_215 = tpu.memref_squeeze %dma_wait3A_214 : memref<1x80x128xf32, #tpu.memory_space<vmem>> -> memref<80x128xf32, #tpu.memory_space<vmem>>
        %dma_wait3A_216 = arith.constant 0 : i32
        %dma_wait3A_217 = tpu.memref_slice %arg5[%arg0, %add3A_194, %dma_wait3A_216] : memref<2x10000x128xf32, #tpu.memory_space<hbm>> -> memref<1x80x128xf32, #tpu.memory_space<hbm>>
        %dma_wait3A_218 = tpu.memref_squeeze %dma_wait3A_217 : memref<1x80x128xf32, #tpu.memory_space<hbm>> -> memref<80x128xf32, #tpu.memory_space<hbm>>
        %dma_wait3A_219 = arith.constant 0 : i32
        %dma_wait3A_220 = tpu.memref_slice %arg5[%arg0, %add3A_194, %dma_wait3A_219] : memref<2x10000x128xf32, #tpu.memory_space<hbm>> -> memref<1x80x128xf32, #tpu.memory_space<hbm>>
        %dma_wait3A_221 = tpu.memref_squeeze %dma_wait3A_220 : memref<1x80x128xf32, #tpu.memory_space<hbm>> -> memref<80x128xf32, #tpu.memory_space<hbm>>
        %dma_wait3A_222 = arith.constant 0 : i32
        %dma_wait3A_223 = arith.constant 0 : i32
        %dma_wait3A_224 = tpu.memref_slice %arg7[%run_scoped3A_195, %dma_wait3A_222, %dma_wait3A_223] : memref<2x80x128xf32, #tpu.memory_space<vmem>> -> memref<1x80x128xf32, #tpu.memory_space<vmem>>
        %dma_wait3A_225 = tpu.memref_squeeze %dma_wait3A_224 : memref<1x80x128xf32, #tpu.memory_space<vmem>> -> memref<80x128xf32, #tpu.memory_space<vmem>>
        tpu.wait_dma2 semaphore(%run_scoped3A_197 : memref<!tpu.dma_semaphore, #tpu.memory_space<semaphore_mem>>) src(%dma_wait3A_225 : memref<80x128xf32, #tpu.memory_space<vmem>>) dst(%dma_wait3A_221 : memref<80x128xf32, #tpu.memory_space<hbm>>)
        tpu.yield
      }) : () -> ()
      %while3A_196 = arith.constant 0 : i32
      scf.yield %while3A_196 : i32
    }
    %while3A_186 = arith.constant 1 : i32
    %while3A_187 = scf.for %while3A_188 = %while3A_183 to %while3A_179 step %while3A_186 iter_args(%while3A_189 = %while3A_185) -> (i32)  : i32 {
      %mul3A_190 = arith.constant 640 : i32
      %mul3A_191 = arith.muli %arg1, %mul3A_190 : i32
      %mul3A_192 = arith.constant 80 : i32
      %mul3A_193 = arith.muli %while3A_188, %mul3A_192 : i32
      %add3A_194 = arith.addi %mul3A_191, %mul3A_193 : i32
      %run_scoped3A = arith.constant 0 : i32
      "tpu.region"() ({
        %run_scoped3A_197 = tpu.sem_alloc : memref<!tpu.dma_semaphore, #tpu.memory_space<semaphore_mem>>
        %dma_start3A_198 = arith.constant 0 : i32
        %dma_start3A_199 = arith.constant 0 : i32
        %dma_start3A_200 = tpu.memref_slice %arg7[%run_scoped3A, %dma_start3A_198, %dma_start3A_199] : memref<2x80x128xf32, #tpu.memory_space<vmem>> -> memref<1x80x128xf32, #tpu.memory_space<vmem>>
        %dma_start3A_201 = tpu.memref_squeeze %dma_start3A_200 : memref<1x80x128xf32, #tpu.memory_space<vmem>> -> memref<80x128xf32, #tpu.memory_space<vmem>>
        %dma_start3A_202 = arith.constant 0 : i32
        %dma_start3A_203 = tpu.memref_slice %arg9[%add3A_194, %dma_start3A_202] : memref<10000x128xf32, #tpu.memory_space<vmem_shared>> -> memref<80x128xf32, #tpu.memory_space<vmem_shared>>
        %dma_start3A_204 = arith.constant 0 : i32
        %dma_start3A_205 = arith.constant 0 : i32
        %dma_start3A_206 = tpu.memref_slice %arg7[%run_scoped3A, %dma_start3A_204, %dma_start3A_205] : memref<2x80x128xf32, #tpu.memory_space<vmem>> -> memref<1x80x128xf32, #tpu.memory_space<vmem>>
        %dma_start3A_207 = tpu.memref_squeeze %dma_start3A_206 : memref<1x80x128xf32, #tpu.memory_space<vmem>> -> memref<80x128xf32, #tpu.memory_space<vmem>>
        %dma_start3A_208 = arith.constant 0 : i32
        %dma_start3A_209 = tpu.memref_slice %arg9[%add3A_194, %dma_start3A_208] : memref<10000x128xf32, #tpu.memory_space<vmem_shared>> -> memref<80x128xf32, #tpu.memory_space<vmem_shared>>
        tpu.enqueue_dma source(%dma_start3A_209 : memref<80x128xf32, #tpu.memory_space<vmem_shared>>) target(%dma_start3A_207 : memref<80x128xf32, #tpu.memory_space<vmem>>) target_semaphore(%run_scoped3A_197 : memref<!tpu.dma_semaphore, #tpu.memory_space<semaphore_mem>>)
        %dma_wait3A_210 = arith.constant 0 : i32
        %dma_wait3A_211 = arith.constant 0 : i32
        %dma_wait3A_212 = tpu.memref_slice %arg7[%run_scoped3A, %dma_wait3A_210, %dma_wait3A_211] : memref<2x80x128xf32, #tpu.memory_space<vmem>> -> memref<1x80x128xf32, #tpu.memory_space<vmem>>
        %dma_wait3A_213 = tpu.memref_squeeze %dma_wait3A_212 : memref<1x80x128xf32, #tpu.memory_space<vmem>> -> memref<80x128xf32, #tpu.memory_space<vmem>>
        %dma_wait3A_214 = arith.constant 0 : i32
        %dma_wait3A_215 = tpu.memref_slice %arg9[%add3A_194, %dma_wait3A_214] : memref<10000x128xf32, #tpu.memory_space<vmem_shared>> -> memref<80x128xf32, #tpu.memory_space<vmem_shared>>
        %dma_wait3A_216 = arith.constant 0 : i32
        %dma_wait3A_217 = arith.constant 0 : i32
        %dma_wait3A_218 = tpu.memref_slice %arg7[%run_scoped3A, %dma_wait3A_216, %dma_wait3A_217] : memref<2x80x128xf32, #tpu.memory_space<vmem>> -> memref<1x80x128xf32, #tpu.memory_space<vmem>>
        %dma_wait3A_219 = tpu.memref_squeeze %dma_wait3A_218 : memref<1x80x128xf32, #tpu.memory_space<vmem>> -> memref<80x128xf32, #tpu.memory_space<vmem>>
        %dma_wait3A_220 = arith.constant 0 : i32
        %dma_wait3A_221 = tpu.memref_slice %arg9[%add3A_194, %dma_wait3A_220] : memref<10000x128xf32, #tpu.memory_space<vmem_shared>> -> memref<80x128xf32, #tpu.memory_space<vmem_shared>>
        tpu.wait_dma2 semaphore(%run_scoped3A_197 : memref<!tpu.dma_semaphore, #tpu.memory_space<semaphore_mem>>) src(%dma_wait3A_221 : memref<80x128xf32, #tpu.memory_space<vmem_shared>>) dst(%dma_wait3A_219 : memref<80x128xf32, #tpu.memory_space<vmem>>)
        tpu.yield
      }) : () -> ()
      %run_scoped3A_195 = arith.constant 0 : i32
      "tpu.region"() ({
        %run_scoped3A_197 = tpu.sem_alloc : memref<!tpu.dma_semaphore, #tpu.memory_space<semaphore_mem>>
        %dma_start3A_198 = arith.constant 0 : i32
        %dma_start3A_199 = arith.constant 0 : i32
        %dma_start3A_200 = tpu.memref_slice %arg7[%run_scoped3A_195, %dma_start3A_198, %dma_start3A_199] : memref<2x80x128xf32, #tpu.memory_space<vmem>> -> memref<1x80x128xf32, #tpu.memory_space<vmem>>
        %dma_start3A_201 = tpu.memref_squeeze %dma_start3A_200 : memref<1x80x128xf32, #tpu.memory_space<vmem>> -> memref<80x128xf32, #tpu.memory_space<vmem>>
        %dma_start3A_202 = arith.constant 0 : i32
        %dma_start3A_203 = tpu.memref_slice %arg5[%arg0, %add3A_194, %dma_start3A_202] : memref<2x10000x128xf32, #tpu.memory_space<hbm>> -> memref<1x80x128xf32, #tpu.memory_space<hbm>>
        %dma_start3A_204 = tpu.memref_squeeze %dma_start3A_203 : memref<1x80x128xf32, #tpu.memory_space<hbm>> -> memref<80x128xf32, #tpu.memory_space<hbm>>
        %dma_start3A_205 = arith.constant 0 : i32
        %dma_start3A_206 = tpu.memref_slice %arg5[%arg0, %add3A_194, %dma_start3A_205] : memref<2x10000x128xf32, #tpu.memory_space<hbm>> -> memref<1x80x128xf32, #tpu.memory_space<hbm>>
        %dma_start3A_207 = tpu.memref_squeeze %dma_start3A_206 : memref<1x80x128xf32, #tpu.memory_space<hbm>> -> memref<80x128xf32, #tpu.memory_space<hbm>>
        %dma_start3A_208 = arith.constant 0 : i32
        %dma_start3A_209 = arith.constant 0 : i32
        %dma_start3A_210 = tpu.memref_slice %arg7[%run_scoped3A_195, %dma_start3A_208, %dma_start3A_209] : memref<2x80x128xf32, #tpu.memory_space<vmem>> -> memref<1x80x128xf32, #tpu.memory_space<vmem>>
        %dma_start3A_211 = tpu.memref_squeeze %dma_start3A_210 : memref<1x80x128xf32, #tpu.memory_space<vmem>> -> memref<80x128xf32, #tpu.memory_space<vmem>>
        tpu.enqueue_dma source(%dma_start3A_211 : memref<80x128xf32, #tpu.memory_space<vmem>>) target(%dma_start3A_207 : memref<80x128xf32, #tpu.memory_space<hbm>>) target_semaphore(%run_scoped3A_197 : memref<!tpu.dma_semaphore, #tpu.memory_space<semaphore_mem>>)
        %dma_wait3A_212 = arith.constant 0 : i32
        %dma_wait3A_213 = arith.constant 0 : i32
        %dma_wait3A_214 = tpu.memref_slice %arg7[%run_scoped3A_195, %dma_wait3A_212, %dma_wait3A_213] : memref<2x80x128xf32, #tpu.memory_space<vmem>> -> memref<1x80x128xf32, #tpu.memory_space<vmem>>
        %dma_wait3A_215 = tpu.memref_squeeze %dma_wait3A_214 : memref<1x80x128xf32, #tpu.memory_space<vmem>> -> memref<80x128xf32, #tpu.memory_space<vmem>>
        %dma_wait3A_216 = arith.constant 0 : i32
        %dma_wait3A_217 = tpu.memref_slice %arg5[%arg0, %add3A_194, %dma_wait3A_216] : memref<2x10000x128xf32, #tpu.memory_space<hbm>> -> memref<1x80x128xf32, #tpu.memory_space<hbm>>
        %dma_wait3A_218 = tpu.memref_squeeze %dma_wait3A_217 : memref<1x80x128xf32, #tpu.memory_space<hbm>> -> memref<80x128xf32, #tpu.memory_space<hbm>>
        %dma_wait3A_219 = arith.constant 0 : i32
        %dma_wait3A_220 = tpu.memref_slice %arg5[%arg0, %add3A_194, %dma_wait3A_219] : memref<2x10000x128xf32, #tpu.memory_space<hbm>> -> memref<1x80x128xf32, #tpu.memory_space<hbm>>
        %dma_wait3A_221 = tpu.memref_squeeze %dma_wait3A_220 : memref<1x80x128xf32, #tpu.memory_space<hbm>> -> memref<80x128xf32, #tpu.memory_space<hbm>>
        %dma_wait3A_222 = arith.constant 0 : i32
        %dma_wait3A_223 = arith.constant 0 : i32
        %dma_wait3A_224 = tpu.memref_slice %arg7[%run_scoped3A_195, %dma_wait3A_222, %dma_wait3A_223] : memref<2x80x128xf32, #tpu.memory_space<vmem>> -> memref<1x80x128xf32, #tpu.memory_space<vmem>>
        %dma_wait3A_225 = tpu.memref_squeeze %dma_wait3A_224 : memref<1x80x128xf32, #tpu.memory_space<vmem>> -> memref<80x128xf32, #tpu.memory_space<vmem>>
        tpu.wait_dma2 semaphore(%run_scoped3A_197 : memref<!tpu.dma_semaphore, #tpu.memory_space<semaphore_mem>>) src(%dma_wait3A_225 : memref<80x128xf32, #tpu.memory_space<vmem>>) dst(%dma_wait3A_221 : memref<80x128xf32, #tpu.memory_space<hbm>>)
        tpu.yield
      }) : () -> ()
      %while3A_196 = arith.constant 0 : i32
      scf.yield %while3A_196 : i32
    }
    return
  }
}

module attributes {stable_mosaic.version = 14 : i64} {
  func.func @_eproj_body(%arg0: i32, %arg1: memref<4000x16xf32, #tpu.memory_space<vmem>>, %arg2: memref<16x128xf32, #tpu.memory_space<vmem>>, %arg3: memref<1x128xf32, #tpu.memory_space<vmem>>, %arg4: memref<4000x128xf32, #tpu.memory_space<vmem>>) attributes {dimension_semantics = [#tpu.dimension_semantics<arbitrary>], iteration_bounds = array<i64: 80>, scalar_prefetch = 0 : i64, scratch_operands = 0 : i64, tpu.core_type = #tpu.core_type<tc>, window_params = [{transform_indices = @transform_0, window_bounds = array<i64: 4000, 16>}, {pipeline_mode = #tpu.pipeline_mode<synchronous>, transform_indices = @transform_1, window_bounds = array<i64: 16, 128>}, {pipeline_mode = #tpu.pipeline_mode<synchronous>, transform_indices = @transform_2, window_bounds = array<i64: 1, 128>}, {transform_indices = @transform_3, window_bounds = array<i64: 4000, 128>}]} {
    %get3A = arith.constant 0 : index
    %get3A_0 = arith.constant 0 : index
    %get3A_1 = vector.load %arg1[%get3A, %get3A_0] : memref<4000x16xf32, #tpu.memory_space<vmem>>, vector<4000x16xf32>
    %get3A_2 = arith.constant 0 : index
    %get3A_3 = arith.constant 0 : index
    %get3A_4 = vector.load %arg2[%get3A_2, %get3A_3] : memref<16x128xf32, #tpu.memory_space<vmem>>, vector<16x128xf32>
    %dot_general3A = arith.constant dense<0.000000e+00> : vector<4000x128xf32>
    %dot_general3A_5 = tpu.matmul %get3A_1, %get3A_4, %dot_general3A {dimension_numbers = #tpu.dot_dimension_numbers<[1], [0], [0], [1], [0, 0, 1, 1], [], []>, transpose_lhs_hint = false} : vector<4000x16xf32>, vector<16x128xf32>, vector<4000x128xf32> -> vector<4000x128xf32>
    %get3A_6 = arith.constant 0 : index
    %get3A_7 = arith.constant 0 : index
    %get3A_8 = vector.load %arg3[%get3A_6, %get3A_7] : memref<1x128xf32, #tpu.memory_space<vmem>>, vector<1x128xf32>
    %add3A = vector.broadcast %get3A_8 : vector<1x128xf32> to vector<4000x128xf32>
    %add3A_9 = arith.addf %dot_general3A_5, %add3A : vector<4000x128xf32>
    %swap3A = arith.constant 0 : index
    %swap3A_10 = arith.constant 0 : index
    %swap3A_11 = vector.load %arg4[%swap3A, %swap3A_10] : memref<4000x128xf32, #tpu.memory_space<vmem>>, vector<4000x128xf32>
    tpu.vector_store %arg4[%swap3A, %swap3A_10], %add3A_9 {strides = array<i32>} : memref<4000x128xf32, #tpu.memory_space<vmem>>, vector<4000x128xf32>,
    return
  }
  func.func @transform_0(%arg0: i32) -> (i32, i32) {
    %c0_i32 = arith.constant 0 : i32
    %c0_i32_0 = arith.constant 0 : i32
    return %arg0, %c0_i32 : i32, i32
  }
  func.func @transform_1(%arg0: i32) -> (i32, i32) {
    %c0_i32 = arith.constant 0 : i32
    %c0_i32_0 = arith.constant 0 : i32
    %c0_i32_1 = arith.constant 0 : i32
    return %c0_i32, %c0_i32_0 : i32, i32
  }
  func.func @transform_2(%arg0: i32) -> (i32, i32) {
    %c0_i32 = arith.constant 0 : i32
    %c0_i32_0 = arith.constant 0 : i32
    %c0_i32_1 = arith.constant 0 : i32
    return %c0_i32, %c0_i32_0 : i32, i32
  }
  func.func @transform_3(%arg0: i32) -> (i32, i32) {
    %c0_i32 = arith.constant 0 : i32
    %c0_i32_0 = arith.constant 0 : i32
    return %arg0, %c0_i32 : i32, i32
  }
}

module attributes {stable_mosaic.version = 14 : i64} {
  func.func @_mlp_body(%arg0: memref<2x10000x128xf32, #tpu.memory_space<vmem>>, %arg1: memref<10000x128xf32, #tpu.memory_space<vmem>>, %arg2: memref<128x256xf32, #tpu.memory_space<vmem>>, %arg3: memref<1x256xf32, #tpu.memory_space<vmem>>, %arg4: memref<256x128xf32, #tpu.memory_space<vmem>>, %arg5: memref<1x128xf32, #tpu.memory_space<vmem>>, %arg6: memref<1x128xf32, #tpu.memory_space<vmem>>, %arg7: memref<1x128xf32, #tpu.memory_space<vmem>>, %arg8: memref<10000x128xf32, #tpu.memory_space<vmem>>) attributes {dimension_semantics = [], scalar_prefetch = 0 : i64, scratch_operands = 0 : i64, tpu.core_type = #tpu.core_type<tc>} {
    %get3A = arith.constant 0 : index
    %get3A_0 = arith.constant 0 : index
    %get3A_1 = arith.constant 0 : index
    %get3A_2 = vector.load %arg0[%get3A, %get3A_0, %get3A_1] : memref<2x10000x128xf32, #tpu.memory_space<vmem>>, vector<1x10000x128xf32>
    %get3A_3 = vector.shape_cast %get3A_2 : vector<1x10000x128xf32> to vector<10000x128xf32>
    %get3A_4 = arith.constant 1 : index
    %get3A_5 = arith.constant 0 : index
    %get3A_6 = arith.constant 0 : index
    %get3A_7 = vector.load %arg0[%get3A_4, %get3A_5, %get3A_6] : memref<2x10000x128xf32, #tpu.memory_space<vmem>>, vector<1x10000x128xf32>
    %get3A_8 = vector.shape_cast %get3A_7 : vector<1x10000x128xf32> to vector<10000x128xf32>
    %add3A = arith.addf %get3A_3, %get3A_8 : vector<10000x128xf32>
    %get3A_9 = arith.constant 0 : index
    %get3A_10 = arith.constant 0 : index
    %get3A_11 = vector.load %arg1[%get3A_9, %get3A_10] : memref<10000x128xf32, #tpu.memory_space<vmem>>, vector<10000x128xf32>
    %add3A_12 = arith.addf %add3A, %get3A_11 : vector<10000x128xf32>
    %get3A_13 = arith.constant 0 : index
    %get3A_14 = arith.constant 0 : index
    %get3A_15 = vector.load %arg2[%get3A_13, %get3A_14] : memref<128x256xf32, #tpu.memory_space<vmem>>, vector<128x256xf32>
    %dot_general3A = arith.constant dense<0.000000e+00> : vector<10000x256xf32>
    %dot_general3A_16 = tpu.matmul %add3A_12, %get3A_15, %dot_general3A {dimension_numbers = #tpu.dot_dimension_numbers<[1], [0], [0], [1], [0, 0, 1, 1], [], []>, transpose_lhs_hint = false} : vector<10000x128xf32>, vector<128x256xf32>, vector<10000x256xf32> -> vector<10000x256xf32>
    %get3A_17 = arith.constant 0 : index
    %get3A_18 = arith.constant 0 : index
    %get3A_19 = vector.load %arg3[%get3A_17, %get3A_18] : memref<1x256xf32, #tpu.memory_space<vmem>>, vector<1x256xf32>
    %add3A_20 = vector.broadcast %get3A_19 : vector<1x256xf32> to vector<10000x256xf32>
    %add3A_21 = arith.addf %dot_general3A_16, %add3A_20 : vector<10000x256xf32>
    %max3A = arith.constant 0.000000e+00 : f32
    %max3A_22 = vector.broadcast %max3A : f32 to vector<10000x256xf32>
    %max3A_23 = arith.maximumf %add3A_21, %max3A_22 : vector<10000x256xf32>
    %get3A_24 = arith.constant 0 : index
    %get3A_25 = arith.constant 0 : index
    %get3A_26 = vector.load %arg4[%get3A_24, %get3A_25] : memref<256x128xf32, #tpu.memory_space<vmem>>, vector<256x128xf32>
    %dot_general3A_27 = arith.constant dense<0.000000e+00> : vector<10000x128xf32>
    %dot_general3A_28 = tpu.matmul %max3A_23, %get3A_26, %dot_general3A_27 {dimension_numbers = #tpu.dot_dimension_numbers<[1], [0], [0], [1], [0, 0, 1, 1], [], []>, transpose_lhs_hint = false} : vector<10000x256xf32>, vector<256x128xf32>, vector<10000x128xf32> -> vector<10000x128xf32>
    %get3A_29 = arith.constant 0 : index
    %get3A_30 = arith.constant 0 : index
    %get3A_31 = vector.load %arg5[%get3A_29, %get3A_30] : memref<1x128xf32, #tpu.memory_space<vmem>>, vector<1x128xf32>
    %add3A_32 = vector.broadcast %get3A_31 : vector<1x128xf32> to vector<10000x128xf32>
    %add3A_33 = arith.addf %dot_general3A_28, %add3A_32 : vector<10000x128xf32>
    %reduce_sum3A = arith.constant dense<0.000000e+00> : vector<128xf32>
    %reduce_sum3A_34 = vector.multi_reduction <add>, %add3A_33, %reduce_sum3A [0] : vector<10000x128xf32> to vector<128xf32>
    %broadcast_in_dim3A = vector.shape_cast %reduce_sum3A_34 : vector<128xf32> to vector<1x128xf32>
    %div3A = arith.constant 1.000000e+04 : f32
    %div3A_35 = vector.broadcast %div3A : f32 to vector<1x128xf32>
    %div3A_36 = arith.divf %broadcast_in_dim3A, %div3A_35 : vector<1x128xf32>
    %sub3A = vector.broadcast %div3A_36 : vector<1x128xf32> to vector<10000x128xf32>
    %sub3A_37 = arith.subf %add3A_33, %sub3A : vector<10000x128xf32>
    %mul3A = arith.mulf %sub3A_37, %sub3A_37 : vector<10000x128xf32>
    %reduce_sum3A_38 = arith.constant dense<0.000000e+00> : vector<128xf32>
    %reduce_sum3A_39 = vector.multi_reduction <add>, %mul3A, %reduce_sum3A_38 [0] : vector<10000x128xf32> to vector<128xf32>
    %broadcast_in_dim3A_40 = vector.shape_cast %reduce_sum3A_39 : vector<128xf32> to vector<1x128xf32>
    %div3A_41 = arith.constant 1.000000e+04 : f32
    %div3A_42 = vector.broadcast %div3A_41 : f32 to vector<1x128xf32>
    %div3A_43 = arith.divf %broadcast_in_dim3A_40, %div3A_42 : vector<1x128xf32>
    %add3A_44 = arith.constant 9.99999974E-6 : f32
    %add3A_45 = vector.broadcast %add3A_44 : f32 to vector<1x128xf32>
    %add3A_46 = arith.addf %div3A_43, %add3A_45 : vector<1x128xf32>
    %sqrt3A = math.sqrt %add3A_46 : vector<1x128xf32>
    %div3A_47 = vector.broadcast %sqrt3A : vector<1x128xf32> to vector<10000x128xf32>
    %div3A_48 = arith.divf %sub3A_37, %div3A_47 : vector<10000x128xf32>
    %get3A_49 = arith.constant 0 : index
    %get3A_50 = arith.constant 0 : index
    %get3A_51 = vector.load %arg6[%get3A_49, %get3A_50] : memref<1x128xf32, #tpu.memory_space<vmem>>, vector<1x128xf32>
    %mul3A_52 = vector.broadcast %get3A_51 : vector<1x128xf32> to vector<10000x128xf32>
    %mul3A_53 = arith.mulf %div3A_48, %mul3A_52 : vector<10000x128xf32>
    %get3A_54 = arith.constant 0 : index
    %get3A_55 = arith.constant 0 : index
    %get3A_56 = vector.load %arg7[%get3A_54, %get3A_55] : memref<1x128xf32, #tpu.memory_space<vmem>>, vector<1x128xf32>
    %add3A_57 = vector.broadcast %get3A_56 : vector<1x128xf32> to vector<10000x128xf32>
    %add3A_58 = arith.addf %mul3A_53, %add3A_57 : vector<10000x128xf32>
    %max3A_59 = arith.constant 0.000000e+00 : f32
    %max3A_60 = vector.broadcast %max3A_59 : f32 to vector<10000x128xf32>
    %max3A_61 = arith.maximumf %add3A_58, %max3A_60 : vector<10000x128xf32>
    %swap3A = arith.constant 0 : index
    %swap3A_62 = arith.constant 0 : index
    %swap3A_63 = vector.load %arg8[%swap3A, %swap3A_62] : memref<10000x128xf32, #tpu.memory_space<vmem>>, vector<10000x128xf32>
    tpu.vector_store %arg8[%swap3A, %swap3A_62], %max3A_61 {strides = array<i32>} : memref<10000x128xf32, #tpu.memory_space<vmem>>, vector<10000x128xf32>,
    return
  }
}

module attributes {stable_mosaic.version = 14 : i64} {
  func.func @_mlp_body(%arg0: memref<2x10000x128xf32, #tpu.memory_space<vmem>>, %arg1: memref<10000x128xf32, #tpu.memory_space<vmem>>, %arg2: memref<128x256xf32, #tpu.memory_space<vmem>>, %arg3: memref<1x256xf32, #tpu.memory_space<vmem>>, %arg4: memref<256x128xf32, #tpu.memory_space<vmem>>, %arg5: memref<1x128xf32, #tpu.memory_space<vmem>>, %arg6: memref<1x128xf32, #tpu.memory_space<vmem>>, %arg7: memref<1x128xf32, #tpu.memory_space<vmem>>, %arg8: memref<10000x128xf32, #tpu.memory_space<vmem>>) attributes {dimension_semantics = [], scalar_prefetch = 0 : i64, scratch_operands = 0 : i64, tpu.core_type = #tpu.core_type<tc>} {
    %get3A = arith.constant 0 : index
    %get3A_0 = arith.constant 0 : index
    %get3A_1 = arith.constant 0 : index
    %get3A_2 = vector.load %arg0[%get3A, %get3A_0, %get3A_1] : memref<2x10000x128xf32, #tpu.memory_space<vmem>>, vector<1x10000x128xf32>
    %get3A_3 = vector.shape_cast %get3A_2 : vector<1x10000x128xf32> to vector<10000x128xf32>
    %get3A_4 = arith.constant 1 : index
    %get3A_5 = arith.constant 0 : index
    %get3A_6 = arith.constant 0 : index
    %get3A_7 = vector.load %arg0[%get3A_4, %get3A_5, %get3A_6] : memref<2x10000x128xf32, #tpu.memory_space<vmem>>, vector<1x10000x128xf32>
    %get3A_8 = vector.shape_cast %get3A_7 : vector<1x10000x128xf32> to vector<10000x128xf32>
    %add3A = arith.addf %get3A_3, %get3A_8 : vector<10000x128xf32>
    %get3A_9 = arith.constant 0 : index
    %get3A_10 = arith.constant 0 : index
    %get3A_11 = vector.load %arg1[%get3A_9, %get3A_10] : memref<10000x128xf32, #tpu.memory_space<vmem>>, vector<10000x128xf32>
    %add3A_12 = arith.addf %add3A, %get3A_11 : vector<10000x128xf32>
    %get3A_13 = arith.constant 0 : index
    %get3A_14 = arith.constant 0 : index
    %get3A_15 = vector.load %arg2[%get3A_13, %get3A_14] : memref<128x256xf32, #tpu.memory_space<vmem>>, vector<128x256xf32>
    %dot_general3A = arith.constant dense<0.000000e+00> : vector<10000x256xf32>
    %dot_general3A_16 = tpu.matmul %add3A_12, %get3A_15, %dot_general3A {dimension_numbers = #tpu.dot_dimension_numbers<[1], [0], [0], [1], [0, 0, 1, 1], [], []>, transpose_lhs_hint = false} : vector<10000x128xf32>, vector<128x256xf32>, vector<10000x256xf32> -> vector<10000x256xf32>
    %get3A_17 = arith.constant 0 : index
    %get3A_18 = arith.constant 0 : index
    %get3A_19 = vector.load %arg3[%get3A_17, %get3A_18] : memref<1x256xf32, #tpu.memory_space<vmem>>, vector<1x256xf32>
    %add3A_20 = vector.broadcast %get3A_19 : vector<1x256xf32> to vector<10000x256xf32>
    %add3A_21 = arith.addf %dot_general3A_16, %add3A_20 : vector<10000x256xf32>
    %max3A = arith.constant 0.000000e+00 : f32
    %max3A_22 = vector.broadcast %max3A : f32 to vector<10000x256xf32>
    %max3A_23 = arith.maximumf %add3A_21, %max3A_22 : vector<10000x256xf32>
    %get3A_24 = arith.constant 0 : index
    %get3A_25 = arith.constant 0 : index
    %get3A_26 = vector.load %arg4[%get3A_24, %get3A_25] : memref<256x128xf32, #tpu.memory_space<vmem>>, vector<256x128xf32>
    %dot_general3A_27 = arith.constant dense<0.000000e+00> : vector<10000x128xf32>
    %dot_general3A_28 = tpu.matmul %max3A_23, %get3A_26, %dot_general3A_27 {dimension_numbers = #tpu.dot_dimension_numbers<[1], [0], [0], [1], [0, 0, 1, 1], [], []>, transpose_lhs_hint = false} : vector<10000x256xf32>, vector<256x128xf32>, vector<10000x128xf32> -> vector<10000x128xf32>
    %get3A_29 = arith.constant 0 : index
    %get3A_30 = arith.constant 0 : index
    %get3A_31 = vector.load %arg5[%get3A_29, %get3A_30] : memref<1x128xf32, #tpu.memory_space<vmem>>, vector<1x128xf32>
    %add3A_32 = vector.broadcast %get3A_31 : vector<1x128xf32> to vector<10000x128xf32>
    %add3A_33 = arith.addf %dot_general3A_28, %add3A_32 : vector<10000x128xf32>
    %reduce_sum3A = arith.constant dense<0.000000e+00> : vector<128xf32>
    %reduce_sum3A_34 = vector.multi_reduction <add>, %add3A_33, %reduce_sum3A [0] : vector<10000x128xf32> to vector<128xf32>
    %broadcast_in_dim3A = vector.shape_cast %reduce_sum3A_34 : vector<128xf32> to vector<1x128xf32>
    %div3A = arith.constant 1.000000e+04 : f32
    %div3A_35 = vector.broadcast %div3A : f32 to vector<1x128xf32>
    %div3A_36 = arith.divf %broadcast_in_dim3A, %div3A_35 : vector<1x128xf32>
    %sub3A = vector.broadcast %div3A_36 : vector<1x128xf32> to vector<10000x128xf32>
    %sub3A_37 = arith.subf %add3A_33, %sub3A : vector<10000x128xf32>
    %mul3A = arith.mulf %sub3A_37, %sub3A_37 : vector<10000x128xf32>
    %reduce_sum3A_38 = arith.constant dense<0.000000e+00> : vector<128xf32>
    %reduce_sum3A_39 = vector.multi_reduction <add>, %mul3A, %reduce_sum3A_38 [0] : vector<10000x128xf32> to vector<128xf32>
    %broadcast_in_dim3A_40 = vector.shape_cast %reduce_sum3A_39 : vector<128xf32> to vector<1x128xf32>
    %div3A_41 = arith.constant 1.000000e+04 : f32
    %div3A_42 = vector.broadcast %div3A_41 : f32 to vector<1x128xf32>
    %div3A_43 = arith.divf %broadcast_in_dim3A_40, %div3A_42 : vector<1x128xf32>
    %add3A_44 = arith.constant 9.99999974E-6 : f32
    %add3A_45 = vector.broadcast %add3A_44 : f32 to vector<1x128xf32>
    %add3A_46 = arith.addf %div3A_43, %add3A_45 : vector<1x128xf32>
    %sqrt3A = math.sqrt %add3A_46 : vector<1x128xf32>
    %div3A_47 = vector.broadcast %sqrt3A : vector<1x128xf32> to vector<10000x128xf32>
    %div3A_48 = arith.divf %sub3A_37, %div3A_47 : vector<10000x128xf32>
    %get3A_49 = arith.constant 0 : index
    %get3A_50 = arith.constant 0 : index
    %get3A_51 = vector.load %arg6[%get3A_49, %get3A_50] : memref<1x128xf32, #tpu.memory_space<vmem>>, vector<1x128xf32>
    %mul3A_52 = vector.broadcast %get3A_51 : vector<1x128xf32> to vector<10000x128xf32>
    %mul3A_53 = arith.mulf %div3A_48, %mul3A_52 : vector<10000x128xf32>
    %get3A_54 = arith.constant 0 : index
    %get3A_55 = arith.constant 0 : index
    %get3A_56 = vector.load %arg7[%get3A_54, %get3A_55] : memref<1x128xf32, #tpu.memory_space<vmem>>, vector<1x128xf32>
    %add3A_57 = vector.broadcast %get3A_56 : vector<1x128xf32> to vector<10000x128xf32>
    %add3A_58 = arith.addf %mul3A_53, %add3A_57 : vector<10000x128xf32>
    %max3A_59 = arith.constant 0.000000e+00 : f32
    %max3A_60 = vector.broadcast %max3A_59 : f32 to vector<10000x128xf32>
    %max3A_61 = arith.maximumf %add3A_58, %max3A_60 : vector<10000x128xf32>
    %swap3A = arith.constant 0 : index
    %swap3A_62 = arith.constant 0 : index
    %swap3A_63 = vector.load %arg8[%swap3A, %swap3A_62] : memref<10000x128xf32, #tpu.memory_space<vmem>>, vector<10000x128xf32>
    tpu.vector_store %arg8[%swap3A, %swap3A_62], %max3A_61 {strides = array<i32>} : memref<10000x128xf32, #tpu.memory_space<vmem>>, vector<10000x128xf32>,
    return
  }
}

</mosaic_0001>

<sc_bundles>
// kernel: kernel.12.cloned.1.call-start
scs
__scs_entry_jumppad:
0x0: {  	(pc) =	sbr.rel $0x88, $3  }
0x1: {  	(tag) =	ssettag $0x0;
	lr =	simm.s32 $0x1  }
0x2: {  	[smem:$0x3F83] =	sst lr;
	_ =	strace $0xD0000000  }
0x3: {  	_ = 	snop  }
0x4: {  	_ = 	snop  }
0x5: {  	_ = 	snop  }
0x6: {  	_ = 	snop  }
0x7: {  	_ = 	snop  }
__scs_overlays_trampoline_lowered:
0x8: {  	[smem:$0x3F92] =	sst s0  }
0x9: {  	[smem:$0x3F93] =	sst s1  }
0xa: {  	[smem:$0x3F94] =	sst s2  }
0xb: {  	[smem:$0x3F95] =	sst s3  }
0xc: {  	[smem:$0x3F96] =	sst s4  }
0xd: {  	[smem:$0x3F97] =	sst s5  }
0xe: {  	[smem:$0x3F98] =	sst s6  }
0xf: {  	[smem:$0x3F99] =	sst s7  }
0x10: {  	[smem:$0x3F9A] =	sst s8  }
0x11: {  	[smem:$0x3F9B] =	sst s9;
	s0 =	simm.s32 @!p0 $0x0  }
0x12: {  	s1 =	sld [smem:$0x3F81];
	s0 =	simm.s32 @p0 $0x1  }
0x13: {  	[smem:$0x3F9C] =	sst s0;
	s0 =	simm.s32 @!p1 $0x0  }
0x14: {  	s2 =	sld [smem:$0x3F80];
	s0 =	simm.s32 @p1 $0x1  }
0x15: {  	[smem:$0x3F9D] =	sst s0;
	s0 =	simm.s32 @!p2 $0x0  }
0x16: {  	s3 =	sld [smem:$0x3FDB];
	s0 =	simm.s32 @p2 $0x1  }
0x17: {  	s4 =	simm.s32 $0x1BF5;
	[smem:$0x3F9F] =	sst s0  }
0x18: {  	s0 =	sld [smem:$0x3F82];
	_ =	swait.ge [sflag:s4], $0x0  }
0x19: {  	s7 =	sld [smem:$0x3F83]  }
0x1a: {  	s8 =	sadd.s32 $0xFFFFE003, lr  }
0x1b: {  	s9 =	sadd.s32 $0xFFFFFEF7, lr;
	s5 =	simm.s32 $0xFFFFFFFF;
	p2 =	slt.u32 s8, $0xFFFFF086  }
0x1c: {  	p1 =	slt.u32 s9, $0xF7A;
	s5 =	simm.s32 @!p2 $0x0  }
0x1d: {  	s5 =	simm.s32 @p1 $0x1;
	p0 =	seq.s32 s7, s2  }
0x1e: {  	s7 =	smul.u32 @!p0 $0xF7A, s2;
	p2 =	seq.s32 @!p0 s5, $0x0  }
0x1f: {  	s9 =	smul.u32 $0xF7A, s1;
	s8 =	simm.s32 @!p0 $0x1BF5;
	p2 =	por !p2, p0  }
0x20: {  	[sflag:s8] =	ssyncset.s32 @!p0 $0xFFFFF086;
	s6 =	sadd.s32 @!p0 s3, s7;
	s7 =	simm.s32 @!p0 $0x108  }
0x21: {  	s3 =	sadd.s32 s3, s9;
	s6 =	sadd.s32 @!p0 $0x88, s6;
	s7 =	simm.s32 @p2 $0x1082  }
0x22: {  	[simem:s7], [sflag:s8] =	dma.local @!p0 [hbm:s6], $0xF7A  }
0x23: {  	s9 =	sor.u32 $0xD0000000, s2;
	s6 =	simm.s32 $0x108;
	_ =	swait.ge @!p0 [sflag:s8], $0x0  }
0x24: {  	s3 =	sadd.s32 $0x88, s3;
	s6 =	simm.s32 @!p1 $0x1082;
	[sflag:s4] =	ssyncset.s32 $0xFFFFF086  }
0x25: {  	[simem:s6], [sflag:s4] =	dma.local [hbm:s3], $0xF7A  }
0x26: {  	[smem:$0x3F83] =	sst s1;
	(tag) =	ssettag s2;
	_ =	strace s9  }
0x27: {  	s1 =	sld [smem:$0x3F93]  }
0x28: {  	s2 =	sld [smem:$0x3F94]  }
0x29: {  	s4 =	sld [smem:$0x3F96]  }
0x2a: {  	p0 =	seq.s32 s5, $0x0;
	s5 =	sld [smem:$0x3F97]  }
0x2b: {  	s6 =	sld [smem:$0x3F98]  }
0x2c: {  	s7 =	sld [smem:$0x3F99]  }
0x2d: {  	s3 =	simm.s32 $0x108;
	s8 =	sld [smem:$0x3F9A]  }
0x2e: {  	s3 =	simm.s32 @!p0 $0x1082;
	s9 =	sld [smem:$0x3F9B]  }
0x2f: {  	lr =	sadd.s32 s0, s3;
	s0 =	sld [smem:$0x3F92]  }
0x30: {  	s3 =	sld [smem:$0x3F95]  }
0x31: {  	[smem:$0x3F9E] =	sst s10  }
0x32: {  	s10 =	sld [smem:$0x3F9C];
	_ =	sdelay $0x3  }
0x33: {  	p0 =	seq.s32 s10, $0x1;
	s10 =	sld [smem:$0x3F9E];
	_ =	sdelay $0x3  }
0x34: {  	[smem:$0x3F9E] =	sst s10  }
0x35: {  	s10 =	sld [smem:$0x3F9D];
	_ =	sdelay $0x3  }
0x36: {  	p1 =	seq.s32 s10, $0x1;
	s10 =	sld [smem:$0x3F9E];
	_ =	sdelay $0x3  }
0x37: {  	[smem:$0x3F9E] =	sst s10  }
0x38: {  	s10 =	sld [smem:$0x3F9F]  }
0x39: {  	_ = 	snop;
	(pc) =	sbr.ind lr, $3  }
0x3a: {  	_ = 	snop  }
0x3b: {  	_ = 	snop  }
0x3c: {  	p2 =	seq.s32 s10, $0x1;
	s10 =	sld [smem:$0x3F9E]  }
0x3d: {  	_ =	shalt  }
0x3e: {  	_ =	shalt  }
0x3f: {  	_ =	shalt  }
0x40: {  	_ =	shalt  }
0x41: {  	_ =	shalt  }
0x42: {  	_ =	shalt  }
0x43: {  	_ =	shalt  }
0x44: {  	_ =	shalt  }
0x45: {  	_ =	shalt  }
0x46: {  	_ =	shalt  }
0x47: {  	_ =	shalt  }
0x48: {  	_ =	shalt  }
0x49: {  	_ =	shalt  }
0x4a: {  	_ =	shalt  }
0x4b: {  	_ =	shalt  }
0x4c: {  	_ =	shalt  }
0x4d: {  	_ =	shalt  }
0x4e: {  	_ =	shalt  }
0x4f: {  	_ =	shalt  }
0x50: {  	_ =	shalt  }
0x51: {  	_ =	shalt  }
0x52: {  	_ =	shalt  }
0x53: {  	_ =	shalt  }
0x54: {  	_ =	shalt  }
0x55: {  	_ =	shalt  }
0x56: {  	_ =	shalt  }
0x57: {  	_ =	shalt  }
0x58: {  	_ =	shalt  }
0x59: {  	_ =	shalt  }
0x5a: {  	_ =	shalt  }
0x5b: {  	_ =	shalt  }
0x5c: {  	_ =	shalt  }
0x5d: {  	_ =	shalt  }
0x5e: {  	_ =	shalt  }
0x5f: {  	_ =	shalt  }
0x60: {  	_ =	shalt  }
0x61: {  	_ =	shalt  }
0x62: {  	_ =	shalt  }
0x63: {  	_ =	shalt  }
0x64: {  	_ =	shalt  }
0x65: {  	_ =	shalt  }
0x66: {  	_ =	shalt  }
0x67: {  	_ =	shalt  }
0x68: {  	_ =	shalt  }
0x69: {  	_ =	shalt  }
0x6a: {  	_ =	shalt  }
0x6b: {  	_ =	shalt  }
0x6c: {  	_ =	shalt  }
0x6d: {  	_ =	shalt  }
0x6e: {  	_ =	shalt  }
0x6f: {  	_ =	shalt  }
0x70: {  	_ =	shalt  }
0x71: {  	_ =	shalt  }
0x72: {  	_ =	shalt  }
0x73: {  	_ =	shalt  }
0x74: {  	_ =	shalt  }
0x75: {  	_ =	shalt  }
0x76: {  	_ =	shalt  }
0x77: {  	_ =	shalt  }
0x78: {  	_ =	shalt  }
0x79: {  	_ =	shalt  }
0x7a: {  	_ =	shalt  }
0x7b: {  	_ =	shalt  }
0x7c: {  	_ =	shalt  }
0x7d: {  	_ =	shalt  }
0x7e: {  	_ =	shalt  }
0x7f: {  	_ =	shalt  }
0x80: {  	_ =	shalt  }
0x81: {  	_ =	shalt  }
0x82: {  	_ =	shalt  }
0x83: {  	_ =	shalt  }
0x84: {  	_ =	shalt  }
0x85: {  	_ =	shalt  }
0x86: {  	_ =	shalt  }
0x87: {  	_ =	shalt  }
.Lfunc_end0:
.L_simem_size_0:
called_computation_lowered:
.L_overlay_start_0:
0x88: {  	s2 =	sld [smem:$0x3FD9]  }
0x89: {  	s3 =	sld [smem:$0x3FFE];
	_ =	sdelay $0x1  }
0x8a: {  	s1 =	srdreg.scid  }
0x8b: {  	s0 =	sand.u32 $0x1, s1  }
0x8c: {  	s17 =	sshll.u32 s0, $0xA;
	s2 =	sadd.s32 s3, s2  }
0x8d: {  	s2 =	sadd.s32 s2, s17  }
0x8e: {  	[smem:$0x3FAA] =	sst s2  }
0x8f: {  	_ = 	snop  }
0x90: {  	s2 =	sld [smem:$0x3FD0];
	(tm) =	ssettm $0x1  }
0x91: {  	s18 =	sld [smem:$0x3FFB];
	_ =	sdelay $0x3  }
0x92: {  	_ =	strace s18  }
0x93: {  	s3 =	sld [smem:$0x3FFC];
	_ =	sdelay $0x3  }
0x94: {  	_ =	strace s3  }
0x95: {  	s3 =	sld [smem:$0x3FFD];
	_ =	sdelay $0x3  }
0x96: {  	_ =	strace s3  }
0x97: {  	_ =	strace $0x8FFFFFFF  }
0x98: {  	s19 =	sld [smem:$0x3FDB];
	_ =	sdelay $0x1  }
0x99: {  	s4 =	simm.s32 $_scs_section_size  }
0x9a: {  	s5 =	simm.s32 $_size__tile_overlayer_lowered;
	s6 =	simm.s32 $_tile_overlayer_lowered  }
0x9b: {  	s22 =	simm.s32 $0x1BFF;
	s21 =	sshll.u32 s6, $0x1;
	s3 =	sadd.s32 s4, s19  }
0x9c: {  	s7 =	simm.s32 $0x0;
	s20 =	sshll.u32 s5, $0x1;
	s5 =	sadd.s32 s21, s3  }
0x9d: {  	[timem:s7], [sflag:s22] =	dma.local [hbm:s5], s20  }
0x9e: {  	_ =	swait.ge [sflag:s22], s20  }
0x9f: {  	s4 =	ssub.s32 $0x0, s20;
	[sflag:s22] =	ssyncset.done $0x0  }
0xa0: {  	[sflag:s22] =	ssyncadd.s32 s4;
	_ =	sdelay $0x1  }
0xa1: {  	s23 =	simm.s32 $0x1B8B  }
0xa2: {  	_ =	swait.ge [sflag:s23], $0x1  }
0xa3: {  	[sflag:s23] =	ssyncset.done $0x0  }
0xa4: {  	s25 =	simm.s32 $0x1B8E;
	s24 =	sld [smem:$0x3FFE];
	[sflag:s23] =	ssyncadd.s32 $0xFFFFFFFF  }
0xa5: {  	s26 =	simm.s32 $execute0_lowered;
	[smem:$0x3FD2] =	sst s25  }
0xa6: {  	s5 =	sshll.u32 s26, $0x1;
	_ =	strace $0x80000046;
	[dreg:$0x1] =	wrdreg $0xFFFFFFFF  }
0xa7: {  	s28 =	simm.s32 $_size_execute0_lowered;
	s3 =	sadd.s32 s3, s5;
	[dreg:$0x0] =	wrdreg $0x0  }
0xa8: {  	s5 =	sshll.u32 s28, $0x1;
	[dreg:$0x2] =	wrdreg s3  }
0xa9: {  	[dreg:$0x3] =	wrdreg s5  }
0xaa: {  	[dreg:$0x4] =	wrdreg $0xC0  }
0xab: {  	_ =	task [dreg:s7], $0x5FFFF  }
0xac: {  	[dreg:$0x1] =	wrdreg $0xFFFFFFFF  }
0xad: {  	[dreg:$0x0] =	wrdreg $0x60  }
0xae: {  	[dreg:$0x2] =	wrdreg s24  }
0xaf: {  	[dreg:$0x3] =	wrdreg s2  }
0xb0: {  	[dreg:$0x4] =	wrdreg $0x9  }
0xb1: {  	_ =	task.clear_ibuf [dreg:s7], $0x5FFFF;
	_ =	strace $0x90000046  }
0xb2: {  	s29 =	simm.s32 $0x9;
	_ =	strace $0x80000048  }
0xb3: {  	_ =	swait.ge [sflag:s29], $0x1  }
0xb4: {  	[sflag:s29] =	ssyncadd.s32 $0xFFFFFFFF  }
0xb5: {  	_ =	strace $0x90000048  }
0xb6: {  	_ =	sfence  }
0xb7: {  	s30 =	sld [smem:$0x0];
	_ =	sdelay $0x2  }
0xb8: {  	s31 =	sshll.u32 s1, $0xD;
	s1 =	sshrl.u32 s1, $0x2  }
0xb9: {  	s3 =	sand.u32 $0x4000, s31;
	s1 =	sadd.s32 s1, s30  }
0xba: {  	s0 =	sor.u32 s3, s0;
	s1 =	sshll.u32 s1, $0x11  }
0xbb: {  	s0 =	sor.u32 s1, s0  }
0xbc: {  	s0 =	sadd.s32 $0x8F2B, s0  }
0xbd: {  	[sflag:s0] =	ssyncadd.remote.s32 $0x1  }
0xbe: {  	_ =	sfence.sel $0xFFFF  }
0xbf: {  	[dreg:$0x0] =	wrdreg $0xFFFFFFFF;
	(pc) =	sbr.abs _section_cstart, $3  }
0xc0: {  	[dreg:$0x1] =	wrdreg $0xFFFFFFFF  }
0xc1: {  	_ =	task.clear_ibuf [dreg:s7], $0x2FFFF;
	_ =	strace $0x9FFFFFFF  }
0xc2: {  	(tm) =	ssettm $0x7FFFFFFF  }
0xc3: {  	_ =	shalt  }
tec
execute0_lowered:
.L_overlay_start_1:
0x0: {  	(tag) =	ssettag $0x1  }
0x1: {  	s1 =	srdreg.scid;
	s0 =	stileid.u32  }
0x2: {  	s17 =	sand.u32 $0x1, s1;
	s31 =	sshll.u32 s0, $0x1  }
0x3: {  	s14 =	sor.u32 s17, s31  }
0x4: {  	s13 =	rddreg [dreg:$0x0];
	s3 =	smul.u32 $0x27, s14  }
0x5: {  	s20 =	rddreg [dreg:$0x1];
	s2 =	simm.s32 $0x0  }
0x6: {  	s4 =	simm.s32 $0x2;
	[smem:$0x7FF] =	sst s2;
	s3 =	sadd.s32 s3, s13  }
0x7: {  	s1 =	rddreg [dreg:$0x2];
	_ =	strace $0x80000047;
	s3 =	sadd.s32 $0x7200, s3  }
0x8: {  	[tilespmem:s2], [sflag:$0x2] =	stream.linear.gather [hbm4b:s3+s2], $0x138, $0x38;
	[tilespmem:$0xA600] =	vst v63  }
0x9: {  	_ =	swait.ge [sflag:s4], $0x138  }
0xa: {  	s6 =	simm.s32 $0x68;
	s7 =	simm.s32 $0x180;
	[sflag:s4] =	ssyncset.done $0x0  }
0xb: {  	s8 =	simm.s32 $0x1;
	s5 =	sadd.s32 $0x5400, s13;
	[sflag:s4] =	ssyncadd.s32 $0xFFFFFEC8  }
0xc: {  	[tilespmem:s7], [sflag:$0x1] =	stream.indirect.gather [hbm4b:s5+s6], $0x80, s2, s6, $0xb8;
	[tilespmem:$0xA600] =	vst v63  }
0xd: {  	_ =	swait.ge [sflag:s8], $0x3400  }
0xe: {  	[sflag:s8] =	ssyncset.done $0x0  }
0xf: {  	s9 =	simm.s32 $0x3580;
	[sflag:s8] =	ssyncadd.s32 $0xFFFFCC00  }
0x10: {  	[tilespmem:s9], [sflag:$0x1] =	stream.indirect.gather [hbm4b:s5+s6], $0x80, s6, s6, $0xb8;
	[tilespmem:$0xA600] =	vst v63  }
0x11: {  	_ =	swait.ge [sflag:s8], $0x3400  }
0x12: {  	[sflag:s8] =	ssyncset.done $0x0  }
0x13: {  	s10 =	simm.s32 $0xD0;
	s11 =	simm.s32 $0x6980;
	[sflag:s8] =	ssyncadd.s32 $0xFFFFCC00  }
0x14: {  	[tilespmem:s11], [sflag:$0x1] =	stream.indirect.gather [hbm4b:s5+s6], $0x80, s10, s6, $0xb8;
	[tilespmem:$0xA600] =	vst v63  }
0x15: {  	s12 =	smul.u32 $0x1380, s14;
	_ =	swait.ge [sflag:s8], $0x3400  }
0x16: {  	[sflag:s8] =	ssyncset.done $0x0  }
0x17: {  	s21 =	ssub.s32 $0x2, s17;
	s12 =	sadd.s32 s20, s12;
	[sflag:s8] =	ssyncadd.s32 $0xFFFFCC00  }
0x18: {  	[hbm4b:s12+s2] =	stream.linear.scatter [tilespmem:s7], [sflag:$0x2], $0x9C00, $0x38;
	[tilespmem:$0xA600] =	vst v63  }
0x19: {  	p0 =	sne.s32 s14, $0x1F;
	s14 =	sadd.s32 $0x76E0, s13;
	_ =	swait.ge [sflag:s4], $0x9C00  }
0x1a: {  	s22 =	sshrl.u32 s21, $0x1;
	s15 =	simm.s32 @!p0 $0x0;
	[sflag:s4] =	ssyncset.done $0x0  }
0x1b: {  	s16 =	simm.s32 @!p0 $0x9D80;
	s13 =	simm.s32 @!p0 $0x2;
	[sflag:s4] =	ssyncadd.s32 $0xFFFF6400  }
0x1c: {  	[tilespmem:s16], [sflag:$0x2] =	stream.linear.gather @!p0 [hbm4b:s14+s15], $0x10, $0x38;
	[tilespmem:$0xA600] =	vst v63  }
0x1d: {  	s17 =	simm.s32 @!p0 $0x1;
	s21 =	ssub.s32 s21, s22;
	_ =	swait.ge @!p0 [sflag:s13], $0x10  }
0x1e: {  	s18 =	simm.s32 @!p0 $0x10;
	s21 =	smax.u32 s21, $0x1;
	[sflag:s13] =	ssyncset.done @!p0 $0x0  }
0x1f: {  	s19 =	simm.s32 @!p0 $0x9E00;
	s21 =	sadd.s32 $0xFFFFFFFF, s21;
	[sflag:s13] =	ssyncadd.s32 @!p0 $0xFFFFFFF0  }
0x20: {  	[tilespmem:s19], [sflag:$0x1] =	stream.indirect.gather @!p0 [hbm4b:s5+s18], $0x80, s16, s18, $0xb8;
	[tilespmem:$0xA600] =	vst v63  }
0x21: {  	p1 =	sne.s32 s21, $0x0;
	_ =	swait.ge @!p0 [sflag:s17], $0x800  }
.Ltmp0:
0x22: {  	[sflag:s17] =	ssyncset.done @!p0 $0x0;
	(pc) =	sbr.rel @!p1 .LBB2_2-.Ltmp0, $4  }
0x23: {  	s20 =	sadd.s32 $0x27000, s20;
	[sflag:s17] =	ssyncadd.s32 @!p0 $0xFFFFF800  }
0x24: {  	[hbm4b:s20+s15] =	stream.linear.scatter @!p0 [tilespmem:s19], [sflag:$0x2], $0x800, $0x38;
	[tilespmem:$0xA600] =	vst v63  }
0x25: {  	_ =	swait.ge @!p0 [sflag:s13], $0x800  }
0x26: {  	[sflag:s13] =	ssyncset.done @!p0 $0x0  }
.LBB2_1:
0x27: {  	s21 =	sadd.s32 $0xFFFFFFFF, s21;
	[sflag:s13] =	ssyncadd.s32 @!p0 $0xFFFFF800  }
0x28: {  	[tilespmem:s2], [sflag:$0x2] =	stream.linear.gather [hbm4b:s3+s2], $0x138, $0x38;
	[tilespmem:$0xA600] =	vst v63  }
0x29: {  	p1 =	sne.s32 s21, $0x0;
	_ =	swait.ge [sflag:s4], $0x138  }
0x2a: {  	[sflag:s4] =	ssyncset.done $0x0  }
0x2b: {  	[sflag:s4] =	ssyncadd.s32 $0xFFFFFEC8  }
0x2c: {  	[tilespmem:s7], [sflag:$0x1] =	stream.indirect.gather [hbm4b:s5+s6], $0x80, s2, s6, $0xb8;
	[tilespmem:$0xA600] =	vst v63  }
0x2d: {  	_ =	swait.ge [sflag:s8], $0x3400  }
0x2e: {  	[sflag:s8] =	ssyncset.done $0x0  }
0x2f: {  	[sflag:s8] =	ssyncadd.s32 $0xFFFFCC00  }
0x30: {  	[tilespmem:s9], [sflag:$0x1] =	stream.indirect.gather [hbm4b:s5+s6], $0x80, s6, s6, $0xb8;
	[tilespmem:$0xA600] =	vst v63  }
0x31: {  	_ =	swait.ge [sflag:s8], $0x3400  }
0x32: {  	[sflag:s8] =	ssyncset.done $0x0  }
0x33: {  	[sflag:s8] =	ssyncadd.s32 $0xFFFFCC00  }
0x34: {  	[tilespmem:s11], [sflag:$0x1] =	stream.indirect.gather [hbm4b:s5+s6], $0x80, s10, s6, $0xb8;
	[tilespmem:$0xA600] =	vst v63  }
0x35: {  	_ =	swait.ge [sflag:s8], $0x3400  }
0x36: {  	[sflag:s8] =	ssyncset.done $0x0  }
0x37: {  	[sflag:s8] =	ssyncadd.s32 $0xFFFFCC00  }
0x38: {  	[hbm4b:s12+s2] =	stream.linear.scatter [tilespmem:s7], [sflag:$0x2], $0x9C00, $0x38;
	[tilespmem:$0xA600] =	vst v63  }
0x39: {  	_ =	swait.ge [sflag:s4], $0x9C00  }
0x3a: {  	[sflag:s4] =	ssyncset.done $0x0  }
0x3b: {  	[sflag:s4] =	ssyncadd.s32 $0xFFFF6400  }
0x3c: {  	[tilespmem:s16], [sflag:$0x2] =	stream.linear.gather @!p0 [hbm4b:s14+s15], $0x10, $0x38;
	[tilespmem:$0xA600] =	vst v63  }
0x3d: {  	_ =	swait.ge @!p0 [sflag:s13], $0x10  }
0x3e: {  	[sflag:s13] =	ssyncset.done @!p0 $0x0  }
0x3f: {  	[sflag:s13] =	ssyncadd.s32 @!p0 $0xFFFFFFF0  }
0x40: {  	[tilespmem:s19], [sflag:$0x1] =	stream.indirect.gather @!p0 [hbm4b:s5+s18], $0x80, s16, s18, $0xb8;
	[tilespmem:$0xA600] =	vst v63  }
0x41: {  	_ =	swait.ge @!p0 [sflag:s17], $0x800  }
.Ltmp1:
0x42: {  	[sflag:s17] =	ssyncset.done @!p0 $0x0;
	(pc) =	sbr.rel @p1 .LBB2_1-.Ltmp1, $4  }
0x43: {  	[sflag:s17] =	ssyncadd.s32 @!p0 $0xFFFFF800  }
0x44: {  	[hbm4b:s20+s15] =	stream.linear.scatter @!p0 [tilespmem:s19], [sflag:$0x2], $0x800, $0x38;
	[tilespmem:$0xA600] =	vst v63  }
0x45: {  	_ =	swait.ge @!p0 [sflag:s13], $0x800  }
0x46: {  	[sflag:s13] =	ssyncset.done @!p0 $0x0  }
.LBB2_2:
0x47: {  	[sflag:s13] =	ssyncadd.s32 @!p0 $0xFFFFF800  }
0x48: {  	_ =	sfence.sel $0x180000  }
0x49: {  	[bflag:$0x0] =	sbarrier.arrive $0xFFFF  }
0x4a: {  	p0 =	sne.s32 s0, $0x0;
	_ =	strace $0x90000047  }
0x4b: {  	s0 =	sadd.s32 @!p0 $0x100000, s1;
	[bflag:$0x2] =	sbarrier.arrive $0xFFFF  }
0x4c: {  	[sflag:s0] =	ssyncadd.tile.s32 @!p0 $0x1;
	_ =	shalt  }
.Lfunc_end2:
_tile_overlayer_lowered:
.L_overlay_start_2:
0x4d: {  	(tag) =	ssettag $0x2  }
0x4e: {  	s0 =	rddreg [dreg:$0x0];
	s2 =	stileid.u32  }
0x4f: {  	s1 =	rddreg [dreg:$0x1];
	p0 =	sne.s32 s2, $0x0  }
0x50: {  	s3 =	rddreg [dreg:$0x2];
	[bflag:$0x3] =	sbarrier.arrive $0xFFFF;
	s2 =	simm.s32 @!p0 $0x1C02  }
0x51: {  	[timem:s3], [sflag:s2] =	dma.local @!p0 [hbm:s0], s1  }
0x52: {  	s0 =	simm.s32 @!p0 $0x2  }
0x53: {  	_ =	swait.ge @!p0 [sflag:s0], s1  }
0x54: {  	s1 =	ssub.s32 @!p0 $0x0, s1;
	[sflag:s0] =	ssyncset.done @!p0 $0x0  }
0x55: {  	[sflag:s0] =	ssyncadd.s32 @!p0 s1  }
0x56: {  	[bflag:$0x3] =	sbarrier.arrive $0xFFFF  }
0x57: {  	_ =	shalt  }

// kernel: kernel.15.cloned.1.call-start
scs
__scs_entry_jumppad:
0x0: {  	(pc) =	sbr.rel $0x88, $3  }
0x1: {  	(tag) =	ssettag $0x0;
	lr =	simm.s32 $0x1  }
0x2: {  	[smem:$0x3F83] =	sst lr;
	_ =	strace $0xD0000000  }
0x3: {  	_ = 	snop  }
0x4: {  	_ = 	snop  }
0x5: {  	_ = 	snop  }
0x6: {  	_ = 	snop  }
0x7: {  	_ = 	snop  }
__scs_overlays_trampoline_lowered:
0x8: {  	[smem:$0x3F92] =	sst s0  }
0x9: {  	[smem:$0x3F93] =	sst s1  }
0xa: {  	[smem:$0x3F94] =	sst s2  }
0xb: {  	[smem:$0x3F95] =	sst s3  }
0xc: {  	[smem:$0x3F96] =	sst s4  }
0xd: {  	[smem:$0x3F97] =	sst s5  }
0xe: {  	[smem:$0x3F98] =	sst s6  }
0xf: {  	[smem:$0x3F99] =	sst s7  }
0x10: {  	[smem:$0x3F9A] =	sst s8  }
0x11: {  	[smem:$0x3F9B] =	sst s9;
	s0 =	simm.s32 @!p0 $0x0  }
0x12: {  	s1 =	sld [smem:$0x3F81];
	s0 =	simm.s32 @p0 $0x1  }
0x13: {  	[smem:$0x3F9C] =	sst s0;
	s0 =	simm.s32 @!p1 $0x0  }
0x14: {  	s2 =	sld [smem:$0x3F80];
	s0 =	simm.s32 @p1 $0x1  }
0x15: {  	[smem:$0x3F9D] =	sst s0;
	s0 =	simm.s32 @!p2 $0x0  }
0x16: {  	s3 =	sld [smem:$0x3FDB];
	s0 =	simm.s32 @p2 $0x1  }
0x17: {  	s4 =	simm.s32 $0x1BF5;
	[smem:$0x3F9F] =	sst s0  }
0x18: {  	s0 =	sld [smem:$0x3F82];
	_ =	swait.ge [sflag:s4], $0x0  }
0x19: {  	s7 =	sld [smem:$0x3F83]  }
0x1a: {  	s8 =	sadd.s32 $0xFFFFE003, lr  }
0x1b: {  	s9 =	sadd.s32 $0xFFFFFEF7, lr;
	s5 =	simm.s32 $0xFFFFFFFF;
	p2 =	slt.u32 s8, $0xFFFFF086  }
0x1c: {  	p1 =	slt.u32 s9, $0xF7A;
	s5 =	simm.s32 @!p2 $0x0  }
0x1d: {  	s5 =	simm.s32 @p1 $0x1;
	p0 =	seq.s32 s7, s2  }
0x1e: {  	s7 =	smul.u32 @!p0 $0xF7A, s2;
	p2 =	seq.s32 @!p0 s5, $0x0  }
0x1f: {  	s9 =	smul.u32 $0xF7A, s1;
	s8 =	simm.s32 @!p0 $0x1BF5;
	p2 =	por !p2, p0  }
0x20: {  	[sflag:s8] =	ssyncset.s32 @!p0 $0xFFFFF086;
	s6 =	sadd.s32 @!p0 s3, s7;
	s7 =	simm.s32 @!p0 $0x108  }
0x21: {  	s3 =	sadd.s32 s3, s9;
	s6 =	sadd.s32 @!p0 $0x88, s6;
	s7 =	simm.s32 @p2 $0x1082  }
0x22: {  	[simem:s7], [sflag:s8] =	dma.local @!p0 [hbm:s6], $0xF7A  }
0x23: {  	s9 =	sor.u32 $0xD0000000, s2;
	s6 =	simm.s32 $0x108;
	_ =	swait.ge @!p0 [sflag:s8], $0x0  }
0x24: {  	s3 =	sadd.s32 $0x88, s3;
	s6 =	simm.s32 @!p1 $0x1082;
	[sflag:s4] =	ssyncset.s32 $0xFFFFF086  }
0x25: {  	[simem:s6], [sflag:s4] =	dma.local [hbm:s3], $0xF7A  }
0x26: {  	[smem:$0x3F83] =	sst s1;
	(tag) =	ssettag s2;
	_ =	strace s9  }
0x27: {  	s1 =	sld [smem:$0x3F93]  }
0x28: {  	s2 =	sld [smem:$0x3F94]  }
0x29: {  	s4 =	sld [smem:$0x3F96]  }
0x2a: {  	p0 =	seq.s32 s5, $0x0;
	s5 =	sld [smem:$0x3F97]  }
0x2b: {  	s6 =	sld [smem:$0x3F98]  }
0x2c: {  	s7 =	sld [smem:$0x3F99]  }
0x2d: {  	s3 =	simm.s32 $0x108;
	s8 =	sld [smem:$0x3F9A]  }
0x2e: {  	s3 =	simm.s32 @!p0 $0x1082;
	s9 =	sld [smem:$0x3F9B]  }
0x2f: {  	lr =	sadd.s32 s0, s3;
	s0 =	sld [smem:$0x3F92]  }
0x30: {  	s3 =	sld [smem:$0x3F95]  }
0x31: {  	[smem:$0x3F9E] =	sst s10  }
0x32: {  	s10 =	sld [smem:$0x3F9C];
	_ =	sdelay $0x3  }
0x33: {  	p0 =	seq.s32 s10, $0x1;
	s10 =	sld [smem:$0x3F9E];
	_ =	sdelay $0x3  }
0x34: {  	[smem:$0x3F9E] =	sst s10  }
0x35: {  	s10 =	sld [smem:$0x3F9D];
	_ =	sdelay $0x3  }
0x36: {  	p1 =	seq.s32 s10, $0x1;
	s10 =	sld [smem:$0x3F9E];
	_ =	sdelay $0x3  }
0x37: {  	[smem:$0x3F9E] =	sst s10  }
0x38: {  	s10 =	sld [smem:$0x3F9F]  }
0x39: {  	_ = 	snop;
	(pc) =	sbr.ind lr, $3  }
0x3a: {  	_ = 	snop  }
0x3b: {  	_ = 	snop  }
0x3c: {  	p2 =	seq.s32 s10, $0x1;
	s10 =	sld [smem:$0x3F9E]  }
0x3d: {  	_ =	shalt  }
0x3e: {  	_ =	shalt  }
0x3f: {  	_ =	shalt  }
0x40: {  	_ =	shalt  }
0x41: {  	_ =	shalt  }
0x42: {  	_ =	shalt  }
0x43: {  	_ =	shalt  }
0x44: {  	_ =	shalt  }
0x45: {  	_ =	shalt  }
0x46: {  	_ =	shalt  }
0x47: {  	_ =	shalt  }
0x48: {  	_ =	shalt  }
0x49: {  	_ =	shalt  }
0x4a: {  	_ =	shalt  }
0x4b: {  	_ =	shalt  }
0x4c: {  	_ =	shalt  }
0x4d: {  	_ =	shalt  }
0x4e: {  	_ =	shalt  }
0x4f: {  	_ =	shalt  }
0x50: {  	_ =	shalt  }
0x51: {  	_ =	shalt  }
0x52: {  	_ =	shalt  }
0x53: {  	_ =	shalt  }
0x54: {  	_ =	shalt  }
0x55: {  	_ =	shalt  }
0x56: {  	_ =	shalt  }
0x57: {  	_ =	shalt  }
0x58: {  	_ =	shalt  }
0x59: {  	_ =	shalt  }
0x5a: {  	_ =	shalt  }
0x5b: {  	_ =	shalt  }
0x5c: {  	_ =	shalt  }
0x5d: {  	_ =	shalt  }
0x5e: {  	_ =	shalt  }
0x5f: {  	_ =	shalt  }
0x60: {  	_ =	shalt  }
0x61: {  	_ =	shalt  }
0x62: {  	_ =	shalt  }
0x63: {  	_ =	shalt  }
0x64: {  	_ =	shalt  }
0x65: {  	_ =	shalt  }
0x66: {  	_ =	shalt  }
0x67: {  	_ =	shalt  }
0x68: {  	_ =	shalt  }
0x69: {  	_ =	shalt  }
0x6a: {  	_ =	shalt  }
0x6b: {  	_ =	shalt  }
0x6c: {  	_ =	shalt  }
0x6d: {  	_ =	shalt  }
0x6e: {  	_ =	shalt  }
0x6f: {  	_ =	shalt  }
0x70: {  	_ =	shalt  }
0x71: {  	_ =	shalt  }
0x72: {  	_ =	shalt  }
0x73: {  	_ =	shalt  }
0x74: {  	_ =	shalt  }
0x75: {  	_ =	shalt  }
0x76: {  	_ =	shalt  }
0x77: {  	_ =	shalt  }
0x78: {  	_ =	shalt  }
0x79: {  	_ =	shalt  }
0x7a: {  	_ =	shalt  }
0x7b: {  	_ =	shalt  }
0x7c: {  	_ =	shalt  }
0x7d: {  	_ =	shalt  }
0x7e: {  	_ =	shalt  }
0x7f: {  	_ =	shalt  }
0x80: {  	_ =	shalt  }
0x81: {  	_ =	shalt  }
0x82: {  	_ =	shalt  }
0x83: {  	_ =	shalt  }
0x84: {  	_ =	shalt  }
0x85: {  	_ =	shalt  }
0x86: {  	_ =	shalt  }
0x87: {  	_ =	shalt  }
.Lfunc_end0:
.L_simem_size_0:
called_computation.1_lowered:
.L_overlay_start_0:
0x88: {  	s2 =	sld [smem:$0x3FD9]  }
0x89: {  	s3 =	sld [smem:$0x3FFE];
	_ =	sdelay $0x1  }
0x8a: {  	s1 =	srdreg.scid  }
0x8b: {  	s0 =	sand.u32 $0x1, s1  }
0x8c: {  	s17 =	sshll.u32 s0, $0xA;
	s2 =	sadd.s32 s3, s2  }
0x8d: {  	s2 =	sadd.s32 s2, s17  }
0x8e: {  	[smem:$0x3FAA] =	sst s2  }
0x8f: {  	_ = 	snop  }
0x90: {  	s2 =	sld [smem:$0x3FD0];
	(tm) =	ssettm $0x1  }
0x91: {  	s18 =	sld [smem:$0x3FFB];
	_ =	sdelay $0x3  }
0x92: {  	_ =	strace s18  }
0x93: {  	s3 =	sld [smem:$0x3FFC];
	_ =	sdelay $0x3  }
0x94: {  	_ =	strace s3  }
0x95: {  	s3 =	sld [smem:$0x3FFD];
	_ =	sdelay $0x3  }
0x96: {  	_ =	strace s3  }
0x97: {  	_ =	strace $0x8FFFFFFF  }
0x98: {  	s19 =	sld [smem:$0x3FDB];
	_ =	sdelay $0x1  }
0x99: {  	s4 =	simm.s32 $_scs_section_size  }
0x9a: {  	s5 =	simm.s32 $_size__tile_overlayer_lowered;
	s6 =	simm.s32 $_tile_overlayer_lowered  }
0x9b: {  	s22 =	simm.s32 $0x1BFF;
	s21 =	sshll.u32 s6, $0x1;
	s3 =	sadd.s32 s4, s19  }
0x9c: {  	s7 =	simm.s32 $0x0;
	s20 =	sshll.u32 s5, $0x1;
	s5 =	sadd.s32 s21, s3  }
0x9d: {  	[timem:s7], [sflag:s22] =	dma.local [hbm:s5], s20  }
0x9e: {  	_ =	swait.ge [sflag:s22], s20  }
0x9f: {  	s4 =	ssub.s32 $0x0, s20;
	[sflag:s22] =	ssyncset.done $0x0  }
0xa0: {  	[sflag:s22] =	ssyncadd.s32 s4;
	_ =	sdelay $0x1  }
0xa1: {  	s23 =	simm.s32 $0x1B8B  }
0xa2: {  	_ =	swait.ge [sflag:s23], $0x1  }
0xa3: {  	[sflag:s23] =	ssyncset.done $0x0  }
0xa4: {  	s25 =	simm.s32 $0x1B8E;
	s24 =	sld [smem:$0x3FFE];
	[sflag:s23] =	ssyncadd.s32 $0xFFFFFFFF  }
0xa5: {  	s26 =	simm.s32 $execute0_lowered;
	[smem:$0x3FD2] =	sst s25  }
0xa6: {  	s5 =	sshll.u32 s26, $0x1;
	_ =	strace $0x80000049;
	[dreg:$0x1] =	wrdreg $0xFFFFFFFF  }
0xa7: {  	s28 =	simm.s32 $_size_execute0_lowered;
	s3 =	sadd.s32 s3, s5;
	[dreg:$0x0] =	wrdreg $0x0  }
0xa8: {  	s5 =	sshll.u32 s28, $0x1;
	[dreg:$0x2] =	wrdreg s3  }
0xa9: {  	[dreg:$0x3] =	wrdreg s5  }
0xaa: {  	[dreg:$0x4] =	wrdreg $0xC0  }
0xab: {  	_ =	task [dreg:s7], $0x5FFFF  }
0xac: {  	[dreg:$0x1] =	wrdreg $0xFFFFFFFF  }
0xad: {  	[dreg:$0x0] =	wrdreg $0x60  }
0xae: {  	[dreg:$0x2] =	wrdreg s2  }
0xaf: {  	[dreg:$0x3] =	wrdreg s24  }
0xb0: {  	[dreg:$0x4] =	wrdreg $0xA4000  }
0xb1: {  	[dreg:$0x5] =	wrdreg $0x9  }
0xb2: {  	_ =	task.clear_ibuf [dreg:s7], $0x6FFFF;
	_ =	strace $0x90000049  }
0xb3: {  	s29 =	simm.s32 $0x9;
	_ =	strace $0x8000004B  }
0xb4: {  	_ =	swait.ge [sflag:s29], $0x1  }
0xb5: {  	[sflag:s29] =	ssyncadd.s32 $0xFFFFFFFF  }
0xb6: {  	_ =	strace $0x9000004B  }
0xb7: {  	_ =	sfence  }
0xb8: {  	s30 =	sld [smem:$0x0];
	_ =	sdelay $0x2  }
0xb9: {  	s31 =	sshll.u32 s1, $0xD;
	s1 =	sshrl.u32 s1, $0x2  }
0xba: {  	s3 =	sand.u32 $0x4000, s31;
	s1 =	sadd.s32 s1, s30  }
0xbb: {  	s0 =	sor.u32 s3, s0;
	s1 =	sshll.u32 s1, $0x11  }
0xbc: {  	s0 =	sor.u32 s1, s0  }
0xbd: {  	s0 =	sadd.s32 $0x8F2B, s0  }
0xbe: {  	[sflag:s0] =	ssyncadd.remote.s32 $0x1  }
0xbf: {  	_ =	sfence.sel $0xFFFF  }
0xc0: {  	[dreg:$0x0] =	wrdreg $0xFFFFFFFF;
	(pc) =	sbr.abs _section_cstart, $3  }
0xc1: {  	[dreg:$0x1] =	wrdreg $0xFFFFFFFF  }
0xc2: {  	_ =	task.clear_ibuf [dreg:s7], $0x2FFFF;
	_ =	strace $0x9FFFFFFF  }
0xc3: {  	(tm) =	ssettm $0x7FFFFFFF  }
tec
execute0_lowered:
.L_overlay_start_1:
0x0: {  	(tag) =	ssettag $0x1  }
0x1: {  	s1 =	rddreg [dreg:$0x0]  }
0x2: {  	s9 =	rddreg [dreg:$0x1]  }
0x3: {  	s3 =	rddreg [dreg:$0x2]  }
0x4: {  	s4 =	simm.s32 $0x0;
	s5 =	srdreg.scid;
	s0 =	stileid.u32  }
0x5: {  	s19 =	simm.s32 $0x1;
	s20 =	simm.s32 $0x50;
	s23 =	simm.s32 $0x9  }
0x6: {  	s24 =	simm.s32 $0xA;
	s25 =	simm.s32 $0x0;
	[smem:$0x7FF] =	sst s4  }
0x7: {  	s10 =	sand.u32 $0x1, s5;
	s5 =	sadd.s32 $0x508C00, s9;
	s17 =	smul.u32 $0x50000, s0  }
0x8: {  	s29 =	sshll.u32 s0, $0x1;
	s7 =	sadd.s32 $0x4E9800, s9;
	s18 =	smul.u32 $0x14000, s0  }
0x9: {  	s9 =	sadd.s32 $0x9EAC00, s9;
	s11 =	sor.u32 s10, s29;
	s16 =	smul.u32 $0x138800, s10  }
0xa: {  	p0 =	seq.s32 s0, $0xF;
	_ =	strace $0x8000004A;
	s6 =	smul.u32 $0x7D00, s11  }
0xb: {  	s12 =	ssub.s32 $0x2, s10;
	s10 =	simm.s32 $0x5;
	s8 =	smul.u32 $0x2710, s11  }
0xc: {  	s13 =	sshrl.u32 s12, $0x1;
	s14 =	smul.u32 $0x27100, s11;
	s10 =	simm.s32 @!p0 $0x8  }
0xd: {  	s17 =	sshrl.u32 s17, $0x2;
	s15 =	ssub.s32 s12, s13;
	s16 =	sadd.s32 s18, s16  }
0xe: {  	s18 =	simm.s32 $0xB;
	s30 =	sshrl.u32 s6, $0x3;
	s31 =	sadd.s32 s5, s14  }
0xf: {  	s14 =	smax.u32 s15, $0x1;
	s15 =	sadd.s32 s17, s3;
	s11 =	sadd.s32 s7, s30  }
0x10: {  	v0 =	vimm.f32 $0.0e+00;
	s17 =	simm.s32 $0x400;
	[dreg:$0x4] =	wrdreg s31;
	s13 =	sadd.s32 $0x20, s11  }
.LBB2_1:
0x11: {  	s26 =	simm.s32 $0x0;
	s28 =	simm.s32 $0x200  }
.LBB2_2:
0x12: {  	p0 =	sne.s32 s28, $0x9E00;
	[tilespmem:s26+$0x470] =	vst v0  }
0x13: {  	[tilespmem:s26+$0x400] =	vst v0  }
0x14: {  	[tilespmem:s26+$0x410] =	vst v0  }
.Ltmp0:
0x15: {  	[tilespmem:s26+$0x420] =	vst v0;
	(pc) =	sbr.rel @p0 .LBB2_2-.Ltmp0, $4  }
0x16: {  	[tilespmem:s26+$0x430] =	vst v0  }
0x17: {  	[tilespmem:s26+$0x440] =	vst v0  }
0x18: {  	[tilespmem:s26+$0x450] =	vst v0  }
0x19: {  	[tilespmem:s26+$0x460] =	vst v0;
	s26 =	sshra.s32 s28, $0x2;
	s28 =	sadd.s32 $0x200, s28  }
0x1a: {  	[tilespmem:s26+$0x470] =	vst v0  }
0x1b: {  	[tilespmem:s26+$0x400] =	vst v0  }
0x1c: {  	[tilespmem:s26+$0x410] =	vst v0  }
0x1d: {  	[tilespmem:s26+$0x420] =	vst v0  }
0x1e: {  	[tilespmem:s26+$0x430] =	vst v0  }
0x1f: {  	[tilespmem:s26+$0x440] =	vst v0;
	p0 =	sne.s32 s10, $0x1  }
.Ltmp1:
0x20: {  	[tilespmem:s26+$0x450] =	vst v0;
	(pc) =	sbr.rel @!p0 .LBB2_5-.Ltmp1, $4  }
0x21: {  	[tilespmem:s26+$0x460] =	vst v0  }
0x22: {  	[spmem:s15] =	stream.linear.scatter [tilespmem:s17], [sflag:$0xB], $0x2800, $0x38;
	[tilespmem:$0x1DC80] =	vst v63  }
0x23: {  	_ =	swait.ge [sflag:s18], $0x2800  }
0x24: {  	s26 =	sadd.s32 $0xFFFFFFFF, s10;
	s28 =	smov.u32 s15;
	[sflag:s18] =	ssyncset.done $0x0  }
.LBB2_4:
0x25: {  	p1 =	sne.s32 s26, $0x1;
	[sflag:s18] =	ssyncadd.s32 $0xFFFFD800;
	s28 =	sadd.s32 $0x2800, s28  }
.Ltmp2:
0x26: {  	s26 =	sadd.s32 $0xFFFFFFFF, s26;
	(pc) =	sbr.rel @p1 .LBB2_4-.Ltmp2, $4  }
0x27: {  	_ = 	snop  }
0x28: {  	[spmem:s28] =	stream.linear.scatter [tilespmem:s17], [sflag:$0xB], $0x2800, $0x38;
	[tilespmem:$0x1DC80] =	vst v63  }
0x29: {  	_ =	swait.ge [sflag:s18], $0x2800  }
0x2a: {  	[sflag:s18] =	ssyncset.done $0x0  }
.LBB2_5:
0x2b: {  	[sflag:s18] =	ssyncadd.s32 $0xFFFFD800;
	s26 =	simm.s32 $0x0  }
0x2c: {  	[tilespmem:s26], [sflag:$0x1] =	stream.linear.gather [hbm4b:s11+s26], $0x100, $0x38;
	[tilespmem:$0x1DC80] =	vst v63  }
0x2d: {  	_ =	swait.ge [sflag:s19], $0x100  }
0x2e: {  	[sflag:s19] =	ssyncset.done $0x0  }
0x2f: {  	[sflag:s19] =	ssyncadd.s32 $0xFFFFFF00  }
0x30: {  	[tilespmem:s17], [sflag:$0x5] =	stream.indirect.gather [hbm4b:s1+s20], $0x80, s26, s20, $0xb8;
	[tilespmem:$0x1DC80] =	vst v63  }
0x31: {  	s2 =	simm.s32 $0x5400;
	s0 =	rddreg [dreg:$0x4]  }
0x32: {  	[tilespmem:s2], [sflag:$0x7] =	stream.linear.gather [hbm4b:s0+s26], $0x2800, $0x38;
	[tilespmem:$0x1DC80] =	vst v63  }
.Ltmp3:
0x33: {  	_ = 	snop;
	(pc) =	sbr.rel .LBB2_6-.Ltmp3, $3  }
0x34: {  	s31 =	simm.s32 $0x100  }
0x35: {  	[tilespmem:s31], [sflag:$0x2] =	stream.linear.gather [hbm4b:s13+s26], $0x100, $0x38;
	[tilespmem:$0x1DC80] =	vst v63  }
0x36: {  	[bflag:$0x0] =	sbarrier.arrive $0xFFFF;
	_ =	sdelay $0x1  }
.LBB2_13:
0x37: {  	s0 =	smul.u32 $0xA000, s28;
	p1 =	sne.s32 s29, $0x7D  }
.Ltmp4:
0x38: {  	_ = 	snop;
	(pc) =	sbr.rel @!p1 .LBB2_14-.Ltmp4, $4  }
0x39: {  	s2 =	sshll.u32 s26, $0x8  }
0x3a: {  	s12 =	sadd.s32 $0x9, s28;
	s2 =	sand.u32 $0x300, s2;
	s0 =	sshrl.u32 s0, $0x2  }
0x3b: {  	s26 =	smov.u32 s29;
	s2 =	sor.u32 $0x80, s2;
	s0 =	sor.u32 $0x400, s0  }
0x3c: {  	[spmem:s3] =	stream.indirect.scatter.add.f32 [tilespmem:s0], [sflag:s12], $0x80, s2, s20, $0xb8;
	[tilespmem:$0x1DC80] =	vst v63  }
.LBB2_6:
0x3d: {  	s28 =	sand.u32 $0x1, s26  }
0x3e: {  	s29 =	sadd.s32 $0x5, s28  }
0x3f: {  	_ =	swait.ge [sflag:s29], $0x2800  }
0x40: {  	[sflag:s29] =	ssyncset.done $0x0  }
0x41: {  	p1 =	seq.s32 s26, $0x7C;
	s30 =	sadd.s32 $0x7, s28;
	[sflag:s29] =	ssyncadd.s32 $0xFFFFD800  }
0x42: {  	p2 =	seq.s32 @!p1 s26, $0x0;
	s29 =	sadd.s32 $0x1, s26;
	_ =	swait.ge [sflag:s30], $0x2800  }
0x43: {  	s22 =	simm.s32 @!p1 $0x50;
	s31 =	sand.u32 $0x3, s29;
	[sflag:s30] =	ssyncset.done $0x0  }
0x44: {  	p2 =	por p2, p1;
	[sflag:s30] =	ssyncadd.s32 $0xFFFFD800;
	s30 =	sadd.s32 @!p1 $0x1, s31  }
0x45: {  	s0 =	sand.u32 $0x1, s29;
	s12 =	smul.u32 @!p1 $0x50, s29;
	_ =	swait.ge @!p1 [sflag:s30], $0x100  }
0x46: {  	s2 =	smul.u32 @!p1 $0x2800, s0;
	s21 =	sadd.s32 @!p1 $0x5, s0;
	[sflag:s30] =	ssyncset.done @!p1 $0x0  }
0x47: {  	s12 =	sadd.s32 @!p1 s8, s12;
	[sflag:s30] =	ssyncadd.s32 @!p1 $0xFFFFFF00;
	s30 =	sadd.s32 @!p2 $0x9, s0  }
0x48: {  	s31 =	sshll.u32 @!p1 s31, $0x8;
	s12 =	sshll.u32 @!p1 s12, $0x4;
	_ =	swait.ge @!p2 [sflag:s30], $0x2800  }
0x49: {  	s12 =	sadd.s32 @!p1 s5, s12;
	s0 =	sadd.s32 @!p1 $0x7, s0;
	[sflag:s30] =	ssyncset.done @!p2 $0x0  }
0x4a: {  	[sflag:s30] =	ssyncadd.s32 @!p2 $0xFFFFD800;
	s30 =	sor.u32 @!p1 $0x400, s2;
	p2 =	sgt.u32 @!p1 s26, $0x7A  }
0x4b: {  	[tilespmem:s30], [sflag:s21] =	stream.indirect.gather @!p1 [hbm4b:s1+s22], $0x80, s31, s22, $0xb8;
	[tilespmem:$0x1DC80] =	vst v63  }
0x4c: {  	s2 =	sadd.s32 @!p1 $0x5400, s2;
	s21 =	simm.s32 @!p1 $0x0;
	p3 =	por p2, p1  }
0x4d: {  	[tilespmem:s2], [sflag:s0] =	stream.linear.gather @!p1 [hbm4b:s12+s21], $0x2800, $0x38;
	[tilespmem:$0x1DC80] =	vst v63  }
0x4e: {  	s0 =	sadd.s32 @!p3 $0x2, s26  }
0x4f: {  	s2 =	sshll.u32 @!p3 s0, $0x8  }
0x50: {  	s2 =	sadd.s32 @!p3 s6, s2  }
0x51: {  	s21 =	simm.s32 @!p3 $0x0;
	s0 =	sand.u32 @!p3 $0x3, s0;
	s2 =	sshrl.u32 @!p3 s2, $0x3  }
0x52: {  	s12 =	sshll.u32 @!p3 s0, $0x8;
	s0 =	sadd.s32 @!p3 $0x1, s0;
	s2 =	sadd.s32 @!p3 s7, s2  }
0x53: {  	[tilespmem:s12], [sflag:s0] =	stream.linear.gather @!p3 [hbm4b:s2+s21], $0x100, $0x38;
	[tilespmem:$0x1DC80] =	vst v63  }
0x54: {  	s0 =	sand.u32 @!p3 $0x1, s26  }
0x55: {  	p3 =	seq.s32 @!p3 s0, $0x1  }
0x56: {  	p2 =	por @!p1 p2, p3  }
0x57: {  	p1 =	por p1, !p2  }
.Ltmp5:
0x58: {  	_ = 	snop;
	(pc) =	sbr.rel @!p1 .LBB2_10-.Ltmp5, $1  }
0x59: {  	_ =	sdelay $0x3  }
0x5a: {  	s30 =	simm.s32 $0x0  }
0x5b: {  	v7 =	vld [tilespmem:s30+$0x5400]  }
0x5c: {  	v12 =	vld [tilespmem:s30+$0x5410]  }
0x5d: {  	v5 =	vld [tilespmem:s30+$0x5420]  }
0x5e: {  	v6 =	vld [tilespmem:s30+$0x5430]  }
0x5f: {  	v4 =	vld [tilespmem:s30+$0x5440]  }
0x60: {  	v3 =	vld [tilespmem:s30+$0x5450]  }
0x61: {  	v2 =	vld [tilespmem:s30+$0x5460]  }
0x62: {  	v1 =	vld [tilespmem:s30+$0x5470]  }
0x63: {  	v13 =	vld [tilespmem:s30+$0x400]  }
0x64: {  	v14 =	vld [tilespmem:s30+$0x410]  }
0x65: {  	v11 =	vld [tilespmem:s30+$0x420]  }
0x66: {  	v10 =	vld [tilespmem:s30+$0x430]  }
0x67: {  	v9 =	vld [tilespmem:s30+$0x440]  }
0x68: {  	v8 =	vld [tilespmem:s30+$0x450];
	v13 =	vadd.f32 v7, v13  }
0x69: {  	s31 =	simm.s32 $0x200;
	v7 =	vld [tilespmem:s30+$0x460];
	v12 =	vadd.f32 v12, v14  }
.LBB2_8:
0x6a: {  	s0 =	sshra.s32 s31, $0x2;
	p1 =	sne.s32 s31, $0x9E00;
	v14 =	vld [tilespmem:s30+$0x470];
	v13 =	vmax.f32 v13, $0.0e+00;
	v5 =	vadd.f32 v5, v11  }
0x6b: {  	v15 =	vld [tilespmem:s0+$0x5400];
	v11 =	vmax.f32 v12, $0.0e+00;
	v6 =	vadd.f32 v6, v10;
	[tilespmem:s30+$0x400] =	vst v13  }
0x6c: {  	v12 =	vld [tilespmem:s0+$0x5410];
	v10 =	vmax.f32 v5, $0.0e+00;
	v4 =	vadd.f32 v4, v9;
	[tilespmem:s30+$0x410] =	vst v11  }
0x6d: {  	v5 =	vld [tilespmem:s0+$0x5420];
	v9 =	vmax.f32 v6, $0.0e+00;
	v3 =	vadd.f32 v3, v8;
	[tilespmem:s30+$0x420] =	vst v10  }
0x6e: {  	v6 =	vld [tilespmem:s0+$0x5430];
	v8 =	vmax.f32 v4, $0.0e+00;
	v2 =	vadd.f32 v2, v7;
	[tilespmem:s30+$0x430] =	vst v9  }
0x6f: {  	v4 =	vld [tilespmem:s0+$0x5440];
	v7 =	vmax.f32 v3, $0.0e+00;
	v1 =	vadd.f32 v1, v14;
	[tilespmem:s30+$0x440] =	vst v8  }
0x70: {  	v3 =	vld [tilespmem:s0+$0x5450];
	v8 =	vmax.f32 v2, $0.0e+00;
	[tilespmem:s30+$0x450] =	vst v7  }
0x71: {  	v2 =	vld [tilespmem:s0+$0x5460];
	v7 =	vmax.f32 v1, $0.0e+00;
	[tilespmem:s30+$0x460] =	vst v8  }
0x72: {  	v1 =	vld [tilespmem:s0+$0x5470];
	[tilespmem:s30+$0x470] =	vst v7;
	s30 =	smov.u32 s0  }
0x73: {  	v7 =	vld [tilespmem:s30+$0x400]  }
0x74: {  	v14 =	vld [tilespmem:s30+$0x410]  }
.Ltmp6:
0x75: {  	v11 =	vld [tilespmem:s30+$0x420];
	(pc) =	sbr.rel @p1 .LBB2_8-.Ltmp6, $4  }
0x76: {  	v10 =	vld [tilespmem:s30+$0x430]  }
0x77: {  	v9 =	vld [tilespmem:s30+$0x440]  }
0x78: {  	v8 =	vld [tilespmem:s30+$0x450];
	v13 =	vadd.f32 v15, v7  }
0x79: {  	s31 =	sadd.s32 $0x200, s31;
	v7 =	vld [tilespmem:s30+$0x460];
	v12 =	vadd.f32 v12, v14  }
0x7a: {  	v14 =	vld [tilespmem:s30+$0x470];
	v13 =	vmax.f32 v13, $0.0e+00;
	v5 =	vadd.f32 v5, v11  }
0x7b: {  	v63 =	vmax.f32 v12, $0.0e+00;
	v6 =	vadd.f32 v6, v10;
	[tilespmem:s30+$0x400] =	vst v13  }
0x7c: {  	v5 =	vmax.f32 v5, $0.0e+00;
	v4 =	vadd.f32 v4, v9;
	[tilespmem:s30+$0x410] =	vst v63  }
0x7d: {  	p1 =	seq.s32 s28, $0x0;
	v6 =	vmax.f32 v6, $0.0e+00;
	v3 =	vadd.f32 v3, v8;
	[tilespmem:s30+$0x420] =	vst v5  }
.Ltmp7:
0x7e: {  	v4 =	vmax.f32 v4, $0.0e+00;
	v2 =	vadd.f32 v2, v7;
	[tilespmem:s30+$0x430] =	vst v6;
	(pc) =	sbr.rel @p1 .LBB2_13-.Ltmp7, $4  }
0x7f: {  	v3 =	vmax.f32 v3, $0.0e+00;
	v1 =	vadd.f32 v1, v14;
	[tilespmem:s30+$0x440] =	vst v4  }
0x80: {  	v2 =	vmax.f32 v2, $0.0e+00;
	[tilespmem:s30+$0x450] =	vst v3  }
0x81: {  	v1 =	vmax.f32 v1, $0.0e+00;
	[tilespmem:s30+$0x460] =	vst v2  }
0x82: {  	[tilespmem:s30+$0x470] =	vst v1  }
.LBB2_10:
0x83: {  	s30 =	simm.s32 $0x0  }
0x84: {  	v7 =	vld [tilespmem:s30+$0x7C00]  }
0x85: {  	v12 =	vld [tilespmem:s30+$0x7C10]  }
0x86: {  	v5 =	vld [tilespmem:s30+$0x7C20]  }
0x87: {  	v6 =	vld [tilespmem:s30+$0x7C30]  }
0x88: {  	v4 =	vld [tilespmem:s30+$0x7C40]  }
0x89: {  	v3 =	vld [tilespmem:s30+$0x7C50]  }
0x8a: {  	v2 =	vld [tilespmem:s30+$0x7C60]  }
0x8b: {  	v1 =	vld [tilespmem:s30+$0x7C70]  }
0x8c: {  	v13 =	vld [tilespmem:s30+$0x2C00]  }
0x8d: {  	v14 =	vld [tilespmem:s30+$0x2C10]  }
0x8e: {  	v11 =	vld [tilespmem:s30+$0x2C20]  }
0x8f: {  	v10 =	vld [tilespmem:s30+$0x2C30]  }
0x90: {  	v9 =	vld [tilespmem:s30+$0x2C40]  }
0x91: {  	v8 =	vld [tilespmem:s30+$0x2C50];
	v13 =	vadd.f32 v7, v13  }
0x92: {  	s31 =	simm.s32 $0x200;
	v7 =	vld [tilespmem:s30+$0x2C60];
	v12 =	vadd.f32 v12, v14  }
.LBB2_11:
0x93: {  	s0 =	sshra.s32 s31, $0x2;
	p1 =	sne.s32 s31, $0x9E00;
	v14 =	vld [tilespmem:s30+$0x2C70];
	v13 =	vmax.f32 v13, $0.0e+00;
	v5 =	vadd.f32 v5, v11  }
0x94: {  	v15 =	vld [tilespmem:s0+$0x7C00];
	v11 =	vmax.f32 v12, $0.0e+00;
	v6 =	vadd.f32 v6, v10;
	[tilespmem:s30+$0x2C00] =	vst v13  }
0x95: {  	v12 =	vld [tilespmem:s0+$0x7C10];
	v10 =	vmax.f32 v5, $0.0e+00;
	v4 =	vadd.f32 v4, v9;
	[tilespmem:s30+$0x2C10] =	vst v11  }
0x96: {  	v5 =	vld [tilespmem:s0+$0x7C20];
	v9 =	vmax.f32 v6, $0.0e+00;
	v3 =	vadd.f32 v3, v8;
	[tilespmem:s30+$0x2C20] =	vst v10  }
0x97: {  	v6 =	vld [tilespmem:s0+$0x7C30];
	v8 =	vmax.f32 v4, $0.0e+00;
	v2 =	vadd.f32 v2, v7;
	[tilespmem:s30+$0x2C30] =	vst v9  }
0x98: {  	v4 =	vld [tilespmem:s0+$0x7C40];
	v7 =	vmax.f32 v3, $0.0e+00;
	v1 =	vadd.f32 v1, v14;
	[tilespmem:s30+$0x2C40] =	vst v8  }
0x99: {  	v3 =	vld [tilespmem:s0+$0x7C50];
	v8 =	vmax.f32 v2, $0.0e+00;
	[tilespmem:s30+$0x2C50] =	vst v7  }
0x9a: {  	v2 =	vld [tilespmem:s0+$0x7C60];
	v7 =	vmax.f32 v1, $0.0e+00;
	[tilespmem:s30+$0x2C60] =	vst v8  }
0x9b: {  	v1 =	vld [tilespmem:s0+$0x7C70];
	[tilespmem:s30+$0x2C70] =	vst v7;
	s30 =	smov.u32 s0  }
0x9c: {  	v7 =	vld [tilespmem:s30+$0x2C00]  }
0x9d: {  	v14 =	vld [tilespmem:s30+$0x2C10]  }
.Ltmp8:
0x9e: {  	v11 =	vld [tilespmem:s30+$0x2C20];
	(pc) =	sbr.rel @p1 .LBB2_11-.Ltmp8, $4  }
0x9f: {  	v10 =	vld [tilespmem:s30+$0x2C30]  }
0xa0: {  	v9 =	vld [tilespmem:s30+$0x2C40]  }
0xa1: {  	v8 =	vld [tilespmem:s30+$0x2C50];
	v13 =	vadd.f32 v15, v7  }
0xa2: {  	s31 =	sadd.s32 $0x200, s31;
	v7 =	vld [tilespmem:s30+$0x2C60];
	v12 =	vadd.f32 v12, v14  }
0xa3: {  	v14 =	vld [tilespmem:s30+$0x2C70];
	v13 =	vmax.f32 v13, $0.0e+00;
	v5 =	vadd.f32 v5, v11  }
0xa4: {  	v63 =	vmax.f32 v12, $0.0e+00;
	v6 =	vadd.f32 v6, v10;
	[tilespmem:s30+$0x2C00] =	vst v13  }
0xa5: {  	v5 =	vmax.f32 v5, $0.0e+00;
	v4 =	vadd.f32 v4, v9;
	[tilespmem:s30+$0x2C10] =	vst v63  }
0xa6: {  	v6 =	vmax.f32 v6, $0.0e+00;
	v3 =	vadd.f32 v3, v8;
	[tilespmem:s30+$0x2C20] =	vst v5  }
.Ltmp9:
0xa7: {  	v4 =	vmax.f32 v4, $0.0e+00;
	v2 =	vadd.f32 v2, v7;
	[tilespmem:s30+$0x2C30] =	vst v6;
	(pc) =	sbr.rel .LBB2_13-.Ltmp9, $4  }
0xa8: {  	v3 =	vmax.f32 v3, $0.0e+00;
	v1 =	vadd.f32 v1, v14;
	[tilespmem:s30+$0x2C40] =	vst v4  }
0xa9: {  	v2 =	vmax.f32 v2, $0.0e+00;
	[tilespmem:s30+$0x2C50] =	vst v3  }
0xaa: {  	v1 =	vmax.f32 v1, $0.0e+00;
	[tilespmem:s30+$0x2C60] =	vst v2  }
0xab: {  	[tilespmem:s30+$0x2C70] =	vst v1  }
.LBB2_14:
0xac: {  	_ =	swait.ge [sflag:s23], $0x2800  }
0xad: {  	[sflag:s23] =	ssyncset.done $0x0  }
0xae: {  	[sflag:s23] =	ssyncadd.s32 $0xFFFFD800  }
0xaf: {  	_ =	swait.ge [sflag:s24], $0x2800  }
0xb0: {  	[sflag:s24] =	ssyncset.done $0x0  }
0xb1: {  	[sflag:s24] =	ssyncadd.s32 $0xFFFFD800  }
0xb2: {  	[bflag:$0x0] =	sbarrier.arrive $0xFFFF  }
0xb3: {  	[tilespmem:s17], [sflag:$0xB] =	stream.linear.gather [spmem:s15], $0x2800, $0x38;
	[tilespmem:$0x1DC80] =	vst v63  }
0xb4: {  	_ =	swait.ge [sflag:s18], $0x2800  }
.Ltmp10:
0xb5: {  	s0 =	sshrl.u32 s16, $0x3;
	[sflag:s18] =	ssyncset.done $0x0;
	(pc) =	sbr.rel @!p0 .LBB2_16-.Ltmp10, $4  }
0xb6: {  	s0 =	sadd.s32 s9, s0;
	[sflag:s18] =	ssyncadd.s32 $0xFFFFD800  }
0xb7: {  	[hbm4b:s0+s4] =	stream.linear.scatter [tilespmem:s17], [sflag:$0xB], $0x2800, $0x38;
	[tilespmem:$0x1DC80] =	vst v63  }
0xb8: {  	s26 =	sadd.s32 $0xFFFFFFFF, s10;
	_ =	swait.ge [sflag:s18], $0x2800  }
0xb9: {  	s28 =	smov.u32 s16;
	s29 =	smov.u32 s15;
	[sflag:s18] =	ssyncset.done $0x0  }
.LBB2_15:
0xba: {  	[sflag:s18] =	ssyncadd.s32 $0xFFFFD800;
	s28 =	sadd.s32 $0x2800, s28;
	s29 =	sadd.s32 $0x2800, s29  }
0xbb: {  	[tilespmem:s17], [sflag:$0xB] =	stream.linear.gather [spmem:s29], $0x2800, $0x38;
	[tilespmem:$0x1DC80] =	vst v63  }
0xbc: {  	p0 =	sne.s32 s26, $0x1;
	s26 =	sadd.s32 $0xFFFFFFFF, s26;
	_ =	swait.ge [sflag:s18], $0x2800  }
.Ltmp11:
0xbd: {  	s0 =	sshrl.u32 s28, $0x3;
	[sflag:s18] =	ssyncset.done $0x0;
	(pc) =	sbr.rel @p0 .LBB2_15-.Ltmp11, $4  }
0xbe: {  	s0 =	sadd.s32 s9, s0;
	[sflag:s18] =	ssyncadd.s32 $0xFFFFD800  }
0xbf: {  	[hbm4b:s0+s4] =	stream.linear.scatter [tilespmem:s17], [sflag:$0xB], $0x2800, $0x38;
	[tilespmem:$0x1DC80] =	vst v63  }
0xc0: {  	_ =	swait.ge [sflag:s18], $0x2800  }
0xc1: {  	[sflag:s18] =	ssyncset.done $0x0  }
.LBB2_16:
0xc2: {  	s25 =	sadd.s32 $0x1, s25  }
0xc3: {  	p0 =	sne.s32 s25, s14  }
.Ltmp12:
0xc4: {  	_ = 	snop;
	(pc) =	sbr.rel @p0 .LBB2_1-.Ltmp12, $2  }
0xc5: {  	_ =	sdelay $0x2  }
0xc6: {  	[sflag:s18] =	ssyncadd.s32 $0xFFFFD800  }
0xc7: {  	_ =	sfence.sel $0x180000  }
0xc8: {  	[bflag:$0x0] =	sbarrier.arrive $0xFFFF  }
0xc9: {  	_ =	strace $0x9000004A  }
0xca: {  	s0 =	stileid.u32;
	[bflag:$0x2] =	sbarrier.arrive $0xFFFF  }
0xcb: {  	p0 =	sne.s32 s0, $0x0;
	s0 =	rddreg [dreg:$0x3]  }
0xcc: {  	s0 =	sadd.s32 @!p0 $0x100000, s0  }
0xcd: {  	[sflag:s0] =	ssyncadd.tile.s32 @!p0 $0x1;
	_ =	shalt  }
.Lfunc_end2:
_tile_overlayer_lowered:
.L_overlay_start_2:
0xce: {  	(tag) =	ssettag $0x2  }
0xcf: {  	s0 =	rddreg [dreg:$0x0];
	s2 =	stileid.u32  }
0xd0: {  	s1 =	rddreg [dreg:$0x1];
	p0 =	sne.s32 s2, $0x0  }
0xd1: {  	s3 =	rddreg [dreg:$0x2];
	[bflag:$0x3] =	sbarrier.arrive $0xFFFF;
	s2 =	simm.s32 @!p0 $0x1C0B  }
0xd2: {  	[timem:s3], [sflag:s2] =	dma.local @!p0 [hbm:s0], s1  }
0xd3: {  	s0 =	simm.s32 @!p0 $0xB  }
0xd4: {  	_ =	swait.ge @!p0 [sflag:s0], s1  }
0xd5: {  	s1 =	ssub.s32 @!p0 $0x0, s1;
	[sflag:s0] =	ssyncset.done @!p0 $0x0  }
0xd6: {  	[sflag:s0] =	ssyncadd.s32 @!p0 s1  }
0xd7: {  	[bflag:$0x3] =	sbarrier.arrive $0xFFFF  }
0xd8: {  	_ =	shalt  }

// kernel: kernel.18.cloned.1.call-start
scs
__scs_entry_jumppad:
0x0: {  	(pc) =	sbr.rel $0x88, $3  }
0x1: {  	(tag) =	ssettag $0x0;
	lr =	simm.s32 $0x1  }
0x2: {  	[smem:$0x3F83] =	sst lr;
	_ =	strace $0xD0000000  }
0x3: {  	_ = 	snop  }
0x4: {  	_ = 	snop  }
0x5: {  	_ = 	snop  }
0x6: {  	_ = 	snop  }
0x7: {  	_ = 	snop  }
__scs_overlays_trampoline_lowered:
0x8: {  	[smem:$0x3F92] =	sst s0  }
0x9: {  	[smem:$0x3F93] =	sst s1  }
0xa: {  	[smem:$0x3F94] =	sst s2  }
0xb: {  	[smem:$0x3F95] =	sst s3  }
0xc: {  	[smem:$0x3F96] =	sst s4  }
0xd: {  	[smem:$0x3F97] =	sst s5  }
0xe: {  	[smem:$0x3F98] =	sst s6  }
0xf: {  	[smem:$0x3F99] =	sst s7  }
0x10: {  	[smem:$0x3F9A] =	sst s8  }
0x11: {  	[smem:$0x3F9B] =	sst s9;
	s0 =	simm.s32 @!p0 $0x0  }
0x12: {  	s1 =	sld [smem:$0x3F81];
	s0 =	simm.s32 @p0 $0x1  }
0x13: {  	[smem:$0x3F9C] =	sst s0;
	s0 =	simm.s32 @!p1 $0x0  }
0x14: {  	s2 =	sld [smem:$0x3F80];
	s0 =	simm.s32 @p1 $0x1  }
0x15: {  	[smem:$0x3F9D] =	sst s0;
	s0 =	simm.s32 @!p2 $0x0  }
0x16: {  	s3 =	sld [smem:$0x3FDB];
	s0 =	simm.s32 @p2 $0x1  }
0x17: {  	s4 =	simm.s32 $0x1BF5;
	[smem:$0x3F9F] =	sst s0  }
0x18: {  	s0 =	sld [smem:$0x3F82];
	_ =	swait.ge [sflag:s4], $0x0  }
0x19: {  	s7 =	sld [smem:$0x3F83]  }
0x1a: {  	s8 =	sadd.s32 $0xFFFFE003, lr  }
0x1b: {  	s9 =	sadd.s32 $0xFFFFFEF7, lr;
	s5 =	simm.s32 $0xFFFFFFFF;
	p2 =	slt.u32 s8, $0xFFFFF086  }
0x1c: {  	p1 =	slt.u32 s9, $0xF7A;
	s5 =	simm.s32 @!p2 $0x0  }
0x1d: {  	s5 =	simm.s32 @p1 $0x1;
	p0 =	seq.s32 s7, s2  }
0x1e: {  	s7 =	smul.u32 @!p0 $0xF7A, s2;
	p2 =	seq.s32 @!p0 s5, $0x0  }
0x1f: {  	s9 =	smul.u32 $0xF7A, s1;
	s8 =	simm.s32 @!p0 $0x1BF5;
	p2 =	por !p2, p0  }
0x20: {  	[sflag:s8] =	ssyncset.s32 @!p0 $0xFFFFF086;
	s6 =	sadd.s32 @!p0 s3, s7;
	s7 =	simm.s32 @!p0 $0x108  }
0x21: {  	s3 =	sadd.s32 s3, s9;
	s6 =	sadd.s32 @!p0 $0x88, s6;
	s7 =	simm.s32 @p2 $0x1082  }
0x22: {  	[simem:s7], [sflag:s8] =	dma.local @!p0 [hbm:s6], $0xF7A  }
0x23: {  	s9 =	sor.u32 $0xD0000000, s2;
	s6 =	simm.s32 $0x108;
	_ =	swait.ge @!p0 [sflag:s8], $0x0  }
0x24: {  	s3 =	sadd.s32 $0x88, s3;
	s6 =	simm.s32 @!p1 $0x1082;
	[sflag:s4] =	ssyncset.s32 $0xFFFFF086  }
0x25: {  	[simem:s6], [sflag:s4] =	dma.local [hbm:s3], $0xF7A  }
0x26: {  	[smem:$0x3F83] =	sst s1;
	(tag) =	ssettag s2;
	_ =	strace s9  }
0x27: {  	s1 =	sld [smem:$0x3F93]  }
0x28: {  	s2 =	sld [smem:$0x3F94]  }
0x29: {  	s4 =	sld [smem:$0x3F96]  }
0x2a: {  	p0 =	seq.s32 s5, $0x0;
	s5 =	sld [smem:$0x3F97]  }
0x2b: {  	s6 =	sld [smem:$0x3F98]  }
0x2c: {  	s7 =	sld [smem:$0x3F99]  }
0x2d: {  	s3 =	simm.s32 $0x108;
	s8 =	sld [smem:$0x3F9A]  }
0x2e: {  	s3 =	simm.s32 @!p0 $0x1082;
	s9 =	sld [smem:$0x3F9B]  }
0x2f: {  	lr =	sadd.s32 s0, s3;
	s0 =	sld [smem:$0x3F92]  }
0x30: {  	s3 =	sld [smem:$0x3F95]  }
0x31: {  	[smem:$0x3F9E] =	sst s10  }
0x32: {  	s10 =	sld [smem:$0x3F9C];
	_ =	sdelay $0x3  }
0x33: {  	p0 =	seq.s32 s10, $0x1;
	s10 =	sld [smem:$0x3F9E];
	_ =	sdelay $0x3  }
0x34: {  	[smem:$0x3F9E] =	sst s10  }
0x35: {  	s10 =	sld [smem:$0x3F9D];
	_ =	sdelay $0x3  }
0x36: {  	p1 =	seq.s32 s10, $0x1;
	s10 =	sld [smem:$0x3F9E];
	_ =	sdelay $0x3  }
0x37: {  	[smem:$0x3F9E] =	sst s10  }
0x38: {  	s10 =	sld [smem:$0x3F9F]  }
0x39: {  	_ = 	snop;
	(pc) =	sbr.ind lr, $3  }
0x3a: {  	_ = 	snop  }
0x3b: {  	_ = 	snop  }
0x3c: {  	p2 =	seq.s32 s10, $0x1;
	s10 =	sld [smem:$0x3F9E]  }
0x3d: {  	_ =	shalt  }
0x3e: {  	_ =	shalt  }
0x3f: {  	_ =	shalt  }
0x40: {  	_ =	shalt  }
0x41: {  	_ =	shalt  }
0x42: {  	_ =	shalt  }
0x43: {  	_ =	shalt  }
0x44: {  	_ =	shalt  }
0x45: {  	_ =	shalt  }
0x46: {  	_ =	shalt  }
0x47: {  	_ =	shalt  }
0x48: {  	_ =	shalt  }
0x49: {  	_ =	shalt  }
0x4a: {  	_ =	shalt  }
0x4b: {  	_ =	shalt  }
0x4c: {  	_ =	shalt  }
0x4d: {  	_ =	shalt  }
0x4e: {  	_ =	shalt  }
0x4f: {  	_ =	shalt  }
0x50: {  	_ =	shalt  }
0x51: {  	_ =	shalt  }
0x52: {  	_ =	shalt  }
0x53: {  	_ =	shalt  }
0x54: {  	_ =	shalt  }
0x55: {  	_ =	shalt  }
0x56: {  	_ =	shalt  }
0x57: {  	_ =	shalt  }
0x58: {  	_ =	shalt  }
0x59: {  	_ =	shalt  }
0x5a: {  	_ =	shalt  }
0x5b: {  	_ =	shalt  }
0x5c: {  	_ =	shalt  }
0x5d: {  	_ =	shalt  }
0x5e: {  	_ =	shalt  }
0x5f: {  	_ =	shalt  }
0x60: {  	_ =	shalt  }
0x61: {  	_ =	shalt  }
0x62: {  	_ =	shalt  }
0x63: {  	_ =	shalt  }
0x64: {  	_ =	shalt  }
0x65: {  	_ =	shalt  }
0x66: {  	_ =	shalt  }
0x67: {  	_ =	shalt  }
0x68: {  	_ =	shalt  }
0x69: {  	_ =	shalt  }
0x6a: {  	_ =	shalt  }
0x6b: {  	_ =	shalt  }
0x6c: {  	_ =	shalt  }
0x6d: {  	_ =	shalt  }
0x6e: {  	_ =	shalt  }
0x6f: {  	_ =	shalt  }
0x70: {  	_ =	shalt  }
0x71: {  	_ =	shalt  }
0x72: {  	_ =	shalt  }
0x73: {  	_ =	shalt  }
0x74: {  	_ =	shalt  }
0x75: {  	_ =	shalt  }
0x76: {  	_ =	shalt  }
0x77: {  	_ =	shalt  }
0x78: {  	_ =	shalt  }
0x79: {  	_ =	shalt  }
0x7a: {  	_ =	shalt  }
0x7b: {  	_ =	shalt  }
0x7c: {  	_ =	shalt  }
0x7d: {  	_ =	shalt  }
0x7e: {  	_ =	shalt  }
0x7f: {  	_ =	shalt  }
0x80: {  	_ =	shalt  }
0x81: {  	_ =	shalt  }
0x82: {  	_ =	shalt  }
0x83: {  	_ =	shalt  }
0x84: {  	_ =	shalt  }
0x85: {  	_ =	shalt  }
0x86: {  	_ =	shalt  }
0x87: {  	_ =	shalt  }
.Lfunc_end0:
.L_simem_size_0:
called_computation.2_lowered:
.L_overlay_start_0:
0x88: {  	s2 =	sld [smem:$0x3FD9]  }
0x89: {  	s3 =	sld [smem:$0x3FFE];
	_ =	sdelay $0x1  }
0x8a: {  	s1 =	srdreg.scid  }
0x8b: {  	s0 =	sand.u32 $0x1, s1  }
0x8c: {  	s17 =	sshll.u32 s0, $0xA;
	s2 =	sadd.s32 s3, s2  }
0x8d: {  	s2 =	sadd.s32 s2, s17  }
0x8e: {  	[smem:$0x3FAA] =	sst s2  }
0x8f: {  	_ = 	snop  }
0x90: {  	s2 =	sld [smem:$0x3FD0];
	(tm) =	ssettm $0x1  }
0x91: {  	s18 =	sld [smem:$0x3FFB];
	_ =	sdelay $0x3  }
0x92: {  	_ =	strace s18  }
0x93: {  	s3 =	sld [smem:$0x3FFC];
	_ =	sdelay $0x3  }
0x94: {  	_ =	strace s3  }
0x95: {  	s3 =	sld [smem:$0x3FFD];
	_ =	sdelay $0x3  }
0x96: {  	_ =	strace s3  }
0x97: {  	_ =	strace $0x8FFFFFFF  }
0x98: {  	s19 =	sld [smem:$0x3FDB];
	_ =	sdelay $0x1  }
0x99: {  	s4 =	simm.s32 $_scs_section_size  }
0x9a: {  	s5 =	simm.s32 $_size__tile_overlayer_lowered;
	s6 =	simm.s32 $_tile_overlayer_lowered  }
0x9b: {  	s22 =	simm.s32 $0x1BFF;
	s21 =	sshll.u32 s6, $0x1;
	s3 =	sadd.s32 s4, s19  }
0x9c: {  	s7 =	simm.s32 $0x0;
	s20 =	sshll.u32 s5, $0x1;
	s5 =	sadd.s32 s21, s3  }
0x9d: {  	[timem:s7], [sflag:s22] =	dma.local [hbm:s5], s20  }
0x9e: {  	_ =	swait.ge [sflag:s22], s20  }
0x9f: {  	s4 =	ssub.s32 $0x0, s20;
	[sflag:s22] =	ssyncset.done $0x0  }
0xa0: {  	[sflag:s22] =	ssyncadd.s32 s4;
	_ =	sdelay $0x1  }
0xa1: {  	s23 =	simm.s32 $0x1B8B  }
0xa2: {  	_ =	swait.ge [sflag:s23], $0x1  }
0xa3: {  	[sflag:s23] =	ssyncset.done $0x0  }
0xa4: {  	s25 =	simm.s32 $0x1B8E;
	s24 =	sld [smem:$0x3FFE];
	[sflag:s23] =	ssyncadd.s32 $0xFFFFFFFF  }
0xa5: {  	s26 =	simm.s32 $execute0_lowered;
	[smem:$0x3FD2] =	sst s25  }
0xa6: {  	s5 =	sshll.u32 s26, $0x1;
	_ =	strace $0x8000004C;
	[dreg:$0x1] =	wrdreg $0xFFFFFFFF  }
0xa7: {  	s28 =	simm.s32 $_size_execute0_lowered;
	s3 =	sadd.s32 s3, s5;
	[dreg:$0x0] =	wrdreg $0x0  }
0xa8: {  	s5 =	sshll.u32 s28, $0x1;
	[dreg:$0x2] =	wrdreg s3  }
0xa9: {  	[dreg:$0x3] =	wrdreg s5  }
0xaa: {  	[dreg:$0x4] =	wrdreg $0xC0  }
0xab: {  	_ =	task [dreg:s7], $0x5FFFF  }
0xac: {  	[dreg:$0x1] =	wrdreg $0xFFFFFFFF  }
0xad: {  	[dreg:$0x0] =	wrdreg $0x60  }
0xae: {  	[dreg:$0x2] =	wrdreg s2  }
0xaf: {  	[dreg:$0x3] =	wrdreg s24  }
0xb0: {  	[dreg:$0x4] =	wrdreg $0xA4000  }
0xb1: {  	[dreg:$0x5] =	wrdreg $0x9  }
0xb2: {  	_ =	task.clear_ibuf [dreg:s7], $0x6FFFF;
	_ =	strace $0x9000004C  }
0xb3: {  	s29 =	simm.s32 $0x9;
	_ =	strace $0x8000004E  }
0xb4: {  	_ =	swait.ge [sflag:s29], $0x1  }
0xb5: {  	[sflag:s29] =	ssyncadd.s32 $0xFFFFFFFF  }
0xb6: {  	_ =	strace $0x9000004E  }
0xb7: {  	_ =	sfence  }
0xb8: {  	s30 =	sld [smem:$0x0];
	_ =	sdelay $0x2  }
0xb9: {  	s31 =	sshll.u32 s1, $0xD;
	s1 =	sshrl.u32 s1, $0x2  }
0xba: {  	s3 =	sand.u32 $0x4000, s31;
	s1 =	sadd.s32 s1, s30  }
0xbb: {  	s0 =	sor.u32 s3, s0;
	s1 =	sshll.u32 s1, $0x11  }
0xbc: {  	s0 =	sor.u32 s1, s0  }
0xbd: {  	s0 =	sadd.s32 $0x8F2B, s0  }
0xbe: {  	[sflag:s0] =	ssyncadd.remote.s32 $0x1  }
0xbf: {  	_ =	sfence.sel $0xFFFF  }
0xc0: {  	[dreg:$0x0] =	wrdreg $0xFFFFFFFF;
	(pc) =	sbr.abs _section_cstart, $3  }
0xc1: {  	[dreg:$0x1] =	wrdreg $0xFFFFFFFF  }
0xc2: {  	_ =	task.clear_ibuf [dreg:s7], $0x2FFFF;
	_ =	strace $0x9FFFFFFF  }
0xc3: {  	(tm) =	ssettm $0x7FFFFFFF  }
tec
execute0_lowered:
.L_overlay_start_1:
0x0: {  	(tag) =	ssettag $0x1  }
0x1: {  	s1 =	rddreg [dreg:$0x0]  }
0x2: {  	s9 =	rddreg [dreg:$0x1]  }
0x3: {  	s3 =	rddreg [dreg:$0x2]  }
0x4: {  	s4 =	simm.s32 $0x0;
	s5 =	srdreg.scid;
	s0 =	stileid.u32  }
0x5: {  	s19 =	simm.s32 $0x1;
	s20 =	simm.s32 $0x50;
	s23 =	simm.s32 $0x9  }
0x6: {  	s24 =	simm.s32 $0xA;
	s25 =	simm.s32 $0x0;
	[smem:$0x7FF] =	sst s4  }
0x7: {  	s10 =	sand.u32 $0x1, s5;
	s5 =	sadd.s32 $0xA38E00, s9;
	s17 =	smul.u32 $0x50000, s0  }
0x8: {  	s29 =	sshll.u32 s0, $0x1;
	s7 =	sadd.s32 $0x4E9800, s9;
	s18 =	smul.u32 $0x14000, s0  }
0x9: {  	s9 =	sadd.s32 $0x508C00, s9;
	s11 =	sor.u32 s10, s29;
	s16 =	smul.u32 $0x138800, s10  }
0xa: {  	p0 =	seq.s32 s0, $0xF;
	_ =	strace $0x8000004D;
	s6 =	smul.u32 $0x7D00, s11  }
0xb: {  	s12 =	ssub.s32 $0x2, s10;
	s10 =	simm.s32 $0x5;
	s8 =	smul.u32 $0x2710, s11  }
0xc: {  	s13 =	sshrl.u32 s12, $0x1;
	s14 =	smul.u32 $0x27100, s11;
	s10 =	simm.s32 @!p0 $0x8  }
0xd: {  	s17 =	sshrl.u32 s17, $0x2;
	s15 =	ssub.s32 s12, s13;
	s16 =	sadd.s32 s18, s16  }
0xe: {  	s18 =	simm.s32 $0xB;
	s30 =	sshrl.u32 s6, $0x3;
	s31 =	sadd.s32 s5, s14  }
0xf: {  	s14 =	smax.u32 s15, $0x1;
	s15 =	sadd.s32 s17, s3;
	s11 =	sadd.s32 s7, s30  }
0x10: {  	v0 =	vimm.f32 $0.0e+00;
	s17 =	simm.s32 $0x400;
	[dreg:$0x4] =	wrdreg s31;
	s13 =	sadd.s32 $0x20, s11  }
.LBB2_1:
0x11: {  	s26 =	simm.s32 $0x0;
	s28 =	simm.s32 $0x200  }
.LBB2_2:
0x12: {  	p0 =	sne.s32 s28, $0x9E00;
	[tilespmem:s26+$0x470] =	vst v0  }
0x13: {  	[tilespmem:s26+$0x400] =	vst v0  }
0x14: {  	[tilespmem:s26+$0x410] =	vst v0  }
.Ltmp0:
0x15: {  	[tilespmem:s26+$0x420] =	vst v0;
	(pc) =	sbr.rel @p0 .LBB2_2-.Ltmp0, $4  }
0x16: {  	[tilespmem:s26+$0x430] =	vst v0  }
0x17: {  	[tilespmem:s26+$0x440] =	vst v0  }
0x18: {  	[tilespmem:s26+$0x450] =	vst v0  }
0x19: {  	[tilespmem:s26+$0x460] =	vst v0;
	s26 =	sshra.s32 s28, $0x2;
	s28 =	sadd.s32 $0x200, s28  }
0x1a: {  	[tilespmem:s26+$0x470] =	vst v0  }
0x1b: {  	[tilespmem:s26+$0x400] =	vst v0  }
0x1c: {  	[tilespmem:s26+$0x410] =	vst v0  }
0x1d: {  	[tilespmem:s26+$0x420] =	vst v0  }
0x1e: {  	[tilespmem:s26+$0x430] =	vst v0  }
0x1f: {  	[tilespmem:s26+$0x440] =	vst v0;
	p0 =	sne.s32 s10, $0x1  }
.Ltmp1:
0x20: {  	[tilespmem:s26+$0x450] =	vst v0;
	(pc) =	sbr.rel @!p0 .LBB2_5-.Ltmp1, $4  }
0x21: {  	[tilespmem:s26+$0x460] =	vst v0  }
0x22: {  	[spmem:s15] =	stream.linear.scatter [tilespmem:s17], [sflag:$0xB], $0x2800, $0x38;
	[tilespmem:$0x1DC80] =	vst v63  }
0x23: {  	_ =	swait.ge [sflag:s18], $0x2800  }
0x24: {  	s26 =	sadd.s32 $0xFFFFFFFF, s10;
	s28 =	smov.u32 s15;
	[sflag:s18] =	ssyncset.done $0x0  }
.LBB2_4:
0x25: {  	p1 =	sne.s32 s26, $0x1;
	[sflag:s18] =	ssyncadd.s32 $0xFFFFD800;
	s28 =	sadd.s32 $0x2800, s28  }
.Ltmp2:
0x26: {  	s26 =	sadd.s32 $0xFFFFFFFF, s26;
	(pc) =	sbr.rel @p1 .LBB2_4-.Ltmp2, $4  }
0x27: {  	_ = 	snop  }
0x28: {  	[spmem:s28] =	stream.linear.scatter [tilespmem:s17], [sflag:$0xB], $0x2800, $0x38;
	[tilespmem:$0x1DC80] =	vst v63  }
0x29: {  	_ =	swait.ge [sflag:s18], $0x2800  }
0x2a: {  	[sflag:s18] =	ssyncset.done $0x0  }
.LBB2_5:
0x2b: {  	[sflag:s18] =	ssyncadd.s32 $0xFFFFD800;
	s26 =	simm.s32 $0x0  }
0x2c: {  	[tilespmem:s26], [sflag:$0x1] =	stream.linear.gather [hbm4b:s11+s26], $0x100, $0x38;
	[tilespmem:$0x1DC80] =	vst v63  }
0x2d: {  	_ =	swait.ge [sflag:s19], $0x100  }
0x2e: {  	[sflag:s19] =	ssyncset.done $0x0  }
0x2f: {  	[sflag:s19] =	ssyncadd.s32 $0xFFFFFF00  }
0x30: {  	[tilespmem:s17], [sflag:$0x5] =	stream.indirect.gather [hbm4b:s1+s20], $0x80, s26, s20, $0xb8;
	[tilespmem:$0x1DC80] =	vst v63  }
0x31: {  	s2 =	simm.s32 $0x5400;
	s0 =	rddreg [dreg:$0x4]  }
0x32: {  	[tilespmem:s2], [sflag:$0x7] =	stream.linear.gather [hbm4b:s0+s26], $0x2800, $0x38;
	[tilespmem:$0x1DC80] =	vst v63  }
.Ltmp3:
0x33: {  	_ = 	snop;
	(pc) =	sbr.rel .LBB2_6-.Ltmp3, $3  }
0x34: {  	s31 =	simm.s32 $0x100  }
0x35: {  	[tilespmem:s31], [sflag:$0x2] =	stream.linear.gather [hbm4b:s13+s26], $0x100, $0x38;
	[tilespmem:$0x1DC80] =	vst v63  }
0x36: {  	[bflag:$0x0] =	sbarrier.arrive $0xFFFF;
	_ =	sdelay $0x1  }
.LBB2_13:
0x37: {  	s0 =	smul.u32 $0xA000, s28;
	p1 =	sne.s32 s29, $0x7D  }
.Ltmp4:
0x38: {  	_ = 	snop;
	(pc) =	sbr.rel @!p1 .LBB2_14-.Ltmp4, $4  }
0x39: {  	s2 =	sshll.u32 s26, $0x8  }
0x3a: {  	s12 =	sadd.s32 $0x9, s28;
	s2 =	sand.u32 $0x300, s2;
	s0 =	sshrl.u32 s0, $0x2  }
0x3b: {  	s26 =	smov.u32 s29;
	s2 =	sor.u32 $0x80, s2;
	s0 =	sor.u32 $0x400, s0  }
0x3c: {  	[spmem:s3] =	stream.indirect.scatter.add.f32 [tilespmem:s0], [sflag:s12], $0x80, s2, s20, $0xb8;
	[tilespmem:$0x1DC80] =	vst v63  }
.LBB2_6:
0x3d: {  	s28 =	sand.u32 $0x1, s26  }
0x3e: {  	s29 =	sadd.s32 $0x5, s28  }
0x3f: {  	_ =	swait.ge [sflag:s29], $0x2800  }
0x40: {  	[sflag:s29] =	ssyncset.done $0x0  }
0x41: {  	p1 =	seq.s32 s26, $0x7C;
	s30 =	sadd.s32 $0x7, s28;
	[sflag:s29] =	ssyncadd.s32 $0xFFFFD800  }
0x42: {  	p2 =	seq.s32 @!p1 s26, $0x0;
	s29 =	sadd.s32 $0x1, s26;
	_ =	swait.ge [sflag:s30], $0x2800  }
0x43: {  	s22 =	simm.s32 @!p1 $0x50;
	s31 =	sand.u32 $0x3, s29;
	[sflag:s30] =	ssyncset.done $0x0  }
0x44: {  	p2 =	por p2, p1;
	[sflag:s30] =	ssyncadd.s32 $0xFFFFD800;
	s30 =	sadd.s32 @!p1 $0x1, s31  }
0x45: {  	s0 =	sand.u32 $0x1, s29;
	s12 =	smul.u32 @!p1 $0x50, s29;
	_ =	swait.ge @!p1 [sflag:s30], $0x100  }
0x46: {  	s2 =	smul.u32 @!p1 $0x2800, s0;
	s21 =	sadd.s32 @!p1 $0x5, s0;
	[sflag:s30] =	ssyncset.done @!p1 $0x0  }
0x47: {  	s12 =	sadd.s32 @!p1 s8, s12;
	[sflag:s30] =	ssyncadd.s32 @!p1 $0xFFFFFF00;
	s30 =	sadd.s32 @!p2 $0x9, s0  }
0x48: {  	s31 =	sshll.u32 @!p1 s31, $0x8;
	s12 =	sshll.u32 @!p1 s12, $0x4;
	_ =	swait.ge @!p2 [sflag:s30], $0x2800  }
0x49: {  	s12 =	sadd.s32 @!p1 s5, s12;
	s0 =	sadd.s32 @!p1 $0x7, s0;
	[sflag:s30] =	ssyncset.done @!p2 $0x0  }
0x4a: {  	[sflag:s30] =	ssyncadd.s32 @!p2 $0xFFFFD800;
	s30 =	sor.u32 @!p1 $0x400, s2;
	p2 =	sgt.u32 @!p1 s26, $0x7A  }
0x4b: {  	[tilespmem:s30], [sflag:s21] =	stream.indirect.gather @!p1 [hbm4b:s1+s22], $0x80, s31, s22, $0xb8;
	[tilespmem:$0x1DC80] =	vst v63  }
0x4c: {  	s2 =	sadd.s32 @!p1 $0x5400, s2;
	s21 =	simm.s32 @!p1 $0x0;
	p3 =	por p2, p1  }
0x4d: {  	[tilespmem:s2], [sflag:s0] =	stream.linear.gather @!p1 [hbm4b:s12+s21], $0x2800, $0x38;
	[tilespmem:$0x1DC80] =	vst v63  }
0x4e: {  	s0 =	sadd.s32 @!p3 $0x2, s26  }
0x4f: {  	s2 =	sshll.u32 @!p3 s0, $0x8  }
0x50: {  	s2 =	sadd.s32 @!p3 s6, s2  }
0x51: {  	s21 =	simm.s32 @!p3 $0x0;
	s0 =	sand.u32 @!p3 $0x3, s0;
	s2 =	sshrl.u32 @!p3 s2, $0x3  }
0x52: {  	s12 =	sshll.u32 @!p3 s0, $0x8;
	s0 =	sadd.s32 @!p3 $0x1, s0;
	s2 =	sadd.s32 @!p3 s7, s2  }
0x53: {  	[tilespmem:s12], [sflag:s0] =	stream.linear.gather @!p3 [hbm4b:s2+s21], $0x100, $0x38;
	[tilespmem:$0x1DC80] =	vst v63  }
0x54: {  	s0 =	sand.u32 @!p3 $0x1, s26  }
0x55: {  	p3 =	seq.s32 @!p3 s0, $0x1  }
0x56: {  	p2 =	por @!p1 p2, p3  }
0x57: {  	p1 =	por p1, !p2  }
.Ltmp5:
0x58: {  	_ = 	snop;
	(pc) =	sbr.rel @!p1 .LBB2_10-.Ltmp5, $1  }
0x59: {  	_ =	sdelay $0x3  }
0x5a: {  	s30 =	simm.s32 $0x0  }
0x5b: {  	v7 =	vld [tilespmem:s30+$0x5400]  }
0x5c: {  	v12 =	vld [tilespmem:s30+$0x5410]  }
0x5d: {  	v5 =	vld [tilespmem:s30+$0x5420]  }
0x5e: {  	v6 =	vld [tilespmem:s30+$0x5430]  }
0x5f: {  	v4 =	vld [tilespmem:s30+$0x5440]  }
0x60: {  	v3 =	vld [tilespmem:s30+$0x5450]  }
0x61: {  	v2 =	vld [tilespmem:s30+$0x5460]  }
0x62: {  	v1 =	vld [tilespmem:s30+$0x5470]  }
0x63: {  	v13 =	vld [tilespmem:s30+$0x400]  }
0x64: {  	v14 =	vld [tilespmem:s30+$0x410]  }
0x65: {  	v11 =	vld [tilespmem:s30+$0x420]  }
0x66: {  	v10 =	vld [tilespmem:s30+$0x430]  }
0x67: {  	v9 =	vld [tilespmem:s30+$0x440]  }
0x68: {  	v8 =	vld [tilespmem:s30+$0x450];
	v13 =	vadd.f32 v7, v13  }
0x69: {  	s31 =	simm.s32 $0x200;
	v7 =	vld [tilespmem:s30+$0x460];
	v12 =	vadd.f32 v12, v14  }
.LBB2_8:
0x6a: {  	s0 =	sshra.s32 s31, $0x2;
	p1 =	sne.s32 s31, $0x9E00;
	v14 =	vld [tilespmem:s30+$0x470];
	v13 =	vmax.f32 v13, $0.0e+00;
	v5 =	vadd.f32 v5, v11  }
0x6b: {  	v15 =	vld [tilespmem:s0+$0x5400];
	v11 =	vmax.f32 v12, $0.0e+00;
	v6 =	vadd.f32 v6, v10;
	[tilespmem:s30+$0x400] =	vst v13  }
0x6c: {  	v12 =	vld [tilespmem:s0+$0x5410];
	v10 =	vmax.f32 v5, $0.0e+00;
	v4 =	vadd.f32 v4, v9;
	[tilespmem:s30+$0x410] =	vst v11  }
0x6d: {  	v5 =	vld [tilespmem:s0+$0x5420];
	v9 =	vmax.f32 v6, $0.0e+00;
	v3 =	vadd.f32 v3, v8;
	[tilespmem:s30+$0x420] =	vst v10  }
0x6e: {  	v6 =	vld [tilespmem:s0+$0x5430];
	v8 =	vmax.f32 v4, $0.0e+00;
	v2 =	vadd.f32 v2, v7;
	[tilespmem:s30+$0x430] =	vst v9  }
0x6f: {  	v4 =	vld [tilespmem:s0+$0x5440];
	v7 =	vmax.f32 v3, $0.0e+00;
	v1 =	vadd.f32 v1, v14;
	[tilespmem:s30+$0x440] =	vst v8  }
0x70: {  	v3 =	vld [tilespmem:s0+$0x5450];
	v8 =	vmax.f32 v2, $0.0e+00;
	[tilespmem:s30+$0x450] =	vst v7  }
0x71: {  	v2 =	vld [tilespmem:s0+$0x5460];
	v7 =	vmax.f32 v1, $0.0e+00;
	[tilespmem:s30+$0x460] =	vst v8  }
0x72: {  	v1 =	vld [tilespmem:s0+$0x5470];
	[tilespmem:s30+$0x470] =	vst v7;
	s30 =	smov.u32 s0  }
0x73: {  	v7 =	vld [tilespmem:s30+$0x400]  }
0x74: {  	v14 =	vld [tilespmem:s30+$0x410]  }
.Ltmp6:
0x75: {  	v11 =	vld [tilespmem:s30+$0x420];
	(pc) =	sbr.rel @p1 .LBB2_8-.Ltmp6, $4  }
0x76: {  	v10 =	vld [tilespmem:s30+$0x430]  }
0x77: {  	v9 =	vld [tilespmem:s30+$0x440]  }
0x78: {  	v8 =	vld [tilespmem:s30+$0x450];
	v13 =	vadd.f32 v15, v7  }
0x79: {  	s31 =	sadd.s32 $0x200, s31;
	v7 =	vld [tilespmem:s30+$0x460];
	v12 =	vadd.f32 v12, v14  }
0x7a: {  	v14 =	vld [tilespmem:s30+$0x470];
	v13 =	vmax.f32 v13, $0.0e+00;
	v5 =	vadd.f32 v5, v11  }
0x7b: {  	v63 =	vmax.f32 v12, $0.0e+00;
	v6 =	vadd.f32 v6, v10;
	[tilespmem:s30+$0x400] =	vst v13  }
0x7c: {  	v5 =	vmax.f32 v5, $0.0e+00;
	v4 =	vadd.f32 v4, v9;
	[tilespmem:s30+$0x410] =	vst v63  }
0x7d: {  	p1 =	seq.s32 s28, $0x0;
	v6 =	vmax.f32 v6, $0.0e+00;
	v3 =	vadd.f32 v3, v8;
	[tilespmem:s30+$0x420] =	vst v5  }
.Ltmp7:
0x7e: {  	v4 =	vmax.f32 v4, $0.0e+00;
	v2 =	vadd.f32 v2, v7;
	[tilespmem:s30+$0x430] =	vst v6;
	(pc) =	sbr.rel @p1 .LBB2_13-.Ltmp7, $4  }
0x7f: {  	v3 =	vmax.f32 v3, $0.0e+00;
	v1 =	vadd.f32 v1, v14;
	[tilespmem:s30+$0x440] =	vst v4  }
0x80: {  	v2 =	vmax.f32 v2, $0.0e+00;
	[tilespmem:s30+$0x450] =	vst v3  }
0x81: {  	v1 =	vmax.f32 v1, $0.0e+00;
	[tilespmem:s30+$0x460] =	vst v2  }
0x82: {  	[tilespmem:s30+$0x470] =	vst v1  }
.LBB2_10:
0x83: {  	s30 =	simm.s32 $0x0  }
0x84: {  	v7 =	vld [tilespmem:s30+$0x7C00]  }
0x85: {  	v12 =	vld [tilespmem:s30+$0x7C10]  }
0x86: {  	v5 =	vld [tilespmem:s30+$0x7C20]  }
0x87: {  	v6 =	vld [tilespmem:s30+$0x7C30]  }
0x88: {  	v4 =	vld [tilespmem:s30+$0x7C40]  }
0x89: {  	v3 =	vld [tilespmem:s30+$0x7C50]  }
0x8a: {  	v2 =	vld [tilespmem:s30+$0x7C60]  }
0x8b: {  	v1 =	vld [tilespmem:s30+$0x7C70]  }
0x8c: {  	v13 =	vld [tilespmem:s30+$0x2C00]  }
0x8d: {  	v14 =	vld [tilespmem:s30+$0x2C10]  }
0x8e: {  	v11 =	vld [tilespmem:s30+$0x2C20]  }
0x8f: {  	v10 =	vld [tilespmem:s30+$0x2C30]  }
0x90: {  	v9 =	vld [tilespmem:s30+$0x2C40]  }
0x91: {  	v8 =	vld [tilespmem:s30+$0x2C50];
	v13 =	vadd.f32 v7, v13  }
0x92: {  	s31 =	simm.s32 $0x200;
	v7 =	vld [tilespmem:s30+$0x2C60];
	v12 =	vadd.f32 v12, v14  }
.LBB2_11:
0x93: {  	s0 =	sshra.s32 s31, $0x2;
	p1 =	sne.s32 s31, $0x9E00;
	v14 =	vld [tilespmem:s30+$0x2C70];
	v13 =	vmax.f32 v13, $0.0e+00;
	v5 =	vadd.f32 v5, v11  }
0x94: {  	v15 =	vld [tilespmem:s0+$0x7C00];
	v11 =	vmax.f32 v12, $0.0e+00;
	v6 =	vadd.f32 v6, v10;
	[tilespmem:s30+$0x2C00] =	vst v13  }
0x95: {  	v12 =	vld [tilespmem:s0+$0x7C10];
	v10 =	vmax.f32 v5, $0.0e+00;
	v4 =	vadd.f32 v4, v9;
	[tilespmem:s30+$0x2C10] =	vst v11  }
0x96: {  	v5 =	vld [tilespmem:s0+$0x7C20];
	v9 =	vmax.f32 v6, $0.0e+00;
	v3 =	vadd.f32 v3, v8;
	[tilespmem:s30+$0x2C20] =	vst v10  }
0x97: {  	v6 =	vld [tilespmem:s0+$0x7C30];
	v8 =	vmax.f32 v4, $0.0e+00;
	v2 =	vadd.f32 v2, v7;
	[tilespmem:s30+$0x2C30] =	vst v9  }
0x98: {  	v4 =	vld [tilespmem:s0+$0x7C40];
	v7 =	vmax.f32 v3, $0.0e+00;
	v1 =	vadd.f32 v1, v14;
	[tilespmem:s30+$0x2C40] =	vst v8  }
0x99: {  	v3 =	vld [tilespmem:s0+$0x7C50];
	v8 =	vmax.f32 v2, $0.0e+00;
	[tilespmem:s30+$0x2C50] =	vst v7  }
0x9a: {  	v2 =	vld [tilespmem:s0+$0x7C60];
	v7 =	vmax.f32 v1, $0.0e+00;
	[tilespmem:s30+$0x2C60] =	vst v8  }
0x9b: {  	v1 =	vld [tilespmem:s0+$0x7C70];
	[tilespmem:s30+$0x2C70] =	vst v7;
	s30 =	smov.u32 s0  }
0x9c: {  	v7 =	vld [tilespmem:s30+$0x2C00]  }
0x9d: {  	v14 =	vld [tilespmem:s30+$0x2C10]  }
.Ltmp8:
0x9e: {  	v11 =	vld [tilespmem:s30+$0x2C20];
	(pc) =	sbr.rel @p1 .LBB2_11-.Ltmp8, $4  }
0x9f: {  	v10 =	vld [tilespmem:s30+$0x2C30]  }
0xa0: {  	v9 =	vld [tilespmem:s30+$0x2C40]  }
0xa1: {  	v8 =	vld [tilespmem:s30+$0x2C50];
	v13 =	vadd.f32 v15, v7  }
0xa2: {  	s31 =	sadd.s32 $0x200, s31;
	v7 =	vld [tilespmem:s30+$0x2C60];
	v12 =	vadd.f32 v12, v14  }
0xa3: {  	v14 =	vld [tilespmem:s30+$0x2C70];
	v13 =	vmax.f32 v13, $0.0e+00;
	v5 =	vadd.f32 v5, v11  }
0xa4: {  	v63 =	vmax.f32 v12, $0.0e+00;
	v6 =	vadd.f32 v6, v10;
	[tilespmem:s30+$0x2C00] =	vst v13  }
0xa5: {  	v5 =	vmax.f32 v5, $0.0e+00;
	v4 =	vadd.f32 v4, v9;
	[tilespmem:s30+$0x2C10] =	vst v63  }
0xa6: {  	v6 =	vmax.f32 v6, $0.0e+00;
	v3 =	vadd.f32 v3, v8;
	[tilespmem:s30+$0x2C20] =	vst v5  }
.Ltmp9:
0xa7: {  	v4 =	vmax.f32 v4, $0.0e+00;
	v2 =	vadd.f32 v2, v7;
	[tilespmem:s30+$0x2C30] =	vst v6;
	(pc) =	sbr.rel .LBB2_13-.Ltmp9, $4  }
0xa8: {  	v3 =	vmax.f32 v3, $0.0e+00;
	v1 =	vadd.f32 v1, v14;
	[tilespmem:s30+$0x2C40] =	vst v4  }
0xa9: {  	v2 =	vmax.f32 v2, $0.0e+00;
	[tilespmem:s30+$0x2C50] =	vst v3  }
0xaa: {  	v1 =	vmax.f32 v1, $0.0e+00;
	[tilespmem:s30+$0x2C60] =	vst v2  }
0xab: {  	[tilespmem:s30+$0x2C70] =	vst v1  }
.LBB2_14:
0xac: {  	_ =	swait.ge [sflag:s23], $0x2800  }
0xad: {  	[sflag:s23] =	ssyncset.done $0x0  }
0xae: {  	[sflag:s23] =	ssyncadd.s32 $0xFFFFD800  }
0xaf: {  	_ =	swait.ge [sflag:s24], $0x2800  }
0xb0: {  	[sflag:s24] =	ssyncset.done $0x0  }
0xb1: {  	[sflag:s24] =	ssyncadd.s32 $0xFFFFD800  }
0xb2: {  	[bflag:$0x0] =	sbarrier.arrive $0xFFFF  }
0xb3: {  	[tilespmem:s17], [sflag:$0xB] =	stream.linear.gather [spmem:s15], $0x2800, $0x38;
	[tilespmem:$0x1DC80] =	vst v63  }
0xb4: {  	_ =	swait.ge [sflag:s18], $0x2800  }
.Ltmp10:
0xb5: {  	s0 =	sshrl.u32 s16, $0x3;
	[sflag:s18] =	ssyncset.done $0x0;
	(pc) =	sbr.rel @!p0 .LBB2_16-.Ltmp10, $4  }
0xb6: {  	s0 =	sadd.s32 s9, s0;
	[sflag:s18] =	ssyncadd.s32 $0xFFFFD800  }
0xb7: {  	[hbm4b:s0+s4] =	stream.linear.scatter [tilespmem:s17], [sflag:$0xB], $0x2800, $0x38;
	[tilespmem:$0x1DC80] =	vst v63  }
0xb8: {  	s26 =	sadd.s32 $0xFFFFFFFF, s10;
	_ =	swait.ge [sflag:s18], $0x2800  }
0xb9: {  	s28 =	smov.u32 s16;
	s29 =	smov.u32 s15;
	[sflag:s18] =	ssyncset.done $0x0  }
.LBB2_15:
0xba: {  	[sflag:s18] =	ssyncadd.s32 $0xFFFFD800;
	s28 =	sadd.s32 $0x2800, s28;
	s29 =	sadd.s32 $0x2800, s29  }
0xbb: {  	[tilespmem:s17], [sflag:$0xB] =	stream.linear.gather [spmem:s29], $0x2800, $0x38;
	[tilespmem:$0x1DC80] =	vst v63  }
0xbc: {  	p0 =	sne.s32 s26, $0x1;
	s26 =	sadd.s32 $0xFFFFFFFF, s26;
	_ =	swait.ge [sflag:s18], $0x2800  }
.Ltmp11:
0xbd: {  	s0 =	sshrl.u32 s28, $0x3;
	[sflag:s18] =	ssyncset.done $0x0;
	(pc) =	sbr.rel @p0 .LBB2_15-.Ltmp11, $4  }
0xbe: {  	s0 =	sadd.s32 s9, s0;
	[sflag:s18] =	ssyncadd.s32 $0xFFFFD800  }
0xbf: {  	[hbm4b:s0+s4] =	stream.linear.scatter [tilespmem:s17], [sflag:$0xB], $0x2800, $0x38;
	[tilespmem:$0x1DC80] =	vst v63  }
0xc0: {  	_ =	swait.ge [sflag:s18], $0x2800  }
0xc1: {  	[sflag:s18] =	ssyncset.done $0x0  }
.LBB2_16:
0xc2: {  	s25 =	sadd.s32 $0x1, s25  }
0xc3: {  	p0 =	sne.s32 s25, s14  }
.Ltmp12:
0xc4: {  	_ = 	snop;
	(pc) =	sbr.rel @p0 .LBB2_1-.Ltmp12, $2  }
0xc5: {  	_ =	sdelay $0x2  }
0xc6: {  	[sflag:s18] =	ssyncadd.s32 $0xFFFFD800  }
0xc7: {  	_ =	sfence.sel $0x180000  }
0xc8: {  	[bflag:$0x0] =	sbarrier.arrive $0xFFFF  }
0xc9: {  	_ =	strace $0x9000004D  }
0xca: {  	s0 =	stileid.u32;
	[bflag:$0x2] =	sbarrier.arrive $0xFFFF  }
0xcb: {  	p0 =	sne.s32 s0, $0x0;
	s0 =	rddreg [dreg:$0x3]  }
0xcc: {  	s0 =	sadd.s32 @!p0 $0x100000, s0  }
0xcd: {  	[sflag:s0] =	ssyncadd.tile.s32 @!p0 $0x1;
	_ =	shalt  }
.Lfunc_end2:
_tile_overlayer_lowered:
.L_overlay_start_2:
0xce: {  	(tag) =	ssettag $0x2  }
0xcf: {  	s0 =	rddreg [dreg:$0x0];
	s2 =	stileid.u32  }
0xd0: {  	s1 =	rddreg [dreg:$0x1];
	p0 =	sne.s32 s2, $0x0  }
0xd1: {  	s3 =	rddreg [dreg:$0x2];
	[bflag:$0x3] =	sbarrier.arrive $0xFFFF;
	s2 =	simm.s32 @!p0 $0x1C0B  }
0xd2: {  	[timem:s3], [sflag:s2] =	dma.local @!p0 [hbm:s0], s1  }
0xd3: {  	s0 =	simm.s32 @!p0 $0xB  }
0xd4: {  	_ =	swait.ge @!p0 [sflag:s0], s1  }
0xd5: {  	s1 =	ssub.s32 @!p0 $0x0, s1;
	[sflag:s0] =	ssyncset.done @!p0 $0x0  }
0xd6: {  	[sflag:s0] =	ssyncadd.s32 @!p0 s1  }
0xd7: {  	[bflag:$0x3] =	sbarrier.arrive $0xFFFF  }
0xd8: {  	_ =	shalt  }

// kernel: kernel.21.cloned.1.call-start
scs
__scs_entry_jumppad:
0x0: {  	(pc) =	sbr.rel $0x88, $3  }
0x1: {  	(tag) =	ssettag $0x0;
	lr =	simm.s32 $0x1  }
0x2: {  	[smem:$0x3F83] =	sst lr;
	_ =	strace $0xD0000000  }
0x3: {  	_ = 	snop  }
0x4: {  	_ = 	snop  }
0x5: {  	_ = 	snop  }
0x6: {  	_ = 	snop  }
0x7: {  	_ = 	snop  }
__scs_overlays_trampoline_lowered:
0x8: {  	[smem:$0x3F92] =	sst s0  }
0x9: {  	[smem:$0x3F93] =	sst s1  }
0xa: {  	[smem:$0x3F94] =	sst s2  }
0xb: {  	[smem:$0x3F95] =	sst s3  }
0xc: {  	[smem:$0x3F96] =	sst s4  }
0xd: {  	[smem:$0x3F97] =	sst s5  }
0xe: {  	[smem:$0x3F98] =	sst s6  }
0xf: {  	[smem:$0x3F99] =	sst s7  }
0x10: {  	[smem:$0x3F9A] =	sst s8  }
0x11: {  	[smem:$0x3F9B] =	sst s9;
	s0 =	simm.s32 @!p0 $0x0  }
0x12: {  	s1 =	sld [smem:$0x3F81];
	s0 =	simm.s32 @p0 $0x1  }
0x13: {  	[smem:$0x3F9C] =	sst s0;
	s0 =	simm.s32 @!p1 $0x0  }
0x14: {  	s2 =	sld [smem:$0x3F80];
	s0 =	simm.s32 @p1 $0x1  }
0x15: {  	[smem:$0x3F9D] =	sst s0;
	s0 =	simm.s32 @!p2 $0x0  }
0x16: {  	s3 =	sld [smem:$0x3FDB];
	s0 =	simm.s32 @p2 $0x1  }
0x17: {  	s4 =	simm.s32 $0x1BF5;
	[smem:$0x3F9F] =	sst s0  }
0x18: {  	s0 =	sld [smem:$0x3F82];
	_ =	swait.ge [sflag:s4], $0x0  }
0x19: {  	s7 =	sld [smem:$0x3F83]  }
0x1a: {  	s8 =	sadd.s32 $0xFFFFE003, lr  }
0x1b: {  	s9 =	sadd.s32 $0xFFFFFEF7, lr;
	s5 =	simm.s32 $0xFFFFFFFF;
	p2 =	slt.u32 s8, $0xFFFFF086  }
0x1c: {  	p1 =	slt.u32 s9, $0xF7A;
	s5 =	simm.s32 @!p2 $0x0  }
0x1d: {  	s5 =	simm.s32 @p1 $0x1;
	p0 =	seq.s32 s7, s2  }
0x1e: {  	s7 =	smul.u32 @!p0 $0xF7A, s2;
	p2 =	seq.s32 @!p0 s5, $0x0  }
0x1f: {  	s9 =	smul.u32 $0xF7A, s1;
	s8 =	simm.s32 @!p0 $0x1BF5;
	p2 =	por !p2, p0  }
0x20: {  	[sflag:s8] =	ssyncset.s32 @!p0 $0xFFFFF086;
	s6 =	sadd.s32 @!p0 s3, s7;
	s7 =	simm.s32 @!p0 $0x108  }
0x21: {  	s3 =	sadd.s32 s3, s9;
	s6 =	sadd.s32 @!p0 $0x88, s6;
	s7 =	simm.s32 @p2 $0x1082  }
0x22: {  	[simem:s7], [sflag:s8] =	dma.local @!p0 [hbm:s6], $0xF7A  }
0x23: {  	s9 =	sor.u32 $0xD0000000, s2;
	s6 =	simm.s32 $0x108;
	_ =	swait.ge @!p0 [sflag:s8], $0x0  }
0x24: {  	s3 =	sadd.s32 $0x88, s3;
	s6 =	simm.s32 @!p1 $0x1082;
	[sflag:s4] =	ssyncset.s32 $0xFFFFF086  }
0x25: {  	[simem:s6], [sflag:s4] =	dma.local [hbm:s3], $0xF7A  }
0x26: {  	[smem:$0x3F83] =	sst s1;
	(tag) =	ssettag s2;
	_ =	strace s9  }
0x27: {  	s1 =	sld [smem:$0x3F93]  }
0x28: {  	s2 =	sld [smem:$0x3F94]  }
0x29: {  	s4 =	sld [smem:$0x3F96]  }
0x2a: {  	p0 =	seq.s32 s5, $0x0;
	s5 =	sld [smem:$0x3F97]  }
0x2b: {  	s6 =	sld [smem:$0x3F98]  }
0x2c: {  	s7 =	sld [smem:$0x3F99]  }
0x2d: {  	s3 =	simm.s32 $0x108;
	s8 =	sld [smem:$0x3F9A]  }
0x2e: {  	s3 =	simm.s32 @!p0 $0x1082;
	s9 =	sld [smem:$0x3F9B]  }
0x2f: {  	lr =	sadd.s32 s0, s3;
	s0 =	sld [smem:$0x3F92]  }
0x30: {  	s3 =	sld [smem:$0x3F95]  }
0x31: {  	[smem:$0x3F9E] =	sst s10  }
0x32: {  	s10 =	sld [smem:$0x3F9C];
	_ =	sdelay $0x3  }
0x33: {  	p0 =	seq.s32 s10, $0x1;
	s10 =	sld [smem:$0x3F9E];
	_ =	sdelay $0x3  }
0x34: {  	[smem:$0x3F9E] =	sst s10  }
0x35: {  	s10 =	sld [smem:$0x3F9D];
	_ =	sdelay $0x3  }
0x36: {  	p1 =	seq.s32 s10, $0x1;
	s10 =	sld [smem:$0x3F9E];
	_ =	sdelay $0x3  }
0x37: {  	[smem:$0x3F9E] =	sst s10  }
0x38: {  	s10 =	sld [smem:$0x3F9F]  }
0x39: {  	_ = 	snop;
	(pc) =	sbr.ind lr, $3  }
0x3a: {  	_ = 	snop  }
0x3b: {  	_ = 	snop  }
0x3c: {  	p2 =	seq.s32 s10, $0x1;
	s10 =	sld [smem:$0x3F9E]  }
0x3d: {  	_ =	shalt  }
0x3e: {  	_ =	shalt  }
0x3f: {  	_ =	shalt  }
0x40: {  	_ =	shalt  }
0x41: {  	_ =	shalt  }
0x42: {  	_ =	shalt  }
0x43: {  	_ =	shalt  }
0x44: {  	_ =	shalt  }
0x45: {  	_ =	shalt  }
0x46: {  	_ =	shalt  }
0x47: {  	_ =	shalt  }
0x48: {  	_ =	shalt  }
0x49: {  	_ =	shalt  }
0x4a: {  	_ =	shalt  }
0x4b: {  	_ =	shalt  }
0x4c: {  	_ =	shalt  }
0x4d: {  	_ =	shalt  }
0x4e: {  	_ =	shalt  }
0x4f: {  	_ =	shalt  }
0x50: {  	_ =	shalt  }
0x51: {  	_ =	shalt  }
0x52: {  	_ =	shalt  }
0x53: {  	_ =	shalt  }
0x54: {  	_ =	shalt  }
0x55: {  	_ =	shalt  }
0x56: {  	_ =	shalt  }
0x57: {  	_ =	shalt  }
0x58: {  	_ =	shalt  }
0x59: {  	_ =	shalt  }
0x5a: {  	_ =	shalt  }
0x5b: {  	_ =	shalt  }
0x5c: {  	_ =	shalt  }
0x5d: {  	_ =	shalt  }
0x5e: {  	_ =	shalt  }
0x5f: {  	_ =	shalt  }
0x60: {  	_ =	shalt  }
0x61: {  	_ =	shalt  }
0x62: {  	_ =	shalt  }
0x63: {  	_ =	shalt  }
0x64: {  	_ =	shalt  }
0x65: {  	_ =	shalt  }
0x66: {  	_ =	shalt  }
0x67: {  	_ =	shalt  }
0x68: {  	_ =	shalt  }
0x69: {  	_ =	shalt  }
0x6a: {  	_ =	shalt  }
0x6b: {  	_ =	shalt  }
0x6c: {  	_ =	shalt  }
0x6d: {  	_ =	shalt  }
0x6e: {  	_ =	shalt  }
0x6f: {  	_ =	shalt  }
0x70: {  	_ =	shalt  }
0x71: {  	_ =	shalt  }
0x72: {  	_ =	shalt  }
0x73: {  	_ =	shalt  }
0x74: {  	_ =	shalt  }
0x75: {  	_ =	shalt  }
0x76: {  	_ =	shalt  }
0x77: {  	_ =	shalt  }
0x78: {  	_ =	shalt  }
0x79: {  	_ =	shalt  }
0x7a: {  	_ =	shalt  }
0x7b: {  	_ =	shalt  }
0x7c: {  	_ =	shalt  }
0x7d: {  	_ =	shalt  }
0x7e: {  	_ =	shalt  }
0x7f: {  	_ =	shalt  }
0x80: {  	_ =	shalt  }
0x81: {  	_ =	shalt  }
0x82: {  	_ =	shalt  }
0x83: {  	_ =	shalt  }
0x84: {  	_ =	shalt  }
0x85: {  	_ =	shalt  }
0x86: {  	_ =	shalt  }
0x87: {  	_ =	shalt  }
.Lfunc_end0:
.L_simem_size_0:
called_computation.3_lowered:
.L_overlay_start_0:
0x88: {  	s2 =	sld [smem:$0x3FD9]  }
0x89: {  	s3 =	sld [smem:$0x3FFE];
	_ =	sdelay $0x1  }
0x8a: {  	s1 =	srdreg.scid  }
0x8b: {  	s0 =	sand.u32 $0x1, s1  }
0x8c: {  	s17 =	sshll.u32 s0, $0xA;
	s2 =	sadd.s32 s3, s2  }
0x8d: {  	s2 =	sadd.s32 s2, s17  }
0x8e: {  	[smem:$0x3FAA] =	sst s2  }
0x8f: {  	_ = 	snop  }
0x90: {  	s2 =	sld [smem:$0x3FD0];
	(tm) =	ssettm $0x1  }
0x91: {  	s18 =	sld [smem:$0x3FFB];
	_ =	sdelay $0x3  }
0x92: {  	_ =	strace s18  }
0x93: {  	s3 =	sld [smem:$0x3FFC];
	_ =	sdelay $0x3  }
0x94: {  	_ =	strace s3  }
0x95: {  	s3 =	sld [smem:$0x3FFD];
	_ =	sdelay $0x3  }
0x96: {  	_ =	strace s3  }
0x97: {  	_ =	strace $0x8FFFFFFF  }
0x98: {  	s19 =	sld [smem:$0x3FDB];
	_ =	sdelay $0x1  }
0x99: {  	s4 =	simm.s32 $_scs_section_size  }
0x9a: {  	s5 =	simm.s32 $_size__tile_overlayer_lowered;
	s6 =	simm.s32 $_tile_overlayer_lowered  }
0x9b: {  	s22 =	simm.s32 $0x1BFF;
	s21 =	sshll.u32 s6, $0x1;
	s3 =	sadd.s32 s4, s19  }
0x9c: {  	s7 =	simm.s32 $0x0;
	s20 =	sshll.u32 s5, $0x1;
	s5 =	sadd.s32 s21, s3  }
0x9d: {  	[timem:s7], [sflag:s22] =	dma.local [hbm:s5], s20  }
0x9e: {  	_ =	swait.ge [sflag:s22], s20  }
0x9f: {  	s4 =	ssub.s32 $0x0, s20;
	[sflag:s22] =	ssyncset.done $0x0  }
0xa0: {  	[sflag:s22] =	ssyncadd.s32 s4;
	_ =	sdelay $0x1  }
0xa1: {  	s23 =	simm.s32 $0x1B8B  }
0xa2: {  	_ =	swait.ge [sflag:s23], $0x1  }
0xa3: {  	[sflag:s23] =	ssyncset.done $0x0  }
0xa4: {  	s25 =	simm.s32 $0x1B8E;
	s24 =	sld [smem:$0x3FFE];
	[sflag:s23] =	ssyncadd.s32 $0xFFFFFFFF  }
0xa5: {  	s26 =	simm.s32 $execute0_lowered;
	[smem:$0x3FD2] =	sst s25  }
0xa6: {  	s5 =	sshll.u32 s26, $0x1;
	_ =	strace $0x8000004F;
	[dreg:$0x1] =	wrdreg $0xFFFFFFFF  }
0xa7: {  	s28 =	simm.s32 $_size_execute0_lowered;
	s3 =	sadd.s32 s3, s5;
	[dreg:$0x0] =	wrdreg $0x0  }
0xa8: {  	s5 =	sshll.u32 s28, $0x1;
	[dreg:$0x2] =	wrdreg s3  }
0xa9: {  	[dreg:$0x3] =	wrdreg s5  }
0xaa: {  	[dreg:$0x4] =	wrdreg $0xC0  }
0xab: {  	_ =	task [dreg:s7], $0x5FFFF  }
0xac: {  	[dreg:$0x1] =	wrdreg $0xFFFFFFFF  }
0xad: {  	[dreg:$0x0] =	wrdreg $0x60  }
0xae: {  	[dreg:$0x2] =	wrdreg s2  }
0xaf: {  	[dreg:$0x3] =	wrdreg s24  }
0xb0: {  	[dreg:$0x4] =	wrdreg $0xA4000  }
0xb1: {  	[dreg:$0x5] =	wrdreg $0x9  }
0xb2: {  	_ =	task.clear_ibuf [dreg:s7], $0x6FFFF;
	_ =	strace $0x9000004F  }
0xb3: {  	s29 =	simm.s32 $0x9;
	_ =	strace $0x80000051  }
0xb4: {  	_ =	swait.ge [sflag:s29], $0x1  }
0xb5: {  	[sflag:s29] =	ssyncadd.s32 $0xFFFFFFFF  }
0xb6: {  	_ =	strace $0x90000051  }
0xb7: {  	_ =	sfence  }
0xb8: {  	s30 =	sld [smem:$0x0];
	_ =	sdelay $0x2  }
0xb9: {  	s31 =	sshll.u32 s1, $0xD;
	s1 =	sshrl.u32 s1, $0x2  }
0xba: {  	s3 =	sand.u32 $0x4000, s31;
	s1 =	sadd.s32 s1, s30  }
0xbb: {  	s0 =	sor.u32 s3, s0;
	s1 =	sshll.u32 s1, $0x11  }
0xbc: {  	s0 =	sor.u32 s1, s0  }
0xbd: {  	s0 =	sadd.s32 $0x8F2B, s0  }
0xbe: {  	[sflag:s0] =	ssyncadd.remote.s32 $0x1  }
0xbf: {  	_ =	sfence.sel $0xFFFF  }
0xc0: {  	[dreg:$0x0] =	wrdreg $0xFFFFFFFF;
	(pc) =	sbr.abs _section_cstart, $3  }
0xc1: {  	[dreg:$0x1] =	wrdreg $0xFFFFFFFF  }
0xc2: {  	_ =	task.clear_ibuf [dreg:s7], $0x2FFFF;
	_ =	strace $0x9FFFFFFF  }
0xc3: {  	(tm) =	ssettm $0x7FFFFFFF  }
tec
execute0_lowered:
.L_overlay_start_1:
0x0: {  	(tag) =	ssettag $0x1  }
0x1: {  	s1 =	rddreg [dreg:$0x0]  }
0x2: {  	s9 =	rddreg [dreg:$0x1]  }
0x3: {  	s3 =	rddreg [dreg:$0x2]  }
0x4: {  	s4 =	simm.s32 $0x0;
	s5 =	srdreg.scid;
	s0 =	stileid.u32  }
0x5: {  	s19 =	simm.s32 $0x1;
	s20 =	simm.s32 $0x50;
	s23 =	simm.s32 $0x9  }
0x6: {  	s24 =	simm.s32 $0xA;
	s25 =	simm.s32 $0x0;
	[smem:$0x7FF] =	sst s4  }
0x7: {  	s10 =	sand.u32 $0x1, s5;
	s5 =	sadd.s32 $0x556E00, s9;
	s17 =	smul.u32 $0x50000, s0  }
0x8: {  	s29 =	sshll.u32 s0, $0x1;
	s7 =	sadd.s32 $0x4E9800, s9;
	s18 =	smul.u32 $0x14000, s0  }
0x9: {  	s9 =	sadd.s32 $0x508C00, s9;
	s11 =	sor.u32 s10, s29;
	s16 =	smul.u32 $0x138800, s10  }
0xa: {  	p0 =	seq.s32 s0, $0xF;
	_ =	strace $0x80000050;
	s6 =	smul.u32 $0x7D00, s11  }
0xb: {  	s12 =	ssub.s32 $0x2, s10;
	s10 =	simm.s32 $0x5;
	s8 =	smul.u32 $0x2710, s11  }
0xc: {  	s13 =	sshrl.u32 s12, $0x1;
	s14 =	smul.u32 $0x27100, s11;
	s10 =	simm.s32 @!p0 $0x8  }
0xd: {  	s17 =	sshrl.u32 s17, $0x2;
	s15 =	ssub.s32 s12, s13;
	s16 =	sadd.s32 s18, s16  }
0xe: {  	s18 =	simm.s32 $0xB;
	s30 =	sshrl.u32 s6, $0x3;
	s31 =	sadd.s32 s5, s14  }
0xf: {  	s14 =	smax.u32 s15, $0x1;
	s15 =	sadd.s32 s17, s3;
	s11 =	sadd.s32 s7, s30  }
0x10: {  	v0 =	vimm.f32 $0.0e+00;
	s17 =	simm.s32 $0x400;
	[dreg:$0x4] =	wrdreg s31;
	s13 =	sadd.s32 $0x20, s11  }
.LBB2_1:
0x11: {  	s26 =	simm.s32 $0x0;
	s28 =	simm.s32 $0x200  }
.LBB2_2:
0x12: {  	p0 =	sne.s32 s28, $0x9E00;
	[tilespmem:s26+$0x470] =	vst v0  }
0x13: {  	[tilespmem:s26+$0x400] =	vst v0  }
0x14: {  	[tilespmem:s26+$0x410] =	vst v0  }
.Ltmp0:
0x15: {  	[tilespmem:s26+$0x420] =	vst v0;
	(pc) =	sbr.rel @p0 .LBB2_2-.Ltmp0, $4  }
0x16: {  	[tilespmem:s26+$0x430] =	vst v0  }
0x17: {  	[tilespmem:s26+$0x440] =	vst v0  }
0x18: {  	[tilespmem:s26+$0x450] =	vst v0  }
0x19: {  	[tilespmem:s26+$0x460] =	vst v0;
	s26 =	sshra.s32 s28, $0x2;
	s28 =	sadd.s32 $0x200, s28  }
0x1a: {  	[tilespmem:s26+$0x470] =	vst v0  }
0x1b: {  	[tilespmem:s26+$0x400] =	vst v0  }
0x1c: {  	[tilespmem:s26+$0x410] =	vst v0  }
0x1d: {  	[tilespmem:s26+$0x420] =	vst v0  }
0x1e: {  	[tilespmem:s26+$0x430] =	vst v0  }
0x1f: {  	[tilespmem:s26+$0x440] =	vst v0;
	p0 =	sne.s32 s10, $0x1  }
.Ltmp1:
0x20: {  	[tilespmem:s26+$0x450] =	vst v0;
	(pc) =	sbr.rel @!p0 .LBB2_5-.Ltmp1, $4  }
0x21: {  	[tilespmem:s26+$0x460] =	vst v0  }
0x22: {  	[spmem:s15] =	stream.linear.scatter [tilespmem:s17], [sflag:$0xB], $0x2800, $0x38;
	[tilespmem:$0x1DC80] =	vst v63  }
0x23: {  	_ =	swait.ge [sflag:s18], $0x2800  }
0x24: {  	s26 =	sadd.s32 $0xFFFFFFFF, s10;
	s28 =	smov.u32 s15;
	[sflag:s18] =	ssyncset.done $0x0  }
.LBB2_4:
0x25: {  	p1 =	sne.s32 s26, $0x1;
	[sflag:s18] =	ssyncadd.s32 $0xFFFFD800;
	s28 =	sadd.s32 $0x2800, s28  }
.Ltmp2:
0x26: {  	s26 =	sadd.s32 $0xFFFFFFFF, s26;
	(pc) =	sbr.rel @p1 .LBB2_4-.Ltmp2, $4  }
0x27: {  	_ = 	snop  }
0x28: {  	[spmem:s28] =	stream.linear.scatter [tilespmem:s17], [sflag:$0xB], $0x2800, $0x38;
	[tilespmem:$0x1DC80] =	vst v63  }
0x29: {  	_ =	swait.ge [sflag:s18], $0x2800  }
0x2a: {  	[sflag:s18] =	ssyncset.done $0x0  }
.LBB2_5:
0x2b: {  	[sflag:s18] =	ssyncadd.s32 $0xFFFFD800;
	s26 =	simm.s32 $0x0  }
0x2c: {  	[tilespmem:s26], [sflag:$0x1] =	stream.linear.gather [hbm4b:s11+s26], $0x100, $0x38;
	[tilespmem:$0x1DC80] =	vst v63  }
0x2d: {  	_ =	swait.ge [sflag:s19], $0x100  }
0x2e: {  	[sflag:s19] =	ssyncset.done $0x0  }
0x2f: {  	[sflag:s19] =	ssyncadd.s32 $0xFFFFFF00  }
0x30: {  	[tilespmem:s17], [sflag:$0x5] =	stream.indirect.gather [hbm4b:s1+s20], $0x80, s26, s20, $0xb8;
	[tilespmem:$0x1DC80] =	vst v63  }
0x31: {  	s2 =	simm.s32 $0x5400;
	s0 =	rddreg [dreg:$0x4]  }
0x32: {  	[tilespmem:s2], [sflag:$0x7] =	stream.linear.gather [hbm4b:s0+s26], $0x2800, $0x38;
	[tilespmem:$0x1DC80] =	vst v63  }
.Ltmp3:
0x33: {  	_ = 	snop;
	(pc) =	sbr.rel .LBB2_6-.Ltmp3, $3  }
0x34: {  	s31 =	simm.s32 $0x100  }
0x35: {  	[tilespmem:s31], [sflag:$0x2] =	stream.linear.gather [hbm4b:s13+s26], $0x100, $0x38;
	[tilespmem:$0x1DC80] =	vst v63  }
0x36: {  	[bflag:$0x0] =	sbarrier.arrive $0xFFFF;
	_ =	sdelay $0x1  }
.LBB2_13:
0x37: {  	s0 =	smul.u32 $0xA000, s28;
	p1 =	sne.s32 s29, $0x7D  }
.Ltmp4:
0x38: {  	_ = 	snop;
	(pc) =	sbr.rel @!p1 .LBB2_14-.Ltmp4, $4  }
0x39: {  	s2 =	sshll.u32 s26, $0x8  }
0x3a: {  	s12 =	sadd.s32 $0x9, s28;
	s2 =	sand.u32 $0x300, s2;
	s0 =	sshrl.u32 s0, $0x2  }
0x3b: {  	s26 =	smov.u32 s29;
	s2 =	sor.u32 $0x80, s2;
	s0 =	sor.u32 $0x400, s0  }
0x3c: {  	[spmem:s3] =	stream.indirect.scatter.add.f32 [tilespmem:s0], [sflag:s12], $0x80, s2, s20, $0xb8;
	[tilespmem:$0x1DC80] =	vst v63  }
.LBB2_6:
0x3d: {  	s28 =	sand.u32 $0x1, s26  }
0x3e: {  	s29 =	sadd.s32 $0x5, s28  }
0x3f: {  	_ =	swait.ge [sflag:s29], $0x2800  }
0x40: {  	[sflag:s29] =	ssyncset.done $0x0  }
0x41: {  	p1 =	seq.s32 s26, $0x7C;
	s30 =	sadd.s32 $0x7, s28;
	[sflag:s29] =	ssyncadd.s32 $0xFFFFD800  }
0x42: {  	p2 =	seq.s32 @!p1 s26, $0x0;
	s29 =	sadd.s32 $0x1, s26;
	_ =	swait.ge [sflag:s30], $0x2800  }
0x43: {  	s22 =	simm.s32 @!p1 $0x50;
	s31 =	sand.u32 $0x3, s29;
	[sflag:s30] =	ssyncset.done $0x0  }
0x44: {  	p2 =	por p2, p1;
	[sflag:s30] =	ssyncadd.s32 $0xFFFFD800;
	s30 =	sadd.s32 @!p1 $0x1, s31  }
0x45: {  	s0 =	sand.u32 $0x1, s29;
	s12 =	smul.u32 @!p1 $0x50, s29;
	_ =	swait.ge @!p1 [sflag:s30], $0x100  }
0x46: {  	s2 =	smul.u32 @!p1 $0x2800, s0;
	s21 =	sadd.s32 @!p1 $0x5, s0;
	[sflag:s30] =	ssyncset.done @!p1 $0x0  }
0x47: {  	s12 =	sadd.s32 @!p1 s8, s12;
	[sflag:s30] =	ssyncadd.s32 @!p1 $0xFFFFFF00;
	s30 =	sadd.s32 @!p2 $0x9, s0  }
0x48: {  	s31 =	sshll.u32 @!p1 s31, $0x8;
	s12 =	sshll.u32 @!p1 s12, $0x4;
	_ =	swait.ge @!p2 [sflag:s30], $0x2800  }
0x49: {  	s12 =	sadd.s32 @!p1 s5, s12;
	s0 =	sadd.s32 @!p1 $0x7, s0;
	[sflag:s30] =	ssyncset.done @!p2 $0x0  }
0x4a: {  	[sflag:s30] =	ssyncadd.s32 @!p2 $0xFFFFD800;
	s30 =	sor.u32 @!p1 $0x400, s2;
	p2 =	sgt.u32 @!p1 s26, $0x7A  }
0x4b: {  	[tilespmem:s30], [sflag:s21] =	stream.indirect.gather @!p1 [hbm4b:s1+s22], $0x80, s31, s22, $0xb8;
	[tilespmem:$0x1DC80] =	vst v63  }
0x4c: {  	s2 =	sadd.s32 @!p1 $0x5400, s2;
	s21 =	simm.s32 @!p1 $0x0;
	p3 =	por p2, p1  }
0x4d: {  	[tilespmem:s2], [sflag:s0] =	stream.linear.gather @!p1 [hbm4b:s12+s21], $0x2800, $0x38;
	[tilespmem:$0x1DC80] =	vst v63  }
0x4e: {  	s0 =	sadd.s32 @!p3 $0x2, s26  }
0x4f: {  	s2 =	sshll.u32 @!p3 s0, $0x8  }
0x50: {  	s2 =	sadd.s32 @!p3 s6, s2  }
0x51: {  	s21 =	simm.s32 @!p3 $0x0;
	s0 =	sand.u32 @!p3 $0x3, s0;
	s2 =	sshrl.u32 @!p3 s2, $0x3  }
0x52: {  	s12 =	sshll.u32 @!p3 s0, $0x8;
	s0 =	sadd.s32 @!p3 $0x1, s0;
	s2 =	sadd.s32 @!p3 s7, s2  }
0x53: {  	[tilespmem:s12], [sflag:s0] =	stream.linear.gather @!p3 [hbm4b:s2+s21], $0x100, $0x38;
	[tilespmem:$0x1DC80] =	vst v63  }
0x54: {  	s0 =	sand.u32 @!p3 $0x1, s26  }
0x55: {  	p3 =	seq.s32 @!p3 s0, $0x1  }
0x56: {  	p2 =	por @!p1 p2, p3  }
0x57: {  	p1 =	por p1, !p2  }
.Ltmp5:
0x58: {  	_ = 	snop;
	(pc) =	sbr.rel @!p1 .LBB2_10-.Ltmp5, $1  }
0x59: {  	_ =	sdelay $0x3  }
0x5a: {  	s30 =	simm.s32 $0x0  }
0x5b: {  	v7 =	vld [tilespmem:s30+$0x5400]  }
0x5c: {  	v12 =	vld [tilespmem:s30+$0x5410]  }
0x5d: {  	v5 =	vld [tilespmem:s30+$0x5420]  }
0x5e: {  	v6 =	vld [tilespmem:s30+$0x5430]  }
0x5f: {  	v4 =	vld [tilespmem:s30+$0x5440]  }
0x60: {  	v3 =	vld [tilespmem:s30+$0x5450]  }
0x61: {  	v2 =	vld [tilespmem:s30+$0x5460]  }
0x62: {  	v1 =	vld [tilespmem:s30+$0x5470]  }
0x63: {  	v13 =	vld [tilespmem:s30+$0x400]  }
0x64: {  	v14 =	vld [tilespmem:s30+$0x410]  }
0x65: {  	v11 =	vld [tilespmem:s30+$0x420]  }
0x66: {  	v10 =	vld [tilespmem:s30+$0x430]  }
0x67: {  	v9 =	vld [tilespmem:s30+$0x440]  }
0x68: {  	v8 =	vld [tilespmem:s30+$0x450];
	v13 =	vadd.f32 v7, v13  }
0x69: {  	s31 =	simm.s32 $0x200;
	v7 =	vld [tilespmem:s30+$0x460];
	v12 =	vadd.f32 v12, v14  }
.LBB2_8:
0x6a: {  	s0 =	sshra.s32 s31, $0x2;
	p1 =	sne.s32 s31, $0x9E00;
	v14 =	vld [tilespmem:s30+$0x470];
	v13 =	vmax.f32 v13, $0.0e+00;
	v5 =	vadd.f32 v5, v11  }
0x6b: {  	v15 =	vld [tilespmem:s0+$0x5400];
	v11 =	vmax.f32 v12, $0.0e+00;
	v6 =	vadd.f32 v6, v10;
	[tilespmem:s30+$0x400] =	vst v13  }
0x6c: {  	v12 =	vld [tilespmem:s0+$0x5410];
	v10 =	vmax.f32 v5, $0.0e+00;
	v4 =	vadd.f32 v4, v9;
	[tilespmem:s30+$0x410] =	vst v11  }
0x6d: {  	v5 =	vld [tilespmem:s0+$0x5420];
	v9 =	vmax.f32 v6, $0.0e+00;
	v3 =	vadd.f32 v3, v8;
	[tilespmem:s30+$0x420] =	vst v10  }
0x6e: {  	v6 =	vld [tilespmem:s0+$0x5430];
	v8 =	vmax.f32 v4, $0.0e+00;
	v2 =	vadd.f32 v2, v7;
	[tilespmem:s30+$0x430] =	vst v9  }
0x6f: {  	v4 =	vld [tilespmem:s0+$0x5440];
	v7 =	vmax.f32 v3, $0.0e+00;
	v1 =	vadd.f32 v1, v14;
	[tilespmem:s30+$0x440] =	vst v8  }
0x70: {  	v3 =	vld [tilespmem:s0+$0x5450];
	v8 =	vmax.f32 v2, $0.0e+00;
	[tilespmem:s30+$0x450] =	vst v7  }
0x71: {  	v2 =	vld [tilespmem:s0+$0x5460];
	v7 =	vmax.f32 v1, $0.0e+00;
	[tilespmem:s30+$0x460] =	vst v8  }
0x72: {  	v1 =	vld [tilespmem:s0+$0x5470];
	[tilespmem:s30+$0x470] =	vst v7;
	s30 =	smov.u32 s0  }
0x73: {  	v7 =	vld [tilespmem:s30+$0x400]  }
0x74: {  	v14 =	vld [tilespmem:s30+$0x410]  }
.Ltmp6:
0x75: {  	v11 =	vld [tilespmem:s30+$0x420];
	(pc) =	sbr.rel @p1 .LBB2_8-.Ltmp6, $4  }
0x76: {  	v10 =	vld [tilespmem:s30+$0x430]  }
0x77: {  	v9 =	vld [tilespmem:s30+$0x440]  }
0x78: {  	v8 =	vld [tilespmem:s30+$0x450];
	v13 =	vadd.f32 v15, v7  }
0x79: {  	s31 =	sadd.s32 $0x200, s31;
	v7 =	vld [tilespmem:s30+$0x460];
	v12 =	vadd.f32 v12, v14  }
0x7a: {  	v14 =	vld [tilespmem:s30+$0x470];
	v13 =	vmax.f32 v13, $0.0e+00;
	v5 =	vadd.f32 v5, v11  }
0x7b: {  	v63 =	vmax.f32 v12, $0.0e+00;
	v6 =	vadd.f32 v6, v10;
	[tilespmem:s30+$0x400] =	vst v13  }
0x7c: {  	v5 =	vmax.f32 v5, $0.0e+00;
	v4 =	vadd.f32 v4, v9;
	[tilespmem:s30+$0x410] =	vst v63  }
0x7d: {  	p1 =	seq.s32 s28, $0x0;
	v6 =	vmax.f32 v6, $0.0e+00;
	v3 =	vadd.f32 v3, v8;
	[tilespmem:s30+$0x420] =	vst v5  }
.Ltmp7:
0x7e: {  	v4 =	vmax.f32 v4, $0.0e+00;
	v2 =	vadd.f32 v2, v7;
	[tilespmem:s30+$0x430] =	vst v6;
	(pc) =	sbr.rel @p1 .LBB2_13-.Ltmp7, $4  }
0x7f: {  	v3 =	vmax.f32 v3, $0.0e+00;
	v1 =	vadd.f32 v1, v14;
	[tilespmem:s30+$0x440] =	vst v4  }
0x80: {  	v2 =	vmax.f32 v2, $0.0e+00;
	[tilespmem:s30+$0x450] =	vst v3  }
0x81: {  	v1 =	vmax.f32 v1, $0.0e+00;
	[tilespmem:s30+$0x460] =	vst v2  }
0x82: {  	[tilespmem:s30+$0x470] =	vst v1  }
.LBB2_10:
0x83: {  	s30 =	simm.s32 $0x0  }
0x84: {  	v7 =	vld [tilespmem:s30+$0x7C00]  }
0x85: {  	v12 =	vld [tilespmem:s30+$0x7C10]  }
0x86: {  	v5 =	vld [tilespmem:s30+$0x7C20]  }
0x87: {  	v6 =	vld [tilespmem:s30+$0x7C30]  }
0x88: {  	v4 =	vld [tilespmem:s30+$0x7C40]  }
0x89: {  	v3 =	vld [tilespmem:s30+$0x7C50]  }
0x8a: {  	v2 =	vld [tilespmem:s30+$0x7C60]  }
0x8b: {  	v1 =	vld [tilespmem:s30+$0x7C70]  }
0x8c: {  	v13 =	vld [tilespmem:s30+$0x2C00]  }
0x8d: {  	v14 =	vld [tilespmem:s30+$0x2C10]  }
0x8e: {  	v11 =	vld [tilespmem:s30+$0x2C20]  }
0x8f: {  	v10 =	vld [tilespmem:s30+$0x2C30]  }
0x90: {  	v9 =	vld [tilespmem:s30+$0x2C40]  }
0x91: {  	v8 =	vld [tilespmem:s30+$0x2C50];
	v13 =	vadd.f32 v7, v13  }
0x92: {  	s31 =	simm.s32 $0x200;
	v7 =	vld [tilespmem:s30+$0x2C60];
	v12 =	vadd.f32 v12, v14  }
.LBB2_11:
0x93: {  	s0 =	sshra.s32 s31, $0x2;
	p1 =	sne.s32 s31, $0x9E00;
	v14 =	vld [tilespmem:s30+$0x2C70];
	v13 =	vmax.f32 v13, $0.0e+00;
	v5 =	vadd.f32 v5, v11  }
0x94: {  	v15 =	vld [tilespmem:s0+$0x7C00];
	v11 =	vmax.f32 v12, $0.0e+00;
	v6 =	vadd.f32 v6, v10;
	[tilespmem:s30+$0x2C00] =	vst v13  }
0x95: {  	v12 =	vld [tilespmem:s0+$0x7C10];
	v10 =	vmax.f32 v5, $0.0e+00;
	v4 =	vadd.f32 v4, v9;
	[tilespmem:s30+$0x2C10] =	vst v11  }
0x96: {  	v5 =	vld [tilespmem:s0+$0x7C20];
	v9 =	vmax.f32 v6, $0.0e+00;
	v3 =	vadd.f32 v3, v8;
	[tilespmem:s30+$0x2C20] =	vst v10  }
0x97: {  	v6 =	vld [tilespmem:s0+$0x7C30];
	v8 =	vmax.f32 v4, $0.0e+00;
	v2 =	vadd.f32 v2, v7;
	[tilespmem:s30+$0x2C30] =	vst v9  }
0x98: {  	v4 =	vld [tilespmem:s0+$0x7C40];
	v7 =	vmax.f32 v3, $0.0e+00;
	v1 =	vadd.f32 v1, v14;
	[tilespmem:s30+$0x2C40] =	vst v8  }
0x99: {  	v3 =	vld [tilespmem:s0+$0x7C50];
	v8 =	vmax.f32 v2, $0.0e+00;
	[tilespmem:s30+$0x2C50] =	vst v7  }
0x9a: {  	v2 =	vld [tilespmem:s0+$0x7C60];
	v7 =	vmax.f32 v1, $0.0e+00;
	[tilespmem:s30+$0x2C60] =	vst v8  }
0x9b: {  	v1 =	vld [tilespmem:s0+$0x7C70];
	[tilespmem:s30+$0x2C70] =	vst v7;
	s30 =	smov.u32 s0  }
0x9c: {  	v7 =	vld [tilespmem:s30+$0x2C00]  }
0x9d: {  	v14 =	vld [tilespmem:s30+$0x2C10]  }
.Ltmp8:
0x9e: {  	v11 =	vld [tilespmem:s30+$0x2C20];
	(pc) =	sbr.rel @p1 .LBB2_11-.Ltmp8, $4  }
0x9f: {  	v10 =	vld [tilespmem:s30+$0x2C30]  }
0xa0: {  	v9 =	vld [tilespmem:s30+$0x2C40]  }
0xa1: {  	v8 =	vld [tilespmem:s30+$0x2C50];
	v13 =	vadd.f32 v15, v7  }
0xa2: {  	s31 =	sadd.s32 $0x200, s31;
	v7 =	vld [tilespmem:s30+$0x2C60];
	v12 =	vadd.f32 v12, v14  }
0xa3: {  	v14 =	vld [tilespmem:s30+$0x2C70];
	v13 =	vmax.f32 v13, $0.0e+00;
	v5 =	vadd.f32 v5, v11  }
0xa4: {  	v63 =	vmax.f32 v12, $0.0e+00;
	v6 =	vadd.f32 v6, v10;
	[tilespmem:s30+$0x2C00] =	vst v13  }
0xa5: {  	v5 =	vmax.f32 v5, $0.0e+00;
	v4 =	vadd.f32 v4, v9;
	[tilespmem:s30+$0x2C10] =	vst v63  }
0xa6: {  	v6 =	vmax.f32 v6, $0.0e+00;
	v3 =	vadd.f32 v3, v8;
	[tilespmem:s30+$0x2C20] =	vst v5  }
.Ltmp9:
0xa7: {  	v4 =	vmax.f32 v4, $0.0e+00;
	v2 =	vadd.f32 v2, v7;
	[tilespmem:s30+$0x2C30] =	vst v6;
	(pc) =	sbr.rel .LBB2_13-.Ltmp9, $4  }
0xa8: {  	v3 =	vmax.f32 v3, $0.0e+00;
	v1 =	vadd.f32 v1, v14;
	[tilespmem:s30+$0x2C40] =	vst v4  }
0xa9: {  	v2 =	vmax.f32 v2, $0.0e+00;
	[tilespmem:s30+$0x2C50] =	vst v3  }
0xaa: {  	v1 =	vmax.f32 v1, $0.0e+00;
	[tilespmem:s30+$0x2C60] =	vst v2  }
0xab: {  	[tilespmem:s30+$0x2C70] =	vst v1  }
.LBB2_14:
0xac: {  	_ =	swait.ge [sflag:s23], $0x2800  }
0xad: {  	[sflag:s23] =	ssyncset.done $0x0  }
0xae: {  	[sflag:s23] =	ssyncadd.s32 $0xFFFFD800  }
0xaf: {  	_ =	swait.ge [sflag:s24], $0x2800  }
0xb0: {  	[sflag:s24] =	ssyncset.done $0x0  }
0xb1: {  	[sflag:s24] =	ssyncadd.s32 $0xFFFFD800  }
0xb2: {  	[bflag:$0x0] =	sbarrier.arrive $0xFFFF  }
0xb3: {  	[tilespmem:s17], [sflag:$0xB] =	stream.linear.gather [spmem:s15], $0x2800, $0x38;
	[tilespmem:$0x1DC80] =	vst v63  }
0xb4: {  	_ =	swait.ge [sflag:s18], $0x2800  }
.Ltmp10:
0xb5: {  	s0 =	sshrl.u32 s16, $0x3;
	[sflag:s18] =	ssyncset.done $0x0;
	(pc) =	sbr.rel @!p0 .LBB2_16-.Ltmp10, $4  }
0xb6: {  	s0 =	sadd.s32 s9, s0;
	[sflag:s18] =	ssyncadd.s32 $0xFFFFD800  }
0xb7: {  	[hbm4b:s0+s4] =	stream.linear.scatter [tilespmem:s17], [sflag:$0xB], $0x2800, $0x38;
	[tilespmem:$0x1DC80] =	vst v63  }
0xb8: {  	s26 =	sadd.s32 $0xFFFFFFFF, s10;
	_ =	swait.ge [sflag:s18], $0x2800  }
0xb9: {  	s28 =	smov.u32 s16;
	s29 =	smov.u32 s15;
	[sflag:s18] =	ssyncset.done $0x0  }
.LBB2_15:
0xba: {  	[sflag:s18] =	ssyncadd.s32 $0xFFFFD800;
	s28 =	sadd.s32 $0x2800, s28;
	s29 =	sadd.s32 $0x2800, s29  }
0xbb: {  	[tilespmem:s17], [sflag:$0xB] =	stream.linear.gather [spmem:s29], $0x2800, $0x38;
	[tilespmem:$0x1DC80] =	vst v63  }
0xbc: {  	p0 =	sne.s32 s26, $0x1;
	s26 =	sadd.s32 $0xFFFFFFFF, s26;
	_ =	swait.ge [sflag:s18], $0x2800  }
.Ltmp11:
0xbd: {  	s0 =	sshrl.u32 s28, $0x3;
	[sflag:s18] =	ssyncset.done $0x0;
	(pc) =	sbr.rel @p0 .LBB2_15-.Ltmp11, $4  }
0xbe: {  	s0 =	sadd.s32 s9, s0;
	[sflag:s18] =	ssyncadd.s32 $0xFFFFD800  }
0xbf: {  	[hbm4b:s0+s4] =	stream.linear.scatter [tilespmem:s17], [sflag:$0xB], $0x2800, $0x38;
	[tilespmem:$0x1DC80] =	vst v63  }
0xc0: {  	_ =	swait.ge [sflag:s18], $0x2800  }
0xc1: {  	[sflag:s18] =	ssyncset.done $0x0  }
.LBB2_16:
0xc2: {  	s25 =	sadd.s32 $0x1, s25  }
0xc3: {  	p0 =	sne.s32 s25, s14  }
.Ltmp12:
0xc4: {  	_ = 	snop;
	(pc) =	sbr.rel @p0 .LBB2_1-.Ltmp12, $2  }
0xc5: {  	_ =	sdelay $0x2  }
0xc6: {  	[sflag:s18] =	ssyncadd.s32 $0xFFFFD800  }
0xc7: {  	_ =	sfence.sel $0x180000  }
0xc8: {  	[bflag:$0x0] =	sbarrier.arrive $0xFFFF  }
0xc9: {  	_ =	strace $0x90000050  }
0xca: {  	s0 =	stileid.u32;
	[bflag:$0x2] =	sbarrier.arrive $0xFFFF  }
0xcb: {  	p0 =	sne.s32 s0, $0x0;
	s0 =	rddreg [dreg:$0x3]  }
0xcc: {  	s0 =	sadd.s32 @!p0 $0x100000, s0  }
0xcd: {  	[sflag:s0] =	ssyncadd.tile.s32 @!p0 $0x1;
	_ =	shalt  }
.Lfunc_end2:
_tile_overlayer_lowered:
.L_overlay_start_2:
0xce: {  	(tag) =	ssettag $0x2  }
0xcf: {  	s0 =	rddreg [dreg:$0x0];
	s2 =	stileid.u32  }
0xd0: {  	s1 =	rddreg [dreg:$0x1];
	p0 =	sne.s32 s2, $0x0  }
0xd1: {  	s3 =	rddreg [dreg:$0x2];
	[bflag:$0x3] =	sbarrier.arrive $0xFFFF;
	s2 =	simm.s32 @!p0 $0x1C0B  }
0xd2: {  	[timem:s3], [sflag:s2] =	dma.local @!p0 [hbm:s0], s1  }
0xd3: {  	s0 =	simm.s32 @!p0 $0xB  }
0xd4: {  	_ =	swait.ge @!p0 [sflag:s0], s1  }
0xd5: {  	s1 =	ssub.s32 @!p0 $0x0, s1;
	[sflag:s0] =	ssyncset.done @!p0 $0x0  }
0xd6: {  	[sflag:s0] =	ssyncadd.s32 @!p0 s1  }
0xd7: {  	[bflag:$0x3] =	sbarrier.arrive $0xFFFF  }
0xd8: {  	_ =	shalt  }

</sc_bundles>
